<compile_context>
chip_gen: v7x
topology: tpu7x:2x2x1
jax: 0.10.2.dev20260603
libtpu: 0.0.44.dev20260713+nightly
codegen_flags: <defaults>
</compile_context>

<pallas_src>
import functools

import jax
import jax.numpy as jnp
from jax import lax
from jax.experimental import pallas as pl
from jax.experimental.pallas import tpu as pltpu
from jax.experimental.pallas import tpu_sc as plsc

VOCAB = 100000
EMB = 128
B = 4096
CTX = 10

NC = 2
NS = 16
NW = NC * NS
BPW = B // NW
RC = 8
NCHUNK = BPW // RC
IDXW = RC * CTX

LANES = 16
NBUF = 4

BN = 512


def _pool_sc(x2d, table):
    mesh = plsc.VectorSubcoreMesh(core_axis_name="c", subcore_axis_name="s")

    @functools.partial(
        pl.kernel,
        mesh=mesh,
        out_type=jax.ShapeDtypeStruct((B, EMB), jnp.float32),
        scratch_types=[
            pltpu.VMEM((NCHUNK, IDXW), jnp.int32),
            pltpu.VMEM((NBUF, IDXW, EMB), jnp.float32),
            pltpu.VMEM((RC, EMB), jnp.float32),
        ] + [pltpu.SemaphoreType.DMA] * NBUF,
    )
    def k(x_hbm, tab_hbm, out_hbm, idx_v, rows_v, pool_v, *sems):
        wid = lax.axis_index("s") * NC + lax.axis_index("c")
        pltpu.sync_copy(x_hbm.at[pl.ds(wid * NCHUNK, NCHUNK)], idx_v)

        for b in range(NBUF):
            pltpu.async_copy(tab_hbm.at[idx_v.at[b]], rows_v.at[b], sems[b])

        def pair_body(k2, carry):
            for b in range(NBUF):
                kc = k2 * NBUF + b
                pltpu.make_async_copy(
                    tab_hbm.at[idx_v.at[kc]], rows_v.at[b], sems[b]
                ).wait()

                def row_body(r, carry2):
                    base = r * CTX
                    for g in range(EMB // LANES):
                        sl = pl.ds(g * LANES, LANES)
                        acc = rows_v[b, base, sl]
                        for j in range(1, CTX):
                            acc = acc + rows_v[b, base + j, sl]
                        pool_v[r, sl] = acc * (1.0 / CTX)
                    return carry2

                lax.fori_loop(0, RC, row_body, 0)

                @pl.when(kc + NBUF < NCHUNK)
                def _():
                    pltpu.async_copy(
                        tab_hbm.at[idx_v.at[kc + NBUF]], rows_v.at[b], sems[b]
                    )

                pltpu.sync_copy(
                    pool_v, out_hbm.at[pl.ds(wid * BPW + kc * RC, RC)]
                )
            return carry

        lax.fori_loop(0, NCHUNK // NBUF, pair_body, 0)

    return k(x2d, table)


def _matmul_tc(pooled_t, wt, b2d):
    nt = pl.cdiv(VOCAB, BN)

    def mm(wt_ref, p_ref, b_ref, o_ref):
        acc = jnp.dot(
            wt_ref[...], p_ref[...],
            preferred_element_type=jnp.float32,
        )
        o_ref[...] = acc + b_ref[...][:, None]

    return pl.pallas_call(
        mm,
        grid=(nt,),
        in_specs=[
            pl.BlockSpec((BN, EMB), lambda j: (j, 0)),
            pl.BlockSpec((EMB, B), lambda j: (0, 0)),
            pl.BlockSpec((BN,), lambda j: (j,)),
        ],
        out_specs=pl.BlockSpec((BN, B), lambda j: (j, 0)),
        out_shape=jax.ShapeDtypeStruct((VOCAB, B), jnp.float32),
    )(wt, pooled_t, b2d)


def kernel(x, embed_table, W, b):
    x2d = x.reshape(NW * NCHUNK, IDXW).astype(jnp.int32)
    pooled = _pool_sc(x2d, embed_table)
    out_t = _matmul_tc(
        pooled.T.astype(jnp.bfloat16),
        W.astype(jnp.bfloat16).T,
        b,
    )
    return out_t.T

# --- scband reference (transcript-rebuilt; emitter-appended) ---
"""Pipeline reference for scband-cbowmodel-8186207666220 (READ-ONLY COPY).

The authoritative reference and input builder live on the scoring server;
editing this copy changes nothing except your own understanding.
"""

import jax, jax.numpy as jnp
import numpy as np

VOCAB = 100000
EMB = 128
B = 4096
CTX = 10

def setup_inputs(seed: int = 0) -> dict:
    key = jax.random.key(seed)
    k1, k2, k3, k4 = jax.random.split(key, 4)
    x = jax.random.randint(k1, (B, CTX), 0, VOCAB, dtype=jnp.int64) if jax.config.jax_enable_x64 else jax.random.randint(k1, (B, CTX), 0, VOCAB, dtype=jnp.int32)
    embed_table = jax.random.normal(k2, (VOCAB, EMB), dtype=jnp.float32) * 0.02
    W = jax.random.normal(k3, (EMB, VOCAB), dtype=jnp.float32) * 0.02
    b = jnp.zeros((VOCAB,), dtype=jnp.float32)
    return {"x": x, "embed_table": embed_table, "W": W, "b": b}

def reference(x, embed_table, W, b):
    # emb = self.embed(x)            -> gather rows: [B, CTX, EMB]
    emb = jnp.take(embed_table, x, axis=0)
    # emb = emb.mean(dim=1)          -> [B, EMB]
    pooled = jnp.mean(emb, axis=1)
    # out = self.linear(pooled)      -> [B, VOCAB]
    out = pooled @ W + b
    return out

if __name__ == "__main__":
    import jax
    _d = setup_inputs()
    print(jax.jit(kernel)(*tuple(_d.values())))

</pallas_src>

<mosaic_0001>
#map = affine_map<(d0, d1) -> (0, 0)>
module attributes {stable_mosaic.version = 14 : i64} {
  func.func @k(%arg0: i32, %arg1: i32, %arg2: memref<512x80xi32, #tpu.memory_space<hbm>>, %arg3: memref<100000x128xf32, #tpu.memory_space<hbm>>, %arg4: memref<4096x128xf32, #tpu.memory_space<hbm>>, %arg5: memref<16x80xi32, #tpu.memory_space<vmem>>, %arg6: memref<4x80x128xf32, #tpu.memory_space<vmem>>, %arg7: memref<8x128xf32, #tpu.memory_space<vmem>>, %arg8: memref<!tpu.dma_semaphore, #tpu.memory_space<semaphore_mem>>, %arg9: memref<!tpu.dma_semaphore, #tpu.memory_space<semaphore_mem>>, %arg10: memref<!tpu.dma_semaphore, #tpu.memory_space<semaphore_mem>>, %arg11: memref<!tpu.dma_semaphore, #tpu.memory_space<semaphore_mem>>) attributes {dimension_semantics = [#tpu.dimension_semantics<core_parallel>, #tpu.dimension_semantics<subcore_parallel>], iteration_bounds = array<i64: 2, 16>, scalar_prefetch = 0 : i64, scratch_operands = 7 : i64, tpu.core_type = #tpu.core_type<sc_vector_subcore>, window_params = [{transform_indices = #map}, {transform_indices = #map}, {transform_indices = #map}]} {
    %mul3A = arith.constant 2 : i32
    %mul3A_0 = arith.muli %arg1, %mul3A : i32
    %add3A = arith.addi %mul3A_0, %arg0 : i32
    %mul3A_1 = arith.constant 16 : i32
    %mul3A_2 = arith.muli %add3A, %mul3A_1 : i32
    "tpu.region"() ({
      %run_scoped3A = tpu.sem_alloc : memref<!tpu.dma_semaphore, #tpu.memory_space<semaphore_mem>>
      %dma_start3A_55 = arith.constant 0 : i32
      %dma_start3A_56 = tpu.memref_slice %arg2[%mul3A_2, %dma_start3A_55] : memref<512x80xi32, #tpu.memory_space<hbm>> -> memref<16x80xi32, #tpu.memory_space<hbm>>
      %dma_start3A_57 = arith.constant 0 : i32
      %dma_start3A_58 = tpu.memref_slice %arg2[%mul3A_2, %dma_start3A_57] : memref<512x80xi32, #tpu.memory_space<hbm>> -> memref<16x80xi32, #tpu.memory_space<hbm>>
      tpu.enqueue_dma source(%dma_start3A_58 : memref<16x80xi32, #tpu.memory_space<hbm>>) target(%arg5 : memref<16x80xi32, #tpu.memory_space<vmem>>) target_semaphore(%run_scoped3A : memref<!tpu.dma_semaphore, #tpu.memory_space<semaphore_mem>>)
      %dma_wait3A = arith.constant 0 : i32
      %dma_wait3A_59 = tpu.memref_slice %arg2[%mul3A_2, %dma_wait3A] : memref<512x80xi32, #tpu.memory_space<hbm>> -> memref<16x80xi32, #tpu.memory_space<hbm>>
      %dma_wait3A_60 = arith.constant 0 : i32
      %dma_wait3A_61 = tpu.memref_slice %arg2[%mul3A_2, %dma_wait3A_60] : memref<512x80xi32, #tpu.memory_space<hbm>> -> memref<16x80xi32, #tpu.memory_space<hbm>>
      tpu.wait_dma2 semaphore(%run_scoped3A : memref<!tpu.dma_semaphore, #tpu.memory_space<semaphore_mem>>) src(%dma_wait3A_61 : memref<16x80xi32, #tpu.memory_space<hbm>>) dst(%arg5 : memref<16x80xi32, #tpu.memory_space<vmem>>)
      tpu.yield
    }) : () -> ()
    %dma_start3A = arith.constant 0 : i32
    %dma_start3A_3 = arith.constant 0 : i32
    %dma_start3A_4 = arith.constant 0 : i32
    %dma_start3A_5 = arith.constant 0 : i32
    %dma_start3A_6 = tpu.memref_slice %arg6[%dma_start3A_3, %dma_start3A_4, %dma_start3A_5] : memref<4x80x128xf32, #tpu.memory_space<vmem>> -> memref<1x80x128xf32, #tpu.memory_space<vmem>>
    %dma_start3A_7 = tpu.memref_squeeze %dma_start3A_6 : memref<1x80x128xf32, #tpu.memory_space<vmem>> -> memref<80x128xf32, #tpu.memory_space<vmem>>
    %dma_start3A_8 = arith.constant 0 : i32
    %dma_start3A_9 = tpu.memref_slice %arg5[%dma_start3A, %dma_start3A_8] : memref<16x80xi32, #tpu.memory_space<vmem>> -> memref<1x80xi32, #tpu.memory_space<vmem>>
    %dma_start3A_10 = tpu.memref_squeeze %dma_start3A_9 : memref<1x80xi32, #tpu.memory_space<vmem>> -> memref<80xi32, #tpu.memory_space<vmem>>
    %dma_start3A_11 = arith.constant 0 : i32
    %dma_start3A_12 = arith.constant 0 : i32
    %dma_start3A_13 = tpu.memref_slice %arg3[%dma_start3A_11, %dma_start3A_12] : memref<100000x128xf32, #tpu.memory_space<hbm>> -> memref<100000x128xf32, #tpu.memory_space<hbm>>
    tpu.enqueue_indirect_dma source(%dma_start3A_13 : memref<100000x128xf32, #tpu.memory_space<hbm>>) target(%dma_start3A_7 : memref<80x128xf32, #tpu.memory_space<vmem>>) offsets(%dma_start3A_10 : memref<80xi32, #tpu.memory_space<vmem>>) semaphore(%arg8 : memref<!tpu.dma_semaphore, #tpu.memory_space<semaphore_mem>>)
    %dma_start3A_14 = arith.constant 1 : i32
    %dma_start3A_15 = arith.constant 1 : i32
    %dma_start3A_16 = arith.constant 0 : i32
    %dma_start3A_17 = arith.constant 0 : i32
    %dma_start3A_18 = tpu.memref_slice %arg6[%dma_start3A_15, %dma_start3A_16, %dma_start3A_17] : memref<4x80x128xf32, #tpu.memory_space<vmem>> -> memref<1x80x128xf32, #tpu.memory_space<vmem>>
    %dma_start3A_19 = tpu.memref_squeeze %dma_start3A_18 : memref<1x80x128xf32, #tpu.memory_space<vmem>> -> memref<80x128xf32, #tpu.memory_space<vmem>>
    %dma_start3A_20 = arith.constant 0 : i32
    %dma_start3A_21 = tpu.memref_slice %arg5[%dma_start3A_14, %dma_start3A_20] : memref<16x80xi32, #tpu.memory_space<vmem>> -> memref<1x80xi32, #tpu.memory_space<vmem>>
    %dma_start3A_22 = tpu.memref_squeeze %dma_start3A_21 : memref<1x80xi32, #tpu.memory_space<vmem>> -> memref<80xi32, #tpu.memory_space<vmem>>
    %dma_start3A_23 = arith.constant 0 : i32
    %dma_start3A_24 = arith.constant 0 : i32
    %dma_start3A_25 = tpu.memref_slice %arg3[%dma_start3A_23, %dma_start3A_24] : memref<100000x128xf32, #tpu.memory_space<hbm>> -> memref<100000x128xf32, #tpu.memory_space<hbm>>
    tpu.enqueue_indirect_dma source(%dma_start3A_25 : memref<100000x128xf32, #tpu.memory_space<hbm>>) target(%dma_start3A_19 : memref<80x128xf32, #tpu.memory_space<vmem>>) offsets(%dma_start3A_22 : memref<80xi32, #tpu.memory_space<vmem>>) semaphore(%arg9 : memref<!tpu.dma_semaphore, #tpu.memory_space<semaphore_mem>>)
    %dma_start3A_26 = arith.constant 2 : i32
    %dma_start3A_27 = arith.constant 2 : i32
    %dma_start3A_28 = arith.constant 0 : i32
    %dma_start3A_29 = arith.constant 0 : i32
    %dma_start3A_30 = tpu.memref_slice %arg6[%dma_start3A_27, %dma_start3A_28, %dma_start3A_29] : memref<4x80x128xf32, #tpu.memory_space<vmem>> -> memref<1x80x128xf32, #tpu.memory_space<vmem>>
    %dma_start3A_31 = tpu.memref_squeeze %dma_start3A_30 : memref<1x80x128xf32, #tpu.memory_space<vmem>> -> memref<80x128xf32, #tpu.memory_space<vmem>>
    %dma_start3A_32 = arith.constant 0 : i32
    %dma_start3A_33 = tpu.memref_slice %arg5[%dma_start3A_26, %dma_start3A_32] : memref<16x80xi32, #tpu.memory_space<vmem>> -> memref<1x80xi32, #tpu.memory_space<vmem>>
    %dma_start3A_34 = tpu.memref_squeeze %dma_start3A_33 : memref<1x80xi32, #tpu.memory_space<vmem>> -> memref<80xi32, #tpu.memory_space<vmem>>
    %dma_start3A_35 = arith.constant 0 : i32
    %dma_start3A_36 = arith.constant 0 : i32
    %dma_start3A_37 = tpu.memref_slice %arg3[%dma_start3A_35, %dma_start3A_36] : memref<100000x128xf32, #tpu.memory_space<hbm>> -> memref<100000x128xf32, #tpu.memory_space<hbm>>
    tpu.enqueue_indirect_dma source(%dma_start3A_37 : memref<100000x128xf32, #tpu.memory_space<hbm>>) target(%dma_start3A_31 : memref<80x128xf32, #tpu.memory_space<vmem>>) offsets(%dma_start3A_34 : memref<80xi32, #tpu.memory_space<vmem>>) semaphore(%arg10 : memref<!tpu.dma_semaphore, #tpu.memory_space<semaphore_mem>>)
    %dma_start3A_38 = arith.constant 3 : i32
    %dma_start3A_39 = arith.constant 3 : i32
    %dma_start3A_40 = arith.constant 0 : i32
    %dma_start3A_41 = arith.constant 0 : i32
    %dma_start3A_42 = tpu.memref_slice %arg6[%dma_start3A_39, %dma_start3A_40, %dma_start3A_41] : memref<4x80x128xf32, #tpu.memory_space<vmem>> -> memref<1x80x128xf32, #tpu.memory_space<vmem>>
    %dma_start3A_43 = tpu.memref_squeeze %dma_start3A_42 : memref<1x80x128xf32, #tpu.memory_space<vmem>> -> memref<80x128xf32, #tpu.memory_space<vmem>>
    %dma_start3A_44 = arith.constant 0 : i32
    %dma_start3A_45 = tpu.memref_slice %arg5[%dma_start3A_38, %dma_start3A_44] : memref<16x80xi32, #tpu.memory_space<vmem>> -> memref<1x80xi32, #tpu.memory_space<vmem>>
    %dma_start3A_46 = tpu.memref_squeeze %dma_start3A_45 : memref<1x80xi32, #tpu.memory_space<vmem>> -> memref<80xi32, #tpu.memory_space<vmem>>
    %dma_start3A_47 = arith.constant 0 : i32
    %dma_start3A_48 = arith.constant 0 : i32
    %dma_start3A_49 = tpu.memref_slice %arg3[%dma_start3A_47, %dma_start3A_48] : memref<100000x128xf32, #tpu.memory_space<hbm>> -> memref<100000x128xf32, #tpu.memory_space<hbm>>
    tpu.enqueue_indirect_dma source(%dma_start3A_49 : memref<100000x128xf32, #tpu.memory_space<hbm>>) target(%dma_start3A_43 : memref<80x128xf32, #tpu.memory_space<vmem>>) offsets(%dma_start3A_46 : memref<80xi32, #tpu.memory_space<vmem>>) semaphore(%arg11 : memref<!tpu.dma_semaphore, #tpu.memory_space<semaphore_mem>>)
    %scan3A = arith.constant 0 : i32
    %scan3A_50 = arith.constant 0 : i32
    %scan3A_51 = arith.constant 4 : i32
    %scan3A_52 = arith.addi %scan3A_50, %scan3A_51 : i32
    %scan3A_53 = arith.constant 1 : i32
    scf.for %scan3A_55 = %scan3A_50 to %scan3A_52 step %scan3A_53  : i32 {
      %mul3A_56 = arith.constant 4 : i32
      %mul3A_57 = arith.muli %scan3A_55, %mul3A_56 : i32
      %add3A_58 = arith.constant 0 : i32
      %add3A_59 = arith.addi %mul3A_57, %add3A_58 : i32
      %dma_wait3A = arith.constant 0 : i32
      %dma_wait3A_60 = arith.constant 0 : i32
      %dma_wait3A_61 = arith.constant 0 : i32
      %dma_wait3A_62 = tpu.memref_slice %arg6[%dma_wait3A, %dma_wait3A_60, %dma_wait3A_61] : memref<4x80x128xf32, #tpu.memory_space<vmem>> -> memref<1x80x128xf32, #tpu.memory_space<vmem>>
      %dma_wait3A_63 = tpu.memref_squeeze %dma_wait3A_62 : memref<1x80x128xf32, #tpu.memory_space<vmem>> -> memref<80x128xf32, #tpu.memory_space<vmem>>
      %dma_wait3A_64 = arith.constant 0 : i32
      %dma_wait3A_65 = tpu.memref_slice %arg5[%add3A_59, %dma_wait3A_64] : memref<16x80xi32, #tpu.memory_space<vmem>> -> memref<1x80xi32, #tpu.memory_space<vmem>>
      %dma_wait3A_66 = tpu.memref_squeeze %dma_wait3A_65 : memref<1x80xi32, #tpu.memory_space<vmem>> -> memref<80xi32, #tpu.memory_space<vmem>>
      %dma_wait3A_67 = arith.constant 0 : i32
      %dma_wait3A_68 = arith.constant 0 : i32
      %dma_wait3A_69 = tpu.memref_slice %arg3[%dma_wait3A_67, %dma_wait3A_68] : memref<100000x128xf32, #tpu.memory_space<hbm>> -> memref<100000x128xf32, #tpu.memory_space<hbm>>
      tpu.wait_indirect_dma semaphore(%arg8 : memref<!tpu.dma_semaphore, #tpu.memory_space<semaphore_mem>>) src(%dma_wait3A_69 : memref<100000x128xf32, #tpu.memory_space<hbm>>) dst(%dma_wait3A_63 : memref<80x128xf32, #tpu.memory_space<vmem>>)
      %scan3A_70 = arith.constant 0 : i32
      %scan3A_71 = arith.constant 0 : i32
      %scan3A_72 = arith.constant 8 : i32
      %scan3A_73 = arith.addi %scan3A_71, %scan3A_72 : i32
      %scan3A_74 = arith.constant 1 : i32
      scf.for %scan3A_184 = %scan3A_71 to %scan3A_73 step %scan3A_74  : i32 {
        %mul3A_185 = arith.constant 10 : i32
        %mul3A_186 = arith.muli %scan3A_184, %mul3A_185 : i32
        %get3A = arith.constant 0 : i32
        %get3A_187 = arith.index_cast %get3A : i32 to index
        %get3A_188 = arith.index_cast %mul3A_186 : i32 to index
        %get3A_189 = arith.constant 0 : index
        %get3A_190 = tpu.vector_load %arg6[%get3A_187, %get3A_188, %get3A_189] {strides = array<i32>} : memref<4x80x128xf32, #tpu.memory_space<vmem>>, vector<1x1x16xf32>,
        %get3A_191 = vector.shape_cast %get3A_190 : vector<1x1x16xf32> to vector<16xf32>
        %add3A_192 = arith.constant 1 : i32
        %add3A_193 = arith.addi %mul3A_186, %add3A_192 : i32
        %get3A_194 = arith.constant 0 : i32
        %get3A_195 = arith.index_cast %get3A_194 : i32 to index
        %get3A_196 = arith.index_cast %add3A_193 : i32 to index
        %get3A_197 = arith.constant 0 : index
        %get3A_198 = tpu.vector_load %arg6[%get3A_195, %get3A_196, %get3A_197] {strides = array<i32>} : memref<4x80x128xf32, #tpu.memory_space<vmem>>, vector<1x1x16xf32>,
        %get3A_199 = vector.shape_cast %get3A_198 : vector<1x1x16xf32> to vector<16xf32>
        %add3A_200 = arith.addf %get3A_191, %get3A_199 : vector<16xf32>
        %add3A_201 = arith.constant 2 : i32
        %add3A_202 = arith.addi %mul3A_186, %add3A_201 : i32
        %get3A_203 = arith.constant 0 : i32
        %get3A_204 = arith.index_cast %get3A_203 : i32 to index
        %get3A_205 = arith.index_cast %add3A_202 : i32 to index
        %get3A_206 = arith.constant 0 : index
        %get3A_207 = tpu.vector_load %arg6[%get3A_204, %get3A_205, %get3A_206] {strides = array<i32>} : memref<4x80x128xf32, #tpu.memory_space<vmem>>, vector<1x1x16xf32>,
        %get3A_208 = vector.shape_cast %get3A_207 : vector<1x1x16xf32> to vector<16xf32>
        %add3A_209 = arith.addf %add3A_200, %get3A_208 : vector<16xf32>
        %add3A_210 = arith.constant 3 : i32
        %add3A_211 = arith.addi %mul3A_186, %add3A_210 : i32
        %get3A_212 = arith.constant 0 : i32
        %get3A_213 = arith.index_cast %get3A_212 : i32 to index
        %get3A_214 = arith.index_cast %add3A_211 : i32 to index
        %get3A_215 = arith.constant 0 : index
        %get3A_216 = tpu.vector_load %arg6[%get3A_213, %get3A_214, %get3A_215] {strides = array<i32>} : memref<4x80x128xf32, #tpu.memory_space<vmem>>, vector<1x1x16xf32>,
        %get3A_217 = vector.shape_cast %get3A_216 : vector<1x1x16xf32> to vector<16xf32>
        %add3A_218 = arith.addf %add3A_209, %get3A_217 : vector<16xf32>
        %add3A_219 = arith.constant 4 : i32
        %add3A_220 = arith.addi %mul3A_186, %add3A_219 : i32
        %get3A_221 = arith.constant 0 : i32
        %get3A_222 = arith.index_cast %get3A_221 : i32 to index
        %get3A_223 = arith.index_cast %add3A_220 : i32 to index
        %get3A_224 = arith.constant 0 : index
        %get3A_225 = tpu.vector_load %arg6[%get3A_222, %get3A_223, %get3A_224] {strides = array<i32>} : memref<4x80x128xf32, #tpu.memory_space<vmem>>, vector<1x1x16xf32>,
        %get3A_226 = vector.shape_cast %get3A_225 : vector<1x1x16xf32> to vector<16xf32>
        %add3A_227 = arith.addf %add3A_218, %get3A_226 : vector<16xf32>
        %add3A_228 = arith.constant 5 : i32
        %add3A_229 = arith.addi %mul3A_186, %add3A_228 : i32
        %get3A_230 = arith.constant 0 : i32
        %get3A_231 = arith.index_cast %get3A_230 : i32 to index
        %get3A_232 = arith.index_cast %add3A_229 : i32 to index
        %get3A_233 = arith.constant 0 : index
        %get3A_234 = tpu.vector_load %arg6[%get3A_231, %get3A_232, %get3A_233] {strides = array<i32>} : memref<4x80x128xf32, #tpu.memory_space<vmem>>, vector<1x1x16xf32>,
        %get3A_235 = vector.shape_cast %get3A_234 : vector<1x1x16xf32> to vector<16xf32>
        %add3A_236 = arith.addf %add3A_227, %get3A_235 : vector<16xf32>
        %add3A_237 = arith.constant 6 : i32
        %add3A_238 = arith.addi %mul3A_186, %add3A_237 : i32
        %get3A_239 = arith.constant 0 : i32
        %get3A_240 = arith.index_cast %get3A_239 : i32 to index
        %get3A_241 = arith.index_cast %add3A_238 : i32 to index
        %get3A_242 = arith.constant 0 : index
        %get3A_243 = tpu.vector_load %arg6[%get3A_240, %get3A_241, %get3A_242] {strides = array<i32>} : memref<4x80x128xf32, #tpu.memory_space<vmem>>, vector<1x1x16xf32>,
        %get3A_244 = vector.shape_cast %get3A_243 : vector<1x1x16xf32> to vector<16xf32>
        %add3A_245 = arith.addf %add3A_236, %get3A_244 : vector<16xf32>
        %add3A_246 = arith.constant 7 : i32
        %add3A_247 = arith.addi %mul3A_186, %add3A_246 : i32
        %get3A_248 = arith.constant 0 : i32
        %get3A_249 = arith.index_cast %get3A_248 : i32 to index
        %get3A_250 = arith.index_cast %add3A_247 : i32 to index
        %get3A_251 = arith.constant 0 : index
        %get3A_252 = tpu.vector_load %arg6[%get3A_249, %get3A_250, %get3A_251] {strides = array<i32>} : memref<4x80x128xf32, #tpu.memory_space<vmem>>, vector<1x1x16xf32>,
        %get3A_253 = vector.shape_cast %get3A_252 : vector<1x1x16xf32> to vector<16xf32>
        %add3A_254 = arith.addf %add3A_245, %get3A_253 : vector<16xf32>
        %add3A_255 = arith.constant 8 : i32
        %add3A_256 = arith.addi %mul3A_186, %add3A_255 : i32
        %get3A_257 = arith.constant 0 : i32
        %get3A_258 = arith.index_cast %get3A_257 : i32 to index
        %get3A_259 = arith.index_cast %add3A_256 : i32 to index
        %get3A_260 = arith.constant 0 : index
        %get3A_261 = tpu.vector_load %arg6[%get3A_258, %get3A_259, %get3A_260] {strides = array<i32>} : memref<4x80x128xf32, #tpu.memory_space<vmem>>, vector<1x1x16xf32>,
        %get3A_262 = vector.shape_cast %get3A_261 : vector<1x1x16xf32> to vector<16xf32>
        %add3A_263 = arith.addf %add3A_254, %get3A_262 : vector<16xf32>
        %add3A_264 = arith.constant 9 : i32
        %add3A_265 = arith.addi %mul3A_186, %add3A_264 : i32
        %get3A_266 = arith.constant 0 : i32
        %get3A_267 = arith.index_cast %get3A_266 : i32 to index
        %get3A_268 = arith.index_cast %add3A_265 : i32 to index
        %get3A_269 = arith.constant 0 : index
        %get3A_270 = tpu.vector_load %arg6[%get3A_267, %get3A_268, %get3A_269] {strides = array<i32>} : memref<4x80x128xf32, #tpu.memory_space<vmem>>, vector<1x1x16xf32>,
        %get3A_271 = vector.shape_cast %get3A_270 : vector<1x1x16xf32> to vector<16xf32>
        %add3A_272 = arith.addf %add3A_263, %get3A_271 : vector<16xf32>
        %mul3A_273 = arith.constant 1.000000e-01 : f32
        %mul3A_274 = vector.broadcast %mul3A_273 : f32 to vector<16xf32>
        %mul3A_275 = arith.mulf %add3A_272, %mul3A_274 : vector<16xf32>
        %swap3A = arith.index_cast %scan3A_184 : i32 to index
        %swap3A_276 = arith.constant 0 : index
        %swap3A_277 = tpu.vector_load %arg7[%swap3A, %swap3A_276] {strides = array<i32>} : memref<8x128xf32, #tpu.memory_space<vmem>>, vector<1x16xf32>,
        %swap3A_278 = vector.shape_cast %swap3A_277 : vector<1x16xf32> to vector<16xf32>
        %swap3A_279 = vector.shape_cast %mul3A_275 : vector<16xf32> to vector<1x16xf32>
        tpu.vector_store %arg7[%swap3A, %swap3A_276], %swap3A_279 {strides = array<i32>} : memref<8x128xf32, #tpu.memory_space<vmem>>, vector<1x16xf32>,
        %get3A_280 = arith.constant 0 : i32
        %get3A_281 = arith.index_cast %get3A_280 : i32 to index
        %get3A_282 = arith.index_cast %mul3A_186 : i32 to index
        %get3A_283 = arith.constant 16 : index
        %get3A_284 = tpu.vector_load %arg6[%get3A_281, %get3A_282, %get3A_283] {strides = array<i32>} : memref<4x80x128xf32, #tpu.memory_space<vmem>>, vector<1x1x16xf32>,
        %get3A_285 = vector.shape_cast %get3A_284 : vector<1x1x16xf32> to vector<16xf32>
        %add3A_286 = arith.constant 1 : i32
        %add3A_287 = arith.addi %mul3A_186, %add3A_286 : i32
        %get3A_288 = arith.constant 0 : i32
        %get3A_289 = arith.index_cast %get3A_288 : i32 to index
        %get3A_290 = arith.index_cast %add3A_287 : i32 to index
        %get3A_291 = arith.constant 16 : index
        %get3A_292 = tpu.vector_load %arg6[%get3A_289, %get3A_290, %get3A_291] {strides = array<i32>} : memref<4x80x128xf32, #tpu.memory_space<vmem>>, vector<1x1x16xf32>,
        %get3A_293 = vector.shape_cast %get3A_292 : vector<1x1x16xf32> to vector<16xf32>
        %add3A_294 = arith.addf %get3A_285, %get3A_293 : vector<16xf32>
        %add3A_295 = arith.constant 2 : i32
        %add3A_296 = arith.addi %mul3A_186, %add3A_295 : i32
        %get3A_297 = arith.constant 0 : i32
        %get3A_298 = arith.index_cast %get3A_297 : i32 to index
        %get3A_299 = arith.index_cast %add3A_296 : i32 to index
        %get3A_300 = arith.constant 16 : index
        %get3A_301 = tpu.vector_load %arg6[%get3A_298, %get3A_299, %get3A_300] {strides = array<i32>} : memref<4x80x128xf32, #tpu.memory_space<vmem>>, vector<1x1x16xf32>,
        %get3A_302 = vector.shape_cast %get3A_301 : vector<1x1x16xf32> to vector<16xf32>
        %add3A_303 = arith.addf %add3A_294, %get3A_302 : vector<16xf32>
        %add3A_304 = arith.constant 3 : i32
        %add3A_305 = arith.addi %mul3A_186, %add3A_304 : i32
        %get3A_306 = arith.constant 0 : i32
        %get3A_307 = arith.index_cast %get3A_306 : i32 to index
        %get3A_308 = arith.index_cast %add3A_305 : i32 to index
        %get3A_309 = arith.constant 16 : index
        %get3A_310 = tpu.vector_load %arg6[%get3A_307, %get3A_308, %get3A_309] {strides = array<i32>} : memref<4x80x128xf32, #tpu.memory_space<vmem>>, vector<1x1x16xf32>,
        %get3A_311 = vector.shape_cast %get3A_310 : vector<1x1x16xf32> to vector<16xf32>
        %add3A_312 = arith.addf %add3A_303, %get3A_311 : vector<16xf32>
        %add3A_313 = arith.constant 4 : i32
        %add3A_314 = arith.addi %mul3A_186, %add3A_313 : i32
        %get3A_315 = arith.constant 0 : i32
        %get3A_316 = arith.index_cast %get3A_315 : i32 to index
        %get3A_317 = arith.index_cast %add3A_314 : i32 to index
        %get3A_318 = arith.constant 16 : index
        %get3A_319 = tpu.vector_load %arg6[%get3A_316, %get3A_317, %get3A_318] {strides = array<i32>} : memref<4x80x128xf32, #tpu.memory_space<vmem>>, vector<1x1x16xf32>,
        %get3A_320 = vector.shape_cast %get3A_319 : vector<1x1x16xf32> to vector<16xf32>
        %add3A_321 = arith.addf %add3A_312, %get3A_320 : vector<16xf32>
        %add3A_322 = arith.constant 5 : i32
        %add3A_323 = arith.addi %mul3A_186, %add3A_322 : i32
        %get3A_324 = arith.constant 0 : i32
        %get3A_325 = arith.index_cast %get3A_324 : i32 to index
        %get3A_326 = arith.index_cast %add3A_323 : i32 to index
        %get3A_327 = arith.constant 16 : index
        %get3A_328 = tpu.vector_load %arg6[%get3A_325, %get3A_326, %get3A_327] {strides = array<i32>} : memref<4x80x128xf32, #tpu.memory_space<vmem>>, vector<1x1x16xf32>,
        %get3A_329 = vector.shape_cast %get3A_328 : vector<1x1x16xf32> to vector<16xf32>
        %add3A_330 = arith.addf %add3A_321, %get3A_329 : vector<16xf32>
        %add3A_331 = arith.constant 6 : i32
        %add3A_332 = arith.addi %mul3A_186, %add3A_331 : i32
        %get3A_333 = arith.constant 0 : i32
        %get3A_334 = arith.index_cast %get3A_333 : i32 to index
        %get3A_335 = arith.index_cast %add3A_332 : i32 to index
        %get3A_336 = arith.constant 16 : index
        %get3A_337 = tpu.vector_load %arg6[%get3A_334, %get3A_335, %get3A_336] {strides = array<i32>} : memref<4x80x128xf32, #tpu.memory_space<vmem>>, vector<1x1x16xf32>,
        %get3A_338 = vector.shape_cast %get3A_337 : vector<1x1x16xf32> to vector<16xf32>
        %add3A_339 = arith.addf %add3A_330, %get3A_338 : vector<16xf32>
        %add3A_340 = arith.constant 7 : i32
        %add3A_341 = arith.addi %mul3A_186, %add3A_340 : i32
        %get3A_342 = arith.constant 0 : i32
        %get3A_343 = arith.index_cast %get3A_342 : i32 to index
        %get3A_344 = arith.index_cast %add3A_341 : i32 to index
        %get3A_345 = arith.constant 16 : index
        %get3A_346 = tpu.vector_load %arg6[%get3A_343, %get3A_344, %get3A_345] {strides = array<i32>} : memref<4x80x128xf32, #tpu.memory_space<vmem>>, vector<1x1x16xf32>,
        %get3A_347 = vector.shape_cast %get3A_346 : vector<1x1x16xf32> to vector<16xf32>
        %add3A_348 = arith.addf %add3A_339, %get3A_347 : vector<16xf32>
        %add3A_349 = arith.constant 8 : i32
        %add3A_350 = arith.addi %mul3A_186, %add3A_349 : i32
        %get3A_351 = arith.constant 0 : i32
        %get3A_352 = arith.index_cast %get3A_351 : i32 to index
        %get3A_353 = arith.index_cast %add3A_350 : i32 to index
        %get3A_354 = arith.constant 16 : index
        %get3A_355 = tpu.vector_load %arg6[%get3A_352, %get3A_353, %get3A_354] {strides = array<i32>} : memref<4x80x128xf32, #tpu.memory_space<vmem>>, vector<1x1x16xf32>,
        %get3A_356 = vector.shape_cast %get3A_355 : vector<1x1x16xf32> to vector<16xf32>
        %add3A_357 = arith.addf %add3A_348, %get3A_356 : vector<16xf32>
        %add3A_358 = arith.constant 9 : i32
        %add3A_359 = arith.addi %mul3A_186, %add3A_358 : i32
        %get3A_360 = arith.constant 0 : i32
        %get3A_361 = arith.index_cast %get3A_360 : i32 to index
        %get3A_362 = arith.index_cast %add3A_359 : i32 to index
        %get3A_363 = arith.constant 16 : index
        %get3A_364 = tpu.vector_load %arg6[%get3A_361, %get3A_362, %get3A_363] {strides = array<i32>} : memref<4x80x128xf32, #tpu.memory_space<vmem>>, vector<1x1x16xf32>,
        %get3A_365 = vector.shape_cast %get3A_364 : vector<1x1x16xf32> to vector<16xf32>
        %add3A_366 = arith.addf %add3A_357, %get3A_365 : vector<16xf32>
        %mul3A_367 = arith.constant 1.000000e-01 : f32
        %mul3A_368 = vector.broadcast %mul3A_367 : f32 to vector<16xf32>
        %mul3A_369 = arith.mulf %add3A_366, %mul3A_368 : vector<16xf32>
        %swap3A_370 = arith.index_cast %scan3A_184 : i32 to index
        %swap3A_371 = arith.constant 16 : index
        %swap3A_372 = tpu.vector_load %arg7[%swap3A_370, %swap3A_371] {strides = array<i32>} : memref<8x128xf32, #tpu.memory_space<vmem>>, vector<1x16xf32>,
        %swap3A_373 = vector.shape_cast %swap3A_372 : vector<1x16xf32> to vector<16xf32>
        %swap3A_374 = vector.shape_cast %mul3A_369 : vector<16xf32> to vector<1x16xf32>
        tpu.vector_store %arg7[%swap3A_370, %swap3A_371], %swap3A_374 {strides = array<i32>} : memref<8x128xf32, #tpu.memory_space<vmem>>, vector<1x16xf32>,
        %get3A_375 = arith.constant 0 : i32
        %get3A_376 = arith.index_cast %get3A_375 : i32 to index
        %get3A_377 = arith.index_cast %mul3A_186 : i32 to index
        %get3A_378 = arith.constant 32 : index
        %get3A_379 = tpu.vector_load %arg6[%get3A_376, %get3A_377, %get3A_378] {strides = array<i32>} : memref<4x80x128xf32, #tpu.memory_space<vmem>>, vector<1x1x16xf32>,
        %get3A_380 = vector.shape_cast %get3A_379 : vector<1x1x16xf32> to vector<16xf32>
        %add3A_381 = arith.constant 1 : i32
        %add3A_382 = arith.addi %mul3A_186, %add3A_381 : i32
        %get3A_383 = arith.constant 0 : i32
        %get3A_384 = arith.index_cast %get3A_383 : i32 to index
        %get3A_385 = arith.index_cast %add3A_382 : i32 to index
        %get3A_386 = arith.constant 32 : index
        %get3A_387 = tpu.vector_load %arg6[%get3A_384, %get3A_385, %get3A_386] {strides = array<i32>} : memref<4x80x128xf32, #tpu.memory_space<vmem>>, vector<1x1x16xf32>,
        %get3A_388 = vector.shape_cast %get3A_387 : vector<1x1x16xf32> to vector<16xf32>
        %add3A_389 = arith.addf %get3A_380, %get3A_388 : vector<16xf32>
        %add3A_390 = arith.constant 2 : i32
        %add3A_391 = arith.addi %mul3A_186, %add3A_390 : i32
        %get3A_392 = arith.constant 0 : i32
        %get3A_393 = arith.index_cast %get3A_392 : i32 to index
        %get3A_394 = arith.index_cast %add3A_391 : i32 to index
        %get3A_395 = arith.constant 32 : index
        %get3A_396 = tpu.vector_load %arg6[%get3A_393, %get3A_394, %get3A_395] {strides = array<i32>} : memref<4x80x128xf32, #tpu.memory_space<vmem>>, vector<1x1x16xf32>,
        %get3A_397 = vector.shape_cast %get3A_396 : vector<1x1x16xf32> to vector<16xf32>
        %add3A_398 = arith.addf %add3A_389, %get3A_397 : vector<16xf32>
        %add3A_399 = arith.constant 3 : i32
        %add3A_400 = arith.addi %mul3A_186, %add3A_399 : i32
        %get3A_401 = arith.constant 0 : i32
        %get3A_402 = arith.index_cast %get3A_401 : i32 to index
        %get3A_403 = arith.index_cast %add3A_400 : i32 to index
        %get3A_404 = arith.constant 32 : index
        %get3A_405 = tpu.vector_load %arg6[%get3A_402, %get3A_403, %get3A_404] {strides = array<i32>} : memref<4x80x128xf32, #tpu.memory_space<vmem>>, vector<1x1x16xf32>,
        %get3A_406 = vector.shape_cast %get3A_405 : vector<1x1x16xf32> to vector<16xf32>
        %add3A_407 = arith.addf %add3A_398, %get3A_406 : vector<16xf32>
        %add3A_408 = arith.constant 4 : i32
        %add3A_409 = arith.addi %mul3A_186, %add3A_408 : i32
        %get3A_410 = arith.constant 0 : i32
        %get3A_411 = arith.index_cast %get3A_410 : i32 to index
        %get3A_412 = arith.index_cast %add3A_409 : i32 to index
        %get3A_413 = arith.constant 32 : index
        %get3A_414 = tpu.vector_load %arg6[%get3A_411, %get3A_412, %get3A_413] {strides = array<i32>} : memref<4x80x128xf32, #tpu.memory_space<vmem>>, vector<1x1x16xf32>,
        %get3A_415 = vector.shape_cast %get3A_414 : vector<1x1x16xf32> to vector<16xf32>
        %add3A_416 = arith.addf %add3A_407, %get3A_415 : vector<16xf32>
        %add3A_417 = arith.constant 5 : i32
        %add3A_418 = arith.addi %mul3A_186, %add3A_417 : i32
        %get3A_419 = arith.constant 0 : i32
        %get3A_420 = arith.index_cast %get3A_419 : i32 to index
        %get3A_421 = arith.index_cast %add3A_418 : i32 to index
        %get3A_422 = arith.constant 32 : index
        %get3A_423 = tpu.vector_load %arg6[%get3A_420, %get3A_421, %get3A_422] {strides = array<i32>} : memref<4x80x128xf32, #tpu.memory_space<vmem>>, vector<1x1x16xf32>,
        %get3A_424 = vector.shape_cast %get3A_423 : vector<1x1x16xf32> to vector<16xf32>
        %add3A_425 = arith.addf %add3A_416, %get3A_424 : vector<16xf32>
        %add3A_426 = arith.constant 6 : i32
        %add3A_427 = arith.addi %mul3A_186, %add3A_426 : i32
        %get3A_428 = arith.constant 0 : i32
        %get3A_429 = arith.index_cast %get3A_428 : i32 to index
        %get3A_430 = arith.index_cast %add3A_427 : i32 to index
        %get3A_431 = arith.constant 32 : index
        %get3A_432 = tpu.vector_load %arg6[%get3A_429, %get3A_430, %get3A_431] {strides = array<i32>} : memref<4x80x128xf32, #tpu.memory_space<vmem>>, vector<1x1x16xf32>,
        %get3A_433 = vector.shape_cast %get3A_432 : vector<1x1x16xf32> to vector<16xf32>
        %add3A_434 = arith.addf %add3A_425, %get3A_433 : vector<16xf32>
        %add3A_435 = arith.constant 7 : i32
        %add3A_436 = arith.addi %mul3A_186, %add3A_435 : i32
        %get3A_437 = arith.constant 0 : i32
        %get3A_438 = arith.index_cast %get3A_437 : i32 to index
        %get3A_439 = arith.index_cast %add3A_436 : i32 to index
        %get3A_440 = arith.constant 32 : index
        %get3A_441 = tpu.vector_load %arg6[%get3A_438, %get3A_439, %get3A_440] {strides = array<i32>} : memref<4x80x128xf32, #tpu.memory_space<vmem>>, vector<1x1x16xf32>,
        %get3A_442 = vector.shape_cast %get3A_441 : vector<1x1x16xf32> to vector<16xf32>
        %add3A_443 = arith.addf %add3A_434, %get3A_442 : vector<16xf32>
        %add3A_444 = arith.constant 8 : i32
        %add3A_445 = arith.addi %mul3A_186, %add3A_444 : i32
        %get3A_446 = arith.constant 0 : i32
        %get3A_447 = arith.index_cast %get3A_446 : i32 to index
        %get3A_448 = arith.index_cast %add3A_445 : i32 to index
        %get3A_449 = arith.constant 32 : index
        %get3A_450 = tpu.vector_load %arg6[%get3A_447, %get3A_448, %get3A_449] {strides = array<i32>} : memref<4x80x128xf32, #tpu.memory_space<vmem>>, vector<1x1x16xf32>,
        %get3A_451 = vector.shape_cast %get3A_450 : vector<1x1x16xf32> to vector<16xf32>
        %add3A_452 = arith.addf %add3A_443, %get3A_451 : vector<16xf32>
        %add3A_453 = arith.constant 9 : i32
        %add3A_454 = arith.addi %mul3A_186, %add3A_453 : i32
        %get3A_455 = arith.constant 0 : i32
        %get3A_456 = arith.index_cast %get3A_455 : i32 to index
        %get3A_457 = arith.index_cast %add3A_454 : i32 to index
        %get3A_458 = arith.constant 32 : index
        %get3A_459 = tpu.vector_load %arg6[%get3A_456, %get3A_457, %get3A_458] {strides = array<i32>} : memref<4x80x128xf32, #tpu.memory_space<vmem>>, vector<1x1x16xf32>,
        %get3A_460 = vector.shape_cast %get3A_459 : vector<1x1x16xf32> to vector<16xf32>
        %add3A_461 = arith.addf %add3A_452, %get3A_460 : vector<16xf32>
        %mul3A_462 = arith.constant 1.000000e-01 : f32
        %mul3A_463 = vector.broadcast %mul3A_462 : f32 to vector<16xf32>
        %mul3A_464 = arith.mulf %add3A_461, %mul3A_463 : vector<16xf32>
        %swap3A_465 = arith.index_cast %scan3A_184 : i32 to index
        %swap3A_466 = arith.constant 32 : index
        %swap3A_467 = tpu.vector_load %arg7[%swap3A_465, %swap3A_466] {strides = array<i32>} : memref<8x128xf32, #tpu.memory_space<vmem>>, vector<1x16xf32>,
        %swap3A_468 = vector.shape_cast %swap3A_467 : vector<1x16xf32> to vector<16xf32>
        %swap3A_469 = vector.shape_cast %mul3A_464 : vector<16xf32> to vector<1x16xf32>
        tpu.vector_store %arg7[%swap3A_465, %swap3A_466], %swap3A_469 {strides = array<i32>} : memref<8x128xf32, #tpu.memory_space<vmem>>, vector<1x16xf32>,
        %get3A_470 = arith.constant 0 : i32
        %get3A_471 = arith.index_cast %get3A_470 : i32 to index
        %get3A_472 = arith.index_cast %mul3A_186 : i32 to index
        %get3A_473 = arith.constant 48 : index
        %get3A_474 = tpu.vector_load %arg6[%get3A_471, %get3A_472, %get3A_473] {strides = array<i32>} : memref<4x80x128xf32, #tpu.memory_space<vmem>>, vector<1x1x16xf32>,
        %get3A_475 = vector.shape_cast %get3A_474 : vector<1x1x16xf32> to vector<16xf32>
        %add3A_476 = arith.constant 1 : i32
        %add3A_477 = arith.addi %mul3A_186, %add3A_476 : i32
        %get3A_478 = arith.constant 0 : i32
        %get3A_479 = arith.index_cast %get3A_478 : i32 to index
        %get3A_480 = arith.index_cast %add3A_477 : i32 to index
        %get3A_481 = arith.constant 48 : index
        %get3A_482 = tpu.vector_load %arg6[%get3A_479, %get3A_480, %get3A_481] {strides = array<i32>} : memref<4x80x128xf32, #tpu.memory_space<vmem>>, vector<1x1x16xf32>,
        %get3A_483 = vector.shape_cast %get3A_482 : vector<1x1x16xf32> to vector<16xf32>
        %add3A_484 = arith.addf %get3A_475, %get3A_483 : vector<16xf32>
        %add3A_485 = arith.constant 2 : i32
        %add3A_486 = arith.addi %mul3A_186, %add3A_485 : i32
        %get3A_487 = arith.constant 0 : i32
        %get3A_488 = arith.index_cast %get3A_487 : i32 to index
        %get3A_489 = arith.index_cast %add3A_486 : i32 to index
        %get3A_490 = arith.constant 48 : index
        %get3A_491 = tpu.vector_load %arg6[%get3A_488, %get3A_489, %get3A_490] {strides = array<i32>} : memref<4x80x128xf32, #tpu.memory_space<vmem>>, vector<1x1x16xf32>,
        %get3A_492 = vector.shape_cast %get3A_491 : vector<1x1x16xf32> to vector<16xf32>
        %add3A_493 = arith.addf %add3A_484, %get3A_492 : vector<16xf32>
        %add3A_494 = arith.constant 3 : i32
        %add3A_495 = arith.addi %mul3A_186, %add3A_494 : i32
        %get3A_496 = arith.constant 0 : i32
        %get3A_497 = arith.index_cast %get3A_496 : i32 to index
        %get3A_498 = arith.index_cast %add3A_495 : i32 to index
        %get3A_499 = arith.constant 48 : index
        %get3A_500 = tpu.vector_load %arg6[%get3A_497, %get3A_498, %get3A_499] {strides = array<i32>} : memref<4x80x128xf32, #tpu.memory_space<vmem>>, vector<1x1x16xf32>,
        %get3A_501 = vector.shape_cast %get3A_500 : vector<1x1x16xf32> to vector<16xf32>
        %add3A_502 = arith.addf %add3A_493, %get3A_501 : vector<16xf32>
        %add3A_503 = arith.constant 4 : i32
        %add3A_504 = arith.addi %mul3A_186, %add3A_503 : i32
        %get3A_505 = arith.constant 0 : i32
        %get3A_506 = arith.index_cast %get3A_505 : i32 to index
        %get3A_507 = arith.index_cast %add3A_504 : i32 to index
        %get3A_508 = arith.constant 48 : index
        %get3A_509 = tpu.vector_load %arg6[%get3A_506, %get3A_507, %get3A_508] {strides = array<i32>} : memref<4x80x128xf32, #tpu.memory_space<vmem>>, vector<1x1x16xf32>,
        %get3A_510 = vector.shape_cast %get3A_509 : vector<1x1x16xf32> to vector<16xf32>
        %add3A_511 = arith.addf %add3A_502, %get3A_510 : vector<16xf32>
        %add3A_512 = arith.constant 5 : i32
        %add3A_513 = arith.addi %mul3A_186, %add3A_512 : i32
        %get3A_514 = arith.constant 0 : i32
        %get3A_515 = arith.index_cast %get3A_514 : i32 to index
        %get3A_516 = arith.index_cast %add3A_513 : i32 to index
        %get3A_517 = arith.constant 48 : index
        %get3A_518 = tpu.vector_load %arg6[%get3A_515, %get3A_516, %get3A_517] {strides = array<i32>} : memref<4x80x128xf32, #tpu.memory_space<vmem>>, vector<1x1x16xf32>,
        %get3A_519 = vector.shape_cast %get3A_518 : vector<1x1x16xf32> to vector<16xf32>
        %add3A_520 = arith.addf %add3A_511, %get3A_519 : vector<16xf32>
        %add3A_521 = arith.constant 6 : i32
        %add3A_522 = arith.addi %mul3A_186, %add3A_521 : i32
        %get3A_523 = arith.constant 0 : i32
        %get3A_524 = arith.index_cast %get3A_523 : i32 to index
        %get3A_525 = arith.index_cast %add3A_522 : i32 to index
        %get3A_526 = arith.constant 48 : index
        %get3A_527 = tpu.vector_load %arg6[%get3A_524, %get3A_525, %get3A_526] {strides = array<i32>} : memref<4x80x128xf32, #tpu.memory_space<vmem>>, vector<1x1x16xf32>,
        %get3A_528 = vector.shape_cast %get3A_527 : vector<1x1x16xf32> to vector<16xf32>
        %add3A_529 = arith.addf %add3A_520, %get3A_528 : vector<16xf32>
        %add3A_530 = arith.constant 7 : i32
        %add3A_531 = arith.addi %mul3A_186, %add3A_530 : i32
        %get3A_532 = arith.constant 0 : i32
        %get3A_533 = arith.index_cast %get3A_532 : i32 to index
        %get3A_534 = arith.index_cast %add3A_531 : i32 to index
        %get3A_535 = arith.constant 48 : index
        %get3A_536 = tpu.vector_load %arg6[%get3A_533, %get3A_534, %get3A_535] {strides = array<i32>} : memref<4x80x128xf32, #tpu.memory_space<vmem>>, vector<1x1x16xf32>,
        %get3A_537 = vector.shape_cast %get3A_536 : vector<1x1x16xf32> to vector<16xf32>
        %add3A_538 = arith.addf %add3A_529, %get3A_537 : vector<16xf32>
        %add3A_539 = arith.constant 8 : i32
        %add3A_540 = arith.addi %mul3A_186, %add3A_539 : i32
        %get3A_541 = arith.constant 0 : i32
        %get3A_542 = arith.index_cast %get3A_541 : i32 to index
        %get3A_543 = arith.index_cast %add3A_540 : i32 to index
        %get3A_544 = arith.constant 48 : index
        %get3A_545 = tpu.vector_load %arg6[%get3A_542, %get3A_543, %get3A_544] {strides = array<i32>} : memref<4x80x128xf32, #tpu.memory_space<vmem>>, vector<1x1x16xf32>,
        %get3A_546 = vector.shape_cast %get3A_545 : vector<1x1x16xf32> to vector<16xf32>
        %add3A_547 = arith.addf %add3A_538, %get3A_546 : vector<16xf32>
        %add3A_548 = arith.constant 9 : i32
        %add3A_549 = arith.addi %mul3A_186, %add3A_548 : i32
        %get3A_550 = arith.constant 0 : i32
        %get3A_551 = arith.index_cast %get3A_550 : i32 to index
        %get3A_552 = arith.index_cast %add3A_549 : i32 to index
        %get3A_553 = arith.constant 48 : index
        %get3A_554 = tpu.vector_load %arg6[%get3A_551, %get3A_552, %get3A_553] {strides = array<i32>} : memref<4x80x128xf32, #tpu.memory_space<vmem>>, vector<1x1x16xf32>,
        %get3A_555 = vector.shape_cast %get3A_554 : vector<1x1x16xf32> to vector<16xf32>
        %add3A_556 = arith.addf %add3A_547, %get3A_555 : vector<16xf32>
        %mul3A_557 = arith.constant 1.000000e-01 : f32
        %mul3A_558 = vector.broadcast %mul3A_557 : f32 to vector<16xf32>
        %mul3A_559 = arith.mulf %add3A_556, %mul3A_558 : vector<16xf32>
        %swap3A_560 = arith.index_cast %scan3A_184 : i32 to index
        %swap3A_561 = arith.constant 48 : index
        %swap3A_562 = tpu.vector_load %arg7[%swap3A_560, %swap3A_561] {strides = array<i32>} : memref<8x128xf32, #tpu.memory_space<vmem>>, vector<1x16xf32>,
        %swap3A_563 = vector.shape_cast %swap3A_562 : vector<1x16xf32> to vector<16xf32>
        %swap3A_564 = vector.shape_cast %mul3A_559 : vector<16xf32> to vector<1x16xf32>
        tpu.vector_store %arg7[%swap3A_560, %swap3A_561], %swap3A_564 {strides = array<i32>} : memref<8x128xf32, #tpu.memory_space<vmem>>, vector<1x16xf32>,
        %get3A_565 = arith.constant 0 : i32
        %get3A_566 = arith.index_cast %get3A_565 : i32 to index
        %get3A_567 = arith.index_cast %mul3A_186 : i32 to index
        %get3A_568 = arith.constant 64 : index
        %get3A_569 = tpu.vector_load %arg6[%get3A_566, %get3A_567, %get3A_568] {strides = array<i32>} : memref<4x80x128xf32, #tpu.memory_space<vmem>>, vector<1x1x16xf32>,
        %get3A_570 = vector.shape_cast %get3A_569 : vector<1x1x16xf32> to vector<16xf32>
        %add3A_571 = arith.constant 1 : i32
        %add3A_572 = arith.addi %mul3A_186, %add3A_571 : i32
        %get3A_573 = arith.constant 0 : i32
        %get3A_574 = arith.index_cast %get3A_573 : i32 to index
        %get3A_575 = arith.index_cast %add3A_572 : i32 to index
        %get3A_576 = arith.constant 64 : index
        %get3A_577 = tpu.vector_load %arg6[%get3A_574, %get3A_575, %get3A_576] {strides = array<i32>} : memref<4x80x128xf32, #tpu.memory_space<vmem>>, vector<1x1x16xf32>,
        %get3A_578 = vector.shape_cast %get3A_577 : vector<1x1x16xf32> to vector<16xf32>
        %add3A_579 = arith.addf %get3A_570, %get3A_578 : vector<16xf32>
        %add3A_580 = arith.constant 2 : i32
        %add3A_581 = arith.addi %mul3A_186, %add3A_580 : i32
        %get3A_582 = arith.constant 0 : i32
        %get3A_583 = arith.index_cast %get3A_582 : i32 to index
        %get3A_584 = arith.index_cast %add3A_581 : i32 to index
        %get3A_585 = arith.constant 64 : index
        %get3A_586 = tpu.vector_load %arg6[%get3A_583, %get3A_584, %get3A_585] {strides = array<i32>} : memref<4x80x128xf32, #tpu.memory_space<vmem>>, vector<1x1x16xf32>,
        %get3A_587 = vector.shape_cast %get3A_586 : vector<1x1x16xf32> to vector<16xf32>
        %add3A_588 = arith.addf %add3A_579, %get3A_587 : vector<16xf32>
        %add3A_589 = arith.constant 3 : i32
        %add3A_590 = arith.addi %mul3A_186, %add3A_589 : i32
        %get3A_591 = arith.constant 0 : i32
        %get3A_592 = arith.index_cast %get3A_591 : i32 to index
        %get3A_593 = arith.index_cast %add3A_590 : i32 to index
        %get3A_594 = arith.constant 64 : index
        %get3A_595 = tpu.vector_load %arg6[%get3A_592, %get3A_593, %get3A_594] {strides = array<i32>} : memref<4x80x128xf32, #tpu.memory_space<vmem>>, vector<1x1x16xf32>,
        %get3A_596 = vector.shape_cast %get3A_595 : vector<1x1x16xf32> to vector<16xf32>
        %add3A_597 = arith.addf %add3A_588, %get3A_596 : vector<16xf32>
        %add3A_598 = arith.constant 4 : i32
        %add3A_599 = arith.addi %mul3A_186, %add3A_598 : i32
        %get3A_600 = arith.constant 0 : i32
        %get3A_601 = arith.index_cast %get3A_600 : i32 to index
        %get3A_602 = arith.index_cast %add3A_599 : i32 to index
        %get3A_603 = arith.constant 64 : index
        %get3A_604 = tpu.vector_load %arg6[%get3A_601, %get3A_602, %get3A_603] {strides = array<i32>} : memref<4x80x128xf32, #tpu.memory_space<vmem>>, vector<1x1x16xf32>,
        %get3A_605 = vector.shape_cast %get3A_604 : vector<1x1x16xf32> to vector<16xf32>
        %add3A_606 = arith.addf %add3A_597, %get3A_605 : vector<16xf32>
        %add3A_607 = arith.constant 5 : i32
        %add3A_608 = arith.addi %mul3A_186, %add3A_607 : i32
        %get3A_609 = arith.constant 0 : i32
        %get3A_610 = arith.index_cast %get3A_609 : i32 to index
        %get3A_611 = arith.index_cast %add3A_608 : i32 to index
        %get3A_612 = arith.constant 64 : index
        %get3A_613 = tpu.vector_load %arg6[%get3A_610, %get3A_611, %get3A_612] {strides = array<i32>} : memref<4x80x128xf32, #tpu.memory_space<vmem>>, vector<1x1x16xf32>,
        %get3A_614 = vector.shape_cast %get3A_613 : vector<1x1x16xf32> to vector<16xf32>
        %add3A_615 = arith.addf %add3A_606, %get3A_614 : vector<16xf32>
        %add3A_616 = arith.constant 6 : i32
        %add3A_617 = arith.addi %mul3A_186, %add3A_616 : i32
        %get3A_618 = arith.constant 0 : i32
        %get3A_619 = arith.index_cast %get3A_618 : i32 to index
        %get3A_620 = arith.index_cast %add3A_617 : i32 to index
        %get3A_621 = arith.constant 64 : index
        %get3A_622 = tpu.vector_load %arg6[%get3A_619, %get3A_620, %get3A_621] {strides = array<i32>} : memref<4x80x128xf32, #tpu.memory_space<vmem>>, vector<1x1x16xf32>,
        %get3A_623 = vector.shape_cast %get3A_622 : vector<1x1x16xf32> to vector<16xf32>
        %add3A_624 = arith.addf %add3A_615, %get3A_623 : vector<16xf32>
        %add3A_625 = arith.constant 7 : i32
        %add3A_626 = arith.addi %mul3A_186, %add3A_625 : i32
        %get3A_627 = arith.constant 0 : i32
        %get3A_628 = arith.index_cast %get3A_627 : i32 to index
        %get3A_629 = arith.index_cast %add3A_626 : i32 to index
        %get3A_630 = arith.constant 64 : index
        %get3A_631 = tpu.vector_load %arg6[%get3A_628, %get3A_629, %get3A_630] {strides = array<i32>} : memref<4x80x128xf32, #tpu.memory_space<vmem>>, vector<1x1x16xf32>,
        %get3A_632 = vector.shape_cast %get3A_631 : vector<1x1x16xf32> to vector<16xf32>
        %add3A_633 = arith.addf %add3A_624, %get3A_632 : vector<16xf32>
        %add3A_634 = arith.constant 8 : i32
        %add3A_635 = arith.addi %mul3A_186, %add3A_634 : i32
        %get3A_636 = arith.constant 0 : i32
        %get3A_637 = arith.index_cast %get3A_636 : i32 to index
        %get3A_638 = arith.index_cast %add3A_635 : i32 to index
        %get3A_639 = arith.constant 64 : index
        %get3A_640 = tpu.vector_load %arg6[%get3A_637, %get3A_638, %get3A_639] {strides = array<i32>} : memref<4x80x128xf32, #tpu.memory_space<vmem>>, vector<1x1x16xf32>,
        %get3A_641 = vector.shape_cast %get3A_640 : vector<1x1x16xf32> to vector<16xf32>
        %add3A_642 = arith.addf %add3A_633, %get3A_641 : vector<16xf32>
        %add3A_643 = arith.constant 9 : i32
        %add3A_644 = arith.addi %mul3A_186, %add3A_643 : i32
        %get3A_645 = arith.constant 0 : i32
        %get3A_646 = arith.index_cast %get3A_645 : i32 to index
        %get3A_647 = arith.index_cast %add3A_644 : i32 to index
        %get3A_648 = arith.constant 64 : index
        %get3A_649 = tpu.vector_load %arg6[%get3A_646, %get3A_647, %get3A_648] {strides = array<i32>} : memref<4x80x128xf32, #tpu.memory_space<vmem>>, vector<1x1x16xf32>,
        %get3A_650 = vector.shape_cast %get3A_649 : vector<1x1x16xf32> to vector<16xf32>
        %add3A_651 = arith.addf %add3A_642, %get3A_650 : vector<16xf32>
        %mul3A_652 = arith.constant 1.000000e-01 : f32
        %mul3A_653 = vector.broadcast %mul3A_652 : f32 to vector<16xf32>
        %mul3A_654 = arith.mulf %add3A_651, %mul3A_653 : vector<16xf32>
        %swap3A_655 = arith.index_cast %scan3A_184 : i32 to index
        %swap3A_656 = arith.constant 64 : index
        %swap3A_657 = tpu.vector_load %arg7[%swap3A_655, %swap3A_656] {strides = array<i32>} : memref<8x128xf32, #tpu.memory_space<vmem>>, vector<1x16xf32>,
        %swap3A_658 = vector.shape_cast %swap3A_657 : vector<1x16xf32> to vector<16xf32>
        %swap3A_659 = vector.shape_cast %mul3A_654 : vector<16xf32> to vector<1x16xf32>
        tpu.vector_store %arg7[%swap3A_655, %swap3A_656], %swap3A_659 {strides = array<i32>} : memref<8x128xf32, #tpu.memory_space<vmem>>, vector<1x16xf32>,
        %get3A_660 = arith.constant 0 : i32
        %get3A_661 = arith.index_cast %get3A_660 : i32 to index
        %get3A_662 = arith.index_cast %mul3A_186 : i32 to index
        %get3A_663 = arith.constant 80 : index
        %get3A_664 = tpu.vector_load %arg6[%get3A_661, %get3A_662, %get3A_663] {strides = array<i32>} : memref<4x80x128xf32, #tpu.memory_space<vmem>>, vector<1x1x16xf32>,
        %get3A_665 = vector.shape_cast %get3A_664 : vector<1x1x16xf32> to vector<16xf32>
        %add3A_666 = arith.constant 1 : i32
        %add3A_667 = arith.addi %mul3A_186, %add3A_666 : i32
        %get3A_668 = arith.constant 0 : i32
        %get3A_669 = arith.index_cast %get3A_668 : i32 to index
        %get3A_670 = arith.index_cast %add3A_667 : i32 to index
        %get3A_671 = arith.constant 80 : index
        %get3A_672 = tpu.vector_load %arg6[%get3A_669, %get3A_670, %get3A_671] {strides = array<i32>} : memref<4x80x128xf32, #tpu.memory_space<vmem>>, vector<1x1x16xf32>,
        %get3A_673 = vector.shape_cast %get3A_672 : vector<1x1x16xf32> to vector<16xf32>
        %add3A_674 = arith.addf %get3A_665, %get3A_673 : vector<16xf32>
        %add3A_675 = arith.constant 2 : i32
        %add3A_676 = arith.addi %mul3A_186, %add3A_675 : i32
        %get3A_677 = arith.constant 0 : i32
        %get3A_678 = arith.index_cast %get3A_677 : i32 to index
        %get3A_679 = arith.index_cast %add3A_676 : i32 to index
        %get3A_680 = arith.constant 80 : index
        %get3A_681 = tpu.vector_load %arg6[%get3A_678, %get3A_679, %get3A_680] {strides = array<i32>} : memref<4x80x128xf32, #tpu.memory_space<vmem>>, vector<1x1x16xf32>,
        %get3A_682 = vector.shape_cast %get3A_681 : vector<1x1x16xf32> to vector<16xf32>
        %add3A_683 = arith.addf %add3A_674, %get3A_682 : vector<16xf32>
        %add3A_684 = arith.constant 3 : i32
        %add3A_685 = arith.addi %mul3A_186, %add3A_684 : i32
        %get3A_686 = arith.constant 0 : i32
        %get3A_687 = arith.index_cast %get3A_686 : i32 to index
        %get3A_688 = arith.index_cast %add3A_685 : i32 to index
        %get3A_689 = arith.constant 80 : index
        %get3A_690 = tpu.vector_load %arg6[%get3A_687, %get3A_688, %get3A_689] {strides = array<i32>} : memref<4x80x128xf32, #tpu.memory_space<vmem>>, vector<1x1x16xf32>,
        %get3A_691 = vector.shape_cast %get3A_690 : vector<1x1x16xf32> to vector<16xf32>
        %add3A_692 = arith.addf %add3A_683, %get3A_691 : vector<16xf32>
        %add3A_693 = arith.constant 4 : i32
        %add3A_694 = arith.addi %mul3A_186, %add3A_693 : i32
        %get3A_695 = arith.constant 0 : i32
        %get3A_696 = arith.index_cast %get3A_695 : i32 to index
        %get3A_697 = arith.index_cast %add3A_694 : i32 to index
        %get3A_698 = arith.constant 80 : index
        %get3A_699 = tpu.vector_load %arg6[%get3A_696, %get3A_697, %get3A_698] {strides = array<i32>} : memref<4x80x128xf32, #tpu.memory_space<vmem>>, vector<1x1x16xf32>,
        %get3A_700 = vector.shape_cast %get3A_699 : vector<1x1x16xf32> to vector<16xf32>
        %add3A_701 = arith.addf %add3A_692, %get3A_700 : vector<16xf32>
        %add3A_702 = arith.constant 5 : i32
        %add3A_703 = arith.addi %mul3A_186, %add3A_702 : i32
        %get3A_704 = arith.constant 0 : i32
        %get3A_705 = arith.index_cast %get3A_704 : i32 to index
        %get3A_706 = arith.index_cast %add3A_703 : i32 to index
        %get3A_707 = arith.constant 80 : index
        %get3A_708 = tpu.vector_load %arg6[%get3A_705, %get3A_706, %get3A_707] {strides = array<i32>} : memref<4x80x128xf32, #tpu.memory_space<vmem>>, vector<1x1x16xf32>,
        %get3A_709 = vector.shape_cast %get3A_708 : vector<1x1x16xf32> to vector<16xf32>
        %add3A_710 = arith.addf %add3A_701, %get3A_709 : vector<16xf32>
        %add3A_711 = arith.constant 6 : i32
        %add3A_712 = arith.addi %mul3A_186, %add3A_711 : i32
        %get3A_713 = arith.constant 0 : i32
        %get3A_714 = arith.index_cast %get3A_713 : i32 to index
        %get3A_715 = arith.index_cast %add3A_712 : i32 to index
        %get3A_716 = arith.constant 80 : index
        %get3A_717 = tpu.vector_load %arg6[%get3A_714, %get3A_715, %get3A_716] {strides = array<i32>} : memref<4x80x128xf32, #tpu.memory_space<vmem>>, vector<1x1x16xf32>,
        %get3A_718 = vector.shape_cast %get3A_717 : vector<1x1x16xf32> to vector<16xf32>
        %add3A_719 = arith.addf %add3A_710, %get3A_718 : vector<16xf32>
        %add3A_720 = arith.constant 7 : i32
        %add3A_721 = arith.addi %mul3A_186, %add3A_720 : i32
        %get3A_722 = arith.constant 0 : i32
        %get3A_723 = arith.index_cast %get3A_722 : i32 to index
        %get3A_724 = arith.index_cast %add3A_721 : i32 to index
        %get3A_725 = arith.constant 80 : index
        %get3A_726 = tpu.vector_load %arg6[%get3A_723, %get3A_724, %get3A_725] {strides = array<i32>} : memref<4x80x128xf32, #tpu.memory_space<vmem>>, vector<1x1x16xf32>,
        %get3A_727 = vector.shape_cast %get3A_726 : vector<1x1x16xf32> to vector<16xf32>
        %add3A_728 = arith.addf %add3A_719, %get3A_727 : vector<16xf32>
        %add3A_729 = arith.constant 8 : i32
        %add3A_730 = arith.addi %mul3A_186, %add3A_729 : i32
        %get3A_731 = arith.constant 0 : i32
        %get3A_732 = arith.index_cast %get3A_731 : i32 to index
        %get3A_733 = arith.index_cast %add3A_730 : i32 to index
        %get3A_734 = arith.constant 80 : index
        %get3A_735 = tpu.vector_load %arg6[%get3A_732, %get3A_733, %get3A_734] {strides = array<i32>} : memref<4x80x128xf32, #tpu.memory_space<vmem>>, vector<1x1x16xf32>,
        %get3A_736 = vector.shape_cast %get3A_735 : vector<1x1x16xf32> to vector<16xf32>
        %add3A_737 = arith.addf %add3A_728, %get3A_736 : vector<16xf32>
        %add3A_738 = arith.constant 9 : i32
        %add3A_739 = arith.addi %mul3A_186, %add3A_738 : i32
        %get3A_740 = arith.constant 0 : i32
        %get3A_741 = arith.index_cast %get3A_740 : i32 to index
        %get3A_742 = arith.index_cast %add3A_739 : i32 to index
        %get3A_743 = arith.constant 80 : index
        %get3A_744 = tpu.vector_load %arg6[%get3A_741, %get3A_742, %get3A_743] {strides = array<i32>} : memref<4x80x128xf32, #tpu.memory_space<vmem>>, vector<1x1x16xf32>,
        %get3A_745 = vector.shape_cast %get3A_744 : vector<1x1x16xf32> to vector<16xf32>
        %add3A_746 = arith.addf %add3A_737, %get3A_745 : vector<16xf32>
        %mul3A_747 = arith.constant 1.000000e-01 : f32
        %mul3A_748 = vector.broadcast %mul3A_747 : f32 to vector<16xf32>
        %mul3A_749 = arith.mulf %add3A_746, %mul3A_748 : vector<16xf32>
        %swap3A_750 = arith.index_cast %scan3A_184 : i32 to index
        %swap3A_751 = arith.constant 80 : index
        %swap3A_752 = tpu.vector_load %arg7[%swap3A_750, %swap3A_751] {strides = array<i32>} : memref<8x128xf32, #tpu.memory_space<vmem>>, vector<1x16xf32>,
        %swap3A_753 = vector.shape_cast %swap3A_752 : vector<1x16xf32> to vector<16xf32>
        %swap3A_754 = vector.shape_cast %mul3A_749 : vector<16xf32> to vector<1x16xf32>
        tpu.vector_store %arg7[%swap3A_750, %swap3A_751], %swap3A_754 {strides = array<i32>} : memref<8x128xf32, #tpu.memory_space<vmem>>, vector<1x16xf32>,
        %get3A_755 = arith.constant 0 : i32
        %get3A_756 = arith.index_cast %get3A_755 : i32 to index
        %get3A_757 = arith.index_cast %mul3A_186 : i32 to index
        %get3A_758 = arith.constant 96 : index
        %get3A_759 = tpu.vector_load %arg6[%get3A_756, %get3A_757, %get3A_758] {strides = array<i32>} : memref<4x80x128xf32, #tpu.memory_space<vmem>>, vector<1x1x16xf32>,
        %get3A_760 = vector.shape_cast %get3A_759 : vector<1x1x16xf32> to vector<16xf32>
        %add3A_761 = arith.constant 1 : i32
        %add3A_762 = arith.addi %mul3A_186, %add3A_761 : i32
        %get3A_763 = arith.constant 0 : i32
        %get3A_764 = arith.index_cast %get3A_763 : i32 to index
        %get3A_765 = arith.index_cast %add3A_762 : i32 to index
        %get3A_766 = arith.constant 96 : index
        %get3A_767 = tpu.vector_load %arg6[%get3A_764, %get3A_765, %get3A_766] {strides = array<i32>} : memref<4x80x128xf32, #tpu.memory_space<vmem>>, vector<1x1x16xf32>,
        %get3A_768 = vector.shape_cast %get3A_767 : vector<1x1x16xf32> to vector<16xf32>
        %add3A_769 = arith.addf %get3A_760, %get3A_768 : vector<16xf32>
        %add3A_770 = arith.constant 2 : i32
        %add3A_771 = arith.addi %mul3A_186, %add3A_770 : i32
        %get3A_772 = arith.constant 0 : i32
        %get3A_773 = arith.index_cast %get3A_772 : i32 to index
        %get3A_774 = arith.index_cast %add3A_771 : i32 to index
        %get3A_775 = arith.constant 96 : index
        %get3A_776 = tpu.vector_load %arg6[%get3A_773, %get3A_774, %get3A_775] {strides = array<i32>} : memref<4x80x128xf32, #tpu.memory_space<vmem>>, vector<1x1x16xf32>,
        %get3A_777 = vector.shape_cast %get3A_776 : vector<1x1x16xf32> to vector<16xf32>
        %add3A_778 = arith.addf %add3A_769, %get3A_777 : vector<16xf32>
        %add3A_779 = arith.constant 3 : i32
        %add3A_780 = arith.addi %mul3A_186, %add3A_779 : i32
        %get3A_781 = arith.constant 0 : i32
        %get3A_782 = arith.index_cast %get3A_781 : i32 to index
        %get3A_783 = arith.index_cast %add3A_780 : i32 to index
        %get3A_784 = arith.constant 96 : index
        %get3A_785 = tpu.vector_load %arg6[%get3A_782, %get3A_783, %get3A_784] {strides = array<i32>} : memref<4x80x128xf32, #tpu.memory_space<vmem>>, vector<1x1x16xf32>,
        %get3A_786 = vector.shape_cast %get3A_785 : vector<1x1x16xf32> to vector<16xf32>
        %add3A_787 = arith.addf %add3A_778, %get3A_786 : vector<16xf32>
        %add3A_788 = arith.constant 4 : i32
        %add3A_789 = arith.addi %mul3A_186, %add3A_788 : i32
        %get3A_790 = arith.constant 0 : i32
        %get3A_791 = arith.index_cast %get3A_790 : i32 to index
        %get3A_792 = arith.index_cast %add3A_789 : i32 to index
        %get3A_793 = arith.constant 96 : index
        %get3A_794 = tpu.vector_load %arg6[%get3A_791, %get3A_792, %get3A_793] {strides = array<i32>} : memref<4x80x128xf32, #tpu.memory_space<vmem>>, vector<1x1x16xf32>,
        %get3A_795 = vector.shape_cast %get3A_794 : vector<1x1x16xf32> to vector<16xf32>
        %add3A_796 = arith.addf %add3A_787, %get3A_795 : vector<16xf32>
        %add3A_797 = arith.constant 5 : i32
        %add3A_798 = arith.addi %mul3A_186, %add3A_797 : i32
        %get3A_799 = arith.constant 0 : i32
        %get3A_800 = arith.index_cast %get3A_799 : i32 to index
        %get3A_801 = arith.index_cast %add3A_798 : i32 to index
        %get3A_802 = arith.constant 96 : index
        %get3A_803 = tpu.vector_load %arg6[%get3A_800, %get3A_801, %get3A_802] {strides = array<i32>} : memref<4x80x128xf32, #tpu.memory_space<vmem>>, vector<1x1x16xf32>,
        %get3A_804 = vector.shape_cast %get3A_803 : vector<1x1x16xf32> to vector<16xf32>
        %add3A_805 = arith.addf %add3A_796, %get3A_804 : vector<16xf32>
        %add3A_806 = arith.constant 6 : i32
        %add3A_807 = arith.addi %mul3A_186, %add3A_806 : i32
        %get3A_808 = arith.constant 0 : i32
        %get3A_809 = arith.index_cast %get3A_808 : i32 to index
        %get3A_810 = arith.index_cast %add3A_807 : i32 to index
        %get3A_811 = arith.constant 96 : index
        %get3A_812 = tpu.vector_load %arg6[%get3A_809, %get3A_810, %get3A_811] {strides = array<i32>} : memref<4x80x128xf32, #tpu.memory_space<vmem>>, vector<1x1x16xf32>,
        %get3A_813 = vector.shape_cast %get3A_812 : vector<1x1x16xf32> to vector<16xf32>
        %add3A_814 = arith.addf %add3A_805, %get3A_813 : vector<16xf32>
        %add3A_815 = arith.constant 7 : i32
        %add3A_816 = arith.addi %mul3A_186, %add3A_815 : i32
        %get3A_817 = arith.constant 0 : i32
        %get3A_818 = arith.index_cast %get3A_817 : i32 to index
        %get3A_819 = arith.index_cast %add3A_816 : i32 to index
        %get3A_820 = arith.constant 96 : index
        %get3A_821 = tpu.vector_load %arg6[%get3A_818, %get3A_819, %get3A_820] {strides = array<i32>} : memref<4x80x128xf32, #tpu.memory_space<vmem>>, vector<1x1x16xf32>,
        %get3A_822 = vector.shape_cast %get3A_821 : vector<1x1x16xf32> to vector<16xf32>
        %add3A_823 = arith.addf %add3A_814, %get3A_822 : vector<16xf32>
        %add3A_824 = arith.constant 8 : i32
        %add3A_825 = arith.addi %mul3A_186, %add3A_824 : i32
        %get3A_826 = arith.constant 0 : i32
        %get3A_827 = arith.index_cast %get3A_826 : i32 to index
        %get3A_828 = arith.index_cast %add3A_825 : i32 to index
        %get3A_829 = arith.constant 96 : index
        %get3A_830 = tpu.vector_load %arg6[%get3A_827, %get3A_828, %get3A_829] {strides = array<i32>} : memref<4x80x128xf32, #tpu.memory_space<vmem>>, vector<1x1x16xf32>,
        %get3A_831 = vector.shape_cast %get3A_830 : vector<1x1x16xf32> to vector<16xf32>
        %add3A_832 = arith.addf %add3A_823, %get3A_831 : vector<16xf32>
        %add3A_833 = arith.constant 9 : i32
        %add3A_834 = arith.addi %mul3A_186, %add3A_833 : i32
        %get3A_835 = arith.constant 0 : i32
        %get3A_836 = arith.index_cast %get3A_835 : i32 to index
        %get3A_837 = arith.index_cast %add3A_834 : i32 to index
        %get3A_838 = arith.constant 96 : index
        %get3A_839 = tpu.vector_load %arg6[%get3A_836, %get3A_837, %get3A_838] {strides = array<i32>} : memref<4x80x128xf32, #tpu.memory_space<vmem>>, vector<1x1x16xf32>,
        %get3A_840 = vector.shape_cast %get3A_839 : vector<1x1x16xf32> to vector<16xf32>
        %add3A_841 = arith.addf %add3A_832, %get3A_840 : vector<16xf32>
        %mul3A_842 = arith.constant 1.000000e-01 : f32
        %mul3A_843 = vector.broadcast %mul3A_842 : f32 to vector<16xf32>
        %mul3A_844 = arith.mulf %add3A_841, %mul3A_843 : vector<16xf32>
        %swap3A_845 = arith.index_cast %scan3A_184 : i32 to index
        %swap3A_846 = arith.constant 96 : index
        %swap3A_847 = tpu.vector_load %arg7[%swap3A_845, %swap3A_846] {strides = array<i32>} : memref<8x128xf32, #tpu.memory_space<vmem>>, vector<1x16xf32>,
        %swap3A_848 = vector.shape_cast %swap3A_847 : vector<1x16xf32> to vector<16xf32>
        %swap3A_849 = vector.shape_cast %mul3A_844 : vector<16xf32> to vector<1x16xf32>
        tpu.vector_store %arg7[%swap3A_845, %swap3A_846], %swap3A_849 {strides = array<i32>} : memref<8x128xf32, #tpu.memory_space<vmem>>, vector<1x16xf32>,
        %get3A_850 = arith.constant 0 : i32
        %get3A_851 = arith.index_cast %get3A_850 : i32 to index
        %get3A_852 = arith.index_cast %mul3A_186 : i32 to index
        %get3A_853 = arith.constant 112 : index
        %get3A_854 = tpu.vector_load %arg6[%get3A_851, %get3A_852, %get3A_853] {strides = array<i32>} : memref<4x80x128xf32, #tpu.memory_space<vmem>>, vector<1x1x16xf32>,
        %get3A_855 = vector.shape_cast %get3A_854 : vector<1x1x16xf32> to vector<16xf32>
        %add3A_856 = arith.constant 1 : i32
        %add3A_857 = arith.addi %mul3A_186, %add3A_856 : i32
        %get3A_858 = arith.constant 0 : i32
        %get3A_859 = arith.index_cast %get3A_858 : i32 to index
        %get3A_860 = arith.index_cast %add3A_857 : i32 to index
        %get3A_861 = arith.constant 112 : index
        %get3A_862 = tpu.vector_load %arg6[%get3A_859, %get3A_860, %get3A_861] {strides = array<i32>} : memref<4x80x128xf32, #tpu.memory_space<vmem>>, vector<1x1x16xf32>,
        %get3A_863 = vector.shape_cast %get3A_862 : vector<1x1x16xf32> to vector<16xf32>
        %add3A_864 = arith.addf %get3A_855, %get3A_863 : vector<16xf32>
        %add3A_865 = arith.constant 2 : i32
        %add3A_866 = arith.addi %mul3A_186, %add3A_865 : i32
        %get3A_867 = arith.constant 0 : i32
        %get3A_868 = arith.index_cast %get3A_867 : i32 to index
        %get3A_869 = arith.index_cast %add3A_866 : i32 to index
        %get3A_870 = arith.constant 112 : index
        %get3A_871 = tpu.vector_load %arg6[%get3A_868, %get3A_869, %get3A_870] {strides = array<i32>} : memref<4x80x128xf32, #tpu.memory_space<vmem>>, vector<1x1x16xf32>,
        %get3A_872 = vector.shape_cast %get3A_871 : vector<1x1x16xf32> to vector<16xf32>
        %add3A_873 = arith.addf %add3A_864, %get3A_872 : vector<16xf32>
        %add3A_874 = arith.constant 3 : i32
        %add3A_875 = arith.addi %mul3A_186, %add3A_874 : i32
        %get3A_876 = arith.constant 0 : i32
        %get3A_877 = arith.index_cast %get3A_876 : i32 to index
        %get3A_878 = arith.index_cast %add3A_875 : i32 to index
        %get3A_879 = arith.constant 112 : index
        %get3A_880 = tpu.vector_load %arg6[%get3A_877, %get3A_878, %get3A_879] {strides = array<i32>} : memref<4x80x128xf32, #tpu.memory_space<vmem>>, vector<1x1x16xf32>,
        %get3A_881 = vector.shape_cast %get3A_880 : vector<1x1x16xf32> to vector<16xf32>
        %add3A_882 = arith.addf %add3A_873, %get3A_881 : vector<16xf32>
        %add3A_883 = arith.constant 4 : i32
        %add3A_884 = arith.addi %mul3A_186, %add3A_883 : i32
        %get3A_885 = arith.constant 0 : i32
        %get3A_886 = arith.index_cast %get3A_885 : i32 to index
        %get3A_887 = arith.index_cast %add3A_884 : i32 to index
        %get3A_888 = arith.constant 112 : index
        %get3A_889 = tpu.vector_load %arg6[%get3A_886, %get3A_887, %get3A_888] {strides = array<i32>} : memref<4x80x128xf32, #tpu.memory_space<vmem>>, vector<1x1x16xf32>,
        %get3A_890 = vector.shape_cast %get3A_889 : vector<1x1x16xf32> to vector<16xf32>
        %add3A_891 = arith.addf %add3A_882, %get3A_890 : vector<16xf32>
        %add3A_892 = arith.constant 5 : i32
        %add3A_893 = arith.addi %mul3A_186, %add3A_892 : i32
        %get3A_894 = arith.constant 0 : i32
        %get3A_895 = arith.index_cast %get3A_894 : i32 to index
        %get3A_896 = arith.index_cast %add3A_893 : i32 to index
        %get3A_897 = arith.constant 112 : index
        %get3A_898 = tpu.vector_load %arg6[%get3A_895, %get3A_896, %get3A_897] {strides = array<i32>} : memref<4x80x128xf32, #tpu.memory_space<vmem>>, vector<1x1x16xf32>,
        %get3A_899 = vector.shape_cast %get3A_898 : vector<1x1x16xf32> to vector<16xf32>
        %add3A_900 = arith.addf %add3A_891, %get3A_899 : vector<16xf32>
        %add3A_901 = arith.constant 6 : i32
        %add3A_902 = arith.addi %mul3A_186, %add3A_901 : i32
        %get3A_903 = arith.constant 0 : i32
        %get3A_904 = arith.index_cast %get3A_903 : i32 to index
        %get3A_905 = arith.index_cast %add3A_902 : i32 to index
        %get3A_906 = arith.constant 112 : index
        %get3A_907 = tpu.vector_load %arg6[%get3A_904, %get3A_905, %get3A_906] {strides = array<i32>} : memref<4x80x128xf32, #tpu.memory_space<vmem>>, vector<1x1x16xf32>,
        %get3A_908 = vector.shape_cast %get3A_907 : vector<1x1x16xf32> to vector<16xf32>
        %add3A_909 = arith.addf %add3A_900, %get3A_908 : vector<16xf32>
        %add3A_910 = arith.constant 7 : i32
        %add3A_911 = arith.addi %mul3A_186, %add3A_910 : i32
        %get3A_912 = arith.constant 0 : i32
        %get3A_913 = arith.index_cast %get3A_912 : i32 to index
        %get3A_914 = arith.index_cast %add3A_911 : i32 to index
        %get3A_915 = arith.constant 112 : index
        %get3A_916 = tpu.vector_load %arg6[%get3A_913, %get3A_914, %get3A_915] {strides = array<i32>} : memref<4x80x128xf32, #tpu.memory_space<vmem>>, vector<1x1x16xf32>,
        %get3A_917 = vector.shape_cast %get3A_916 : vector<1x1x16xf32> to vector<16xf32>
        %add3A_918 = arith.addf %add3A_909, %get3A_917 : vector<16xf32>
        %add3A_919 = arith.constant 8 : i32
        %add3A_920 = arith.addi %mul3A_186, %add3A_919 : i32
        %get3A_921 = arith.constant 0 : i32
        %get3A_922 = arith.index_cast %get3A_921 : i32 to index
        %get3A_923 = arith.index_cast %add3A_920 : i32 to index
        %get3A_924 = arith.constant 112 : index
        %get3A_925 = tpu.vector_load %arg6[%get3A_922, %get3A_923, %get3A_924] {strides = array<i32>} : memref<4x80x128xf32, #tpu.memory_space<vmem>>, vector<1x1x16xf32>,
        %get3A_926 = vector.shape_cast %get3A_925 : vector<1x1x16xf32> to vector<16xf32>
        %add3A_927 = arith.addf %add3A_918, %get3A_926 : vector<16xf32>
        %add3A_928 = arith.constant 9 : i32
        %add3A_929 = arith.addi %mul3A_186, %add3A_928 : i32
        %get3A_930 = arith.constant 0 : i32
        %get3A_931 = arith.index_cast %get3A_930 : i32 to index
        %get3A_932 = arith.index_cast %add3A_929 : i32 to index
        %get3A_933 = arith.constant 112 : index
        %get3A_934 = tpu.vector_load %arg6[%get3A_931, %get3A_932, %get3A_933] {strides = array<i32>} : memref<4x80x128xf32, #tpu.memory_space<vmem>>, vector<1x1x16xf32>,
        %get3A_935 = vector.shape_cast %get3A_934 : vector<1x1x16xf32> to vector<16xf32>
        %add3A_936 = arith.addf %add3A_927, %get3A_935 : vector<16xf32>
        %mul3A_937 = arith.constant 1.000000e-01 : f32
        %mul3A_938 = vector.broadcast %mul3A_937 : f32 to vector<16xf32>
        %mul3A_939 = arith.mulf %add3A_936, %mul3A_938 : vector<16xf32>
        %swap3A_940 = arith.index_cast %scan3A_184 : i32 to index
        %swap3A_941 = arith.constant 112 : index
        %swap3A_942 = tpu.vector_load %arg7[%swap3A_940, %swap3A_941] {strides = array<i32>} : memref<8x128xf32, #tpu.memory_space<vmem>>, vector<1x16xf32>,
        %swap3A_943 = vector.shape_cast %swap3A_942 : vector<1x16xf32> to vector<16xf32>
        %swap3A_944 = vector.shape_cast %mul3A_939 : vector<16xf32> to vector<1x16xf32>
        tpu.vector_store %arg7[%swap3A_940, %swap3A_941], %swap3A_944 {strides = array<i32>} : memref<8x128xf32, #tpu.memory_space<vmem>>, vector<1x16xf32>,
      }
      %scan3A_75 = arith.constant 8 : i32
      %add3A_76 = arith.constant 4 : i32
      %add3A_77 = arith.addi %add3A_59, %add3A_76 : i32
      %lt3A = arith.constant 16 : i32
      %lt3A_78 = arith.cmpi slt, %add3A_77, %lt3A : i32
      %convert_element_type3A = arith.extui %lt3A_78 : i1 to i32
      %cond3A = arith.constant 0 : i32
      %cond3A_79 = arith.cmpi ne, %convert_element_type3A, %cond3A : i32
      scf.if %cond3A_79 {
        %add3A_184 = arith.constant 4 : i32
        %add3A_185 = arith.addi %add3A_59, %add3A_184 : i32
        %dma_start3A_186 = arith.constant 0 : i32
        %dma_start3A_187 = arith.constant 0 : i32
        %dma_start3A_188 = arith.constant 0 : i32
        %dma_start3A_189 = tpu.memref_slice %arg6[%dma_start3A_186, %dma_start3A_187, %dma_start3A_188] : memref<4x80x128xf32, #tpu.memory_space<vmem>> -> memref<1x80x128xf32, #tpu.memory_space<vmem>>
        %dma_start3A_190 = tpu.memref_squeeze %dma_start3A_189 : memref<1x80x128xf32, #tpu.memory_space<vmem>> -> memref<80x128xf32, #tpu.memory_space<vmem>>
        %dma_start3A_191 = arith.constant 0 : i32
        %dma_start3A_192 = tpu.memref_slice %arg5[%add3A_185, %dma_start3A_191] : memref<16x80xi32, #tpu.memory_space<vmem>> -> memref<1x80xi32, #tpu.memory_space<vmem>>
        %dma_start3A_193 = tpu.memref_squeeze %dma_start3A_192 : memref<1x80xi32, #tpu.memory_space<vmem>> -> memref<80xi32, #tpu.memory_space<vmem>>
        %dma_start3A_194 = arith.constant 0 : i32
        %dma_start3A_195 = arith.constant 0 : i32
        %dma_start3A_196 = tpu.memref_slice %arg3[%dma_start3A_194, %dma_start3A_195] : memref<100000x128xf32, #tpu.memory_space<hbm>> -> memref<100000x128xf32, #tpu.memory_space<hbm>>
        tpu.enqueue_indirect_dma source(%dma_start3A_196 : memref<100000x128xf32, #tpu.memory_space<hbm>>) target(%dma_start3A_190 : memref<80x128xf32, #tpu.memory_space<vmem>>) offsets(%dma_start3A_193 : memref<80xi32, #tpu.memory_space<vmem>>) semaphore(%arg8 : memref<!tpu.dma_semaphore, #tpu.memory_space<semaphore_mem>>)
      } else {
      }
      %mul3A_80 = arith.constant 128 : i32
      %mul3A_81 = arith.muli %add3A, %mul3A_80 : i32
      %mul3A_82 = arith.constant 8 : i32
      %mul3A_83 = arith.muli %add3A_59, %mul3A_82 : i32
      %add3A_84 = arith.addi %mul3A_81, %mul3A_83 : i32
      "tpu.region"() ({
        %run_scoped3A = tpu.sem_alloc : memref<!tpu.dma_semaphore, #tpu.memory_space<semaphore_mem>>
        %dma_start3A_184 = arith.constant 0 : i32
        %dma_start3A_185 = tpu.memref_slice %arg4[%add3A_84, %dma_start3A_184] : memref<4096x128xf32, #tpu.memory_space<hbm>> -> memref<8x128xf32, #tpu.memory_space<hbm>>
        %dma_start3A_186 = arith.constant 0 : i32
        %dma_start3A_187 = tpu.memref_slice %arg4[%add3A_84, %dma_start3A_186] : memref<4096x128xf32, #tpu.memory_space<hbm>> -> memref<8x128xf32, #tpu.memory_space<hbm>>
        tpu.enqueue_dma source(%arg7 : memref<8x128xf32, #tpu.memory_space<vmem>>) target(%dma_start3A_187 : memref<8x128xf32, #tpu.memory_space<hbm>>) target_semaphore(%run_scoped3A : memref<!tpu.dma_semaphore, #tpu.memory_space<semaphore_mem>>)
        %dma_wait3A_188 = arith.constant 0 : i32
        %dma_wait3A_189 = tpu.memref_slice %arg4[%add3A_84, %dma_wait3A_188] : memref<4096x128xf32, #tpu.memory_space<hbm>> -> memref<8x128xf32, #tpu.memory_space<hbm>>
        %dma_wait3A_190 = arith.constant 0 : i32
        %dma_wait3A_191 = tpu.memref_slice %arg4[%add3A_84, %dma_wait3A_190] : memref<4096x128xf32, #tpu.memory_space<hbm>> -> memref<8x128xf32, #tpu.memory_space<hbm>>
        tpu.wait_dma2 semaphore(%run_scoped3A : memref<!tpu.dma_semaphore, #tpu.memory_space<semaphore_mem>>) src(%arg7 : memref<8x128xf32, #tpu.memory_space<vmem>>) dst(%dma_wait3A_191 : memref<8x128xf32, #tpu.memory_space<hbm>>)
        tpu.yield
      }) : () -> ()
      %mul3A_85 = arith.constant 4 : i32
      %mul3A_86 = arith.muli %scan3A_55, %mul3A_85 : i32
      %add3A_87 = arith.constant 1 : i32
      %add3A_88 = arith.addi %mul3A_86, %add3A_87 : i32
      %dma_wait3A_89 = arith.constant 1 : i32
      %dma_wait3A_90 = arith.constant 0 : i32
      %dma_wait3A_91 = arith.constant 0 : i32
      %dma_wait3A_92 = tpu.memref_slice %arg6[%dma_wait3A_89, %dma_wait3A_90, %dma_wait3A_91] : memref<4x80x128xf32, #tpu.memory_space<vmem>> -> memref<1x80x128xf32, #tpu.memory_space<vmem>>
      %dma_wait3A_93 = tpu.memref_squeeze %dma_wait3A_92 : memref<1x80x128xf32, #tpu.memory_space<vmem>> -> memref<80x128xf32, #tpu.memory_space<vmem>>
      %dma_wait3A_94 = arith.constant 0 : i32
      %dma_wait3A_95 = tpu.memref_slice %arg5[%add3A_88, %dma_wait3A_94] : memref<16x80xi32, #tpu.memory_space<vmem>> -> memref<1x80xi32, #tpu.memory_space<vmem>>
      %dma_wait3A_96 = tpu.memref_squeeze %dma_wait3A_95 : memref<1x80xi32, #tpu.memory_space<vmem>> -> memref<80xi32, #tpu.memory_space<vmem>>
      %dma_wait3A_97 = arith.constant 0 : i32
      %dma_wait3A_98 = arith.constant 0 : i32
      %dma_wait3A_99 = tpu.memref_slice %arg3[%dma_wait3A_97, %dma_wait3A_98] : memref<100000x128xf32, #tpu.memory_space<hbm>> -> memref<100000x128xf32, #tpu.memory_space<hbm>>
      tpu.wait_indirect_dma semaphore(%arg9 : memref<!tpu.dma_semaphore, #tpu.memory_space<semaphore_mem>>) src(%dma_wait3A_99 : memref<100000x128xf32, #tpu.memory_space<hbm>>) dst(%dma_wait3A_93 : memref<80x128xf32, #tpu.memory_space<vmem>>)
      %scan3A_100 = arith.constant 0 : i32
      %scan3A_101 = arith.constant 0 : i32
      %scan3A_102 = arith.constant 8 : i32
      %scan3A_103 = arith.addi %scan3A_101, %scan3A_102 : i32
      %scan3A_104 = arith.constant 1 : i32
      scf.for %scan3A_184 = %scan3A_101 to %scan3A_103 step %scan3A_104  : i32 {
        %mul3A_185 = arith.constant 10 : i32
        %mul3A_186 = arith.muli %scan3A_184, %mul3A_185 : i32
        %get3A = arith.constant 1 : i32
        %get3A_187 = arith.index_cast %get3A : i32 to index
        %get3A_188 = arith.index_cast %mul3A_186 : i32 to index
        %get3A_189 = arith.constant 0 : index
        %get3A_190 = tpu.vector_load %arg6[%get3A_187, %get3A_188, %get3A_189] {strides = array<i32>} : memref<4x80x128xf32, #tpu.memory_space<vmem>>, vector<1x1x16xf32>,
        %get3A_191 = vector.shape_cast %get3A_190 : vector<1x1x16xf32> to vector<16xf32>
        %add3A_192 = arith.constant 1 : i32
        %add3A_193 = arith.addi %mul3A_186, %add3A_192 : i32
        %get3A_194 = arith.constant 1 : i32
        %get3A_195 = arith.index_cast %get3A_194 : i32 to index
        %get3A_196 = arith.index_cast %add3A_193 : i32 to index
        %get3A_197 = arith.constant 0 : index
        %get3A_198 = tpu.vector_load %arg6[%get3A_195, %get3A_196, %get3A_197] {strides = array<i32>} : memref<4x80x128xf32, #tpu.memory_space<vmem>>, vector<1x1x16xf32>,
        %get3A_199 = vector.shape_cast %get3A_198 : vector<1x1x16xf32> to vector<16xf32>
        %add3A_200 = arith.addf %get3A_191, %get3A_199 : vector<16xf32>
        %add3A_201 = arith.constant 2 : i32
        %add3A_202 = arith.addi %mul3A_186, %add3A_201 : i32
        %get3A_203 = arith.constant 1 : i32
        %get3A_204 = arith.index_cast %get3A_203 : i32 to index
        %get3A_205 = arith.index_cast %add3A_202 : i32 to index
        %get3A_206 = arith.constant 0 : index
        %get3A_207 = tpu.vector_load %arg6[%get3A_204, %get3A_205, %get3A_206] {strides = array<i32>} : memref<4x80x128xf32, #tpu.memory_space<vmem>>, vector<1x1x16xf32>,
        %get3A_208 = vector.shape_cast %get3A_207 : vector<1x1x16xf32> to vector<16xf32>
        %add3A_209 = arith.addf %add3A_200, %get3A_208 : vector<16xf32>
        %add3A_210 = arith.constant 3 : i32
        %add3A_211 = arith.addi %mul3A_186, %add3A_210 : i32
        %get3A_212 = arith.constant 1 : i32
        %get3A_213 = arith.index_cast %get3A_212 : i32 to index
        %get3A_214 = arith.index_cast %add3A_211 : i32 to index
        %get3A_215 = arith.constant 0 : index
        %get3A_216 = tpu.vector_load %arg6[%get3A_213, %get3A_214, %get3A_215] {strides = array<i32>} : memref<4x80x128xf32, #tpu.memory_space<vmem>>, vector<1x1x16xf32>,
        %get3A_217 = vector.shape_cast %get3A_216 : vector<1x1x16xf32> to vector<16xf32>
        %add3A_218 = arith.addf %add3A_209, %get3A_217 : vector<16xf32>
        %add3A_219 = arith.constant 4 : i32
        %add3A_220 = arith.addi %mul3A_186, %add3A_219 : i32
        %get3A_221 = arith.constant 1 : i32
        %get3A_222 = arith.index_cast %get3A_221 : i32 to index
        %get3A_223 = arith.index_cast %add3A_220 : i32 to index
        %get3A_224 = arith.constant 0 : index
        %get3A_225 = tpu.vector_load %arg6[%get3A_222, %get3A_223, %get3A_224] {strides = array<i32>} : memref<4x80x128xf32, #tpu.memory_space<vmem>>, vector<1x1x16xf32>,
        %get3A_226 = vector.shape_cast %get3A_225 : vector<1x1x16xf32> to vector<16xf32>
        %add3A_227 = arith.addf %add3A_218, %get3A_226 : vector<16xf32>
        %add3A_228 = arith.constant 5 : i32
        %add3A_229 = arith.addi %mul3A_186, %add3A_228 : i32
        %get3A_230 = arith.constant 1 : i32
        %get3A_231 = arith.index_cast %get3A_230 : i32 to index
        %get3A_232 = arith.index_cast %add3A_229 : i32 to index
        %get3A_233 = arith.constant 0 : index
        %get3A_234 = tpu.vector_load %arg6[%get3A_231, %get3A_232, %get3A_233] {strides = array<i32>} : memref<4x80x128xf32, #tpu.memory_space<vmem>>, vector<1x1x16xf32>,
        %get3A_235 = vector.shape_cast %get3A_234 : vector<1x1x16xf32> to vector<16xf32>
        %add3A_236 = arith.addf %add3A_227, %get3A_235 : vector<16xf32>
        %add3A_237 = arith.constant 6 : i32
        %add3A_238 = arith.addi %mul3A_186, %add3A_237 : i32
        %get3A_239 = arith.constant 1 : i32
        %get3A_240 = arith.index_cast %get3A_239 : i32 to index
        %get3A_241 = arith.index_cast %add3A_238 : i32 to index
        %get3A_242 = arith.constant 0 : index
        %get3A_243 = tpu.vector_load %arg6[%get3A_240, %get3A_241, %get3A_242] {strides = array<i32>} : memref<4x80x128xf32, #tpu.memory_space<vmem>>, vector<1x1x16xf32>,
        %get3A_244 = vector.shape_cast %get3A_243 : vector<1x1x16xf32> to vector<16xf32>
        %add3A_245 = arith.addf %add3A_236, %get3A_244 : vector<16xf32>
        %add3A_246 = arith.constant 7 : i32
        %add3A_247 = arith.addi %mul3A_186, %add3A_246 : i32
        %get3A_248 = arith.constant 1 : i32
        %get3A_249 = arith.index_cast %get3A_248 : i32 to index
        %get3A_250 = arith.index_cast %add3A_247 : i32 to index
        %get3A_251 = arith.constant 0 : index
        %get3A_252 = tpu.vector_load %arg6[%get3A_249, %get3A_250, %get3A_251] {strides = array<i32>} : memref<4x80x128xf32, #tpu.memory_space<vmem>>, vector<1x1x16xf32>,
        %get3A_253 = vector.shape_cast %get3A_252 : vector<1x1x16xf32> to vector<16xf32>
        %add3A_254 = arith.addf %add3A_245, %get3A_253 : vector<16xf32>
        %add3A_255 = arith.constant 8 : i32
        %add3A_256 = arith.addi %mul3A_186, %add3A_255 : i32
        %get3A_257 = arith.constant 1 : i32
        %get3A_258 = arith.index_cast %get3A_257 : i32 to index
        %get3A_259 = arith.index_cast %add3A_256 : i32 to index
        %get3A_260 = arith.constant 0 : index
        %get3A_261 = tpu.vector_load %arg6[%get3A_258, %get3A_259, %get3A_260] {strides = array<i32>} : memref<4x80x128xf32, #tpu.memory_space<vmem>>, vector<1x1x16xf32>,
        %get3A_262 = vector.shape_cast %get3A_261 : vector<1x1x16xf32> to vector<16xf32>
        %add3A_263 = arith.addf %add3A_254, %get3A_262 : vector<16xf32>
        %add3A_264 = arith.constant 9 : i32
        %add3A_265 = arith.addi %mul3A_186, %add3A_264 : i32
        %get3A_266 = arith.constant 1 : i32
        %get3A_267 = arith.index_cast %get3A_266 : i32 to index
        %get3A_268 = arith.index_cast %add3A_265 : i32 to index
        %get3A_269 = arith.constant 0 : index
        %get3A_270 = tpu.vector_load %arg6[%get3A_267, %get3A_268, %get3A_269] {strides = array<i32>} : memref<4x80x128xf32, #tpu.memory_space<vmem>>, vector<1x1x16xf32>,
        %get3A_271 = vector.shape_cast %get3A_270 : vector<1x1x16xf32> to vector<16xf32>
        %add3A_272 = arith.addf %add3A_263, %get3A_271 : vector<16xf32>
        %mul3A_273 = arith.constant 1.000000e-01 : f32
        %mul3A_274 = vector.broadcast %mul3A_273 : f32 to vector<16xf32>
        %mul3A_275 = arith.mulf %add3A_272, %mul3A_274 : vector<16xf32>
        %swap3A = arith.index_cast %scan3A_184 : i32 to index
        %swap3A_276 = arith.constant 0 : index
        %swap3A_277 = tpu.vector_load %arg7[%swap3A, %swap3A_276] {strides = array<i32>} : memref<8x128xf32, #tpu.memory_space<vmem>>, vector<1x16xf32>,
        %swap3A_278 = vector.shape_cast %swap3A_277 : vector<1x16xf32> to vector<16xf32>
        %swap3A_279 = vector.shape_cast %mul3A_275 : vector<16xf32> to vector<1x16xf32>
        tpu.vector_store %arg7[%swap3A, %swap3A_276], %swap3A_279 {strides = array<i32>} : memref<8x128xf32, #tpu.memory_space<vmem>>, vector<1x16xf32>,
        %get3A_280 = arith.constant 1 : i32
        %get3A_281 = arith.index_cast %get3A_280 : i32 to index
        %get3A_282 = arith.index_cast %mul3A_186 : i32 to index
        %get3A_283 = arith.constant 16 : index
        %get3A_284 = tpu.vector_load %arg6[%get3A_281, %get3A_282, %get3A_283] {strides = array<i32>} : memref<4x80x128xf32, #tpu.memory_space<vmem>>, vector<1x1x16xf32>,
        %get3A_285 = vector.shape_cast %get3A_284 : vector<1x1x16xf32> to vector<16xf32>
        %add3A_286 = arith.constant 1 : i32
        %add3A_287 = arith.addi %mul3A_186, %add3A_286 : i32
        %get3A_288 = arith.constant 1 : i32
        %get3A_289 = arith.index_cast %get3A_288 : i32 to index
        %get3A_290 = arith.index_cast %add3A_287 : i32 to index
        %get3A_291 = arith.constant 16 : index
        %get3A_292 = tpu.vector_load %arg6[%get3A_289, %get3A_290, %get3A_291] {strides = array<i32>} : memref<4x80x128xf32, #tpu.memory_space<vmem>>, vector<1x1x16xf32>,
        %get3A_293 = vector.shape_cast %get3A_292 : vector<1x1x16xf32> to vector<16xf32>
        %add3A_294 = arith.addf %get3A_285, %get3A_293 : vector<16xf32>
        %add3A_295 = arith.constant 2 : i32
        %add3A_296 = arith.addi %mul3A_186, %add3A_295 : i32
        %get3A_297 = arith.constant 1 : i32
        %get3A_298 = arith.index_cast %get3A_297 : i32 to index
        %get3A_299 = arith.index_cast %add3A_296 : i32 to index
        %get3A_300 = arith.constant 16 : index
        %get3A_301 = tpu.vector_load %arg6[%get3A_298, %get3A_299, %get3A_300] {strides = array<i32>} : memref<4x80x128xf32, #tpu.memory_space<vmem>>, vector<1x1x16xf32>,
        %get3A_302 = vector.shape_cast %get3A_301 : vector<1x1x16xf32> to vector<16xf32>
        %add3A_303 = arith.addf %add3A_294, %get3A_302 : vector<16xf32>
        %add3A_304 = arith.constant 3 : i32
        %add3A_305 = arith.addi %mul3A_186, %add3A_304 : i32
        %get3A_306 = arith.constant 1 : i32
        %get3A_307 = arith.index_cast %get3A_306 : i32 to index
        %get3A_308 = arith.index_cast %add3A_305 : i32 to index
        %get3A_309 = arith.constant 16 : index
        %get3A_310 = tpu.vector_load %arg6[%get3A_307, %get3A_308, %get3A_309] {strides = array<i32>} : memref<4x80x128xf32, #tpu.memory_space<vmem>>, vector<1x1x16xf32>,
        %get3A_311 = vector.shape_cast %get3A_310 : vector<1x1x16xf32> to vector<16xf32>
        %add3A_312 = arith.addf %add3A_303, %get3A_311 : vector<16xf32>
        %add3A_313 = arith.constant 4 : i32
        %add3A_314 = arith.addi %mul3A_186, %add3A_313 : i32
        %get3A_315 = arith.constant 1 : i32
        %get3A_316 = arith.index_cast %get3A_315 : i32 to index
        %get3A_317 = arith.index_cast %add3A_314 : i32 to index
        %get3A_318 = arith.constant 16 : index
        %get3A_319 = tpu.vector_load %arg6[%get3A_316, %get3A_317, %get3A_318] {strides = array<i32>} : memref<4x80x128xf32, #tpu.memory_space<vmem>>, vector<1x1x16xf32>,
        %get3A_320 = vector.shape_cast %get3A_319 : vector<1x1x16xf32> to vector<16xf32>
        %add3A_321 = arith.addf %add3A_312, %get3A_320 : vector<16xf32>
        %add3A_322 = arith.constant 5 : i32
        %add3A_323 = arith.addi %mul3A_186, %add3A_322 : i32
        %get3A_324 = arith.constant 1 : i32
        %get3A_325 = arith.index_cast %get3A_324 : i32 to index
        %get3A_326 = arith.index_cast %add3A_323 : i32 to index
        %get3A_327 = arith.constant 16 : index
        %get3A_328 = tpu.vector_load %arg6[%get3A_325, %get3A_326, %get3A_327] {strides = array<i32>} : memref<4x80x128xf32, #tpu.memory_space<vmem>>, vector<1x1x16xf32>,
        %get3A_329 = vector.shape_cast %get3A_328 : vector<1x1x16xf32> to vector<16xf32>
        %add3A_330 = arith.addf %add3A_321, %get3A_329 : vector<16xf32>
        %add3A_331 = arith.constant 6 : i32
        %add3A_332 = arith.addi %mul3A_186, %add3A_331 : i32
        %get3A_333 = arith.constant 1 : i32
        %get3A_334 = arith.index_cast %get3A_333 : i32 to index
        %get3A_335 = arith.index_cast %add3A_332 : i32 to index
        %get3A_336 = arith.constant 16 : index
        %get3A_337 = tpu.vector_load %arg6[%get3A_334, %get3A_335, %get3A_336] {strides = array<i32>} : memref<4x80x128xf32, #tpu.memory_space<vmem>>, vector<1x1x16xf32>,
        %get3A_338 = vector.shape_cast %get3A_337 : vector<1x1x16xf32> to vector<16xf32>
        %add3A_339 = arith.addf %add3A_330, %get3A_338 : vector<16xf32>
        %add3A_340 = arith.constant 7 : i32
        %add3A_341 = arith.addi %mul3A_186, %add3A_340 : i32
        %get3A_342 = arith.constant 1 : i32
        %get3A_343 = arith.index_cast %get3A_342 : i32 to index
        %get3A_344 = arith.index_cast %add3A_341 : i32 to index
        %get3A_345 = arith.constant 16 : index
        %get3A_346 = tpu.vector_load %arg6[%get3A_343, %get3A_344, %get3A_345] {strides = array<i32>} : memref<4x80x128xf32, #tpu.memory_space<vmem>>, vector<1x1x16xf32>,
        %get3A_347 = vector.shape_cast %get3A_346 : vector<1x1x16xf32> to vector<16xf32>
        %add3A_348 = arith.addf %add3A_339, %get3A_347 : vector<16xf32>
        %add3A_349 = arith.constant 8 : i32
        %add3A_350 = arith.addi %mul3A_186, %add3A_349 : i32
        %get3A_351 = arith.constant 1 : i32
        %get3A_352 = arith.index_cast %get3A_351 : i32 to index
        %get3A_353 = arith.index_cast %add3A_350 : i32 to index
        %get3A_354 = arith.constant 16 : index
        %get3A_355 = tpu.vector_load %arg6[%get3A_352, %get3A_353, %get3A_354] {strides = array<i32>} : memref<4x80x128xf32, #tpu.memory_space<vmem>>, vector<1x1x16xf32>,
        %get3A_356 = vector.shape_cast %get3A_355 : vector<1x1x16xf32> to vector<16xf32>
        %add3A_357 = arith.addf %add3A_348, %get3A_356 : vector<16xf32>
        %add3A_358 = arith.constant 9 : i32
        %add3A_359 = arith.addi %mul3A_186, %add3A_358 : i32
        %get3A_360 = arith.constant 1 : i32
        %get3A_361 = arith.index_cast %get3A_360 : i32 to index
        %get3A_362 = arith.index_cast %add3A_359 : i32 to index
        %get3A_363 = arith.constant 16 : index
        %get3A_364 = tpu.vector_load %arg6[%get3A_361, %get3A_362, %get3A_363] {strides = array<i32>} : memref<4x80x128xf32, #tpu.memory_space<vmem>>, vector<1x1x16xf32>,
        %get3A_365 = vector.shape_cast %get3A_364 : vector<1x1x16xf32> to vector<16xf32>
        %add3A_366 = arith.addf %add3A_357, %get3A_365 : vector<16xf32>
        %mul3A_367 = arith.constant 1.000000e-01 : f32
        %mul3A_368 = vector.broadcast %mul3A_367 : f32 to vector<16xf32>
        %mul3A_369 = arith.mulf %add3A_366, %mul3A_368 : vector<16xf32>
        %swap3A_370 = arith.index_cast %scan3A_184 : i32 to index
        %swap3A_371 = arith.constant 16 : index
        %swap3A_372 = tpu.vector_load %arg7[%swap3A_370, %swap3A_371] {strides = array<i32>} : memref<8x128xf32, #tpu.memory_space<vmem>>, vector<1x16xf32>,
        %swap3A_373 = vector.shape_cast %swap3A_372 : vector<1x16xf32> to vector<16xf32>
        %swap3A_374 = vector.shape_cast %mul3A_369 : vector<16xf32> to vector<1x16xf32>
        tpu.vector_store %arg7[%swap3A_370, %swap3A_371], %swap3A_374 {strides = array<i32>} : memref<8x128xf32, #tpu.memory_space<vmem>>, vector<1x16xf32>,
        %get3A_375 = arith.constant 1 : i32
        %get3A_376 = arith.index_cast %get3A_375 : i32 to index
        %get3A_377 = arith.index_cast %mul3A_186 : i32 to index
        %get3A_378 = arith.constant 32 : index
        %get3A_379 = tpu.vector_load %arg6[%get3A_376, %get3A_377, %get3A_378] {strides = array<i32>} : memref<4x80x128xf32, #tpu.memory_space<vmem>>, vector<1x1x16xf32>,
        %get3A_380 = vector.shape_cast %get3A_379 : vector<1x1x16xf32> to vector<16xf32>
        %add3A_381 = arith.constant 1 : i32
        %add3A_382 = arith.addi %mul3A_186, %add3A_381 : i32
        %get3A_383 = arith.constant 1 : i32
        %get3A_384 = arith.index_cast %get3A_383 : i32 to index
        %get3A_385 = arith.index_cast %add3A_382 : i32 to index
        %get3A_386 = arith.constant 32 : index
        %get3A_387 = tpu.vector_load %arg6[%get3A_384, %get3A_385, %get3A_386] {strides = array<i32>} : memref<4x80x128xf32, #tpu.memory_space<vmem>>, vector<1x1x16xf32>,
        %get3A_388 = vector.shape_cast %get3A_387 : vector<1x1x16xf32> to vector<16xf32>
        %add3A_389 = arith.addf %get3A_380, %get3A_388 : vector<16xf32>
        %add3A_390 = arith.constant 2 : i32
        %add3A_391 = arith.addi %mul3A_186, %add3A_390 : i32
        %get3A_392 = arith.constant 1 : i32
        %get3A_393 = arith.index_cast %get3A_392 : i32 to index
        %get3A_394 = arith.index_cast %add3A_391 : i32 to index
        %get3A_395 = arith.constant 32 : index
        %get3A_396 = tpu.vector_load %arg6[%get3A_393, %get3A_394, %get3A_395] {strides = array<i32>} : memref<4x80x128xf32, #tpu.memory_space<vmem>>, vector<1x1x16xf32>,
        %get3A_397 = vector.shape_cast %get3A_396 : vector<1x1x16xf32> to vector<16xf32>
        %add3A_398 = arith.addf %add3A_389, %get3A_397 : vector<16xf32>
        %add3A_399 = arith.constant 3 : i32
        %add3A_400 = arith.addi %mul3A_186, %add3A_399 : i32
        %get3A_401 = arith.constant 1 : i32
        %get3A_402 = arith.index_cast %get3A_401 : i32 to index
        %get3A_403 = arith.index_cast %add3A_400 : i32 to index
        %get3A_404 = arith.constant 32 : index
        %get3A_405 = tpu.vector_load %arg6[%get3A_402, %get3A_403, %get3A_404] {strides = array<i32>} : memref<4x80x128xf32, #tpu.memory_space<vmem>>, vector<1x1x16xf32>,
        %get3A_406 = vector.shape_cast %get3A_405 : vector<1x1x16xf32> to vector<16xf32>
        %add3A_407 = arith.addf %add3A_398, %get3A_406 : vector<16xf32>
        %add3A_408 = arith.constant 4 : i32
        %add3A_409 = arith.addi %mul3A_186, %add3A_408 : i32
        %get3A_410 = arith.constant 1 : i32
        %get3A_411 = arith.index_cast %get3A_410 : i32 to index
        %get3A_412 = arith.index_cast %add3A_409 : i32 to index
        %get3A_413 = arith.constant 32 : index
        %get3A_414 = tpu.vector_load %arg6[%get3A_411, %get3A_412, %get3A_413] {strides = array<i32>} : memref<4x80x128xf32, #tpu.memory_space<vmem>>, vector<1x1x16xf32>,
        %get3A_415 = vector.shape_cast %get3A_414 : vector<1x1x16xf32> to vector<16xf32>
        %add3A_416 = arith.addf %add3A_407, %get3A_415 : vector<16xf32>
        %add3A_417 = arith.constant 5 : i32
        %add3A_418 = arith.addi %mul3A_186, %add3A_417 : i32
        %get3A_419 = arith.constant 1 : i32
        %get3A_420 = arith.index_cast %get3A_419 : i32 to index
        %get3A_421 = arith.index_cast %add3A_418 : i32 to index
        %get3A_422 = arith.constant 32 : index
        %get3A_423 = tpu.vector_load %arg6[%get3A_420, %get3A_421, %get3A_422] {strides = array<i32>} : memref<4x80x128xf32, #tpu.memory_space<vmem>>, vector<1x1x16xf32>,
        %get3A_424 = vector.shape_cast %get3A_423 : vector<1x1x16xf32> to vector<16xf32>
        %add3A_425 = arith.addf %add3A_416, %get3A_424 : vector<16xf32>
        %add3A_426 = arith.constant 6 : i32
        %add3A_427 = arith.addi %mul3A_186, %add3A_426 : i32
        %get3A_428 = arith.constant 1 : i32
        %get3A_429 = arith.index_cast %get3A_428 : i32 to index
        %get3A_430 = arith.index_cast %add3A_427 : i32 to index
        %get3A_431 = arith.constant 32 : index
        %get3A_432 = tpu.vector_load %arg6[%get3A_429, %get3A_430, %get3A_431] {strides = array<i32>} : memref<4x80x128xf32, #tpu.memory_space<vmem>>, vector<1x1x16xf32>,
        %get3A_433 = vector.shape_cast %get3A_432 : vector<1x1x16xf32> to vector<16xf32>
        %add3A_434 = arith.addf %add3A_425, %get3A_433 : vector<16xf32>
        %add3A_435 = arith.constant 7 : i32
        %add3A_436 = arith.addi %mul3A_186, %add3A_435 : i32
        %get3A_437 = arith.constant 1 : i32
        %get3A_438 = arith.index_cast %get3A_437 : i32 to index
        %get3A_439 = arith.index_cast %add3A_436 : i32 to index
        %get3A_440 = arith.constant 32 : index
        %get3A_441 = tpu.vector_load %arg6[%get3A_438, %get3A_439, %get3A_440] {strides = array<i32>} : memref<4x80x128xf32, #tpu.memory_space<vmem>>, vector<1x1x16xf32>,
        %get3A_442 = vector.shape_cast %get3A_441 : vector<1x1x16xf32> to vector<16xf32>
        %add3A_443 = arith.addf %add3A_434, %get3A_442 : vector<16xf32>
        %add3A_444 = arith.constant 8 : i32
        %add3A_445 = arith.addi %mul3A_186, %add3A_444 : i32
        %get3A_446 = arith.constant 1 : i32
        %get3A_447 = arith.index_cast %get3A_446 : i32 to index
        %get3A_448 = arith.index_cast %add3A_445 : i32 to index
        %get3A_449 = arith.constant 32 : index
        %get3A_450 = tpu.vector_load %arg6[%get3A_447, %get3A_448, %get3A_449] {strides = array<i32>} : memref<4x80x128xf32, #tpu.memory_space<vmem>>, vector<1x1x16xf32>,
        %get3A_451 = vector.shape_cast %get3A_450 : vector<1x1x16xf32> to vector<16xf32>
        %add3A_452 = arith.addf %add3A_443, %get3A_451 : vector<16xf32>
        %add3A_453 = arith.constant 9 : i32
        %add3A_454 = arith.addi %mul3A_186, %add3A_453 : i32
        %get3A_455 = arith.constant 1 : i32
        %get3A_456 = arith.index_cast %get3A_455 : i32 to index
        %get3A_457 = arith.index_cast %add3A_454 : i32 to index
        %get3A_458 = arith.constant 32 : index
        %get3A_459 = tpu.vector_load %arg6[%get3A_456, %get3A_457, %get3A_458] {strides = array<i32>} : memref<4x80x128xf32, #tpu.memory_space<vmem>>, vector<1x1x16xf32>,
        %get3A_460 = vector.shape_cast %get3A_459 : vector<1x1x16xf32> to vector<16xf32>
        %add3A_461 = arith.addf %add3A_452, %get3A_460 : vector<16xf32>
        %mul3A_462 = arith.constant 1.000000e-01 : f32
        %mul3A_463 = vector.broadcast %mul3A_462 : f32 to vector<16xf32>
        %mul3A_464 = arith.mulf %add3A_461, %mul3A_463 : vector<16xf32>
        %swap3A_465 = arith.index_cast %scan3A_184 : i32 to index
        %swap3A_466 = arith.constant 32 : index
        %swap3A_467 = tpu.vector_load %arg7[%swap3A_465, %swap3A_466] {strides = array<i32>} : memref<8x128xf32, #tpu.memory_space<vmem>>, vector<1x16xf32>,
        %swap3A_468 = vector.shape_cast %swap3A_467 : vector<1x16xf32> to vector<16xf32>
        %swap3A_469 = vector.shape_cast %mul3A_464 : vector<16xf32> to vector<1x16xf32>
        tpu.vector_store %arg7[%swap3A_465, %swap3A_466], %swap3A_469 {strides = array<i32>} : memref<8x128xf32, #tpu.memory_space<vmem>>, vector<1x16xf32>,
        %get3A_470 = arith.constant 1 : i32
        %get3A_471 = arith.index_cast %get3A_470 : i32 to index
        %get3A_472 = arith.index_cast %mul3A_186 : i32 to index
        %get3A_473 = arith.constant 48 : index
        %get3A_474 = tpu.vector_load %arg6[%get3A_471, %get3A_472, %get3A_473] {strides = array<i32>} : memref<4x80x128xf32, #tpu.memory_space<vmem>>, vector<1x1x16xf32>,
        %get3A_475 = vector.shape_cast %get3A_474 : vector<1x1x16xf32> to vector<16xf32>
        %add3A_476 = arith.constant 1 : i32
        %add3A_477 = arith.addi %mul3A_186, %add3A_476 : i32
        %get3A_478 = arith.constant 1 : i32
        %get3A_479 = arith.index_cast %get3A_478 : i32 to index
        %get3A_480 = arith.index_cast %add3A_477 : i32 to index
        %get3A_481 = arith.constant 48 : index
        %get3A_482 = tpu.vector_load %arg6[%get3A_479, %get3A_480, %get3A_481] {strides = array<i32>} : memref<4x80x128xf32, #tpu.memory_space<vmem>>, vector<1x1x16xf32>,
        %get3A_483 = vector.shape_cast %get3A_482 : vector<1x1x16xf32> to vector<16xf32>
        %add3A_484 = arith.addf %get3A_475, %get3A_483 : vector<16xf32>
        %add3A_485 = arith.constant 2 : i32
        %add3A_486 = arith.addi %mul3A_186, %add3A_485 : i32
        %get3A_487 = arith.constant 1 : i32
        %get3A_488 = arith.index_cast %get3A_487 : i32 to index
        %get3A_489 = arith.index_cast %add3A_486 : i32 to index
        %get3A_490 = arith.constant 48 : index
        %get3A_491 = tpu.vector_load %arg6[%get3A_488, %get3A_489, %get3A_490] {strides = array<i32>} : memref<4x80x128xf32, #tpu.memory_space<vmem>>, vector<1x1x16xf32>,
        %get3A_492 = vector.shape_cast %get3A_491 : vector<1x1x16xf32> to vector<16xf32>
        %add3A_493 = arith.addf %add3A_484, %get3A_492 : vector<16xf32>
        %add3A_494 = arith.constant 3 : i32
        %add3A_495 = arith.addi %mul3A_186, %add3A_494 : i32
        %get3A_496 = arith.constant 1 : i32
        %get3A_497 = arith.index_cast %get3A_496 : i32 to index
        %get3A_498 = arith.index_cast %add3A_495 : i32 to index
        %get3A_499 = arith.constant 48 : index
        %get3A_500 = tpu.vector_load %arg6[%get3A_497, %get3A_498, %get3A_499] {strides = array<i32>} : memref<4x80x128xf32, #tpu.memory_space<vmem>>, vector<1x1x16xf32>,
        %get3A_501 = vector.shape_cast %get3A_500 : vector<1x1x16xf32> to vector<16xf32>
        %add3A_502 = arith.addf %add3A_493, %get3A_501 : vector<16xf32>
        %add3A_503 = arith.constant 4 : i32
        %add3A_504 = arith.addi %mul3A_186, %add3A_503 : i32
        %get3A_505 = arith.constant 1 : i32
        %get3A_506 = arith.index_cast %get3A_505 : i32 to index
        %get3A_507 = arith.index_cast %add3A_504 : i32 to index
        %get3A_508 = arith.constant 48 : index
        %get3A_509 = tpu.vector_load %arg6[%get3A_506, %get3A_507, %get3A_508] {strides = array<i32>} : memref<4x80x128xf32, #tpu.memory_space<vmem>>, vector<1x1x16xf32>,
        %get3A_510 = vector.shape_cast %get3A_509 : vector<1x1x16xf32> to vector<16xf32>
        %add3A_511 = arith.addf %add3A_502, %get3A_510 : vector<16xf32>
        %add3A_512 = arith.constant 5 : i32
        %add3A_513 = arith.addi %mul3A_186, %add3A_512 : i32
        %get3A_514 = arith.constant 1 : i32
        %get3A_515 = arith.index_cast %get3A_514 : i32 to index
        %get3A_516 = arith.index_cast %add3A_513 : i32 to index
        %get3A_517 = arith.constant 48 : index
        %get3A_518 = tpu.vector_load %arg6[%get3A_515, %get3A_516, %get3A_517] {strides = array<i32>} : memref<4x80x128xf32, #tpu.memory_space<vmem>>, vector<1x1x16xf32>,
        %get3A_519 = vector.shape_cast %get3A_518 : vector<1x1x16xf32> to vector<16xf32>
        %add3A_520 = arith.addf %add3A_511, %get3A_519 : vector<16xf32>
        %add3A_521 = arith.constant 6 : i32
        %add3A_522 = arith.addi %mul3A_186, %add3A_521 : i32
        %get3A_523 = arith.constant 1 : i32
        %get3A_524 = arith.index_cast %get3A_523 : i32 to index
        %get3A_525 = arith.index_cast %add3A_522 : i32 to index
        %get3A_526 = arith.constant 48 : index
        %get3A_527 = tpu.vector_load %arg6[%get3A_524, %get3A_525, %get3A_526] {strides = array<i32>} : memref<4x80x128xf32, #tpu.memory_space<vmem>>, vector<1x1x16xf32>,
        %get3A_528 = vector.shape_cast %get3A_527 : vector<1x1x16xf32> to vector<16xf32>
        %add3A_529 = arith.addf %add3A_520, %get3A_528 : vector<16xf32>
        %add3A_530 = arith.constant 7 : i32
        %add3A_531 = arith.addi %mul3A_186, %add3A_530 : i32
        %get3A_532 = arith.constant 1 : i32
        %get3A_533 = arith.index_cast %get3A_532 : i32 to index
        %get3A_534 = arith.index_cast %add3A_531 : i32 to index
        %get3A_535 = arith.constant 48 : index
        %get3A_536 = tpu.vector_load %arg6[%get3A_533, %get3A_534, %get3A_535] {strides = array<i32>} : memref<4x80x128xf32, #tpu.memory_space<vmem>>, vector<1x1x16xf32>,
        %get3A_537 = vector.shape_cast %get3A_536 : vector<1x1x16xf32> to vector<16xf32>
        %add3A_538 = arith.addf %add3A_529, %get3A_537 : vector<16xf32>
        %add3A_539 = arith.constant 8 : i32
        %add3A_540 = arith.addi %mul3A_186, %add3A_539 : i32
        %get3A_541 = arith.constant 1 : i32
        %get3A_542 = arith.index_cast %get3A_541 : i32 to index
        %get3A_543 = arith.index_cast %add3A_540 : i32 to index
        %get3A_544 = arith.constant 48 : index
        %get3A_545 = tpu.vector_load %arg6[%get3A_542, %get3A_543, %get3A_544] {strides = array<i32>} : memref<4x80x128xf32, #tpu.memory_space<vmem>>, vector<1x1x16xf32>,
        %get3A_546 = vector.shape_cast %get3A_545 : vector<1x1x16xf32> to vector<16xf32>
        %add3A_547 = arith.addf %add3A_538, %get3A_546 : vector<16xf32>
        %add3A_548 = arith.constant 9 : i32
        %add3A_549 = arith.addi %mul3A_186, %add3A_548 : i32
        %get3A_550 = arith.constant 1 : i32
        %get3A_551 = arith.index_cast %get3A_550 : i32 to index
        %get3A_552 = arith.index_cast %add3A_549 : i32 to index
        %get3A_553 = arith.constant 48 : index
        %get3A_554 = tpu.vector_load %arg6[%get3A_551, %get3A_552, %get3A_553] {strides = array<i32>} : memref<4x80x128xf32, #tpu.memory_space<vmem>>, vector<1x1x16xf32>,
        %get3A_555 = vector.shape_cast %get3A_554 : vector<1x1x16xf32> to vector<16xf32>
        %add3A_556 = arith.addf %add3A_547, %get3A_555 : vector<16xf32>
        %mul3A_557 = arith.constant 1.000000e-01 : f32
        %mul3A_558 = vector.broadcast %mul3A_557 : f32 to vector<16xf32>
        %mul3A_559 = arith.mulf %add3A_556, %mul3A_558 : vector<16xf32>
        %swap3A_560 = arith.index_cast %scan3A_184 : i32 to index
        %swap3A_561 = arith.constant 48 : index
        %swap3A_562 = tpu.vector_load %arg7[%swap3A_560, %swap3A_561] {strides = array<i32>} : memref<8x128xf32, #tpu.memory_space<vmem>>, vector<1x16xf32>,
        %swap3A_563 = vector.shape_cast %swap3A_562 : vector<1x16xf32> to vector<16xf32>
        %swap3A_564 = vector.shape_cast %mul3A_559 : vector<16xf32> to vector<1x16xf32>
        tpu.vector_store %arg7[%swap3A_560, %swap3A_561], %swap3A_564 {strides = array<i32>} : memref<8x128xf32, #tpu.memory_space<vmem>>, vector<1x16xf32>,
        %get3A_565 = arith.constant 1 : i32
        %get3A_566 = arith.index_cast %get3A_565 : i32 to index
        %get3A_567 = arith.index_cast %mul3A_186 : i32 to index
        %get3A_568 = arith.constant 64 : index
        %get3A_569 = tpu.vector_load %arg6[%get3A_566, %get3A_567, %get3A_568] {strides = array<i32>} : memref<4x80x128xf32, #tpu.memory_space<vmem>>, vector<1x1x16xf32>,
        %get3A_570 = vector.shape_cast %get3A_569 : vector<1x1x16xf32> to vector<16xf32>
        %add3A_571 = arith.constant 1 : i32
        %add3A_572 = arith.addi %mul3A_186, %add3A_571 : i32
        %get3A_573 = arith.constant 1 : i32
        %get3A_574 = arith.index_cast %get3A_573 : i32 to index
        %get3A_575 = arith.index_cast %add3A_572 : i32 to index
        %get3A_576 = arith.constant 64 : index
        %get3A_577 = tpu.vector_load %arg6[%get3A_574, %get3A_575, %get3A_576] {strides = array<i32>} : memref<4x80x128xf32, #tpu.memory_space<vmem>>, vector<1x1x16xf32>,
        %get3A_578 = vector.shape_cast %get3A_577 : vector<1x1x16xf32> to vector<16xf32>
        %add3A_579 = arith.addf %get3A_570, %get3A_578 : vector<16xf32>
        %add3A_580 = arith.constant 2 : i32
        %add3A_581 = arith.addi %mul3A_186, %add3A_580 : i32
        %get3A_582 = arith.constant 1 : i32
        %get3A_583 = arith.index_cast %get3A_582 : i32 to index
        %get3A_584 = arith.index_cast %add3A_581 : i32 to index
        %get3A_585 = arith.constant 64 : index
        %get3A_586 = tpu.vector_load %arg6[%get3A_583, %get3A_584, %get3A_585] {strides = array<i32>} : memref<4x80x128xf32, #tpu.memory_space<vmem>>, vector<1x1x16xf32>,
        %get3A_587 = vector.shape_cast %get3A_586 : vector<1x1x16xf32> to vector<16xf32>
        %add3A_588 = arith.addf %add3A_579, %get3A_587 : vector<16xf32>
        %add3A_589 = arith.constant 3 : i32
        %add3A_590 = arith.addi %mul3A_186, %add3A_589 : i32
        %get3A_591 = arith.constant 1 : i32
        %get3A_592 = arith.index_cast %get3A_591 : i32 to index
        %get3A_593 = arith.index_cast %add3A_590 : i32 to index
        %get3A_594 = arith.constant 64 : index
        %get3A_595 = tpu.vector_load %arg6[%get3A_592, %get3A_593, %get3A_594] {strides = array<i32>} : memref<4x80x128xf32, #tpu.memory_space<vmem>>, vector<1x1x16xf32>,
        %get3A_596 = vector.shape_cast %get3A_595 : vector<1x1x16xf32> to vector<16xf32>
        %add3A_597 = arith.addf %add3A_588, %get3A_596 : vector<16xf32>
        %add3A_598 = arith.constant 4 : i32
        %add3A_599 = arith.addi %mul3A_186, %add3A_598 : i32
        %get3A_600 = arith.constant 1 : i32
        %get3A_601 = arith.index_cast %get3A_600 : i32 to index
        %get3A_602 = arith.index_cast %add3A_599 : i32 to index
        %get3A_603 = arith.constant 64 : index
        %get3A_604 = tpu.vector_load %arg6[%get3A_601, %get3A_602, %get3A_603] {strides = array<i32>} : memref<4x80x128xf32, #tpu.memory_space<vmem>>, vector<1x1x16xf32>,
        %get3A_605 = vector.shape_cast %get3A_604 : vector<1x1x16xf32> to vector<16xf32>
        %add3A_606 = arith.addf %add3A_597, %get3A_605 : vector<16xf32>
        %add3A_607 = arith.constant 5 : i32
        %add3A_608 = arith.addi %mul3A_186, %add3A_607 : i32
        %get3A_609 = arith.constant 1 : i32
        %get3A_610 = arith.index_cast %get3A_609 : i32 to index
        %get3A_611 = arith.index_cast %add3A_608 : i32 to index
        %get3A_612 = arith.constant 64 : index
        %get3A_613 = tpu.vector_load %arg6[%get3A_610, %get3A_611, %get3A_612] {strides = array<i32>} : memref<4x80x128xf32, #tpu.memory_space<vmem>>, vector<1x1x16xf32>,
        %get3A_614 = vector.shape_cast %get3A_613 : vector<1x1x16xf32> to vector<16xf32>
        %add3A_615 = arith.addf %add3A_606, %get3A_614 : vector<16xf32>
        %add3A_616 = arith.constant 6 : i32
        %add3A_617 = arith.addi %mul3A_186, %add3A_616 : i32
        %get3A_618 = arith.constant 1 : i32
        %get3A_619 = arith.index_cast %get3A_618 : i32 to index
        %get3A_620 = arith.index_cast %add3A_617 : i32 to index
        %get3A_621 = arith.constant 64 : index
        %get3A_622 = tpu.vector_load %arg6[%get3A_619, %get3A_620, %get3A_621] {strides = array<i32>} : memref<4x80x128xf32, #tpu.memory_space<vmem>>, vector<1x1x16xf32>,
        %get3A_623 = vector.shape_cast %get3A_622 : vector<1x1x16xf32> to vector<16xf32>
        %add3A_624 = arith.addf %add3A_615, %get3A_623 : vector<16xf32>
        %add3A_625 = arith.constant 7 : i32
        %add3A_626 = arith.addi %mul3A_186, %add3A_625 : i32
        %get3A_627 = arith.constant 1 : i32
        %get3A_628 = arith.index_cast %get3A_627 : i32 to index
        %get3A_629 = arith.index_cast %add3A_626 : i32 to index
        %get3A_630 = arith.constant 64 : index
        %get3A_631 = tpu.vector_load %arg6[%get3A_628, %get3A_629, %get3A_630] {strides = array<i32>} : memref<4x80x128xf32, #tpu.memory_space<vmem>>, vector<1x1x16xf32>,
        %get3A_632 = vector.shape_cast %get3A_631 : vector<1x1x16xf32> to vector<16xf32>
        %add3A_633 = arith.addf %add3A_624, %get3A_632 : vector<16xf32>
        %add3A_634 = arith.constant 8 : i32
        %add3A_635 = arith.addi %mul3A_186, %add3A_634 : i32
        %get3A_636 = arith.constant 1 : i32
        %get3A_637 = arith.index_cast %get3A_636 : i32 to index
        %get3A_638 = arith.index_cast %add3A_635 : i32 to index
        %get3A_639 = arith.constant 64 : index
        %get3A_640 = tpu.vector_load %arg6[%get3A_637, %get3A_638, %get3A_639] {strides = array<i32>} : memref<4x80x128xf32, #tpu.memory_space<vmem>>, vector<1x1x16xf32>,
        %get3A_641 = vector.shape_cast %get3A_640 : vector<1x1x16xf32> to vector<16xf32>
        %add3A_642 = arith.addf %add3A_633, %get3A_641 : vector<16xf32>
        %add3A_643 = arith.constant 9 : i32
        %add3A_644 = arith.addi %mul3A_186, %add3A_643 : i32
        %get3A_645 = arith.constant 1 : i32
        %get3A_646 = arith.index_cast %get3A_645 : i32 to index
        %get3A_647 = arith.index_cast %add3A_644 : i32 to index
        %get3A_648 = arith.constant 64 : index
        %get3A_649 = tpu.vector_load %arg6[%get3A_646, %get3A_647, %get3A_648] {strides = array<i32>} : memref<4x80x128xf32, #tpu.memory_space<vmem>>, vector<1x1x16xf32>,
        %get3A_650 = vector.shape_cast %get3A_649 : vector<1x1x16xf32> to vector<16xf32>
        %add3A_651 = arith.addf %add3A_642, %get3A_650 : vector<16xf32>
        %mul3A_652 = arith.constant 1.000000e-01 : f32
        %mul3A_653 = vector.broadcast %mul3A_652 : f32 to vector<16xf32>
        %mul3A_654 = arith.mulf %add3A_651, %mul3A_653 : vector<16xf32>
        %swap3A_655 = arith.index_cast %scan3A_184 : i32 to index
        %swap3A_656 = arith.constant 64 : index
        %swap3A_657 = tpu.vector_load %arg7[%swap3A_655, %swap3A_656] {strides = array<i32>} : memref<8x128xf32, #tpu.memory_space<vmem>>, vector<1x16xf32>,
        %swap3A_658 = vector.shape_cast %swap3A_657 : vector<1x16xf32> to vector<16xf32>
        %swap3A_659 = vector.shape_cast %mul3A_654 : vector<16xf32> to vector<1x16xf32>
        tpu.vector_store %arg7[%swap3A_655, %swap3A_656], %swap3A_659 {strides = array<i32>} : memref<8x128xf32, #tpu.memory_space<vmem>>, vector<1x16xf32>,
        %get3A_660 = arith.constant 1 : i32
        %get3A_661 = arith.index_cast %get3A_660 : i32 to index
        %get3A_662 = arith.index_cast %mul3A_186 : i32 to index
        %get3A_663 = arith.constant 80 : index
        %get3A_664 = tpu.vector_load %arg6[%get3A_661, %get3A_662, %get3A_663] {strides = array<i32>} : memref<4x80x128xf32, #tpu.memory_space<vmem>>, vector<1x1x16xf32>,
        %get3A_665 = vector.shape_cast %get3A_664 : vector<1x1x16xf32> to vector<16xf32>
        %add3A_666 = arith.constant 1 : i32
        %add3A_667 = arith.addi %mul3A_186, %add3A_666 : i32
        %get3A_668 = arith.constant 1 : i32
        %get3A_669 = arith.index_cast %get3A_668 : i32 to index
        %get3A_670 = arith.index_cast %add3A_667 : i32 to index
        %get3A_671 = arith.constant 80 : index
        %get3A_672 = tpu.vector_load %arg6[%get3A_669, %get3A_670, %get3A_671] {strides = array<i32>} : memref<4x80x128xf32, #tpu.memory_space<vmem>>, vector<1x1x16xf32>,
        %get3A_673 = vector.shape_cast %get3A_672 : vector<1x1x16xf32> to vector<16xf32>
        %add3A_674 = arith.addf %get3A_665, %get3A_673 : vector<16xf32>
        %add3A_675 = arith.constant 2 : i32
        %add3A_676 = arith.addi %mul3A_186, %add3A_675 : i32
        %get3A_677 = arith.constant 1 : i32
        %get3A_678 = arith.index_cast %get3A_677 : i32 to index
        %get3A_679 = arith.index_cast %add3A_676 : i32 to index
        %get3A_680 = arith.constant 80 : index
        %get3A_681 = tpu.vector_load %arg6[%get3A_678, %get3A_679, %get3A_680] {strides = array<i32>} : memref<4x80x128xf32, #tpu.memory_space<vmem>>, vector<1x1x16xf32>,
        %get3A_682 = vector.shape_cast %get3A_681 : vector<1x1x16xf32> to vector<16xf32>
        %add3A_683 = arith.addf %add3A_674, %get3A_682 : vector<16xf32>
        %add3A_684 = arith.constant 3 : i32
        %add3A_685 = arith.addi %mul3A_186, %add3A_684 : i32
        %get3A_686 = arith.constant 1 : i32
        %get3A_687 = arith.index_cast %get3A_686 : i32 to index
        %get3A_688 = arith.index_cast %add3A_685 : i32 to index
        %get3A_689 = arith.constant 80 : index
        %get3A_690 = tpu.vector_load %arg6[%get3A_687, %get3A_688, %get3A_689] {strides = array<i32>} : memref<4x80x128xf32, #tpu.memory_space<vmem>>, vector<1x1x16xf32>,
        %get3A_691 = vector.shape_cast %get3A_690 : vector<1x1x16xf32> to vector<16xf32>
        %add3A_692 = arith.addf %add3A_683, %get3A_691 : vector<16xf32>
        %add3A_693 = arith.constant 4 : i32
        %add3A_694 = arith.addi %mul3A_186, %add3A_693 : i32
        %get3A_695 = arith.constant 1 : i32
        %get3A_696 = arith.index_cast %get3A_695 : i32 to index
        %get3A_697 = arith.index_cast %add3A_694 : i32 to index
        %get3A_698 = arith.constant 80 : index
        %get3A_699 = tpu.vector_load %arg6[%get3A_696, %get3A_697, %get3A_698] {strides = array<i32>} : memref<4x80x128xf32, #tpu.memory_space<vmem>>, vector<1x1x16xf32>,
        %get3A_700 = vector.shape_cast %get3A_699 : vector<1x1x16xf32> to vector<16xf32>
        %add3A_701 = arith.addf %add3A_692, %get3A_700 : vector<16xf32>
        %add3A_702 = arith.constant 5 : i32
        %add3A_703 = arith.addi %mul3A_186, %add3A_702 : i32
        %get3A_704 = arith.constant 1 : i32
        %get3A_705 = arith.index_cast %get3A_704 : i32 to index
        %get3A_706 = arith.index_cast %add3A_703 : i32 to index
        %get3A_707 = arith.constant 80 : index
        %get3A_708 = tpu.vector_load %arg6[%get3A_705, %get3A_706, %get3A_707] {strides = array<i32>} : memref<4x80x128xf32, #tpu.memory_space<vmem>>, vector<1x1x16xf32>,
        %get3A_709 = vector.shape_cast %get3A_708 : vector<1x1x16xf32> to vector<16xf32>
        %add3A_710 = arith.addf %add3A_701, %get3A_709 : vector<16xf32>
        %add3A_711 = arith.constant 6 : i32
        %add3A_712 = arith.addi %mul3A_186, %add3A_711 : i32
        %get3A_713 = arith.constant 1 : i32
        %get3A_714 = arith.index_cast %get3A_713 : i32 to index
        %get3A_715 = arith.index_cast %add3A_712 : i32 to index
        %get3A_716 = arith.constant 80 : index
        %get3A_717 = tpu.vector_load %arg6[%get3A_714, %get3A_715, %get3A_716] {strides = array<i32>} : memref<4x80x128xf32, #tpu.memory_space<vmem>>, vector<1x1x16xf32>,
        %get3A_718 = vector.shape_cast %get3A_717 : vector<1x1x16xf32> to vector<16xf32>
        %add3A_719 = arith.addf %add3A_710, %get3A_718 : vector<16xf32>
        %add3A_720 = arith.constant 7 : i32
        %add3A_721 = arith.addi %mul3A_186, %add3A_720 : i32
        %get3A_722 = arith.constant 1 : i32
        %get3A_723 = arith.index_cast %get3A_722 : i32 to index
        %get3A_724 = arith.index_cast %add3A_721 : i32 to index
        %get3A_725 = arith.constant 80 : index
        %get3A_726 = tpu.vector_load %arg6[%get3A_723, %get3A_724, %get3A_725] {strides = array<i32>} : memref<4x80x128xf32, #tpu.memory_space<vmem>>, vector<1x1x16xf32>,
        %get3A_727 = vector.shape_cast %get3A_726 : vector<1x1x16xf32> to vector<16xf32>
        %add3A_728 = arith.addf %add3A_719, %get3A_727 : vector<16xf32>
        %add3A_729 = arith.constant 8 : i32
        %add3A_730 = arith.addi %mul3A_186, %add3A_729 : i32
        %get3A_731 = arith.constant 1 : i32
        %get3A_732 = arith.index_cast %get3A_731 : i32 to index
        %get3A_733 = arith.index_cast %add3A_730 : i32 to index
        %get3A_734 = arith.constant 80 : index
        %get3A_735 = tpu.vector_load %arg6[%get3A_732, %get3A_733, %get3A_734] {strides = array<i32>} : memref<4x80x128xf32, #tpu.memory_space<vmem>>, vector<1x1x16xf32>,
        %get3A_736 = vector.shape_cast %get3A_735 : vector<1x1x16xf32> to vector<16xf32>
        %add3A_737 = arith.addf %add3A_728, %get3A_736 : vector<16xf32>
        %add3A_738 = arith.constant 9 : i32
        %add3A_739 = arith.addi %mul3A_186, %add3A_738 : i32
        %get3A_740 = arith.constant 1 : i32
        %get3A_741 = arith.index_cast %get3A_740 : i32 to index
        %get3A_742 = arith.index_cast %add3A_739 : i32 to index
        %get3A_743 = arith.constant 80 : index
        %get3A_744 = tpu.vector_load %arg6[%get3A_741, %get3A_742, %get3A_743] {strides = array<i32>} : memref<4x80x128xf32, #tpu.memory_space<vmem>>, vector<1x1x16xf32>,
        %get3A_745 = vector.shape_cast %get3A_744 : vector<1x1x16xf32> to vector<16xf32>
        %add3A_746 = arith.addf %add3A_737, %get3A_745 : vector<16xf32>
        %mul3A_747 = arith.constant 1.000000e-01 : f32
        %mul3A_748 = vector.broadcast %mul3A_747 : f32 to vector<16xf32>
        %mul3A_749 = arith.mulf %add3A_746, %mul3A_748 : vector<16xf32>
        %swap3A_750 = arith.index_cast %scan3A_184 : i32 to index
        %swap3A_751 = arith.constant 80 : index
        %swap3A_752 = tpu.vector_load %arg7[%swap3A_750, %swap3A_751] {strides = array<i32>} : memref<8x128xf32, #tpu.memory_space<vmem>>, vector<1x16xf32>,
        %swap3A_753 = vector.shape_cast %swap3A_752 : vector<1x16xf32> to vector<16xf32>
        %swap3A_754 = vector.shape_cast %mul3A_749 : vector<16xf32> to vector<1x16xf32>
        tpu.vector_store %arg7[%swap3A_750, %swap3A_751], %swap3A_754 {strides = array<i32>} : memref<8x128xf32, #tpu.memory_space<vmem>>, vector<1x16xf32>,
        %get3A_755 = arith.constant 1 : i32
        %get3A_756 = arith.index_cast %get3A_755 : i32 to index
        %get3A_757 = arith.index_cast %mul3A_186 : i32 to index
        %get3A_758 = arith.constant 96 : index
        %get3A_759 = tpu.vector_load %arg6[%get3A_756, %get3A_757, %get3A_758] {strides = array<i32>} : memref<4x80x128xf32, #tpu.memory_space<vmem>>, vector<1x1x16xf32>,
        %get3A_760 = vector.shape_cast %get3A_759 : vector<1x1x16xf32> to vector<16xf32>
        %add3A_761 = arith.constant 1 : i32
        %add3A_762 = arith.addi %mul3A_186, %add3A_761 : i32
        %get3A_763 = arith.constant 1 : i32
        %get3A_764 = arith.index_cast %get3A_763 : i32 to index
        %get3A_765 = arith.index_cast %add3A_762 : i32 to index
        %get3A_766 = arith.constant 96 : index
        %get3A_767 = tpu.vector_load %arg6[%get3A_764, %get3A_765, %get3A_766] {strides = array<i32>} : memref<4x80x128xf32, #tpu.memory_space<vmem>>, vector<1x1x16xf32>,
        %get3A_768 = vector.shape_cast %get3A_767 : vector<1x1x16xf32> to vector<16xf32>
        %add3A_769 = arith.addf %get3A_760, %get3A_768 : vector<16xf32>
        %add3A_770 = arith.constant 2 : i32
        %add3A_771 = arith.addi %mul3A_186, %add3A_770 : i32
        %get3A_772 = arith.constant 1 : i32
        %get3A_773 = arith.index_cast %get3A_772 : i32 to index
        %get3A_774 = arith.index_cast %add3A_771 : i32 to index
        %get3A_775 = arith.constant 96 : index
        %get3A_776 = tpu.vector_load %arg6[%get3A_773, %get3A_774, %get3A_775] {strides = array<i32>} : memref<4x80x128xf32, #tpu.memory_space<vmem>>, vector<1x1x16xf32>,
        %get3A_777 = vector.shape_cast %get3A_776 : vector<1x1x16xf32> to vector<16xf32>
        %add3A_778 = arith.addf %add3A_769, %get3A_777 : vector<16xf32>
        %add3A_779 = arith.constant 3 : i32
        %add3A_780 = arith.addi %mul3A_186, %add3A_779 : i32
        %get3A_781 = arith.constant 1 : i32
        %get3A_782 = arith.index_cast %get3A_781 : i32 to index
        %get3A_783 = arith.index_cast %add3A_780 : i32 to index
        %get3A_784 = arith.constant 96 : index
        %get3A_785 = tpu.vector_load %arg6[%get3A_782, %get3A_783, %get3A_784] {strides = array<i32>} : memref<4x80x128xf32, #tpu.memory_space<vmem>>, vector<1x1x16xf32>,
        %get3A_786 = vector.shape_cast %get3A_785 : vector<1x1x16xf32> to vector<16xf32>
        %add3A_787 = arith.addf %add3A_778, %get3A_786 : vector<16xf32>
        %add3A_788 = arith.constant 4 : i32
        %add3A_789 = arith.addi %mul3A_186, %add3A_788 : i32
        %get3A_790 = arith.constant 1 : i32
        %get3A_791 = arith.index_cast %get3A_790 : i32 to index
        %get3A_792 = arith.index_cast %add3A_789 : i32 to index
        %get3A_793 = arith.constant 96 : index
        %get3A_794 = tpu.vector_load %arg6[%get3A_791, %get3A_792, %get3A_793] {strides = array<i32>} : memref<4x80x128xf32, #tpu.memory_space<vmem>>, vector<1x1x16xf32>,
        %get3A_795 = vector.shape_cast %get3A_794 : vector<1x1x16xf32> to vector<16xf32>
        %add3A_796 = arith.addf %add3A_787, %get3A_795 : vector<16xf32>
        %add3A_797 = arith.constant 5 : i32
        %add3A_798 = arith.addi %mul3A_186, %add3A_797 : i32
        %get3A_799 = arith.constant 1 : i32
        %get3A_800 = arith.index_cast %get3A_799 : i32 to index
        %get3A_801 = arith.index_cast %add3A_798 : i32 to index
        %get3A_802 = arith.constant 96 : index
        %get3A_803 = tpu.vector_load %arg6[%get3A_800, %get3A_801, %get3A_802] {strides = array<i32>} : memref<4x80x128xf32, #tpu.memory_space<vmem>>, vector<1x1x16xf32>,
        %get3A_804 = vector.shape_cast %get3A_803 : vector<1x1x16xf32> to vector<16xf32>
        %add3A_805 = arith.addf %add3A_796, %get3A_804 : vector<16xf32>
        %add3A_806 = arith.constant 6 : i32
        %add3A_807 = arith.addi %mul3A_186, %add3A_806 : i32
        %get3A_808 = arith.constant 1 : i32
        %get3A_809 = arith.index_cast %get3A_808 : i32 to index
        %get3A_810 = arith.index_cast %add3A_807 : i32 to index
        %get3A_811 = arith.constant 96 : index
        %get3A_812 = tpu.vector_load %arg6[%get3A_809, %get3A_810, %get3A_811] {strides = array<i32>} : memref<4x80x128xf32, #tpu.memory_space<vmem>>, vector<1x1x16xf32>,
        %get3A_813 = vector.shape_cast %get3A_812 : vector<1x1x16xf32> to vector<16xf32>
        %add3A_814 = arith.addf %add3A_805, %get3A_813 : vector<16xf32>
        %add3A_815 = arith.constant 7 : i32
        %add3A_816 = arith.addi %mul3A_186, %add3A_815 : i32
        %get3A_817 = arith.constant 1 : i32
        %get3A_818 = arith.index_cast %get3A_817 : i32 to index
        %get3A_819 = arith.index_cast %add3A_816 : i32 to index
        %get3A_820 = arith.constant 96 : index
        %get3A_821 = tpu.vector_load %arg6[%get3A_818, %get3A_819, %get3A_820] {strides = array<i32>} : memref<4x80x128xf32, #tpu.memory_space<vmem>>, vector<1x1x16xf32>,
        %get3A_822 = vector.shape_cast %get3A_821 : vector<1x1x16xf32> to vector<16xf32>
        %add3A_823 = arith.addf %add3A_814, %get3A_822 : vector<16xf32>
        %add3A_824 = arith.constant 8 : i32
        %add3A_825 = arith.addi %mul3A_186, %add3A_824 : i32
        %get3A_826 = arith.constant 1 : i32
        %get3A_827 = arith.index_cast %get3A_826 : i32 to index
        %get3A_828 = arith.index_cast %add3A_825 : i32 to index
        %get3A_829 = arith.constant 96 : index
        %get3A_830 = tpu.vector_load %arg6[%get3A_827, %get3A_828, %get3A_829] {strides = array<i32>} : memref<4x80x128xf32, #tpu.memory_space<vmem>>, vector<1x1x16xf32>,
        %get3A_831 = vector.shape_cast %get3A_830 : vector<1x1x16xf32> to vector<16xf32>
        %add3A_832 = arith.addf %add3A_823, %get3A_831 : vector<16xf32>
        %add3A_833 = arith.constant 9 : i32
        %add3A_834 = arith.addi %mul3A_186, %add3A_833 : i32
        %get3A_835 = arith.constant 1 : i32
        %get3A_836 = arith.index_cast %get3A_835 : i32 to index
        %get3A_837 = arith.index_cast %add3A_834 : i32 to index
        %get3A_838 = arith.constant 96 : index
        %get3A_839 = tpu.vector_load %arg6[%get3A_836, %get3A_837, %get3A_838] {strides = array<i32>} : memref<4x80x128xf32, #tpu.memory_space<vmem>>, vector<1x1x16xf32>,
        %get3A_840 = vector.shape_cast %get3A_839 : vector<1x1x16xf32> to vector<16xf32>
        %add3A_841 = arith.addf %add3A_832, %get3A_840 : vector<16xf32>
        %mul3A_842 = arith.constant 1.000000e-01 : f32
        %mul3A_843 = vector.broadcast %mul3A_842 : f32 to vector<16xf32>
        %mul3A_844 = arith.mulf %add3A_841, %mul3A_843 : vector<16xf32>
        %swap3A_845 = arith.index_cast %scan3A_184 : i32 to index
        %swap3A_846 = arith.constant 96 : index
        %swap3A_847 = tpu.vector_load %arg7[%swap3A_845, %swap3A_846] {strides = array<i32>} : memref<8x128xf32, #tpu.memory_space<vmem>>, vector<1x16xf32>,
        %swap3A_848 = vector.shape_cast %swap3A_847 : vector<1x16xf32> to vector<16xf32>
        %swap3A_849 = vector.shape_cast %mul3A_844 : vector<16xf32> to vector<1x16xf32>
        tpu.vector_store %arg7[%swap3A_845, %swap3A_846], %swap3A_849 {strides = array<i32>} : memref<8x128xf32, #tpu.memory_space<vmem>>, vector<1x16xf32>,
        %get3A_850 = arith.constant 1 : i32
        %get3A_851 = arith.index_cast %get3A_850 : i32 to index
        %get3A_852 = arith.index_cast %mul3A_186 : i32 to index
        %get3A_853 = arith.constant 112 : index
        %get3A_854 = tpu.vector_load %arg6[%get3A_851, %get3A_852, %get3A_853] {strides = array<i32>} : memref<4x80x128xf32, #tpu.memory_space<vmem>>, vector<1x1x16xf32>,
        %get3A_855 = vector.shape_cast %get3A_854 : vector<1x1x16xf32> to vector<16xf32>
        %add3A_856 = arith.constant 1 : i32
        %add3A_857 = arith.addi %mul3A_186, %add3A_856 : i32
        %get3A_858 = arith.constant 1 : i32
        %get3A_859 = arith.index_cast %get3A_858 : i32 to index
        %get3A_860 = arith.index_cast %add3A_857 : i32 to index
        %get3A_861 = arith.constant 112 : index
        %get3A_862 = tpu.vector_load %arg6[%get3A_859, %get3A_860, %get3A_861] {strides = array<i32>} : memref<4x80x128xf32, #tpu.memory_space<vmem>>, vector<1x1x16xf32>,
        %get3A_863 = vector.shape_cast %get3A_862 : vector<1x1x16xf32> to vector<16xf32>
        %add3A_864 = arith.addf %get3A_855, %get3A_863 : vector<16xf32>
        %add3A_865 = arith.constant 2 : i32
        %add3A_866 = arith.addi %mul3A_186, %add3A_865 : i32
        %get3A_867 = arith.constant 1 : i32
        %get3A_868 = arith.index_cast %get3A_867 : i32 to index
        %get3A_869 = arith.index_cast %add3A_866 : i32 to index
        %get3A_870 = arith.constant 112 : index
        %get3A_871 = tpu.vector_load %arg6[%get3A_868, %get3A_869, %get3A_870] {strides = array<i32>} : memref<4x80x128xf32, #tpu.memory_space<vmem>>, vector<1x1x16xf32>,
        %get3A_872 = vector.shape_cast %get3A_871 : vector<1x1x16xf32> to vector<16xf32>
        %add3A_873 = arith.addf %add3A_864, %get3A_872 : vector<16xf32>
        %add3A_874 = arith.constant 3 : i32
        %add3A_875 = arith.addi %mul3A_186, %add3A_874 : i32
        %get3A_876 = arith.constant 1 : i32
        %get3A_877 = arith.index_cast %get3A_876 : i32 to index
        %get3A_878 = arith.index_cast %add3A_875 : i32 to index
        %get3A_879 = arith.constant 112 : index
        %get3A_880 = tpu.vector_load %arg6[%get3A_877, %get3A_878, %get3A_879] {strides = array<i32>} : memref<4x80x128xf32, #tpu.memory_space<vmem>>, vector<1x1x16xf32>,
        %get3A_881 = vector.shape_cast %get3A_880 : vector<1x1x16xf32> to vector<16xf32>
        %add3A_882 = arith.addf %add3A_873, %get3A_881 : vector<16xf32>
        %add3A_883 = arith.constant 4 : i32
        %add3A_884 = arith.addi %mul3A_186, %add3A_883 : i32
        %get3A_885 = arith.constant 1 : i32
        %get3A_886 = arith.index_cast %get3A_885 : i32 to index
        %get3A_887 = arith.index_cast %add3A_884 : i32 to index
        %get3A_888 = arith.constant 112 : index
        %get3A_889 = tpu.vector_load %arg6[%get3A_886, %get3A_887, %get3A_888] {strides = array<i32>} : memref<4x80x128xf32, #tpu.memory_space<vmem>>, vector<1x1x16xf32>,
        %get3A_890 = vector.shape_cast %get3A_889 : vector<1x1x16xf32> to vector<16xf32>
        %add3A_891 = arith.addf %add3A_882, %get3A_890 : vector<16xf32>
        %add3A_892 = arith.constant 5 : i32
        %add3A_893 = arith.addi %mul3A_186, %add3A_892 : i32
        %get3A_894 = arith.constant 1 : i32
        %get3A_895 = arith.index_cast %get3A_894 : i32 to index
        %get3A_896 = arith.index_cast %add3A_893 : i32 to index
        %get3A_897 = arith.constant 112 : index
        %get3A_898 = tpu.vector_load %arg6[%get3A_895, %get3A_896, %get3A_897] {strides = array<i32>} : memref<4x80x128xf32, #tpu.memory_space<vmem>>, vector<1x1x16xf32>,
        %get3A_899 = vector.shape_cast %get3A_898 : vector<1x1x16xf32> to vector<16xf32>
        %add3A_900 = arith.addf %add3A_891, %get3A_899 : vector<16xf32>
        %add3A_901 = arith.constant 6 : i32
        %add3A_902 = arith.addi %mul3A_186, %add3A_901 : i32
        %get3A_903 = arith.constant 1 : i32
        %get3A_904 = arith.index_cast %get3A_903 : i32 to index
        %get3A_905 = arith.index_cast %add3A_902 : i32 to index
        %get3A_906 = arith.constant 112 : index
        %get3A_907 = tpu.vector_load %arg6[%get3A_904, %get3A_905, %get3A_906] {strides = array<i32>} : memref<4x80x128xf32, #tpu.memory_space<vmem>>, vector<1x1x16xf32>,
        %get3A_908 = vector.shape_cast %get3A_907 : vector<1x1x16xf32> to vector<16xf32>
        %add3A_909 = arith.addf %add3A_900, %get3A_908 : vector<16xf32>
        %add3A_910 = arith.constant 7 : i32
        %add3A_911 = arith.addi %mul3A_186, %add3A_910 : i32
        %get3A_912 = arith.constant 1 : i32
        %get3A_913 = arith.index_cast %get3A_912 : i32 to index
        %get3A_914 = arith.index_cast %add3A_911 : i32 to index
        %get3A_915 = arith.constant 112 : index
        %get3A_916 = tpu.vector_load %arg6[%get3A_913, %get3A_914, %get3A_915] {strides = array<i32>} : memref<4x80x128xf32, #tpu.memory_space<vmem>>, vector<1x1x16xf32>,
        %get3A_917 = vector.shape_cast %get3A_916 : vector<1x1x16xf32> to vector<16xf32>
        %add3A_918 = arith.addf %add3A_909, %get3A_917 : vector<16xf32>
        %add3A_919 = arith.constant 8 : i32
        %add3A_920 = arith.addi %mul3A_186, %add3A_919 : i32
        %get3A_921 = arith.constant 1 : i32
        %get3A_922 = arith.index_cast %get3A_921 : i32 to index
        %get3A_923 = arith.index_cast %add3A_920 : i32 to index
        %get3A_924 = arith.constant 112 : index
        %get3A_925 = tpu.vector_load %arg6[%get3A_922, %get3A_923, %get3A_924] {strides = array<i32>} : memref<4x80x128xf32, #tpu.memory_space<vmem>>, vector<1x1x16xf32>,
        %get3A_926 = vector.shape_cast %get3A_925 : vector<1x1x16xf32> to vector<16xf32>
        %add3A_927 = arith.addf %add3A_918, %get3A_926 : vector<16xf32>
        %add3A_928 = arith.constant 9 : i32
        %add3A_929 = arith.addi %mul3A_186, %add3A_928 : i32
        %get3A_930 = arith.constant 1 : i32
        %get3A_931 = arith.index_cast %get3A_930 : i32 to index
        %get3A_932 = arith.index_cast %add3A_929 : i32 to index
        %get3A_933 = arith.constant 112 : index
        %get3A_934 = tpu.vector_load %arg6[%get3A_931, %get3A_932, %get3A_933] {strides = array<i32>} : memref<4x80x128xf32, #tpu.memory_space<vmem>>, vector<1x1x16xf32>,
        %get3A_935 = vector.shape_cast %get3A_934 : vector<1x1x16xf32> to vector<16xf32>
        %add3A_936 = arith.addf %add3A_927, %get3A_935 : vector<16xf32>
        %mul3A_937 = arith.constant 1.000000e-01 : f32
        %mul3A_938 = vector.broadcast %mul3A_937 : f32 to vector<16xf32>
        %mul3A_939 = arith.mulf %add3A_936, %mul3A_938 : vector<16xf32>
        %swap3A_940 = arith.index_cast %scan3A_184 : i32 to index
        %swap3A_941 = arith.constant 112 : index
        %swap3A_942 = tpu.vector_load %arg7[%swap3A_940, %swap3A_941] {strides = array<i32>} : memref<8x128xf32, #tpu.memory_space<vmem>>, vector<1x16xf32>,
        %swap3A_943 = vector.shape_cast %swap3A_942 : vector<1x16xf32> to vector<16xf32>
        %swap3A_944 = vector.shape_cast %mul3A_939 : vector<16xf32> to vector<1x16xf32>
        tpu.vector_store %arg7[%swap3A_940, %swap3A_941], %swap3A_944 {strides = array<i32>} : memref<8x128xf32, #tpu.memory_space<vmem>>, vector<1x16xf32>,
      }
      %scan3A_105 = arith.constant 8 : i32
      %add3A_106 = arith.constant 4 : i32
      %add3A_107 = arith.addi %add3A_88, %add3A_106 : i32
      %lt3A_108 = arith.constant 16 : i32
      %lt3A_109 = arith.cmpi slt, %add3A_107, %lt3A_108 : i32
      %convert_element_type3A_110 = arith.extui %lt3A_109 : i1 to i32
      %cond3A_111 = arith.constant 0 : i32
      %cond3A_112 = arith.cmpi ne, %convert_element_type3A_110, %cond3A_111 : i32
      scf.if %cond3A_112 {
        %add3A_184 = arith.constant 4 : i32
        %add3A_185 = arith.addi %add3A_88, %add3A_184 : i32
        %dma_start3A_186 = arith.constant 1 : i32
        %dma_start3A_187 = arith.constant 0 : i32
        %dma_start3A_188 = arith.constant 0 : i32
        %dma_start3A_189 = tpu.memref_slice %arg6[%dma_start3A_186, %dma_start3A_187, %dma_start3A_188] : memref<4x80x128xf32, #tpu.memory_space<vmem>> -> memref<1x80x128xf32, #tpu.memory_space<vmem>>
        %dma_start3A_190 = tpu.memref_squeeze %dma_start3A_189 : memref<1x80x128xf32, #tpu.memory_space<vmem>> -> memref<80x128xf32, #tpu.memory_space<vmem>>
        %dma_start3A_191 = arith.constant 0 : i32
        %dma_start3A_192 = tpu.memref_slice %arg5[%add3A_185, %dma_start3A_191] : memref<16x80xi32, #tpu.memory_space<vmem>> -> memref<1x80xi32, #tpu.memory_space<vmem>>
        %dma_start3A_193 = tpu.memref_squeeze %dma_start3A_192 : memref<1x80xi32, #tpu.memory_space<vmem>> -> memref<80xi32, #tpu.memory_space<vmem>>
        %dma_start3A_194 = arith.constant 0 : i32
        %dma_start3A_195 = arith.constant 0 : i32
        %dma_start3A_196 = tpu.memref_slice %arg3[%dma_start3A_194, %dma_start3A_195] : memref<100000x128xf32, #tpu.memory_space<hbm>> -> memref<100000x128xf32, #tpu.memory_space<hbm>>
        tpu.enqueue_indirect_dma source(%dma_start3A_196 : memref<100000x128xf32, #tpu.memory_space<hbm>>) target(%dma_start3A_190 : memref<80x128xf32, #tpu.memory_space<vmem>>) offsets(%dma_start3A_193 : memref<80xi32, #tpu.memory_space<vmem>>) semaphore(%arg9 : memref<!tpu.dma_semaphore, #tpu.memory_space<semaphore_mem>>)
      } else {
      }
      %mul3A_113 = arith.constant 128 : i32
      %mul3A_114 = arith.muli %add3A, %mul3A_113 : i32
      %mul3A_115 = arith.constant 8 : i32
      %mul3A_116 = arith.muli %add3A_88, %mul3A_115 : i32
      %add3A_117 = arith.addi %mul3A_114, %mul3A_116 : i32
      "tpu.region"() ({
        %run_scoped3A = tpu.sem_alloc : memref<!tpu.dma_semaphore, #tpu.memory_space<semaphore_mem>>
        %dma_start3A_184 = arith.constant 0 : i32
        %dma_start3A_185 = tpu.memref_slice %arg4[%add3A_117, %dma_start3A_184] : memref<4096x128xf32, #tpu.memory_space<hbm>> -> memref<8x128xf32, #tpu.memory_space<hbm>>
        %dma_start3A_186 = arith.constant 0 : i32
        %dma_start3A_187 = tpu.memref_slice %arg4[%add3A_117, %dma_start3A_186] : memref<4096x128xf32, #tpu.memory_space<hbm>> -> memref<8x128xf32, #tpu.memory_space<hbm>>
        tpu.enqueue_dma source(%arg7 : memref<8x128xf32, #tpu.memory_space<vmem>>) target(%dma_start3A_187 : memref<8x128xf32, #tpu.memory_space<hbm>>) target_semaphore(%run_scoped3A : memref<!tpu.dma_semaphore, #tpu.memory_space<semaphore_mem>>)
        %dma_wait3A_188 = arith.constant 0 : i32
        %dma_wait3A_189 = tpu.memref_slice %arg4[%add3A_117, %dma_wait3A_188] : memref<4096x128xf32, #tpu.memory_space<hbm>> -> memref<8x128xf32, #tpu.memory_space<hbm>>
        %dma_wait3A_190 = arith.constant 0 : i32
        %dma_wait3A_191 = tpu.memref_slice %arg4[%add3A_117, %dma_wait3A_190] : memref<4096x128xf32, #tpu.memory_space<hbm>> -> memref<8x128xf32, #tpu.memory_space<hbm>>
        tpu.wait_dma2 semaphore(%run_scoped3A : memref<!tpu.dma_semaphore, #tpu.memory_space<semaphore_mem>>) src(%arg7 : memref<8x128xf32, #tpu.memory_space<vmem>>) dst(%dma_wait3A_191 : memref<8x128xf32, #tpu.memory_space<hbm>>)
        tpu.yield
      }) : () -> ()
      %mul3A_118 = arith.constant 4 : i32
      %mul3A_119 = arith.muli %scan3A_55, %mul3A_118 : i32
      %add3A_120 = arith.constant 2 : i32
      %add3A_121 = arith.addi %mul3A_119, %add3A_120 : i32
      %dma_wait3A_122 = arith.constant 2 : i32
      %dma_wait3A_123 = arith.constant 0 : i32
      %dma_wait3A_124 = arith.constant 0 : i32
      %dma_wait3A_125 = tpu.memref_slice %arg6[%dma_wait3A_122, %dma_wait3A_123, %dma_wait3A_124] : memref<4x80x128xf32, #tpu.memory_space<vmem>> -> memref<1x80x128xf32, #tpu.memory_space<vmem>>
      %dma_wait3A_126 = tpu.memref_squeeze %dma_wait3A_125 : memref<1x80x128xf32, #tpu.memory_space<vmem>> -> memref<80x128xf32, #tpu.memory_space<vmem>>
      %dma_wait3A_127 = arith.constant 0 : i32
      %dma_wait3A_128 = tpu.memref_slice %arg5[%add3A_121, %dma_wait3A_127] : memref<16x80xi32, #tpu.memory_space<vmem>> -> memref<1x80xi32, #tpu.memory_space<vmem>>
      %dma_wait3A_129 = tpu.memref_squeeze %dma_wait3A_128 : memref<1x80xi32, #tpu.memory_space<vmem>> -> memref<80xi32, #tpu.memory_space<vmem>>
      %dma_wait3A_130 = arith.constant 0 : i32
      %dma_wait3A_131 = arith.constant 0 : i32
      %dma_wait3A_132 = tpu.memref_slice %arg3[%dma_wait3A_130, %dma_wait3A_131] : memref<100000x128xf32, #tpu.memory_space<hbm>> -> memref<100000x128xf32, #tpu.memory_space<hbm>>
      tpu.wait_indirect_dma semaphore(%arg10 : memref<!tpu.dma_semaphore, #tpu.memory_space<semaphore_mem>>) src(%dma_wait3A_132 : memref<100000x128xf32, #tpu.memory_space<hbm>>) dst(%dma_wait3A_126 : memref<80x128xf32, #tpu.memory_space<vmem>>)
      %scan3A_133 = arith.constant 0 : i32
      %scan3A_134 = arith.constant 0 : i32
      %scan3A_135 = arith.constant 8 : i32
      %scan3A_136 = arith.addi %scan3A_134, %scan3A_135 : i32
      %scan3A_137 = arith.constant 1 : i32
      scf.for %scan3A_184 = %scan3A_134 to %scan3A_136 step %scan3A_137  : i32 {
        %mul3A_185 = arith.constant 10 : i32
        %mul3A_186 = arith.muli %scan3A_184, %mul3A_185 : i32
        %get3A = arith.constant 2 : i32
        %get3A_187 = arith.index_cast %get3A : i32 to index
        %get3A_188 = arith.index_cast %mul3A_186 : i32 to index
        %get3A_189 = arith.constant 0 : index
        %get3A_190 = tpu.vector_load %arg6[%get3A_187, %get3A_188, %get3A_189] {strides = array<i32>} : memref<4x80x128xf32, #tpu.memory_space<vmem>>, vector<1x1x16xf32>,
        %get3A_191 = vector.shape_cast %get3A_190 : vector<1x1x16xf32> to vector<16xf32>
        %add3A_192 = arith.constant 1 : i32
        %add3A_193 = arith.addi %mul3A_186, %add3A_192 : i32
        %get3A_194 = arith.constant 2 : i32
        %get3A_195 = arith.index_cast %get3A_194 : i32 to index
        %get3A_196 = arith.index_cast %add3A_193 : i32 to index
        %get3A_197 = arith.constant 0 : index
        %get3A_198 = tpu.vector_load %arg6[%get3A_195, %get3A_196, %get3A_197] {strides = array<i32>} : memref<4x80x128xf32, #tpu.memory_space<vmem>>, vector<1x1x16xf32>,
        %get3A_199 = vector.shape_cast %get3A_198 : vector<1x1x16xf32> to vector<16xf32>
        %add3A_200 = arith.addf %get3A_191, %get3A_199 : vector<16xf32>
        %add3A_201 = arith.constant 2 : i32
        %add3A_202 = arith.addi %mul3A_186, %add3A_201 : i32
        %get3A_203 = arith.constant 2 : i32
        %get3A_204 = arith.index_cast %get3A_203 : i32 to index
        %get3A_205 = arith.index_cast %add3A_202 : i32 to index
        %get3A_206 = arith.constant 0 : index
        %get3A_207 = tpu.vector_load %arg6[%get3A_204, %get3A_205, %get3A_206] {strides = array<i32>} : memref<4x80x128xf32, #tpu.memory_space<vmem>>, vector<1x1x16xf32>,
        %get3A_208 = vector.shape_cast %get3A_207 : vector<1x1x16xf32> to vector<16xf32>
        %add3A_209 = arith.addf %add3A_200, %get3A_208 : vector<16xf32>
        %add3A_210 = arith.constant 3 : i32
        %add3A_211 = arith.addi %mul3A_186, %add3A_210 : i32
        %get3A_212 = arith.constant 2 : i32
        %get3A_213 = arith.index_cast %get3A_212 : i32 to index
        %get3A_214 = arith.index_cast %add3A_211 : i32 to index
        %get3A_215 = arith.constant 0 : index
        %get3A_216 = tpu.vector_load %arg6[%get3A_213, %get3A_214, %get3A_215] {strides = array<i32>} : memref<4x80x128xf32, #tpu.memory_space<vmem>>, vector<1x1x16xf32>,
        %get3A_217 = vector.shape_cast %get3A_216 : vector<1x1x16xf32> to vector<16xf32>
        %add3A_218 = arith.addf %add3A_209, %get3A_217 : vector<16xf32>
        %add3A_219 = arith.constant 4 : i32
        %add3A_220 = arith.addi %mul3A_186, %add3A_219 : i32
        %get3A_221 = arith.constant 2 : i32
        %get3A_222 = arith.index_cast %get3A_221 : i32 to index
        %get3A_223 = arith.index_cast %add3A_220 : i32 to index
        %get3A_224 = arith.constant 0 : index
        %get3A_225 = tpu.vector_load %arg6[%get3A_222, %get3A_223, %get3A_224] {strides = array<i32>} : memref<4x80x128xf32, #tpu.memory_space<vmem>>, vector<1x1x16xf32>,
        %get3A_226 = vector.shape_cast %get3A_225 : vector<1x1x16xf32> to vector<16xf32>
        %add3A_227 = arith.addf %add3A_218, %get3A_226 : vector<16xf32>
        %add3A_228 = arith.constant 5 : i32
        %add3A_229 = arith.addi %mul3A_186, %add3A_228 : i32
        %get3A_230 = arith.constant 2 : i32
        %get3A_231 = arith.index_cast %get3A_230 : i32 to index
        %get3A_232 = arith.index_cast %add3A_229 : i32 to index
        %get3A_233 = arith.constant 0 : index
        %get3A_234 = tpu.vector_load %arg6[%get3A_231, %get3A_232, %get3A_233] {strides = array<i32>} : memref<4x80x128xf32, #tpu.memory_space<vmem>>, vector<1x1x16xf32>,
        %get3A_235 = vector.shape_cast %get3A_234 : vector<1x1x16xf32> to vector<16xf32>
        %add3A_236 = arith.addf %add3A_227, %get3A_235 : vector<16xf32>
        %add3A_237 = arith.constant 6 : i32
        %add3A_238 = arith.addi %mul3A_186, %add3A_237 : i32
        %get3A_239 = arith.constant 2 : i32
        %get3A_240 = arith.index_cast %get3A_239 : i32 to index
        %get3A_241 = arith.index_cast %add3A_238 : i32 to index
        %get3A_242 = arith.constant 0 : index
        %get3A_243 = tpu.vector_load %arg6[%get3A_240, %get3A_241, %get3A_242] {strides = array<i32>} : memref<4x80x128xf32, #tpu.memory_space<vmem>>, vector<1x1x16xf32>,
        %get3A_244 = vector.shape_cast %get3A_243 : vector<1x1x16xf32> to vector<16xf32>
        %add3A_245 = arith.addf %add3A_236, %get3A_244 : vector<16xf32>
        %add3A_246 = arith.constant 7 : i32
        %add3A_247 = arith.addi %mul3A_186, %add3A_246 : i32
        %get3A_248 = arith.constant 2 : i32
        %get3A_249 = arith.index_cast %get3A_248 : i32 to index
        %get3A_250 = arith.index_cast %add3A_247 : i32 to index
        %get3A_251 = arith.constant 0 : index
        %get3A_252 = tpu.vector_load %arg6[%get3A_249, %get3A_250, %get3A_251] {strides = array<i32>} : memref<4x80x128xf32, #tpu.memory_space<vmem>>, vector<1x1x16xf32>,
        %get3A_253 = vector.shape_cast %get3A_252 : vector<1x1x16xf32> to vector<16xf32>
        %add3A_254 = arith.addf %add3A_245, %get3A_253 : vector<16xf32>
        %add3A_255 = arith.constant 8 : i32
        %add3A_256 = arith.addi %mul3A_186, %add3A_255 : i32
        %get3A_257 = arith.constant 2 : i32
        %get3A_258 = arith.index_cast %get3A_257 : i32 to index
        %get3A_259 = arith.index_cast %add3A_256 : i32 to index
        %get3A_260 = arith.constant 0 : index
        %get3A_261 = tpu.vector_load %arg6[%get3A_258, %get3A_259, %get3A_260] {strides = array<i32>} : memref<4x80x128xf32, #tpu.memory_space<vmem>>, vector<1x1x16xf32>,
        %get3A_262 = vector.shape_cast %get3A_261 : vector<1x1x16xf32> to vector<16xf32>
        %add3A_263 = arith.addf %add3A_254, %get3A_262 : vector<16xf32>
        %add3A_264 = arith.constant 9 : i32
        %add3A_265 = arith.addi %mul3A_186, %add3A_264 : i32
        %get3A_266 = arith.constant 2 : i32
        %get3A_267 = arith.index_cast %get3A_266 : i32 to index
        %get3A_268 = arith.index_cast %add3A_265 : i32 to index
        %get3A_269 = arith.constant 0 : index
        %get3A_270 = tpu.vector_load %arg6[%get3A_267, %get3A_268, %get3A_269] {strides = array<i32>} : memref<4x80x128xf32, #tpu.memory_space<vmem>>, vector<1x1x16xf32>,
        %get3A_271 = vector.shape_cast %get3A_270 : vector<1x1x16xf32> to vector<16xf32>
        %add3A_272 = arith.addf %add3A_263, %get3A_271 : vector<16xf32>
        %mul3A_273 = arith.constant 1.000000e-01 : f32
        %mul3A_274 = vector.broadcast %mul3A_273 : f32 to vector<16xf32>
        %mul3A_275 = arith.mulf %add3A_272, %mul3A_274 : vector<16xf32>
        %swap3A = arith.index_cast %scan3A_184 : i32 to index
        %swap3A_276 = arith.constant 0 : index
        %swap3A_277 = tpu.vector_load %arg7[%swap3A, %swap3A_276] {strides = array<i32>} : memref<8x128xf32, #tpu.memory_space<vmem>>, vector<1x16xf32>,
        %swap3A_278 = vector.shape_cast %swap3A_277 : vector<1x16xf32> to vector<16xf32>
        %swap3A_279 = vector.shape_cast %mul3A_275 : vector<16xf32> to vector<1x16xf32>
        tpu.vector_store %arg7[%swap3A, %swap3A_276], %swap3A_279 {strides = array<i32>} : memref<8x128xf32, #tpu.memory_space<vmem>>, vector<1x16xf32>,
        %get3A_280 = arith.constant 2 : i32
        %get3A_281 = arith.index_cast %get3A_280 : i32 to index
        %get3A_282 = arith.index_cast %mul3A_186 : i32 to index
        %get3A_283 = arith.constant 16 : index
        %get3A_284 = tpu.vector_load %arg6[%get3A_281, %get3A_282, %get3A_283] {strides = array<i32>} : memref<4x80x128xf32, #tpu.memory_space<vmem>>, vector<1x1x16xf32>,
        %get3A_285 = vector.shape_cast %get3A_284 : vector<1x1x16xf32> to vector<16xf32>
        %add3A_286 = arith.constant 1 : i32
        %add3A_287 = arith.addi %mul3A_186, %add3A_286 : i32
        %get3A_288 = arith.constant 2 : i32
        %get3A_289 = arith.index_cast %get3A_288 : i32 to index
        %get3A_290 = arith.index_cast %add3A_287 : i32 to index
        %get3A_291 = arith.constant 16 : index
        %get3A_292 = tpu.vector_load %arg6[%get3A_289, %get3A_290, %get3A_291] {strides = array<i32>} : memref<4x80x128xf32, #tpu.memory_space<vmem>>, vector<1x1x16xf32>,
        %get3A_293 = vector.shape_cast %get3A_292 : vector<1x1x16xf32> to vector<16xf32>
        %add3A_294 = arith.addf %get3A_285, %get3A_293 : vector<16xf32>
        %add3A_295 = arith.constant 2 : i32
        %add3A_296 = arith.addi %mul3A_186, %add3A_295 : i32
        %get3A_297 = arith.constant 2 : i32
        %get3A_298 = arith.index_cast %get3A_297 : i32 to index
        %get3A_299 = arith.index_cast %add3A_296 : i32 to index
        %get3A_300 = arith.constant 16 : index
        %get3A_301 = tpu.vector_load %arg6[%get3A_298, %get3A_299, %get3A_300] {strides = array<i32>} : memref<4x80x128xf32, #tpu.memory_space<vmem>>, vector<1x1x16xf32>,
        %get3A_302 = vector.shape_cast %get3A_301 : vector<1x1x16xf32> to vector<16xf32>
        %add3A_303 = arith.addf %add3A_294, %get3A_302 : vector<16xf32>
        %add3A_304 = arith.constant 3 : i32
        %add3A_305 = arith.addi %mul3A_186, %add3A_304 : i32
        %get3A_306 = arith.constant 2 : i32
        %get3A_307 = arith.index_cast %get3A_306 : i32 to index
        %get3A_308 = arith.index_cast %add3A_305 : i32 to index
        %get3A_309 = arith.constant 16 : index
        %get3A_310 = tpu.vector_load %arg6[%get3A_307, %get3A_308, %get3A_309] {strides = array<i32>} : memref<4x80x128xf32, #tpu.memory_space<vmem>>, vector<1x1x16xf32>,
        %get3A_311 = vector.shape_cast %get3A_310 : vector<1x1x16xf32> to vector<16xf32>
        %add3A_312 = arith.addf %add3A_303, %get3A_311 : vector<16xf32>
        %add3A_313 = arith.constant 4 : i32
        %add3A_314 = arith.addi %mul3A_186, %add3A_313 : i32
        %get3A_315 = arith.constant 2 : i32
        %get3A_316 = arith.index_cast %get3A_315 : i32 to index
        %get3A_317 = arith.index_cast %add3A_314 : i32 to index
        %get3A_318 = arith.constant 16 : index
        %get3A_319 = tpu.vector_load %arg6[%get3A_316, %get3A_317, %get3A_318] {strides = array<i32>} : memref<4x80x128xf32, #tpu.memory_space<vmem>>, vector<1x1x16xf32>,
        %get3A_320 = vector.shape_cast %get3A_319 : vector<1x1x16xf32> to vector<16xf32>
        %add3A_321 = arith.addf %add3A_312, %get3A_320 : vector<16xf32>
        %add3A_322 = arith.constant 5 : i32
        %add3A_323 = arith.addi %mul3A_186, %add3A_322 : i32
        %get3A_324 = arith.constant 2 : i32
        %get3A_325 = arith.index_cast %get3A_324 : i32 to index
        %get3A_326 = arith.index_cast %add3A_323 : i32 to index
        %get3A_327 = arith.constant 16 : index
        %get3A_328 = tpu.vector_load %arg6[%get3A_325, %get3A_326, %get3A_327] {strides = array<i32>} : memref<4x80x128xf32, #tpu.memory_space<vmem>>, vector<1x1x16xf32>,
        %get3A_329 = vector.shape_cast %get3A_328 : vector<1x1x16xf32> to vector<16xf32>
        %add3A_330 = arith.addf %add3A_321, %get3A_329 : vector<16xf32>
        %add3A_331 = arith.constant 6 : i32
        %add3A_332 = arith.addi %mul3A_186, %add3A_331 : i32
        %get3A_333 = arith.constant 2 : i32
        %get3A_334 = arith.index_cast %get3A_333 : i32 to index
        %get3A_335 = arith.index_cast %add3A_332 : i32 to index
        %get3A_336 = arith.constant 16 : index
        %get3A_337 = tpu.vector_load %arg6[%get3A_334, %get3A_335, %get3A_336] {strides = array<i32>} : memref<4x80x128xf32, #tpu.memory_space<vmem>>, vector<1x1x16xf32>,
        %get3A_338 = vector.shape_cast %get3A_337 : vector<1x1x16xf32> to vector<16xf32>
        %add3A_339 = arith.addf %add3A_330, %get3A_338 : vector<16xf32>
        %add3A_340 = arith.constant 7 : i32
        %add3A_341 = arith.addi %mul3A_186, %add3A_340 : i32
        %get3A_342 = arith.constant 2 : i32
        %get3A_343 = arith.index_cast %get3A_342 : i32 to index
        %get3A_344 = arith.index_cast %add3A_341 : i32 to index
        %get3A_345 = arith.constant 16 : index
        %get3A_346 = tpu.vector_load %arg6[%get3A_343, %get3A_344, %get3A_345] {strides = array<i32>} : memref<4x80x128xf32, #tpu.memory_space<vmem>>, vector<1x1x16xf32>,
        %get3A_347 = vector.shape_cast %get3A_346 : vector<1x1x16xf32> to vector<16xf32>
        %add3A_348 = arith.addf %add3A_339, %get3A_347 : vector<16xf32>
        %add3A_349 = arith.constant 8 : i32
        %add3A_350 = arith.addi %mul3A_186, %add3A_349 : i32
        %get3A_351 = arith.constant 2 : i32
        %get3A_352 = arith.index_cast %get3A_351 : i32 to index
        %get3A_353 = arith.index_cast %add3A_350 : i32 to index
        %get3A_354 = arith.constant 16 : index
        %get3A_355 = tpu.vector_load %arg6[%get3A_352, %get3A_353, %get3A_354] {strides = array<i32>} : memref<4x80x128xf32, #tpu.memory_space<vmem>>, vector<1x1x16xf32>,
        %get3A_356 = vector.shape_cast %get3A_355 : vector<1x1x16xf32> to vector<16xf32>
        %add3A_357 = arith.addf %add3A_348, %get3A_356 : vector<16xf32>
        %add3A_358 = arith.constant 9 : i32
        %add3A_359 = arith.addi %mul3A_186, %add3A_358 : i32
        %get3A_360 = arith.constant 2 : i32
        %get3A_361 = arith.index_cast %get3A_360 : i32 to index
        %get3A_362 = arith.index_cast %add3A_359 : i32 to index
        %get3A_363 = arith.constant 16 : index
        %get3A_364 = tpu.vector_load %arg6[%get3A_361, %get3A_362, %get3A_363] {strides = array<i32>} : memref<4x80x128xf32, #tpu.memory_space<vmem>>, vector<1x1x16xf32>,
        %get3A_365 = vector.shape_cast %get3A_364 : vector<1x1x16xf32> to vector<16xf32>
        %add3A_366 = arith.addf %add3A_357, %get3A_365 : vector<16xf32>
        %mul3A_367 = arith.constant 1.000000e-01 : f32
        %mul3A_368 = vector.broadcast %mul3A_367 : f32 to vector<16xf32>
        %mul3A_369 = arith.mulf %add3A_366, %mul3A_368 : vector<16xf32>
        %swap3A_370 = arith.index_cast %scan3A_184 : i32 to index
        %swap3A_371 = arith.constant 16 : index
        %swap3A_372 = tpu.vector_load %arg7[%swap3A_370, %swap3A_371] {strides = array<i32>} : memref<8x128xf32, #tpu.memory_space<vmem>>, vector<1x16xf32>,
        %swap3A_373 = vector.shape_cast %swap3A_372 : vector<1x16xf32> to vector<16xf32>
        %swap3A_374 = vector.shape_cast %mul3A_369 : vector<16xf32> to vector<1x16xf32>
        tpu.vector_store %arg7[%swap3A_370, %swap3A_371], %swap3A_374 {strides = array<i32>} : memref<8x128xf32, #tpu.memory_space<vmem>>, vector<1x16xf32>,
        %get3A_375 = arith.constant 2 : i32
        %get3A_376 = arith.index_cast %get3A_375 : i32 to index
        %get3A_377 = arith.index_cast %mul3A_186 : i32 to index
        %get3A_378 = arith.constant 32 : index
        %get3A_379 = tpu.vector_load %arg6[%get3A_376, %get3A_377, %get3A_378] {strides = array<i32>} : memref<4x80x128xf32, #tpu.memory_space<vmem>>, vector<1x1x16xf32>,
        %get3A_380 = vector.shape_cast %get3A_379 : vector<1x1x16xf32> to vector<16xf32>
        %add3A_381 = arith.constant 1 : i32
        %add3A_382 = arith.addi %mul3A_186, %add3A_381 : i32
        %get3A_383 = arith.constant 2 : i32
        %get3A_384 = arith.index_cast %get3A_383 : i32 to index
        %get3A_385 = arith.index_cast %add3A_382 : i32 to index
        %get3A_386 = arith.constant 32 : index
        %get3A_387 = tpu.vector_load %arg6[%get3A_384, %get3A_385, %get3A_386] {strides = array<i32>} : memref<4x80x128xf32, #tpu.memory_space<vmem>>, vector<1x1x16xf32>,
        %get3A_388 = vector.shape_cast %get3A_387 : vector<1x1x16xf32> to vector<16xf32>
        %add3A_389 = arith.addf %get3A_380, %get3A_388 : vector<16xf32>
        %add3A_390 = arith.constant 2 : i32
        %add3A_391 = arith.addi %mul3A_186, %add3A_390 : i32
        %get3A_392 = arith.constant 2 : i32
        %get3A_393 = arith.index_cast %get3A_392 : i32 to index
        %get3A_394 = arith.index_cast %add3A_391 : i32 to index
        %get3A_395 = arith.constant 32 : index
        %get3A_396 = tpu.vector_load %arg6[%get3A_393, %get3A_394, %get3A_395] {strides = array<i32>} : memref<4x80x128xf32, #tpu.memory_space<vmem>>, vector<1x1x16xf32>,
        %get3A_397 = vector.shape_cast %get3A_396 : vector<1x1x16xf32> to vector<16xf32>
        %add3A_398 = arith.addf %add3A_389, %get3A_397 : vector<16xf32>
        %add3A_399 = arith.constant 3 : i32
        %add3A_400 = arith.addi %mul3A_186, %add3A_399 : i32
        %get3A_401 = arith.constant 2 : i32
        %get3A_402 = arith.index_cast %get3A_401 : i32 to index
        %get3A_403 = arith.index_cast %add3A_400 : i32 to index
        %get3A_404 = arith.constant 32 : index
        %get3A_405 = tpu.vector_load %arg6[%get3A_402, %get3A_403, %get3A_404] {strides = array<i32>} : memref<4x80x128xf32, #tpu.memory_space<vmem>>, vector<1x1x16xf32>,
        %get3A_406 = vector.shape_cast %get3A_405 : vector<1x1x16xf32> to vector<16xf32>
        %add3A_407 = arith.addf %add3A_398, %get3A_406 : vector<16xf32>
        %add3A_408 = arith.constant 4 : i32
        %add3A_409 = arith.addi %mul3A_186, %add3A_408 : i32
        %get3A_410 = arith.constant 2 : i32
        %get3A_411 = arith.index_cast %get3A_410 : i32 to index
        %get3A_412 = arith.index_cast %add3A_409 : i32 to index
        %get3A_413 = arith.constant 32 : index
        %get3A_414 = tpu.vector_load %arg6[%get3A_411, %get3A_412, %get3A_413] {strides = array<i32>} : memref<4x80x128xf32, #tpu.memory_space<vmem>>, vector<1x1x16xf32>,
        %get3A_415 = vector.shape_cast %get3A_414 : vector<1x1x16xf32> to vector<16xf32>
        %add3A_416 = arith.addf %add3A_407, %get3A_415 : vector<16xf32>
        %add3A_417 = arith.constant 5 : i32
        %add3A_418 = arith.addi %mul3A_186, %add3A_417 : i32
        %get3A_419 = arith.constant 2 : i32
        %get3A_420 = arith.index_cast %get3A_419 : i32 to index
        %get3A_421 = arith.index_cast %add3A_418 : i32 to index
        %get3A_422 = arith.constant 32 : index
        %get3A_423 = tpu.vector_load %arg6[%get3A_420, %get3A_421, %get3A_422] {strides = array<i32>} : memref<4x80x128xf32, #tpu.memory_space<vmem>>, vector<1x1x16xf32>,
        %get3A_424 = vector.shape_cast %get3A_423 : vector<1x1x16xf32> to vector<16xf32>
        %add3A_425 = arith.addf %add3A_416, %get3A_424 : vector<16xf32>
        %add3A_426 = arith.constant 6 : i32
        %add3A_427 = arith.addi %mul3A_186, %add3A_426 : i32
        %get3A_428 = arith.constant 2 : i32
        %get3A_429 = arith.index_cast %get3A_428 : i32 to index
        %get3A_430 = arith.index_cast %add3A_427 : i32 to index
        %get3A_431 = arith.constant 32 : index
        %get3A_432 = tpu.vector_load %arg6[%get3A_429, %get3A_430, %get3A_431] {strides = array<i32>} : memref<4x80x128xf32, #tpu.memory_space<vmem>>, vector<1x1x16xf32>,
        %get3A_433 = vector.shape_cast %get3A_432 : vector<1x1x16xf32> to vector<16xf32>
        %add3A_434 = arith.addf %add3A_425, %get3A_433 : vector<16xf32>
        %add3A_435 = arith.constant 7 : i32
        %add3A_436 = arith.addi %mul3A_186, %add3A_435 : i32
        %get3A_437 = arith.constant 2 : i32
        %get3A_438 = arith.index_cast %get3A_437 : i32 to index
        %get3A_439 = arith.index_cast %add3A_436 : i32 to index
        %get3A_440 = arith.constant 32 : index
        %get3A_441 = tpu.vector_load %arg6[%get3A_438, %get3A_439, %get3A_440] {strides = array<i32>} : memref<4x80x128xf32, #tpu.memory_space<vmem>>, vector<1x1x16xf32>,
        %get3A_442 = vector.shape_cast %get3A_441 : vector<1x1x16xf32> to vector<16xf32>
        %add3A_443 = arith.addf %add3A_434, %get3A_442 : vector<16xf32>
        %add3A_444 = arith.constant 8 : i32
        %add3A_445 = arith.addi %mul3A_186, %add3A_444 : i32
        %get3A_446 = arith.constant 2 : i32
        %get3A_447 = arith.index_cast %get3A_446 : i32 to index
        %get3A_448 = arith.index_cast %add3A_445 : i32 to index
        %get3A_449 = arith.constant 32 : index
        %get3A_450 = tpu.vector_load %arg6[%get3A_447, %get3A_448, %get3A_449] {strides = array<i32>} : memref<4x80x128xf32, #tpu.memory_space<vmem>>, vector<1x1x16xf32>,
        %get3A_451 = vector.shape_cast %get3A_450 : vector<1x1x16xf32> to vector<16xf32>
        %add3A_452 = arith.addf %add3A_443, %get3A_451 : vector<16xf32>
        %add3A_453 = arith.constant 9 : i32
        %add3A_454 = arith.addi %mul3A_186, %add3A_453 : i32
        %get3A_455 = arith.constant 2 : i32
        %get3A_456 = arith.index_cast %get3A_455 : i32 to index
        %get3A_457 = arith.index_cast %add3A_454 : i32 to index
        %get3A_458 = arith.constant 32 : index
        %get3A_459 = tpu.vector_load %arg6[%get3A_456, %get3A_457, %get3A_458] {strides = array<i32>} : memref<4x80x128xf32, #tpu.memory_space<vmem>>, vector<1x1x16xf32>,
        %get3A_460 = vector.shape_cast %get3A_459 : vector<1x1x16xf32> to vector<16xf32>
        %add3A_461 = arith.addf %add3A_452, %get3A_460 : vector<16xf32>
        %mul3A_462 = arith.constant 1.000000e-01 : f32
        %mul3A_463 = vector.broadcast %mul3A_462 : f32 to vector<16xf32>
        %mul3A_464 = arith.mulf %add3A_461, %mul3A_463 : vector<16xf32>
        %swap3A_465 = arith.index_cast %scan3A_184 : i32 to index
        %swap3A_466 = arith.constant 32 : index
        %swap3A_467 = tpu.vector_load %arg7[%swap3A_465, %swap3A_466] {strides = array<i32>} : memref<8x128xf32, #tpu.memory_space<vmem>>, vector<1x16xf32>,
        %swap3A_468 = vector.shape_cast %swap3A_467 : vector<1x16xf32> to vector<16xf32>
        %swap3A_469 = vector.shape_cast %mul3A_464 : vector<16xf32> to vector<1x16xf32>
        tpu.vector_store %arg7[%swap3A_465, %swap3A_466], %swap3A_469 {strides = array<i32>} : memref<8x128xf32, #tpu.memory_space<vmem>>, vector<1x16xf32>,
        %get3A_470 = arith.constant 2 : i32
        %get3A_471 = arith.index_cast %get3A_470 : i32 to index
        %get3A_472 = arith.index_cast %mul3A_186 : i32 to index
        %get3A_473 = arith.constant 48 : index
        %get3A_474 = tpu.vector_load %arg6[%get3A_471, %get3A_472, %get3A_473] {strides = array<i32>} : memref<4x80x128xf32, #tpu.memory_space<vmem>>, vector<1x1x16xf32>,
        %get3A_475 = vector.shape_cast %get3A_474 : vector<1x1x16xf32> to vector<16xf32>
        %add3A_476 = arith.constant 1 : i32
        %add3A_477 = arith.addi %mul3A_186, %add3A_476 : i32
        %get3A_478 = arith.constant 2 : i32
        %get3A_479 = arith.index_cast %get3A_478 : i32 to index
        %get3A_480 = arith.index_cast %add3A_477 : i32 to index
        %get3A_481 = arith.constant 48 : index
        %get3A_482 = tpu.vector_load %arg6[%get3A_479, %get3A_480, %get3A_481] {strides = array<i32>} : memref<4x80x128xf32, #tpu.memory_space<vmem>>, vector<1x1x16xf32>,
        %get3A_483 = vector.shape_cast %get3A_482 : vector<1x1x16xf32> to vector<16xf32>
        %add3A_484 = arith.addf %get3A_475, %get3A_483 : vector<16xf32>
        %add3A_485 = arith.constant 2 : i32
        %add3A_486 = arith.addi %mul3A_186, %add3A_485 : i32
        %get3A_487 = arith.constant 2 : i32
        %get3A_488 = arith.index_cast %get3A_487 : i32 to index
        %get3A_489 = arith.index_cast %add3A_486 : i32 to index
        %get3A_490 = arith.constant 48 : index
        %get3A_491 = tpu.vector_load %arg6[%get3A_488, %get3A_489, %get3A_490] {strides = array<i32>} : memref<4x80x128xf32, #tpu.memory_space<vmem>>, vector<1x1x16xf32>,
        %get3A_492 = vector.shape_cast %get3A_491 : vector<1x1x16xf32> to vector<16xf32>
        %add3A_493 = arith.addf %add3A_484, %get3A_492 : vector<16xf32>
        %add3A_494 = arith.constant 3 : i32
        %add3A_495 = arith.addi %mul3A_186, %add3A_494 : i32
        %get3A_496 = arith.constant 2 : i32
        %get3A_497 = arith.index_cast %get3A_496 : i32 to index
        %get3A_498 = arith.index_cast %add3A_495 : i32 to index
        %get3A_499 = arith.constant 48 : index
        %get3A_500 = tpu.vector_load %arg6[%get3A_497, %get3A_498, %get3A_499] {strides = array<i32>} : memref<4x80x128xf32, #tpu.memory_space<vmem>>, vector<1x1x16xf32>,
        %get3A_501 = vector.shape_cast %get3A_500 : vector<1x1x16xf32> to vector<16xf32>
        %add3A_502 = arith.addf %add3A_493, %get3A_501 : vector<16xf32>
        %add3A_503 = arith.constant 4 : i32
        %add3A_504 = arith.addi %mul3A_186, %add3A_503 : i32
        %get3A_505 = arith.constant 2 : i32
        %get3A_506 = arith.index_cast %get3A_505 : i32 to index
        %get3A_507 = arith.index_cast %add3A_504 : i32 to index
        %get3A_508 = arith.constant 48 : index
        %get3A_509 = tpu.vector_load %arg6[%get3A_506, %get3A_507, %get3A_508] {strides = array<i32>} : memref<4x80x128xf32, #tpu.memory_space<vmem>>, vector<1x1x16xf32>,
        %get3A_510 = vector.shape_cast %get3A_509 : vector<1x1x16xf32> to vector<16xf32>
        %add3A_511 = arith.addf %add3A_502, %get3A_510 : vector<16xf32>
        %add3A_512 = arith.constant 5 : i32
        %add3A_513 = arith.addi %mul3A_186, %add3A_512 : i32
        %get3A_514 = arith.constant 2 : i32
        %get3A_515 = arith.index_cast %get3A_514 : i32 to index
        %get3A_516 = arith.index_cast %add3A_513 : i32 to index
        %get3A_517 = arith.constant 48 : index
        %get3A_518 = tpu.vector_load %arg6[%get3A_515, %get3A_516, %get3A_517] {strides = array<i32>} : memref<4x80x128xf32, #tpu.memory_space<vmem>>, vector<1x1x16xf32>,
        %get3A_519 = vector.shape_cast %get3A_518 : vector<1x1x16xf32> to vector<16xf32>
        %add3A_520 = arith.addf %add3A_511, %get3A_519 : vector<16xf32>
        %add3A_521 = arith.constant 6 : i32
        %add3A_522 = arith.addi %mul3A_186, %add3A_521 : i32
        %get3A_523 = arith.constant 2 : i32
        %get3A_524 = arith.index_cast %get3A_523 : i32 to index
        %get3A_525 = arith.index_cast %add3A_522 : i32 to index
        %get3A_526 = arith.constant 48 : index
        %get3A_527 = tpu.vector_load %arg6[%get3A_524, %get3A_525, %get3A_526] {strides = array<i32>} : memref<4x80x128xf32, #tpu.memory_space<vmem>>, vector<1x1x16xf32>,
        %get3A_528 = vector.shape_cast %get3A_527 : vector<1x1x16xf32> to vector<16xf32>
        %add3A_529 = arith.addf %add3A_520, %get3A_528 : vector<16xf32>
        %add3A_530 = arith.constant 7 : i32
        %add3A_531 = arith.addi %mul3A_186, %add3A_530 : i32
        %get3A_532 = arith.constant 2 : i32
        %get3A_533 = arith.index_cast %get3A_532 : i32 to index
        %get3A_534 = arith.index_cast %add3A_531 : i32 to index
        %get3A_535 = arith.constant 48 : index
        %get3A_536 = tpu.vector_load %arg6[%get3A_533, %get3A_534, %get3A_535] {strides = array<i32>} : memref<4x80x128xf32, #tpu.memory_space<vmem>>, vector<1x1x16xf32>,
        %get3A_537 = vector.shape_cast %get3A_536 : vector<1x1x16xf32> to vector<16xf32>
        %add3A_538 = arith.addf %add3A_529, %get3A_537 : vector<16xf32>
        %add3A_539 = arith.constant 8 : i32
        %add3A_540 = arith.addi %mul3A_186, %add3A_539 : i32
        %get3A_541 = arith.constant 2 : i32
        %get3A_542 = arith.index_cast %get3A_541 : i32 to index
        %get3A_543 = arith.index_cast %add3A_540 : i32 to index
        %get3A_544 = arith.constant 48 : index
        %get3A_545 = tpu.vector_load %arg6[%get3A_542, %get3A_543, %get3A_544] {strides = array<i32>} : memref<4x80x128xf32, #tpu.memory_space<vmem>>, vector<1x1x16xf32>,
        %get3A_546 = vector.shape_cast %get3A_545 : vector<1x1x16xf32> to vector<16xf32>
        %add3A_547 = arith.addf %add3A_538, %get3A_546 : vector<16xf32>
        %add3A_548 = arith.constant 9 : i32
        %add3A_549 = arith.addi %mul3A_186, %add3A_548 : i32
        %get3A_550 = arith.constant 2 : i32
        %get3A_551 = arith.index_cast %get3A_550 : i32 to index
        %get3A_552 = arith.index_cast %add3A_549 : i32 to index
        %get3A_553 = arith.constant 48 : index
        %get3A_554 = tpu.vector_load %arg6[%get3A_551, %get3A_552, %get3A_553] {strides = array<i32>} : memref<4x80x128xf32, #tpu.memory_space<vmem>>, vector<1x1x16xf32>,
        %get3A_555 = vector.shape_cast %get3A_554 : vector<1x1x16xf32> to vector<16xf32>
        %add3A_556 = arith.addf %add3A_547, %get3A_555 : vector<16xf32>
        %mul3A_557 = arith.constant 1.000000e-01 : f32
        %mul3A_558 = vector.broadcast %mul3A_557 : f32 to vector<16xf32>
        %mul3A_559 = arith.mulf %add3A_556, %mul3A_558 : vector<16xf32>
        %swap3A_560 = arith.index_cast %scan3A_184 : i32 to index
        %swap3A_561 = arith.constant 48 : index
        %swap3A_562 = tpu.vector_load %arg7[%swap3A_560, %swap3A_561] {strides = array<i32>} : memref<8x128xf32, #tpu.memory_space<vmem>>, vector<1x16xf32>,
        %swap3A_563 = vector.shape_cast %swap3A_562 : vector<1x16xf32> to vector<16xf32>
        %swap3A_564 = vector.shape_cast %mul3A_559 : vector<16xf32> to vector<1x16xf32>
        tpu.vector_store %arg7[%swap3A_560, %swap3A_561], %swap3A_564 {strides = array<i32>} : memref<8x128xf32, #tpu.memory_space<vmem>>, vector<1x16xf32>,
        %get3A_565 = arith.constant 2 : i32
        %get3A_566 = arith.index_cast %get3A_565 : i32 to index
        %get3A_567 = arith.index_cast %mul3A_186 : i32 to index
        %get3A_568 = arith.constant 64 : index
        %get3A_569 = tpu.vector_load %arg6[%get3A_566, %get3A_567, %get3A_568] {strides = array<i32>} : memref<4x80x128xf32, #tpu.memory_space<vmem>>, vector<1x1x16xf32>,
        %get3A_570 = vector.shape_cast %get3A_569 : vector<1x1x16xf32> to vector<16xf32>
        %add3A_571 = arith.constant 1 : i32
        %add3A_572 = arith.addi %mul3A_186, %add3A_571 : i32
        %get3A_573 = arith.constant 2 : i32
        %get3A_574 = arith.index_cast %get3A_573 : i32 to index
        %get3A_575 = arith.index_cast %add3A_572 : i32 to index
        %get3A_576 = arith.constant 64 : index
        %get3A_577 = tpu.vector_load %arg6[%get3A_574, %get3A_575, %get3A_576] {strides = array<i32>} : memref<4x80x128xf32, #tpu.memory_space<vmem>>, vector<1x1x16xf32>,
        %get3A_578 = vector.shape_cast %get3A_577 : vector<1x1x16xf32> to vector<16xf32>
        %add3A_579 = arith.addf %get3A_570, %get3A_578 : vector<16xf32>
        %add3A_580 = arith.constant 2 : i32
        %add3A_581 = arith.addi %mul3A_186, %add3A_580 : i32
        %get3A_582 = arith.constant 2 : i32
        %get3A_583 = arith.index_cast %get3A_582 : i32 to index
        %get3A_584 = arith.index_cast %add3A_581 : i32 to index
        %get3A_585 = arith.constant 64 : index
        %get3A_586 = tpu.vector_load %arg6[%get3A_583, %get3A_584, %get3A_585] {strides = array<i32>} : memref<4x80x128xf32, #tpu.memory_space<vmem>>, vector<1x1x16xf32>,
        %get3A_587 = vector.shape_cast %get3A_586 : vector<1x1x16xf32> to vector<16xf32>
        %add3A_588 = arith.addf %add3A_579, %get3A_587 : vector<16xf32>
        %add3A_589 = arith.constant 3 : i32
        %add3A_590 = arith.addi %mul3A_186, %add3A_589 : i32
        %get3A_591 = arith.constant 2 : i32
        %get3A_592 = arith.index_cast %get3A_591 : i32 to index
        %get3A_593 = arith.index_cast %add3A_590 : i32 to index
        %get3A_594 = arith.constant 64 : index
        %get3A_595 = tpu.vector_load %arg6[%get3A_592, %get3A_593, %get3A_594] {strides = array<i32>} : memref<4x80x128xf32, #tpu.memory_space<vmem>>, vector<1x1x16xf32>,
        %get3A_596 = vector.shape_cast %get3A_595 : vector<1x1x16xf32> to vector<16xf32>
        %add3A_597 = arith.addf %add3A_588, %get3A_596 : vector<16xf32>
        %add3A_598 = arith.constant 4 : i32
        %add3A_599 = arith.addi %mul3A_186, %add3A_598 : i32
        %get3A_600 = arith.constant 2 : i32
        %get3A_601 = arith.index_cast %get3A_600 : i32 to index
        %get3A_602 = arith.index_cast %add3A_599 : i32 to index
        %get3A_603 = arith.constant 64 : index
        %get3A_604 = tpu.vector_load %arg6[%get3A_601, %get3A_602, %get3A_603] {strides = array<i32>} : memref<4x80x128xf32, #tpu.memory_space<vmem>>, vector<1x1x16xf32>,
        %get3A_605 = vector.shape_cast %get3A_604 : vector<1x1x16xf32> to vector<16xf32>
        %add3A_606 = arith.addf %add3A_597, %get3A_605 : vector<16xf32>
        %add3A_607 = arith.constant 5 : i32
        %add3A_608 = arith.addi %mul3A_186, %add3A_607 : i32
        %get3A_609 = arith.constant 2 : i32
        %get3A_610 = arith.index_cast %get3A_609 : i32 to index
        %get3A_611 = arith.index_cast %add3A_608 : i32 to index
        %get3A_612 = arith.constant 64 : index
        %get3A_613 = tpu.vector_load %arg6[%get3A_610, %get3A_611, %get3A_612] {strides = array<i32>} : memref<4x80x128xf32, #tpu.memory_space<vmem>>, vector<1x1x16xf32>,
        %get3A_614 = vector.shape_cast %get3A_613 : vector<1x1x16xf32> to vector<16xf32>
        %add3A_615 = arith.addf %add3A_606, %get3A_614 : vector<16xf32>
        %add3A_616 = arith.constant 6 : i32
        %add3A_617 = arith.addi %mul3A_186, %add3A_616 : i32
        %get3A_618 = arith.constant 2 : i32
        %get3A_619 = arith.index_cast %get3A_618 : i32 to index
        %get3A_620 = arith.index_cast %add3A_617 : i32 to index
        %get3A_621 = arith.constant 64 : index
        %get3A_622 = tpu.vector_load %arg6[%get3A_619, %get3A_620, %get3A_621] {strides = array<i32>} : memref<4x80x128xf32, #tpu.memory_space<vmem>>, vector<1x1x16xf32>,
        %get3A_623 = vector.shape_cast %get3A_622 : vector<1x1x16xf32> to vector<16xf32>
        %add3A_624 = arith.addf %add3A_615, %get3A_623 : vector<16xf32>
        %add3A_625 = arith.constant 7 : i32
        %add3A_626 = arith.addi %mul3A_186, %add3A_625 : i32
        %get3A_627 = arith.constant 2 : i32
        %get3A_628 = arith.index_cast %get3A_627 : i32 to index
        %get3A_629 = arith.index_cast %add3A_626 : i32 to index
        %get3A_630 = arith.constant 64 : index
        %get3A_631 = tpu.vector_load %arg6[%get3A_628, %get3A_629, %get3A_630] {strides = array<i32>} : memref<4x80x128xf32, #tpu.memory_space<vmem>>, vector<1x1x16xf32>,
        %get3A_632 = vector.shape_cast %get3A_631 : vector<1x1x16xf32> to vector<16xf32>
        %add3A_633 = arith.addf %add3A_624, %get3A_632 : vector<16xf32>
        %add3A_634 = arith.constant 8 : i32
        %add3A_635 = arith.addi %mul3A_186, %add3A_634 : i32
        %get3A_636 = arith.constant 2 : i32
        %get3A_637 = arith.index_cast %get3A_636 : i32 to index
        %get3A_638 = arith.index_cast %add3A_635 : i32 to index
        %get3A_639 = arith.constant 64 : index
        %get3A_640 = tpu.vector_load %arg6[%get3A_637, %get3A_638, %get3A_639] {strides = array<i32>} : memref<4x80x128xf32, #tpu.memory_space<vmem>>, vector<1x1x16xf32>,
        %get3A_641 = vector.shape_cast %get3A_640 : vector<1x1x16xf32> to vector<16xf32>
        %add3A_642 = arith.addf %add3A_633, %get3A_641 : vector<16xf32>
        %add3A_643 = arith.constant 9 : i32
        %add3A_644 = arith.addi %mul3A_186, %add3A_643 : i32
        %get3A_645 = arith.constant 2 : i32
        %get3A_646 = arith.index_cast %get3A_645 : i32 to index
        %get3A_647 = arith.index_cast %add3A_644 : i32 to index
        %get3A_648 = arith.constant 64 : index
        %get3A_649 = tpu.vector_load %arg6[%get3A_646, %get3A_647, %get3A_648] {strides = array<i32>} : memref<4x80x128xf32, #tpu.memory_space<vmem>>, vector<1x1x16xf32>,
        %get3A_650 = vector.shape_cast %get3A_649 : vector<1x1x16xf32> to vector<16xf32>
        %add3A_651 = arith.addf %add3A_642, %get3A_650 : vector<16xf32>
        %mul3A_652 = arith.constant 1.000000e-01 : f32
        %mul3A_653 = vector.broadcast %mul3A_652 : f32 to vector<16xf32>
        %mul3A_654 = arith.mulf %add3A_651, %mul3A_653 : vector<16xf32>
        %swap3A_655 = arith.index_cast %scan3A_184 : i32 to index
        %swap3A_656 = arith.constant 64 : index
        %swap3A_657 = tpu.vector_load %arg7[%swap3A_655, %swap3A_656] {strides = array<i32>} : memref<8x128xf32, #tpu.memory_space<vmem>>, vector<1x16xf32>,
        %swap3A_658 = vector.shape_cast %swap3A_657 : vector<1x16xf32> to vector<16xf32>
        %swap3A_659 = vector.shape_cast %mul3A_654 : vector<16xf32> to vector<1x16xf32>
        tpu.vector_store %arg7[%swap3A_655, %swap3A_656], %swap3A_659 {strides = array<i32>} : memref<8x128xf32, #tpu.memory_space<vmem>>, vector<1x16xf32>,
        %get3A_660 = arith.constant 2 : i32
        %get3A_661 = arith.index_cast %get3A_660 : i32 to index
        %get3A_662 = arith.index_cast %mul3A_186 : i32 to index
        %get3A_663 = arith.constant 80 : index
        %get3A_664 = tpu.vector_load %arg6[%get3A_661, %get3A_662, %get3A_663] {strides = array<i32>} : memref<4x80x128xf32, #tpu.memory_space<vmem>>, vector<1x1x16xf32>,
        %get3A_665 = vector.shape_cast %get3A_664 : vector<1x1x16xf32> to vector<16xf32>
        %add3A_666 = arith.constant 1 : i32
        %add3A_667 = arith.addi %mul3A_186, %add3A_666 : i32
        %get3A_668 = arith.constant 2 : i32
        %get3A_669 = arith.index_cast %get3A_668 : i32 to index
        %get3A_670 = arith.index_cast %add3A_667 : i32 to index
        %get3A_671 = arith.constant 80 : index
        %get3A_672 = tpu.vector_load %arg6[%get3A_669, %get3A_670, %get3A_671] {strides = array<i32>} : memref<4x80x128xf32, #tpu.memory_space<vmem>>, vector<1x1x16xf32>,
        %get3A_673 = vector.shape_cast %get3A_672 : vector<1x1x16xf32> to vector<16xf32>
        %add3A_674 = arith.addf %get3A_665, %get3A_673 : vector<16xf32>
        %add3A_675 = arith.constant 2 : i32
        %add3A_676 = arith.addi %mul3A_186, %add3A_675 : i32
        %get3A_677 = arith.constant 2 : i32
        %get3A_678 = arith.index_cast %get3A_677 : i32 to index
        %get3A_679 = arith.index_cast %add3A_676 : i32 to index
        %get3A_680 = arith.constant 80 : index
        %get3A_681 = tpu.vector_load %arg6[%get3A_678, %get3A_679, %get3A_680] {strides = array<i32>} : memref<4x80x128xf32, #tpu.memory_space<vmem>>, vector<1x1x16xf32>,
        %get3A_682 = vector.shape_cast %get3A_681 : vector<1x1x16xf32> to vector<16xf32>
        %add3A_683 = arith.addf %add3A_674, %get3A_682 : vector<16xf32>
        %add3A_684 = arith.constant 3 : i32
        %add3A_685 = arith.addi %mul3A_186, %add3A_684 : i32
        %get3A_686 = arith.constant 2 : i32
        %get3A_687 = arith.index_cast %get3A_686 : i32 to index
        %get3A_688 = arith.index_cast %add3A_685 : i32 to index
        %get3A_689 = arith.constant 80 : index
        %get3A_690 = tpu.vector_load %arg6[%get3A_687, %get3A_688, %get3A_689] {strides = array<i32>} : memref<4x80x128xf32, #tpu.memory_space<vmem>>, vector<1x1x16xf32>,
        %get3A_691 = vector.shape_cast %get3A_690 : vector<1x1x16xf32> to vector<16xf32>
        %add3A_692 = arith.addf %add3A_683, %get3A_691 : vector<16xf32>
        %add3A_693 = arith.constant 4 : i32
        %add3A_694 = arith.addi %mul3A_186, %add3A_693 : i32
        %get3A_695 = arith.constant 2 : i32
        %get3A_696 = arith.index_cast %get3A_695 : i32 to index
        %get3A_697 = arith.index_cast %add3A_694 : i32 to index
        %get3A_698 = arith.constant 80 : index
        %get3A_699 = tpu.vector_load %arg6[%get3A_696, %get3A_697, %get3A_698] {strides = array<i32>} : memref<4x80x128xf32, #tpu.memory_space<vmem>>, vector<1x1x16xf32>,
        %get3A_700 = vector.shape_cast %get3A_699 : vector<1x1x16xf32> to vector<16xf32>
        %add3A_701 = arith.addf %add3A_692, %get3A_700 : vector<16xf32>
        %add3A_702 = arith.constant 5 : i32
        %add3A_703 = arith.addi %mul3A_186, %add3A_702 : i32
        %get3A_704 = arith.constant 2 : i32
        %get3A_705 = arith.index_cast %get3A_704 : i32 to index
        %get3A_706 = arith.index_cast %add3A_703 : i32 to index
        %get3A_707 = arith.constant 80 : index
        %get3A_708 = tpu.vector_load %arg6[%get3A_705, %get3A_706, %get3A_707] {strides = array<i32>} : memref<4x80x128xf32, #tpu.memory_space<vmem>>, vector<1x1x16xf32>,
        %get3A_709 = vector.shape_cast %get3A_708 : vector<1x1x16xf32> to vector<16xf32>
        %add3A_710 = arith.addf %add3A_701, %get3A_709 : vector<16xf32>
        %add3A_711 = arith.constant 6 : i32
        %add3A_712 = arith.addi %mul3A_186, %add3A_711 : i32
        %get3A_713 = arith.constant 2 : i32
        %get3A_714 = arith.index_cast %get3A_713 : i32 to index
        %get3A_715 = arith.index_cast %add3A_712 : i32 to index
        %get3A_716 = arith.constant 80 : index
        %get3A_717 = tpu.vector_load %arg6[%get3A_714, %get3A_715, %get3A_716] {strides = array<i32>} : memref<4x80x128xf32, #tpu.memory_space<vmem>>, vector<1x1x16xf32>,
        %get3A_718 = vector.shape_cast %get3A_717 : vector<1x1x16xf32> to vector<16xf32>
        %add3A_719 = arith.addf %add3A_710, %get3A_718 : vector<16xf32>
        %add3A_720 = arith.constant 7 : i32
        %add3A_721 = arith.addi %mul3A_186, %add3A_720 : i32
        %get3A_722 = arith.constant 2 : i32
        %get3A_723 = arith.index_cast %get3A_722 : i32 to index
        %get3A_724 = arith.index_cast %add3A_721 : i32 to index
        %get3A_725 = arith.constant 80 : index
        %get3A_726 = tpu.vector_load %arg6[%get3A_723, %get3A_724, %get3A_725] {strides = array<i32>} : memref<4x80x128xf32, #tpu.memory_space<vmem>>, vector<1x1x16xf32>,
        %get3A_727 = vector.shape_cast %get3A_726 : vector<1x1x16xf32> to vector<16xf32>
        %add3A_728 = arith.addf %add3A_719, %get3A_727 : vector<16xf32>
        %add3A_729 = arith.constant 8 : i32
        %add3A_730 = arith.addi %mul3A_186, %add3A_729 : i32
        %get3A_731 = arith.constant 2 : i32
        %get3A_732 = arith.index_cast %get3A_731 : i32 to index
        %get3A_733 = arith.index_cast %add3A_730 : i32 to index
        %get3A_734 = arith.constant 80 : index
        %get3A_735 = tpu.vector_load %arg6[%get3A_732, %get3A_733, %get3A_734] {strides = array<i32>} : memref<4x80x128xf32, #tpu.memory_space<vmem>>, vector<1x1x16xf32>,
        %get3A_736 = vector.shape_cast %get3A_735 : vector<1x1x16xf32> to vector<16xf32>
        %add3A_737 = arith.addf %add3A_728, %get3A_736 : vector<16xf32>
        %add3A_738 = arith.constant 9 : i32
        %add3A_739 = arith.addi %mul3A_186, %add3A_738 : i32
        %get3A_740 = arith.constant 2 : i32
        %get3A_741 = arith.index_cast %get3A_740 : i32 to index
        %get3A_742 = arith.index_cast %add3A_739 : i32 to index
        %get3A_743 = arith.constant 80 : index
        %get3A_744 = tpu.vector_load %arg6[%get3A_741, %get3A_742, %get3A_743] {strides = array<i32>} : memref<4x80x128xf32, #tpu.memory_space<vmem>>, vector<1x1x16xf32>,
        %get3A_745 = vector.shape_cast %get3A_744 : vector<1x1x16xf32> to vector<16xf32>
        %add3A_746 = arith.addf %add3A_737, %get3A_745 : vector<16xf32>
        %mul3A_747 = arith.constant 1.000000e-01 : f32
        %mul3A_748 = vector.broadcast %mul3A_747 : f32 to vector<16xf32>
        %mul3A_749 = arith.mulf %add3A_746, %mul3A_748 : vector<16xf32>
        %swap3A_750 = arith.index_cast %scan3A_184 : i32 to index
        %swap3A_751 = arith.constant 80 : index
        %swap3A_752 = tpu.vector_load %arg7[%swap3A_750, %swap3A_751] {strides = array<i32>} : memref<8x128xf32, #tpu.memory_space<vmem>>, vector<1x16xf32>,
        %swap3A_753 = vector.shape_cast %swap3A_752 : vector<1x16xf32> to vector<16xf32>
        %swap3A_754 = vector.shape_cast %mul3A_749 : vector<16xf32> to vector<1x16xf32>
        tpu.vector_store %arg7[%swap3A_750, %swap3A_751], %swap3A_754 {strides = array<i32>} : memref<8x128xf32, #tpu.memory_space<vmem>>, vector<1x16xf32>,
        %get3A_755 = arith.constant 2 : i32
        %get3A_756 = arith.index_cast %get3A_755 : i32 to index
        %get3A_757 = arith.index_cast %mul3A_186 : i32 to index
        %get3A_758 = arith.constant 96 : index
        %get3A_759 = tpu.vector_load %arg6[%get3A_756, %get3A_757, %get3A_758] {strides = array<i32>} : memref<4x80x128xf32, #tpu.memory_space<vmem>>, vector<1x1x16xf32>,
        %get3A_760 = vector.shape_cast %get3A_759 : vector<1x1x16xf32> to vector<16xf32>
        %add3A_761 = arith.constant 1 : i32
        %add3A_762 = arith.addi %mul3A_186, %add3A_761 : i32
        %get3A_763 = arith.constant 2 : i32
        %get3A_764 = arith.index_cast %get3A_763 : i32 to index
        %get3A_765 = arith.index_cast %add3A_762 : i32 to index
        %get3A_766 = arith.constant 96 : index
        %get3A_767 = tpu.vector_load %arg6[%get3A_764, %get3A_765, %get3A_766] {strides = array<i32>} : memref<4x80x128xf32, #tpu.memory_space<vmem>>, vector<1x1x16xf32>,
        %get3A_768 = vector.shape_cast %get3A_767 : vector<1x1x16xf32> to vector<16xf32>
        %add3A_769 = arith.addf %get3A_760, %get3A_768 : vector<16xf32>
        %add3A_770 = arith.constant 2 : i32
        %add3A_771 = arith.addi %mul3A_186, %add3A_770 : i32
        %get3A_772 = arith.constant 2 : i32
        %get3A_773 = arith.index_cast %get3A_772 : i32 to index
        %get3A_774 = arith.index_cast %add3A_771 : i32 to index
        %get3A_775 = arith.constant 96 : index
        %get3A_776 = tpu.vector_load %arg6[%get3A_773, %get3A_774, %get3A_775] {strides = array<i32>} : memref<4x80x128xf32, #tpu.memory_space<vmem>>, vector<1x1x16xf32>,
        %get3A_777 = vector.shape_cast %get3A_776 : vector<1x1x16xf32> to vector<16xf32>
        %add3A_778 = arith.addf %add3A_769, %get3A_777 : vector<16xf32>
        %add3A_779 = arith.constant 3 : i32
        %add3A_780 = arith.addi %mul3A_186, %add3A_779 : i32
        %get3A_781 = arith.constant 2 : i32
        %get3A_782 = arith.index_cast %get3A_781 : i32 to index
        %get3A_783 = arith.index_cast %add3A_780 : i32 to index
        %get3A_784 = arith.constant 96 : index
        %get3A_785 = tpu.vector_load %arg6[%get3A_782, %get3A_783, %get3A_784] {strides = array<i32>} : memref<4x80x128xf32, #tpu.memory_space<vmem>>, vector<1x1x16xf32>,
        %get3A_786 = vector.shape_cast %get3A_785 : vector<1x1x16xf32> to vector<16xf32>
        %add3A_787 = arith.addf %add3A_778, %get3A_786 : vector<16xf32>
        %add3A_788 = arith.constant 4 : i32
        %add3A_789 = arith.addi %mul3A_186, %add3A_788 : i32
        %get3A_790 = arith.constant 2 : i32
        %get3A_791 = arith.index_cast %get3A_790 : i32 to index
        %get3A_792 = arith.index_cast %add3A_789 : i32 to index
        %get3A_793 = arith.constant 96 : index
        %get3A_794 = tpu.vector_load %arg6[%get3A_791, %get3A_792, %get3A_793] {strides = array<i32>} : memref<4x80x128xf32, #tpu.memory_space<vmem>>, vector<1x1x16xf32>,
        %get3A_795 = vector.shape_cast %get3A_794 : vector<1x1x16xf32> to vector<16xf32>
        %add3A_796 = arith.addf %add3A_787, %get3A_795 : vector<16xf32>
        %add3A_797 = arith.constant 5 : i32
        %add3A_798 = arith.addi %mul3A_186, %add3A_797 : i32
        %get3A_799 = arith.constant 2 : i32
        %get3A_800 = arith.index_cast %get3A_799 : i32 to index
        %get3A_801 = arith.index_cast %add3A_798 : i32 to index
        %get3A_802 = arith.constant 96 : index
        %get3A_803 = tpu.vector_load %arg6[%get3A_800, %get3A_801, %get3A_802] {strides = array<i32>} : memref<4x80x128xf32, #tpu.memory_space<vmem>>, vector<1x1x16xf32>,
        %get3A_804 = vector.shape_cast %get3A_803 : vector<1x1x16xf32> to vector<16xf32>
        %add3A_805 = arith.addf %add3A_796, %get3A_804 : vector<16xf32>
        %add3A_806 = arith.constant 6 : i32
        %add3A_807 = arith.addi %mul3A_186, %add3A_806 : i32
        %get3A_808 = arith.constant 2 : i32
        %get3A_809 = arith.index_cast %get3A_808 : i32 to index
        %get3A_810 = arith.index_cast %add3A_807 : i32 to index
        %get3A_811 = arith.constant 96 : index
        %get3A_812 = tpu.vector_load %arg6[%get3A_809, %get3A_810, %get3A_811] {strides = array<i32>} : memref<4x80x128xf32, #tpu.memory_space<vmem>>, vector<1x1x16xf32>,
        %get3A_813 = vector.shape_cast %get3A_812 : vector<1x1x16xf32> to vector<16xf32>
        %add3A_814 = arith.addf %add3A_805, %get3A_813 : vector<16xf32>
        %add3A_815 = arith.constant 7 : i32
        %add3A_816 = arith.addi %mul3A_186, %add3A_815 : i32
        %get3A_817 = arith.constant 2 : i32
        %get3A_818 = arith.index_cast %get3A_817 : i32 to index
        %get3A_819 = arith.index_cast %add3A_816 : i32 to index
        %get3A_820 = arith.constant 96 : index
        %get3A_821 = tpu.vector_load %arg6[%get3A_818, %get3A_819, %get3A_820] {strides = array<i32>} : memref<4x80x128xf32, #tpu.memory_space<vmem>>, vector<1x1x16xf32>,
        %get3A_822 = vector.shape_cast %get3A_821 : vector<1x1x16xf32> to vector<16xf32>
        %add3A_823 = arith.addf %add3A_814, %get3A_822 : vector<16xf32>
        %add3A_824 = arith.constant 8 : i32
        %add3A_825 = arith.addi %mul3A_186, %add3A_824 : i32
        %get3A_826 = arith.constant 2 : i32
        %get3A_827 = arith.index_cast %get3A_826 : i32 to index
        %get3A_828 = arith.index_cast %add3A_825 : i32 to index
        %get3A_829 = arith.constant 96 : index
        %get3A_830 = tpu.vector_load %arg6[%get3A_827, %get3A_828, %get3A_829] {strides = array<i32>} : memref<4x80x128xf32, #tpu.memory_space<vmem>>, vector<1x1x16xf32>,
        %get3A_831 = vector.shape_cast %get3A_830 : vector<1x1x16xf32> to vector<16xf32>
        %add3A_832 = arith.addf %add3A_823, %get3A_831 : vector<16xf32>
        %add3A_833 = arith.constant 9 : i32
        %add3A_834 = arith.addi %mul3A_186, %add3A_833 : i32
        %get3A_835 = arith.constant 2 : i32
        %get3A_836 = arith.index_cast %get3A_835 : i32 to index
        %get3A_837 = arith.index_cast %add3A_834 : i32 to index
        %get3A_838 = arith.constant 96 : index
        %get3A_839 = tpu.vector_load %arg6[%get3A_836, %get3A_837, %get3A_838] {strides = array<i32>} : memref<4x80x128xf32, #tpu.memory_space<vmem>>, vector<1x1x16xf32>,
        %get3A_840 = vector.shape_cast %get3A_839 : vector<1x1x16xf32> to vector<16xf32>
        %add3A_841 = arith.addf %add3A_832, %get3A_840 : vector<16xf32>
        %mul3A_842 = arith.constant 1.000000e-01 : f32
        %mul3A_843 = vector.broadcast %mul3A_842 : f32 to vector<16xf32>
        %mul3A_844 = arith.mulf %add3A_841, %mul3A_843 : vector<16xf32>
        %swap3A_845 = arith.index_cast %scan3A_184 : i32 to index
        %swap3A_846 = arith.constant 96 : index
        %swap3A_847 = tpu.vector_load %arg7[%swap3A_845, %swap3A_846] {strides = array<i32>} : memref<8x128xf32, #tpu.memory_space<vmem>>, vector<1x16xf32>,
        %swap3A_848 = vector.shape_cast %swap3A_847 : vector<1x16xf32> to vector<16xf32>
        %swap3A_849 = vector.shape_cast %mul3A_844 : vector<16xf32> to vector<1x16xf32>
        tpu.vector_store %arg7[%swap3A_845, %swap3A_846], %swap3A_849 {strides = array<i32>} : memref<8x128xf32, #tpu.memory_space<vmem>>, vector<1x16xf32>,
        %get3A_850 = arith.constant 2 : i32
        %get3A_851 = arith.index_cast %get3A_850 : i32 to index
        %get3A_852 = arith.index_cast %mul3A_186 : i32 to index
        %get3A_853 = arith.constant 112 : index
        %get3A_854 = tpu.vector_load %arg6[%get3A_851, %get3A_852, %get3A_853] {strides = array<i32>} : memref<4x80x128xf32, #tpu.memory_space<vmem>>, vector<1x1x16xf32>,
        %get3A_855 = vector.shape_cast %get3A_854 : vector<1x1x16xf32> to vector<16xf32>
        %add3A_856 = arith.constant 1 : i32
        %add3A_857 = arith.addi %mul3A_186, %add3A_856 : i32
        %get3A_858 = arith.constant 2 : i32
        %get3A_859 = arith.index_cast %get3A_858 : i32 to index
        %get3A_860 = arith.index_cast %add3A_857 : i32 to index
        %get3A_861 = arith.constant 112 : index
        %get3A_862 = tpu.vector_load %arg6[%get3A_859, %get3A_860, %get3A_861] {strides = array<i32>} : memref<4x80x128xf32, #tpu.memory_space<vmem>>, vector<1x1x16xf32>,
        %get3A_863 = vector.shape_cast %get3A_862 : vector<1x1x16xf32> to vector<16xf32>
        %add3A_864 = arith.addf %get3A_855, %get3A_863 : vector<16xf32>
        %add3A_865 = arith.constant 2 : i32
        %add3A_866 = arith.addi %mul3A_186, %add3A_865 : i32
        %get3A_867 = arith.constant 2 : i32
        %get3A_868 = arith.index_cast %get3A_867 : i32 to index
        %get3A_869 = arith.index_cast %add3A_866 : i32 to index
        %get3A_870 = arith.constant 112 : index
        %get3A_871 = tpu.vector_load %arg6[%get3A_868, %get3A_869, %get3A_870] {strides = array<i32>} : memref<4x80x128xf32, #tpu.memory_space<vmem>>, vector<1x1x16xf32>,
        %get3A_872 = vector.shape_cast %get3A_871 : vector<1x1x16xf32> to vector<16xf32>
        %add3A_873 = arith.addf %add3A_864, %get3A_872 : vector<16xf32>
        %add3A_874 = arith.constant 3 : i32
        %add3A_875 = arith.addi %mul3A_186, %add3A_874 : i32
        %get3A_876 = arith.constant 2 : i32
        %get3A_877 = arith.index_cast %get3A_876 : i32 to index
        %get3A_878 = arith.index_cast %add3A_875 : i32 to index
        %get3A_879 = arith.constant 112 : index
        %get3A_880 = tpu.vector_load %arg6[%get3A_877, %get3A_878, %get3A_879] {strides = array<i32>} : memref<4x80x128xf32, #tpu.memory_space<vmem>>, vector<1x1x16xf32>,
        %get3A_881 = vector.shape_cast %get3A_880 : vector<1x1x16xf32> to vector<16xf32>
        %add3A_882 = arith.addf %add3A_873, %get3A_881 : vector<16xf32>
        %add3A_883 = arith.constant 4 : i32
        %add3A_884 = arith.addi %mul3A_186, %add3A_883 : i32
        %get3A_885 = arith.constant 2 : i32
        %get3A_886 = arith.index_cast %get3A_885 : i32 to index
        %get3A_887 = arith.index_cast %add3A_884 : i32 to index
        %get3A_888 = arith.constant 112 : index
        %get3A_889 = tpu.vector_load %arg6[%get3A_886, %get3A_887, %get3A_888] {strides = array<i32>} : memref<4x80x128xf32, #tpu.memory_space<vmem>>, vector<1x1x16xf32>,
        %get3A_890 = vector.shape_cast %get3A_889 : vector<1x1x16xf32> to vector<16xf32>
        %add3A_891 = arith.addf %add3A_882, %get3A_890 : vector<16xf32>
        %add3A_892 = arith.constant 5 : i32
        %add3A_893 = arith.addi %mul3A_186, %add3A_892 : i32
        %get3A_894 = arith.constant 2 : i32
        %get3A_895 = arith.index_cast %get3A_894 : i32 to index
        %get3A_896 = arith.index_cast %add3A_893 : i32 to index
        %get3A_897 = arith.constant 112 : index
        %get3A_898 = tpu.vector_load %arg6[%get3A_895, %get3A_896, %get3A_897] {strides = array<i32>} : memref<4x80x128xf32, #tpu.memory_space<vmem>>, vector<1x1x16xf32>,
        %get3A_899 = vector.shape_cast %get3A_898 : vector<1x1x16xf32> to vector<16xf32>
        %add3A_900 = arith.addf %add3A_891, %get3A_899 : vector<16xf32>
        %add3A_901 = arith.constant 6 : i32
        %add3A_902 = arith.addi %mul3A_186, %add3A_901 : i32
        %get3A_903 = arith.constant 2 : i32
        %get3A_904 = arith.index_cast %get3A_903 : i32 to index
        %get3A_905 = arith.index_cast %add3A_902 : i32 to index
        %get3A_906 = arith.constant 112 : index
        %get3A_907 = tpu.vector_load %arg6[%get3A_904, %get3A_905, %get3A_906] {strides = array<i32>} : memref<4x80x128xf32, #tpu.memory_space<vmem>>, vector<1x1x16xf32>,
        %get3A_908 = vector.shape_cast %get3A_907 : vector<1x1x16xf32> to vector<16xf32>
        %add3A_909 = arith.addf %add3A_900, %get3A_908 : vector<16xf32>
        %add3A_910 = arith.constant 7 : i32
        %add3A_911 = arith.addi %mul3A_186, %add3A_910 : i32
        %get3A_912 = arith.constant 2 : i32
        %get3A_913 = arith.index_cast %get3A_912 : i32 to index
        %get3A_914 = arith.index_cast %add3A_911 : i32 to index
        %get3A_915 = arith.constant 112 : index
        %get3A_916 = tpu.vector_load %arg6[%get3A_913, %get3A_914, %get3A_915] {strides = array<i32>} : memref<4x80x128xf32, #tpu.memory_space<vmem>>, vector<1x1x16xf32>,
        %get3A_917 = vector.shape_cast %get3A_916 : vector<1x1x16xf32> to vector<16xf32>
        %add3A_918 = arith.addf %add3A_909, %get3A_917 : vector<16xf32>
        %add3A_919 = arith.constant 8 : i32
        %add3A_920 = arith.addi %mul3A_186, %add3A_919 : i32
        %get3A_921 = arith.constant 2 : i32
        %get3A_922 = arith.index_cast %get3A_921 : i32 to index
        %get3A_923 = arith.index_cast %add3A_920 : i32 to index
        %get3A_924 = arith.constant 112 : index
        %get3A_925 = tpu.vector_load %arg6[%get3A_922, %get3A_923, %get3A_924] {strides = array<i32>} : memref<4x80x128xf32, #tpu.memory_space<vmem>>, vector<1x1x16xf32>,
        %get3A_926 = vector.shape_cast %get3A_925 : vector<1x1x16xf32> to vector<16xf32>
        %add3A_927 = arith.addf %add3A_918, %get3A_926 : vector<16xf32>
        %add3A_928 = arith.constant 9 : i32
        %add3A_929 = arith.addi %mul3A_186, %add3A_928 : i32
        %get3A_930 = arith.constant 2 : i32
        %get3A_931 = arith.index_cast %get3A_930 : i32 to index
        %get3A_932 = arith.index_cast %add3A_929 : i32 to index
        %get3A_933 = arith.constant 112 : index
        %get3A_934 = tpu.vector_load %arg6[%get3A_931, %get3A_932, %get3A_933] {strides = array<i32>} : memref<4x80x128xf32, #tpu.memory_space<vmem>>, vector<1x1x16xf32>,
        %get3A_935 = vector.shape_cast %get3A_934 : vector<1x1x16xf32> to vector<16xf32>
        %add3A_936 = arith.addf %add3A_927, %get3A_935 : vector<16xf32>
        %mul3A_937 = arith.constant 1.000000e-01 : f32
        %mul3A_938 = vector.broadcast %mul3A_937 : f32 to vector<16xf32>
        %mul3A_939 = arith.mulf %add3A_936, %mul3A_938 : vector<16xf32>
        %swap3A_940 = arith.index_cast %scan3A_184 : i32 to index
        %swap3A_941 = arith.constant 112 : index
        %swap3A_942 = tpu.vector_load %arg7[%swap3A_940, %swap3A_941] {strides = array<i32>} : memref<8x128xf32, #tpu.memory_space<vmem>>, vector<1x16xf32>,
        %swap3A_943 = vector.shape_cast %swap3A_942 : vector<1x16xf32> to vector<16xf32>
        %swap3A_944 = vector.shape_cast %mul3A_939 : vector<16xf32> to vector<1x16xf32>
        tpu.vector_store %arg7[%swap3A_940, %swap3A_941], %swap3A_944 {strides = array<i32>} : memref<8x128xf32, #tpu.memory_space<vmem>>, vector<1x16xf32>,
      }
      %scan3A_138 = arith.constant 8 : i32
      %add3A_139 = arith.constant 4 : i32
      %add3A_140 = arith.addi %add3A_121, %add3A_139 : i32
      %lt3A_141 = arith.constant 16 : i32
      %lt3A_142 = arith.cmpi slt, %add3A_140, %lt3A_141 : i32
      %convert_element_type3A_143 = arith.extui %lt3A_142 : i1 to i32
      %cond3A_144 = arith.constant 0 : i32
      %cond3A_145 = arith.cmpi ne, %convert_element_type3A_143, %cond3A_144 : i32
      scf.if %cond3A_145 {
        %add3A_184 = arith.constant 4 : i32
        %add3A_185 = arith.addi %add3A_121, %add3A_184 : i32
        %dma_start3A_186 = arith.constant 2 : i32
        %dma_start3A_187 = arith.constant 0 : i32
        %dma_start3A_188 = arith.constant 0 : i32
        %dma_start3A_189 = tpu.memref_slice %arg6[%dma_start3A_186, %dma_start3A_187, %dma_start3A_188] : memref<4x80x128xf32, #tpu.memory_space<vmem>> -> memref<1x80x128xf32, #tpu.memory_space<vmem>>
        %dma_start3A_190 = tpu.memref_squeeze %dma_start3A_189 : memref<1x80x128xf32, #tpu.memory_space<vmem>> -> memref<80x128xf32, #tpu.memory_space<vmem>>
        %dma_start3A_191 = arith.constant 0 : i32
        %dma_start3A_192 = tpu.memref_slice %arg5[%add3A_185, %dma_start3A_191] : memref<16x80xi32, #tpu.memory_space<vmem>> -> memref<1x80xi32, #tpu.memory_space<vmem>>
        %dma_start3A_193 = tpu.memref_squeeze %dma_start3A_192 : memref<1x80xi32, #tpu.memory_space<vmem>> -> memref<80xi32, #tpu.memory_space<vmem>>
        %dma_start3A_194 = arith.constant 0 : i32
        %dma_start3A_195 = arith.constant 0 : i32
        %dma_start3A_196 = tpu.memref_slice %arg3[%dma_start3A_194, %dma_start3A_195] : memref<100000x128xf32, #tpu.memory_space<hbm>> -> memref<100000x128xf32, #tpu.memory_space<hbm>>
        tpu.enqueue_indirect_dma source(%dma_start3A_196 : memref<100000x128xf32, #tpu.memory_space<hbm>>) target(%dma_start3A_190 : memref<80x128xf32, #tpu.memory_space<vmem>>) offsets(%dma_start3A_193 : memref<80xi32, #tpu.memory_space<vmem>>) semaphore(%arg10 : memref<!tpu.dma_semaphore, #tpu.memory_space<semaphore_mem>>)
      } else {
      }
      %mul3A_146 = arith.constant 128 : i32
      %mul3A_147 = arith.muli %add3A, %mul3A_146 : i32
      %mul3A_148 = arith.constant 8 : i32
      %mul3A_149 = arith.muli %add3A_121, %mul3A_148 : i32
      %add3A_150 = arith.addi %mul3A_147, %mul3A_149 : i32
      "tpu.region"() ({
        %run_scoped3A = tpu.sem_alloc : memref<!tpu.dma_semaphore, #tpu.memory_space<semaphore_mem>>
        %dma_start3A_184 = arith.constant 0 : i32
        %dma_start3A_185 = tpu.memref_slice %arg4[%add3A_150, %dma_start3A_184] : memref<4096x128xf32, #tpu.memory_space<hbm>> -> memref<8x128xf32, #tpu.memory_space<hbm>>
        %dma_start3A_186 = arith.constant 0 : i32
        %dma_start3A_187 = tpu.memref_slice %arg4[%add3A_150, %dma_start3A_186] : memref<4096x128xf32, #tpu.memory_space<hbm>> -> memref<8x128xf32, #tpu.memory_space<hbm>>
        tpu.enqueue_dma source(%arg7 : memref<8x128xf32, #tpu.memory_space<vmem>>) target(%dma_start3A_187 : memref<8x128xf32, #tpu.memory_space<hbm>>) target_semaphore(%run_scoped3A : memref<!tpu.dma_semaphore, #tpu.memory_space<semaphore_mem>>)
        %dma_wait3A_188 = arith.constant 0 : i32
        %dma_wait3A_189 = tpu.memref_slice %arg4[%add3A_150, %dma_wait3A_188] : memref<4096x128xf32, #tpu.memory_space<hbm>> -> memref<8x128xf32, #tpu.memory_space<hbm>>
        %dma_wait3A_190 = arith.constant 0 : i32
        %dma_wait3A_191 = tpu.memref_slice %arg4[%add3A_150, %dma_wait3A_190] : memref<4096x128xf32, #tpu.memory_space<hbm>> -> memref<8x128xf32, #tpu.memory_space<hbm>>
        tpu.wait_dma2 semaphore(%run_scoped3A : memref<!tpu.dma_semaphore, #tpu.memory_space<semaphore_mem>>) src(%arg7 : memref<8x128xf32, #tpu.memory_space<vmem>>) dst(%dma_wait3A_191 : memref<8x128xf32, #tpu.memory_space<hbm>>)
        tpu.yield
      }) : () -> ()
      %mul3A_151 = arith.constant 4 : i32
      %mul3A_152 = arith.muli %scan3A_55, %mul3A_151 : i32
      %add3A_153 = arith.constant 3 : i32
      %add3A_154 = arith.addi %mul3A_152, %add3A_153 : i32
      %dma_wait3A_155 = arith.constant 3 : i32
      %dma_wait3A_156 = arith.constant 0 : i32
      %dma_wait3A_157 = arith.constant 0 : i32
      %dma_wait3A_158 = tpu.memref_slice %arg6[%dma_wait3A_155, %dma_wait3A_156, %dma_wait3A_157] : memref<4x80x128xf32, #tpu.memory_space<vmem>> -> memref<1x80x128xf32, #tpu.memory_space<vmem>>
      %dma_wait3A_159 = tpu.memref_squeeze %dma_wait3A_158 : memref<1x80x128xf32, #tpu.memory_space<vmem>> -> memref<80x128xf32, #tpu.memory_space<vmem>>
      %dma_wait3A_160 = arith.constant 0 : i32
      %dma_wait3A_161 = tpu.memref_slice %arg5[%add3A_154, %dma_wait3A_160] : memref<16x80xi32, #tpu.memory_space<vmem>> -> memref<1x80xi32, #tpu.memory_space<vmem>>
      %dma_wait3A_162 = tpu.memref_squeeze %dma_wait3A_161 : memref<1x80xi32, #tpu.memory_space<vmem>> -> memref<80xi32, #tpu.memory_space<vmem>>
      %dma_wait3A_163 = arith.constant 0 : i32
      %dma_wait3A_164 = arith.constant 0 : i32
      %dma_wait3A_165 = tpu.memref_slice %arg3[%dma_wait3A_163, %dma_wait3A_164] : memref<100000x128xf32, #tpu.memory_space<hbm>> -> memref<100000x128xf32, #tpu.memory_space<hbm>>
      tpu.wait_indirect_dma semaphore(%arg11 : memref<!tpu.dma_semaphore, #tpu.memory_space<semaphore_mem>>) src(%dma_wait3A_165 : memref<100000x128xf32, #tpu.memory_space<hbm>>) dst(%dma_wait3A_159 : memref<80x128xf32, #tpu.memory_space<vmem>>)
      %scan3A_166 = arith.constant 0 : i32
      %scan3A_167 = arith.constant 0 : i32
      %scan3A_168 = arith.constant 8 : i32
      %scan3A_169 = arith.addi %scan3A_167, %scan3A_168 : i32
      %scan3A_170 = arith.constant 1 : i32
      scf.for %scan3A_184 = %scan3A_167 to %scan3A_169 step %scan3A_170  : i32 {
        %mul3A_185 = arith.constant 10 : i32
        %mul3A_186 = arith.muli %scan3A_184, %mul3A_185 : i32
        %get3A = arith.constant 3 : i32
        %get3A_187 = arith.index_cast %get3A : i32 to index
        %get3A_188 = arith.index_cast %mul3A_186 : i32 to index
        %get3A_189 = arith.constant 0 : index
        %get3A_190 = tpu.vector_load %arg6[%get3A_187, %get3A_188, %get3A_189] {strides = array<i32>} : memref<4x80x128xf32, #tpu.memory_space<vmem>>, vector<1x1x16xf32>,
        %get3A_191 = vector.shape_cast %get3A_190 : vector<1x1x16xf32> to vector<16xf32>
        %add3A_192 = arith.constant 1 : i32
        %add3A_193 = arith.addi %mul3A_186, %add3A_192 : i32
        %get3A_194 = arith.constant 3 : i32
        %get3A_195 = arith.index_cast %get3A_194 : i32 to index
        %get3A_196 = arith.index_cast %add3A_193 : i32 to index
        %get3A_197 = arith.constant 0 : index
        %get3A_198 = tpu.vector_load %arg6[%get3A_195, %get3A_196, %get3A_197] {strides = array<i32>} : memref<4x80x128xf32, #tpu.memory_space<vmem>>, vector<1x1x16xf32>,
        %get3A_199 = vector.shape_cast %get3A_198 : vector<1x1x16xf32> to vector<16xf32>
        %add3A_200 = arith.addf %get3A_191, %get3A_199 : vector<16xf32>
        %add3A_201 = arith.constant 2 : i32
        %add3A_202 = arith.addi %mul3A_186, %add3A_201 : i32
        %get3A_203 = arith.constant 3 : i32
        %get3A_204 = arith.index_cast %get3A_203 : i32 to index
        %get3A_205 = arith.index_cast %add3A_202 : i32 to index
        %get3A_206 = arith.constant 0 : index
        %get3A_207 = tpu.vector_load %arg6[%get3A_204, %get3A_205, %get3A_206] {strides = array<i32>} : memref<4x80x128xf32, #tpu.memory_space<vmem>>, vector<1x1x16xf32>,
        %get3A_208 = vector.shape_cast %get3A_207 : vector<1x1x16xf32> to vector<16xf32>
        %add3A_209 = arith.addf %add3A_200, %get3A_208 : vector<16xf32>
        %add3A_210 = arith.constant 3 : i32
        %add3A_211 = arith.addi %mul3A_186, %add3A_210 : i32
        %get3A_212 = arith.constant 3 : i32
        %get3A_213 = arith.index_cast %get3A_212 : i32 to index
        %get3A_214 = arith.index_cast %add3A_211 : i32 to index
        %get3A_215 = arith.constant 0 : index
        %get3A_216 = tpu.vector_load %arg6[%get3A_213, %get3A_214, %get3A_215] {strides = array<i32>} : memref<4x80x128xf32, #tpu.memory_space<vmem>>, vector<1x1x16xf32>,
        %get3A_217 = vector.shape_cast %get3A_216 : vector<1x1x16xf32> to vector<16xf32>
        %add3A_218 = arith.addf %add3A_209, %get3A_217 : vector<16xf32>
        %add3A_219 = arith.constant 4 : i32
        %add3A_220 = arith.addi %mul3A_186, %add3A_219 : i32
        %get3A_221 = arith.constant 3 : i32
        %get3A_222 = arith.index_cast %get3A_221 : i32 to index
        %get3A_223 = arith.index_cast %add3A_220 : i32 to index
        %get3A_224 = arith.constant 0 : index
        %get3A_225 = tpu.vector_load %arg6[%get3A_222, %get3A_223, %get3A_224] {strides = array<i32>} : memref<4x80x128xf32, #tpu.memory_space<vmem>>, vector<1x1x16xf32>,
        %get3A_226 = vector.shape_cast %get3A_225 : vector<1x1x16xf32> to vector<16xf32>
        %add3A_227 = arith.addf %add3A_218, %get3A_226 : vector<16xf32>
        %add3A_228 = arith.constant 5 : i32
        %add3A_229 = arith.addi %mul3A_186, %add3A_228 : i32
        %get3A_230 = arith.constant 3 : i32
        %get3A_231 = arith.index_cast %get3A_230 : i32 to index
        %get3A_232 = arith.index_cast %add3A_229 : i32 to index
        %get3A_233 = arith.constant 0 : index
        %get3A_234 = tpu.vector_load %arg6[%get3A_231, %get3A_232, %get3A_233] {strides = array<i32>} : memref<4x80x128xf32, #tpu.memory_space<vmem>>, vector<1x1x16xf32>,
        %get3A_235 = vector.shape_cast %get3A_234 : vector<1x1x16xf32> to vector<16xf32>
        %add3A_236 = arith.addf %add3A_227, %get3A_235 : vector<16xf32>
        %add3A_237 = arith.constant 6 : i32
        %add3A_238 = arith.addi %mul3A_186, %add3A_237 : i32
        %get3A_239 = arith.constant 3 : i32
        %get3A_240 = arith.index_cast %get3A_239 : i32 to index
        %get3A_241 = arith.index_cast %add3A_238 : i32 to index
        %get3A_242 = arith.constant 0 : index
        %get3A_243 = tpu.vector_load %arg6[%get3A_240, %get3A_241, %get3A_242] {strides = array<i32>} : memref<4x80x128xf32, #tpu.memory_space<vmem>>, vector<1x1x16xf32>,
        %get3A_244 = vector.shape_cast %get3A_243 : vector<1x1x16xf32> to vector<16xf32>
        %add3A_245 = arith.addf %add3A_236, %get3A_244 : vector<16xf32>
        %add3A_246 = arith.constant 7 : i32
        %add3A_247 = arith.addi %mul3A_186, %add3A_246 : i32
        %get3A_248 = arith.constant 3 : i32
        %get3A_249 = arith.index_cast %get3A_248 : i32 to index
        %get3A_250 = arith.index_cast %add3A_247 : i32 to index
        %get3A_251 = arith.constant 0 : index
        %get3A_252 = tpu.vector_load %arg6[%get3A_249, %get3A_250, %get3A_251] {strides = array<i32>} : memref<4x80x128xf32, #tpu.memory_space<vmem>>, vector<1x1x16xf32>,
        %get3A_253 = vector.shape_cast %get3A_252 : vector<1x1x16xf32> to vector<16xf32>
        %add3A_254 = arith.addf %add3A_245, %get3A_253 : vector<16xf32>
        %add3A_255 = arith.constant 8 : i32
        %add3A_256 = arith.addi %mul3A_186, %add3A_255 : i32
        %get3A_257 = arith.constant 3 : i32
        %get3A_258 = arith.index_cast %get3A_257 : i32 to index
        %get3A_259 = arith.index_cast %add3A_256 : i32 to index
        %get3A_260 = arith.constant 0 : index
        %get3A_261 = tpu.vector_load %arg6[%get3A_258, %get3A_259, %get3A_260] {strides = array<i32>} : memref<4x80x128xf32, #tpu.memory_space<vmem>>, vector<1x1x16xf32>,
        %get3A_262 = vector.shape_cast %get3A_261 : vector<1x1x16xf32> to vector<16xf32>
        %add3A_263 = arith.addf %add3A_254, %get3A_262 : vector<16xf32>
        %add3A_264 = arith.constant 9 : i32
        %add3A_265 = arith.addi %mul3A_186, %add3A_264 : i32
        %get3A_266 = arith.constant 3 : i32
        %get3A_267 = arith.index_cast %get3A_266 : i32 to index
        %get3A_268 = arith.index_cast %add3A_265 : i32 to index
        %get3A_269 = arith.constant 0 : index
        %get3A_270 = tpu.vector_load %arg6[%get3A_267, %get3A_268, %get3A_269] {strides = array<i32>} : memref<4x80x128xf32, #tpu.memory_space<vmem>>, vector<1x1x16xf32>,
        %get3A_271 = vector.shape_cast %get3A_270 : vector<1x1x16xf32> to vector<16xf32>
        %add3A_272 = arith.addf %add3A_263, %get3A_271 : vector<16xf32>
        %mul3A_273 = arith.constant 1.000000e-01 : f32
        %mul3A_274 = vector.broadcast %mul3A_273 : f32 to vector<16xf32>
        %mul3A_275 = arith.mulf %add3A_272, %mul3A_274 : vector<16xf32>
        %swap3A = arith.index_cast %scan3A_184 : i32 to index
        %swap3A_276 = arith.constant 0 : index
        %swap3A_277 = tpu.vector_load %arg7[%swap3A, %swap3A_276] {strides = array<i32>} : memref<8x128xf32, #tpu.memory_space<vmem>>, vector<1x16xf32>,
        %swap3A_278 = vector.shape_cast %swap3A_277 : vector<1x16xf32> to vector<16xf32>
        %swap3A_279 = vector.shape_cast %mul3A_275 : vector<16xf32> to vector<1x16xf32>
        tpu.vector_store %arg7[%swap3A, %swap3A_276], %swap3A_279 {strides = array<i32>} : memref<8x128xf32, #tpu.memory_space<vmem>>, vector<1x16xf32>,
        %get3A_280 = arith.constant 3 : i32
        %get3A_281 = arith.index_cast %get3A_280 : i32 to index
        %get3A_282 = arith.index_cast %mul3A_186 : i32 to index
        %get3A_283 = arith.constant 16 : index
        %get3A_284 = tpu.vector_load %arg6[%get3A_281, %get3A_282, %get3A_283] {strides = array<i32>} : memref<4x80x128xf32, #tpu.memory_space<vmem>>, vector<1x1x16xf32>,
        %get3A_285 = vector.shape_cast %get3A_284 : vector<1x1x16xf32> to vector<16xf32>
        %add3A_286 = arith.constant 1 : i32
        %add3A_287 = arith.addi %mul3A_186, %add3A_286 : i32
        %get3A_288 = arith.constant 3 : i32
        %get3A_289 = arith.index_cast %get3A_288 : i32 to index
        %get3A_290 = arith.index_cast %add3A_287 : i32 to index
        %get3A_291 = arith.constant 16 : index
        %get3A_292 = tpu.vector_load %arg6[%get3A_289, %get3A_290, %get3A_291] {strides = array<i32>} : memref<4x80x128xf32, #tpu.memory_space<vmem>>, vector<1x1x16xf32>,
        %get3A_293 = vector.shape_cast %get3A_292 : vector<1x1x16xf32> to vector<16xf32>
        %add3A_294 = arith.addf %get3A_285, %get3A_293 : vector<16xf32>
        %add3A_295 = arith.constant 2 : i32
        %add3A_296 = arith.addi %mul3A_186, %add3A_295 : i32
        %get3A_297 = arith.constant 3 : i32
        %get3A_298 = arith.index_cast %get3A_297 : i32 to index
        %get3A_299 = arith.index_cast %add3A_296 : i32 to index
        %get3A_300 = arith.constant 16 : index
        %get3A_301 = tpu.vector_load %arg6[%get3A_298, %get3A_299, %get3A_300] {strides = array<i32>} : memref<4x80x128xf32, #tpu.memory_space<vmem>>, vector<1x1x16xf32>,
        %get3A_302 = vector.shape_cast %get3A_301 : vector<1x1x16xf32> to vector<16xf32>
        %add3A_303 = arith.addf %add3A_294, %get3A_302 : vector<16xf32>
        %add3A_304 = arith.constant 3 : i32
        %add3A_305 = arith.addi %mul3A_186, %add3A_304 : i32
        %get3A_306 = arith.constant 3 : i32
        %get3A_307 = arith.index_cast %get3A_306 : i32 to index
        %get3A_308 = arith.index_cast %add3A_305 : i32 to index
        %get3A_309 = arith.constant 16 : index
        %get3A_310 = tpu.vector_load %arg6[%get3A_307, %get3A_308, %get3A_309] {strides = array<i32>} : memref<4x80x128xf32, #tpu.memory_space<vmem>>, vector<1x1x16xf32>,
        %get3A_311 = vector.shape_cast %get3A_310 : vector<1x1x16xf32> to vector<16xf32>
        %add3A_312 = arith.addf %add3A_303, %get3A_311 : vector<16xf32>
        %add3A_313 = arith.constant 4 : i32
        %add3A_314 = arith.addi %mul3A_186, %add3A_313 : i32
        %get3A_315 = arith.constant 3 : i32
        %get3A_316 = arith.index_cast %get3A_315 : i32 to index
        %get3A_317 = arith.index_cast %add3A_314 : i32 to index
        %get3A_318 = arith.constant 16 : index
        %get3A_319 = tpu.vector_load %arg6[%get3A_316, %get3A_317, %get3A_318] {strides = array<i32>} : memref<4x80x128xf32, #tpu.memory_space<vmem>>, vector<1x1x16xf32>,
        %get3A_320 = vector.shape_cast %get3A_319 : vector<1x1x16xf32> to vector<16xf32>
        %add3A_321 = arith.addf %add3A_312, %get3A_320 : vector<16xf32>
        %add3A_322 = arith.constant 5 : i32
        %add3A_323 = arith.addi %mul3A_186, %add3A_322 : i32
        %get3A_324 = arith.constant 3 : i32
        %get3A_325 = arith.index_cast %get3A_324 : i32 to index
        %get3A_326 = arith.index_cast %add3A_323 : i32 to index
        %get3A_327 = arith.constant 16 : index
        %get3A_328 = tpu.vector_load %arg6[%get3A_325, %get3A_326, %get3A_327] {strides = array<i32>} : memref<4x80x128xf32, #tpu.memory_space<vmem>>, vector<1x1x16xf32>,
        %get3A_329 = vector.shape_cast %get3A_328 : vector<1x1x16xf32> to vector<16xf32>
        %add3A_330 = arith.addf %add3A_321, %get3A_329 : vector<16xf32>
        %add3A_331 = arith.constant 6 : i32
        %add3A_332 = arith.addi %mul3A_186, %add3A_331 : i32
        %get3A_333 = arith.constant 3 : i32
        %get3A_334 = arith.index_cast %get3A_333 : i32 to index
        %get3A_335 = arith.index_cast %add3A_332 : i32 to index
        %get3A_336 = arith.constant 16 : index
        %get3A_337 = tpu.vector_load %arg6[%get3A_334, %get3A_335, %get3A_336] {strides = array<i32>} : memref<4x80x128xf32, #tpu.memory_space<vmem>>, vector<1x1x16xf32>,
        %get3A_338 = vector.shape_cast %get3A_337 : vector<1x1x16xf32> to vector<16xf32>
        %add3A_339 = arith.addf %add3A_330, %get3A_338 : vector<16xf32>
        %add3A_340 = arith.constant 7 : i32
        %add3A_341 = arith.addi %mul3A_186, %add3A_340 : i32
        %get3A_342 = arith.constant 3 : i32
        %get3A_343 = arith.index_cast %get3A_342 : i32 to index
        %get3A_344 = arith.index_cast %add3A_341 : i32 to index
        %get3A_345 = arith.constant 16 : index
        %get3A_346 = tpu.vector_load %arg6[%get3A_343, %get3A_344, %get3A_345] {strides = array<i32>} : memref<4x80x128xf32, #tpu.memory_space<vmem>>, vector<1x1x16xf32>,
        %get3A_347 = vector.shape_cast %get3A_346 : vector<1x1x16xf32> to vector<16xf32>
        %add3A_348 = arith.addf %add3A_339, %get3A_347 : vector<16xf32>
        %add3A_349 = arith.constant 8 : i32
        %add3A_350 = arith.addi %mul3A_186, %add3A_349 : i32
        %get3A_351 = arith.constant 3 : i32
        %get3A_352 = arith.index_cast %get3A_351 : i32 to index
        %get3A_353 = arith.index_cast %add3A_350 : i32 to index
        %get3A_354 = arith.constant 16 : index
        %get3A_355 = tpu.vector_load %arg6[%get3A_352, %get3A_353, %get3A_354] {strides = array<i32>} : memref<4x80x128xf32, #tpu.memory_space<vmem>>, vector<1x1x16xf32>,
        %get3A_356 = vector.shape_cast %get3A_355 : vector<1x1x16xf32> to vector<16xf32>
        %add3A_357 = arith.addf %add3A_348, %get3A_356 : vector<16xf32>
        %add3A_358 = arith.constant 9 : i32
        %add3A_359 = arith.addi %mul3A_186, %add3A_358 : i32
        %get3A_360 = arith.constant 3 : i32
        %get3A_361 = arith.index_cast %get3A_360 : i32 to index
        %get3A_362 = arith.index_cast %add3A_359 : i32 to index
        %get3A_363 = arith.constant 16 : index
        %get3A_364 = tpu.vector_load %arg6[%get3A_361, %get3A_362, %get3A_363] {strides = array<i32>} : memref<4x80x128xf32, #tpu.memory_space<vmem>>, vector<1x1x16xf32>,
        %get3A_365 = vector.shape_cast %get3A_364 : vector<1x1x16xf32> to vector<16xf32>
        %add3A_366 = arith.addf %add3A_357, %get3A_365 : vector<16xf32>
        %mul3A_367 = arith.constant 1.000000e-01 : f32
        %mul3A_368 = vector.broadcast %mul3A_367 : f32 to vector<16xf32>
        %mul3A_369 = arith.mulf %add3A_366, %mul3A_368 : vector<16xf32>
        %swap3A_370 = arith.index_cast %scan3A_184 : i32 to index
        %swap3A_371 = arith.constant 16 : index
        %swap3A_372 = tpu.vector_load %arg7[%swap3A_370, %swap3A_371] {strides = array<i32>} : memref<8x128xf32, #tpu.memory_space<vmem>>, vector<1x16xf32>,
        %swap3A_373 = vector.shape_cast %swap3A_372 : vector<1x16xf32> to vector<16xf32>
        %swap3A_374 = vector.shape_cast %mul3A_369 : vector<16xf32> to vector<1x16xf32>
        tpu.vector_store %arg7[%swap3A_370, %swap3A_371], %swap3A_374 {strides = array<i32>} : memref<8x128xf32, #tpu.memory_space<vmem>>, vector<1x16xf32>,
        %get3A_375 = arith.constant 3 : i32
        %get3A_376 = arith.index_cast %get3A_375 : i32 to index
        %get3A_377 = arith.index_cast %mul3A_186 : i32 to index
        %get3A_378 = arith.constant 32 : index
        %get3A_379 = tpu.vector_load %arg6[%get3A_376, %get3A_377, %get3A_378] {strides = array<i32>} : memref<4x80x128xf32, #tpu.memory_space<vmem>>, vector<1x1x16xf32>,
        %get3A_380 = vector.shape_cast %get3A_379 : vector<1x1x16xf32> to vector<16xf32>
        %add3A_381 = arith.constant 1 : i32
        %add3A_382 = arith.addi %mul3A_186, %add3A_381 : i32
        %get3A_383 = arith.constant 3 : i32
        %get3A_384 = arith.index_cast %get3A_383 : i32 to index
        %get3A_385 = arith.index_cast %add3A_382 : i32 to index
        %get3A_386 = arith.constant 32 : index
        %get3A_387 = tpu.vector_load %arg6[%get3A_384, %get3A_385, %get3A_386] {strides = array<i32>} : memref<4x80x128xf32, #tpu.memory_space<vmem>>, vector<1x1x16xf32>,
        %get3A_388 = vector.shape_cast %get3A_387 : vector<1x1x16xf32> to vector<16xf32>
        %add3A_389 = arith.addf %get3A_380, %get3A_388 : vector<16xf32>
        %add3A_390 = arith.constant 2 : i32
        %add3A_391 = arith.addi %mul3A_186, %add3A_390 : i32
        %get3A_392 = arith.constant 3 : i32
        %get3A_393 = arith.index_cast %get3A_392 : i32 to index
        %get3A_394 = arith.index_cast %add3A_391 : i32 to index
        %get3A_395 = arith.constant 32 : index
        %get3A_396 = tpu.vector_load %arg6[%get3A_393, %get3A_394, %get3A_395] {strides = array<i32>} : memref<4x80x128xf32, #tpu.memory_space<vmem>>, vector<1x1x16xf32>,
        %get3A_397 = vector.shape_cast %get3A_396 : vector<1x1x16xf32> to vector<16xf32>
        %add3A_398 = arith.addf %add3A_389, %get3A_397 : vector<16xf32>
        %add3A_399 = arith.constant 3 : i32
        %add3A_400 = arith.addi %mul3A_186, %add3A_399 : i32
        %get3A_401 = arith.constant 3 : i32
        %get3A_402 = arith.index_cast %get3A_401 : i32 to index
        %get3A_403 = arith.index_cast %add3A_400 : i32 to index
        %get3A_404 = arith.constant 32 : index
        %get3A_405 = tpu.vector_load %arg6[%get3A_402, %get3A_403, %get3A_404] {strides = array<i32>} : memref<4x80x128xf32, #tpu.memory_space<vmem>>, vector<1x1x16xf32>,
        %get3A_406 = vector.shape_cast %get3A_405 : vector<1x1x16xf32> to vector<16xf32>
        %add3A_407 = arith.addf %add3A_398, %get3A_406 : vector<16xf32>
        %add3A_408 = arith.constant 4 : i32
        %add3A_409 = arith.addi %mul3A_186, %add3A_408 : i32
        %get3A_410 = arith.constant 3 : i32
        %get3A_411 = arith.index_cast %get3A_410 : i32 to index
        %get3A_412 = arith.index_cast %add3A_409 : i32 to index
        %get3A_413 = arith.constant 32 : index
        %get3A_414 = tpu.vector_load %arg6[%get3A_411, %get3A_412, %get3A_413] {strides = array<i32>} : memref<4x80x128xf32, #tpu.memory_space<vmem>>, vector<1x1x16xf32>,
        %get3A_415 = vector.shape_cast %get3A_414 : vector<1x1x16xf32> to vector<16xf32>
        %add3A_416 = arith.addf %add3A_407, %get3A_415 : vector<16xf32>
        %add3A_417 = arith.constant 5 : i32
        %add3A_418 = arith.addi %mul3A_186, %add3A_417 : i32
        %get3A_419 = arith.constant 3 : i32
        %get3A_420 = arith.index_cast %get3A_419 : i32 to index
        %get3A_421 = arith.index_cast %add3A_418 : i32 to index
        %get3A_422 = arith.constant 32 : index
        %get3A_423 = tpu.vector_load %arg6[%get3A_420, %get3A_421, %get3A_422] {strides = array<i32>} : memref<4x80x128xf32, #tpu.memory_space<vmem>>, vector<1x1x16xf32>,
        %get3A_424 = vector.shape_cast %get3A_423 : vector<1x1x16xf32> to vector<16xf32>
        %add3A_425 = arith.addf %add3A_416, %get3A_424 : vector<16xf32>
        %add3A_426 = arith.constant 6 : i32
        %add3A_427 = arith.addi %mul3A_186, %add3A_426 : i32
        %get3A_428 = arith.constant 3 : i32
        %get3A_429 = arith.index_cast %get3A_428 : i32 to index
        %get3A_430 = arith.index_cast %add3A_427 : i32 to index
        %get3A_431 = arith.constant 32 : index
        %get3A_432 = tpu.vector_load %arg6[%get3A_429, %get3A_430, %get3A_431] {strides = array<i32>} : memref<4x80x128xf32, #tpu.memory_space<vmem>>, vector<1x1x16xf32>,
        %get3A_433 = vector.shape_cast %get3A_432 : vector<1x1x16xf32> to vector<16xf32>
        %add3A_434 = arith.addf %add3A_425, %get3A_433 : vector<16xf32>
        %add3A_435 = arith.constant 7 : i32
        %add3A_436 = arith.addi %mul3A_186, %add3A_435 : i32
        %get3A_437 = arith.constant 3 : i32
        %get3A_438 = arith.index_cast %get3A_437 : i32 to index
        %get3A_439 = arith.index_cast %add3A_436 : i32 to index
        %get3A_440 = arith.constant 32 : index
        %get3A_441 = tpu.vector_load %arg6[%get3A_438, %get3A_439, %get3A_440] {strides = array<i32>} : memref<4x80x128xf32, #tpu.memory_space<vmem>>, vector<1x1x16xf32>,
        %get3A_442 = vector.shape_cast %get3A_441 : vector<1x1x16xf32> to vector<16xf32>
        %add3A_443 = arith.addf %add3A_434, %get3A_442 : vector<16xf32>
        %add3A_444 = arith.constant 8 : i32
        %add3A_445 = arith.addi %mul3A_186, %add3A_444 : i32
        %get3A_446 = arith.constant 3 : i32
        %get3A_447 = arith.index_cast %get3A_446 : i32 to index
        %get3A_448 = arith.index_cast %add3A_445 : i32 to index
        %get3A_449 = arith.constant 32 : index
        %get3A_450 = tpu.vector_load %arg6[%get3A_447, %get3A_448, %get3A_449] {strides = array<i32>} : memref<4x80x128xf32, #tpu.memory_space<vmem>>, vector<1x1x16xf32>,
        %get3A_451 = vector.shape_cast %get3A_450 : vector<1x1x16xf32> to vector<16xf32>
        %add3A_452 = arith.addf %add3A_443, %get3A_451 : vector<16xf32>
        %add3A_453 = arith.constant 9 : i32
        %add3A_454 = arith.addi %mul3A_186, %add3A_453 : i32
        %get3A_455 = arith.constant 3 : i32
        %get3A_456 = arith.index_cast %get3A_455 : i32 to index
        %get3A_457 = arith.index_cast %add3A_454 : i32 to index
        %get3A_458 = arith.constant 32 : index
        %get3A_459 = tpu.vector_load %arg6[%get3A_456, %get3A_457, %get3A_458] {strides = array<i32>} : memref<4x80x128xf32, #tpu.memory_space<vmem>>, vector<1x1x16xf32>,
        %get3A_460 = vector.shape_cast %get3A_459 : vector<1x1x16xf32> to vector<16xf32>
        %add3A_461 = arith.addf %add3A_452, %get3A_460 : vector<16xf32>
        %mul3A_462 = arith.constant 1.000000e-01 : f32
        %mul3A_463 = vector.broadcast %mul3A_462 : f32 to vector<16xf32>
        %mul3A_464 = arith.mulf %add3A_461, %mul3A_463 : vector<16xf32>
        %swap3A_465 = arith.index_cast %scan3A_184 : i32 to index
        %swap3A_466 = arith.constant 32 : index
        %swap3A_467 = tpu.vector_load %arg7[%swap3A_465, %swap3A_466] {strides = array<i32>} : memref<8x128xf32, #tpu.memory_space<vmem>>, vector<1x16xf32>,
        %swap3A_468 = vector.shape_cast %swap3A_467 : vector<1x16xf32> to vector<16xf32>
        %swap3A_469 = vector.shape_cast %mul3A_464 : vector<16xf32> to vector<1x16xf32>
        tpu.vector_store %arg7[%swap3A_465, %swap3A_466], %swap3A_469 {strides = array<i32>} : memref<8x128xf32, #tpu.memory_space<vmem>>, vector<1x16xf32>,
        %get3A_470 = arith.constant 3 : i32
        %get3A_471 = arith.index_cast %get3A_470 : i32 to index
        %get3A_472 = arith.index_cast %mul3A_186 : i32 to index
        %get3A_473 = arith.constant 48 : index
        %get3A_474 = tpu.vector_load %arg6[%get3A_471, %get3A_472, %get3A_473] {strides = array<i32>} : memref<4x80x128xf32, #tpu.memory_space<vmem>>, vector<1x1x16xf32>,
        %get3A_475 = vector.shape_cast %get3A_474 : vector<1x1x16xf32> to vector<16xf32>
        %add3A_476 = arith.constant 1 : i32
        %add3A_477 = arith.addi %mul3A_186, %add3A_476 : i32
        %get3A_478 = arith.constant 3 : i32
        %get3A_479 = arith.index_cast %get3A_478 : i32 to index
        %get3A_480 = arith.index_cast %add3A_477 : i32 to index
        %get3A_481 = arith.constant 48 : index
        %get3A_482 = tpu.vector_load %arg6[%get3A_479, %get3A_480, %get3A_481] {strides = array<i32>} : memref<4x80x128xf32, #tpu.memory_space<vmem>>, vector<1x1x16xf32>,
        %get3A_483 = vector.shape_cast %get3A_482 : vector<1x1x16xf32> to vector<16xf32>
        %add3A_484 = arith.addf %get3A_475, %get3A_483 : vector<16xf32>
        %add3A_485 = arith.constant 2 : i32
        %add3A_486 = arith.addi %mul3A_186, %add3A_485 : i32
        %get3A_487 = arith.constant 3 : i32
        %get3A_488 = arith.index_cast %get3A_487 : i32 to index
        %get3A_489 = arith.index_cast %add3A_486 : i32 to index
        %get3A_490 = arith.constant 48 : index
        %get3A_491 = tpu.vector_load %arg6[%get3A_488, %get3A_489, %get3A_490] {strides = array<i32>} : memref<4x80x128xf32, #tpu.memory_space<vmem>>, vector<1x1x16xf32>,
        %get3A_492 = vector.shape_cast %get3A_491 : vector<1x1x16xf32> to vector<16xf32>
        %add3A_493 = arith.addf %add3A_484, %get3A_492 : vector<16xf32>
        %add3A_494 = arith.constant 3 : i32
        %add3A_495 = arith.addi %mul3A_186, %add3A_494 : i32
        %get3A_496 = arith.constant 3 : i32
        %get3A_497 = arith.index_cast %get3A_496 : i32 to index
        %get3A_498 = arith.index_cast %add3A_495 : i32 to index
        %get3A_499 = arith.constant 48 : index
        %get3A_500 = tpu.vector_load %arg6[%get3A_497, %get3A_498, %get3A_499] {strides = array<i32>} : memref<4x80x128xf32, #tpu.memory_space<vmem>>, vector<1x1x16xf32>,
        %get3A_501 = vector.shape_cast %get3A_500 : vector<1x1x16xf32> to vector<16xf32>
        %add3A_502 = arith.addf %add3A_493, %get3A_501 : vector<16xf32>
        %add3A_503 = arith.constant 4 : i32
        %add3A_504 = arith.addi %mul3A_186, %add3A_503 : i32
        %get3A_505 = arith.constant 3 : i32
        %get3A_506 = arith.index_cast %get3A_505 : i32 to index
        %get3A_507 = arith.index_cast %add3A_504 : i32 to index
        %get3A_508 = arith.constant 48 : index
        %get3A_509 = tpu.vector_load %arg6[%get3A_506, %get3A_507, %get3A_508] {strides = array<i32>} : memref<4x80x128xf32, #tpu.memory_space<vmem>>, vector<1x1x16xf32>,
        %get3A_510 = vector.shape_cast %get3A_509 : vector<1x1x16xf32> to vector<16xf32>
        %add3A_511 = arith.addf %add3A_502, %get3A_510 : vector<16xf32>
        %add3A_512 = arith.constant 5 : i32
        %add3A_513 = arith.addi %mul3A_186, %add3A_512 : i32
        %get3A_514 = arith.constant 3 : i32
        %get3A_515 = arith.index_cast %get3A_514 : i32 to index
        %get3A_516 = arith.index_cast %add3A_513 : i32 to index
        %get3A_517 = arith.constant 48 : index
        %get3A_518 = tpu.vector_load %arg6[%get3A_515, %get3A_516, %get3A_517] {strides = array<i32>} : memref<4x80x128xf32, #tpu.memory_space<vmem>>, vector<1x1x16xf32>,
        %get3A_519 = vector.shape_cast %get3A_518 : vector<1x1x16xf32> to vector<16xf32>
        %add3A_520 = arith.addf %add3A_511, %get3A_519 : vector<16xf32>
        %add3A_521 = arith.constant 6 : i32
        %add3A_522 = arith.addi %mul3A_186, %add3A_521 : i32
        %get3A_523 = arith.constant 3 : i32
        %get3A_524 = arith.index_cast %get3A_523 : i32 to index
        %get3A_525 = arith.index_cast %add3A_522 : i32 to index
        %get3A_526 = arith.constant 48 : index
        %get3A_527 = tpu.vector_load %arg6[%get3A_524, %get3A_525, %get3A_526] {strides = array<i32>} : memref<4x80x128xf32, #tpu.memory_space<vmem>>, vector<1x1x16xf32>,
        %get3A_528 = vector.shape_cast %get3A_527 : vector<1x1x16xf32> to vector<16xf32>
        %add3A_529 = arith.addf %add3A_520, %get3A_528 : vector<16xf32>
        %add3A_530 = arith.constant 7 : i32
        %add3A_531 = arith.addi %mul3A_186, %add3A_530 : i32
        %get3A_532 = arith.constant 3 : i32
        %get3A_533 = arith.index_cast %get3A_532 : i32 to index
        %get3A_534 = arith.index_cast %add3A_531 : i32 to index
        %get3A_535 = arith.constant 48 : index
        %get3A_536 = tpu.vector_load %arg6[%get3A_533, %get3A_534, %get3A_535] {strides = array<i32>} : memref<4x80x128xf32, #tpu.memory_space<vmem>>, vector<1x1x16xf32>,
        %get3A_537 = vector.shape_cast %get3A_536 : vector<1x1x16xf32> to vector<16xf32>
        %add3A_538 = arith.addf %add3A_529, %get3A_537 : vector<16xf32>
        %add3A_539 = arith.constant 8 : i32
        %add3A_540 = arith.addi %mul3A_186, %add3A_539 : i32
        %get3A_541 = arith.constant 3 : i32
        %get3A_542 = arith.index_cast %get3A_541 : i32 to index
        %get3A_543 = arith.index_cast %add3A_540 : i32 to index
        %get3A_544 = arith.constant 48 : index
        %get3A_545 = tpu.vector_load %arg6[%get3A_542, %get3A_543, %get3A_544] {strides = array<i32>} : memref<4x80x128xf32, #tpu.memory_space<vmem>>, vector<1x1x16xf32>,
        %get3A_546 = vector.shape_cast %get3A_545 : vector<1x1x16xf32> to vector<16xf32>
        %add3A_547 = arith.addf %add3A_538, %get3A_546 : vector<16xf32>
        %add3A_548 = arith.constant 9 : i32
        %add3A_549 = arith.addi %mul3A_186, %add3A_548 : i32
        %get3A_550 = arith.constant 3 : i32
        %get3A_551 = arith.index_cast %get3A_550 : i32 to index
        %get3A_552 = arith.index_cast %add3A_549 : i32 to index
        %get3A_553 = arith.constant 48 : index
        %get3A_554 = tpu.vector_load %arg6[%get3A_551, %get3A_552, %get3A_553] {strides = array<i32>} : memref<4x80x128xf32, #tpu.memory_space<vmem>>, vector<1x1x16xf32>,
        %get3A_555 = vector.shape_cast %get3A_554 : vector<1x1x16xf32> to vector<16xf32>
        %add3A_556 = arith.addf %add3A_547, %get3A_555 : vector<16xf32>
        %mul3A_557 = arith.constant 1.000000e-01 : f32
        %mul3A_558 = vector.broadcast %mul3A_557 : f32 to vector<16xf32>
        %mul3A_559 = arith.mulf %add3A_556, %mul3A_558 : vector<16xf32>
        %swap3A_560 = arith.index_cast %scan3A_184 : i32 to index
        %swap3A_561 = arith.constant 48 : index
        %swap3A_562 = tpu.vector_load %arg7[%swap3A_560, %swap3A_561] {strides = array<i32>} : memref<8x128xf32, #tpu.memory_space<vmem>>, vector<1x16xf32>,
        %swap3A_563 = vector.shape_cast %swap3A_562 : vector<1x16xf32> to vector<16xf32>
        %swap3A_564 = vector.shape_cast %mul3A_559 : vector<16xf32> to vector<1x16xf32>
        tpu.vector_store %arg7[%swap3A_560, %swap3A_561], %swap3A_564 {strides = array<i32>} : memref<8x128xf32, #tpu.memory_space<vmem>>, vector<1x16xf32>,
        %get3A_565 = arith.constant 3 : i32
        %get3A_566 = arith.index_cast %get3A_565 : i32 to index
        %get3A_567 = arith.index_cast %mul3A_186 : i32 to index
        %get3A_568 = arith.constant 64 : index
        %get3A_569 = tpu.vector_load %arg6[%get3A_566, %get3A_567, %get3A_568] {strides = array<i32>} : memref<4x80x128xf32, #tpu.memory_space<vmem>>, vector<1x1x16xf32>,
        %get3A_570 = vector.shape_cast %get3A_569 : vector<1x1x16xf32> to vector<16xf32>
        %add3A_571 = arith.constant 1 : i32
        %add3A_572 = arith.addi %mul3A_186, %add3A_571 : i32
        %get3A_573 = arith.constant 3 : i32
        %get3A_574 = arith.index_cast %get3A_573 : i32 to index
        %get3A_575 = arith.index_cast %add3A_572 : i32 to index
        %get3A_576 = arith.constant 64 : index
        %get3A_577 = tpu.vector_load %arg6[%get3A_574, %get3A_575, %get3A_576] {strides = array<i32>} : memref<4x80x128xf32, #tpu.memory_space<vmem>>, vector<1x1x16xf32>,
        %get3A_578 = vector.shape_cast %get3A_577 : vector<1x1x16xf32> to vector<16xf32>
        %add3A_579 = arith.addf %get3A_570, %get3A_578 : vector<16xf32>
        %add3A_580 = arith.constant 2 : i32
        %add3A_581 = arith.addi %mul3A_186, %add3A_580 : i32
        %get3A_582 = arith.constant 3 : i32
        %get3A_583 = arith.index_cast %get3A_582 : i32 to index
        %get3A_584 = arith.index_cast %add3A_581 : i32 to index
        %get3A_585 = arith.constant 64 : index
        %get3A_586 = tpu.vector_load %arg6[%get3A_583, %get3A_584, %get3A_585] {strides = array<i32>} : memref<4x80x128xf32, #tpu.memory_space<vmem>>, vector<1x1x16xf32>,
        %get3A_587 = vector.shape_cast %get3A_586 : vector<1x1x16xf32> to vector<16xf32>
        %add3A_588 = arith.addf %add3A_579, %get3A_587 : vector<16xf32>
        %add3A_589 = arith.constant 3 : i32
        %add3A_590 = arith.addi %mul3A_186, %add3A_589 : i32
        %get3A_591 = arith.constant 3 : i32
        %get3A_592 = arith.index_cast %get3A_591 : i32 to index
        %get3A_593 = arith.index_cast %add3A_590 : i32 to index
        %get3A_594 = arith.constant 64 : index
        %get3A_595 = tpu.vector_load %arg6[%get3A_592, %get3A_593, %get3A_594] {strides = array<i32>} : memref<4x80x128xf32, #tpu.memory_space<vmem>>, vector<1x1x16xf32>,
        %get3A_596 = vector.shape_cast %get3A_595 : vector<1x1x16xf32> to vector<16xf32>
        %add3A_597 = arith.addf %add3A_588, %get3A_596 : vector<16xf32>
        %add3A_598 = arith.constant 4 : i32
        %add3A_599 = arith.addi %mul3A_186, %add3A_598 : i32
        %get3A_600 = arith.constant 3 : i32
        %get3A_601 = arith.index_cast %get3A_600 : i32 to index
        %get3A_602 = arith.index_cast %add3A_599 : i32 to index
        %get3A_603 = arith.constant 64 : index
        %get3A_604 = tpu.vector_load %arg6[%get3A_601, %get3A_602, %get3A_603] {strides = array<i32>} : memref<4x80x128xf32, #tpu.memory_space<vmem>>, vector<1x1x16xf32>,
        %get3A_605 = vector.shape_cast %get3A_604 : vector<1x1x16xf32> to vector<16xf32>
        %add3A_606 = arith.addf %add3A_597, %get3A_605 : vector<16xf32>
        %add3A_607 = arith.constant 5 : i32
        %add3A_608 = arith.addi %mul3A_186, %add3A_607 : i32
        %get3A_609 = arith.constant 3 : i32
        %get3A_610 = arith.index_cast %get3A_609 : i32 to index
        %get3A_611 = arith.index_cast %add3A_608 : i32 to index
        %get3A_612 = arith.constant 64 : index
        %get3A_613 = tpu.vector_load %arg6[%get3A_610, %get3A_611, %get3A_612] {strides = array<i32>} : memref<4x80x128xf32, #tpu.memory_space<vmem>>, vector<1x1x16xf32>,
        %get3A_614 = vector.shape_cast %get3A_613 : vector<1x1x16xf32> to vector<16xf32>
        %add3A_615 = arith.addf %add3A_606, %get3A_614 : vector<16xf32>
        %add3A_616 = arith.constant 6 : i32
        %add3A_617 = arith.addi %mul3A_186, %add3A_616 : i32
        %get3A_618 = arith.constant 3 : i32
        %get3A_619 = arith.index_cast %get3A_618 : i32 to index
        %get3A_620 = arith.index_cast %add3A_617 : i32 to index
        %get3A_621 = arith.constant 64 : index
        %get3A_622 = tpu.vector_load %arg6[%get3A_619, %get3A_620, %get3A_621] {strides = array<i32>} : memref<4x80x128xf32, #tpu.memory_space<vmem>>, vector<1x1x16xf32>,
        %get3A_623 = vector.shape_cast %get3A_622 : vector<1x1x16xf32> to vector<16xf32>
        %add3A_624 = arith.addf %add3A_615, %get3A_623 : vector<16xf32>
        %add3A_625 = arith.constant 7 : i32
        %add3A_626 = arith.addi %mul3A_186, %add3A_625 : i32
        %get3A_627 = arith.constant 3 : i32
        %get3A_628 = arith.index_cast %get3A_627 : i32 to index
        %get3A_629 = arith.index_cast %add3A_626 : i32 to index
        %get3A_630 = arith.constant 64 : index
        %get3A_631 = tpu.vector_load %arg6[%get3A_628, %get3A_629, %get3A_630] {strides = array<i32>} : memref<4x80x128xf32, #tpu.memory_space<vmem>>, vector<1x1x16xf32>,
        %get3A_632 = vector.shape_cast %get3A_631 : vector<1x1x16xf32> to vector<16xf32>
        %add3A_633 = arith.addf %add3A_624, %get3A_632 : vector<16xf32>
        %add3A_634 = arith.constant 8 : i32
        %add3A_635 = arith.addi %mul3A_186, %add3A_634 : i32
        %get3A_636 = arith.constant 3 : i32
        %get3A_637 = arith.index_cast %get3A_636 : i32 to index
        %get3A_638 = arith.index_cast %add3A_635 : i32 to index
        %get3A_639 = arith.constant 64 : index
        %get3A_640 = tpu.vector_load %arg6[%get3A_637, %get3A_638, %get3A_639] {strides = array<i32>} : memref<4x80x128xf32, #tpu.memory_space<vmem>>, vector<1x1x16xf32>,
        %get3A_641 = vector.shape_cast %get3A_640 : vector<1x1x16xf32> to vector<16xf32>
        %add3A_642 = arith.addf %add3A_633, %get3A_641 : vector<16xf32>
        %add3A_643 = arith.constant 9 : i32
        %add3A_644 = arith.addi %mul3A_186, %add3A_643 : i32
        %get3A_645 = arith.constant 3 : i32
        %get3A_646 = arith.index_cast %get3A_645 : i32 to index
        %get3A_647 = arith.index_cast %add3A_644 : i32 to index
        %get3A_648 = arith.constant 64 : index
        %get3A_649 = tpu.vector_load %arg6[%get3A_646, %get3A_647, %get3A_648] {strides = array<i32>} : memref<4x80x128xf32, #tpu.memory_space<vmem>>, vector<1x1x16xf32>,
        %get3A_650 = vector.shape_cast %get3A_649 : vector<1x1x16xf32> to vector<16xf32>
        %add3A_651 = arith.addf %add3A_642, %get3A_650 : vector<16xf32>
        %mul3A_652 = arith.constant 1.000000e-01 : f32
        %mul3A_653 = vector.broadcast %mul3A_652 : f32 to vector<16xf32>
        %mul3A_654 = arith.mulf %add3A_651, %mul3A_653 : vector<16xf32>
        %swap3A_655 = arith.index_cast %scan3A_184 : i32 to index
        %swap3A_656 = arith.constant 64 : index
        %swap3A_657 = tpu.vector_load %arg7[%swap3A_655, %swap3A_656] {strides = array<i32>} : memref<8x128xf32, #tpu.memory_space<vmem>>, vector<1x16xf32>,
        %swap3A_658 = vector.shape_cast %swap3A_657 : vector<1x16xf32> to vector<16xf32>
        %swap3A_659 = vector.shape_cast %mul3A_654 : vector<16xf32> to vector<1x16xf32>
        tpu.vector_store %arg7[%swap3A_655, %swap3A_656], %swap3A_659 {strides = array<i32>} : memref<8x128xf32, #tpu.memory_space<vmem>>, vector<1x16xf32>,
        %get3A_660 = arith.constant 3 : i32
        %get3A_661 = arith.index_cast %get3A_660 : i32 to index
        %get3A_662 = arith.index_cast %mul3A_186 : i32 to index
        %get3A_663 = arith.constant 80 : index
        %get3A_664 = tpu.vector_load %arg6[%get3A_661, %get3A_662, %get3A_663] {strides = array<i32>} : memref<4x80x128xf32, #tpu.memory_space<vmem>>, vector<1x1x16xf32>,
        %get3A_665 = vector.shape_cast %get3A_664 : vector<1x1x16xf32> to vector<16xf32>
        %add3A_666 = arith.constant 1 : i32
        %add3A_667 = arith.addi %mul3A_186, %add3A_666 : i32
        %get3A_668 = arith.constant 3 : i32
        %get3A_669 = arith.index_cast %get3A_668 : i32 to index
        %get3A_670 = arith.index_cast %add3A_667 : i32 to index
        %get3A_671 = arith.constant 80 : index
        %get3A_672 = tpu.vector_load %arg6[%get3A_669, %get3A_670, %get3A_671] {strides = array<i32>} : memref<4x80x128xf32, #tpu.memory_space<vmem>>, vector<1x1x16xf32>,
        %get3A_673 = vector.shape_cast %get3A_672 : vector<1x1x16xf32> to vector<16xf32>
        %add3A_674 = arith.addf %get3A_665, %get3A_673 : vector<16xf32>
        %add3A_675 = arith.constant 2 : i32
        %add3A_676 = arith.addi %mul3A_186, %add3A_675 : i32
        %get3A_677 = arith.constant 3 : i32
        %get3A_678 = arith.index_cast %get3A_677 : i32 to index
        %get3A_679 = arith.index_cast %add3A_676 : i32 to index
        %get3A_680 = arith.constant 80 : index
        %get3A_681 = tpu.vector_load %arg6[%get3A_678, %get3A_679, %get3A_680] {strides = array<i32>} : memref<4x80x128xf32, #tpu.memory_space<vmem>>, vector<1x1x16xf32>,
        %get3A_682 = vector.shape_cast %get3A_681 : vector<1x1x16xf32> to vector<16xf32>
        %add3A_683 = arith.addf %add3A_674, %get3A_682 : vector<16xf32>
        %add3A_684 = arith.constant 3 : i32
        %add3A_685 = arith.addi %mul3A_186, %add3A_684 : i32
        %get3A_686 = arith.constant 3 : i32
        %get3A_687 = arith.index_cast %get3A_686 : i32 to index
        %get3A_688 = arith.index_cast %add3A_685 : i32 to index
        %get3A_689 = arith.constant 80 : index
        %get3A_690 = tpu.vector_load %arg6[%get3A_687, %get3A_688, %get3A_689] {strides = array<i32>} : memref<4x80x128xf32, #tpu.memory_space<vmem>>, vector<1x1x16xf32>,
        %get3A_691 = vector.shape_cast %get3A_690 : vector<1x1x16xf32> to vector<16xf32>
        %add3A_692 = arith.addf %add3A_683, %get3A_691 : vector<16xf32>
        %add3A_693 = arith.constant 4 : i32
        %add3A_694 = arith.addi %mul3A_186, %add3A_693 : i32
        %get3A_695 = arith.constant 3 : i32
        %get3A_696 = arith.index_cast %get3A_695 : i32 to index
        %get3A_697 = arith.index_cast %add3A_694 : i32 to index
        %get3A_698 = arith.constant 80 : index
        %get3A_699 = tpu.vector_load %arg6[%get3A_696, %get3A_697, %get3A_698] {strides = array<i32>} : memref<4x80x128xf32, #tpu.memory_space<vmem>>, vector<1x1x16xf32>,
        %get3A_700 = vector.shape_cast %get3A_699 : vector<1x1x16xf32> to vector<16xf32>
        %add3A_701 = arith.addf %add3A_692, %get3A_700 : vector<16xf32>
        %add3A_702 = arith.constant 5 : i32
        %add3A_703 = arith.addi %mul3A_186, %add3A_702 : i32
        %get3A_704 = arith.constant 3 : i32
        %get3A_705 = arith.index_cast %get3A_704 : i32 to index
        %get3A_706 = arith.index_cast %add3A_703 : i32 to index
        %get3A_707 = arith.constant 80 : index
        %get3A_708 = tpu.vector_load %arg6[%get3A_705, %get3A_706, %get3A_707] {strides = array<i32>} : memref<4x80x128xf32, #tpu.memory_space<vmem>>, vector<1x1x16xf32>,
        %get3A_709 = vector.shape_cast %get3A_708 : vector<1x1x16xf32> to vector<16xf32>
        %add3A_710 = arith.addf %add3A_701, %get3A_709 : vector<16xf32>
        %add3A_711 = arith.constant 6 : i32
        %add3A_712 = arith.addi %mul3A_186, %add3A_711 : i32
        %get3A_713 = arith.constant 3 : i32
        %get3A_714 = arith.index_cast %get3A_713 : i32 to index
        %get3A_715 = arith.index_cast %add3A_712 : i32 to index
        %get3A_716 = arith.constant 80 : index
        %get3A_717 = tpu.vector_load %arg6[%get3A_714, %get3A_715, %get3A_716] {strides = array<i32>} : memref<4x80x128xf32, #tpu.memory_space<vmem>>, vector<1x1x16xf32>,
        %get3A_718 = vector.shape_cast %get3A_717 : vector<1x1x16xf32> to vector<16xf32>
        %add3A_719 = arith.addf %add3A_710, %get3A_718 : vector<16xf32>
        %add3A_720 = arith.constant 7 : i32
        %add3A_721 = arith.addi %mul3A_186, %add3A_720 : i32
        %get3A_722 = arith.constant 3 : i32
        %get3A_723 = arith.index_cast %get3A_722 : i32 to index
        %get3A_724 = arith.index_cast %add3A_721 : i32 to index
        %get3A_725 = arith.constant 80 : index
        %get3A_726 = tpu.vector_load %arg6[%get3A_723, %get3A_724, %get3A_725] {strides = array<i32>} : memref<4x80x128xf32, #tpu.memory_space<vmem>>, vector<1x1x16xf32>,
        %get3A_727 = vector.shape_cast %get3A_726 : vector<1x1x16xf32> to vector<16xf32>
        %add3A_728 = arith.addf %add3A_719, %get3A_727 : vector<16xf32>
        %add3A_729 = arith.constant 8 : i32
        %add3A_730 = arith.addi %mul3A_186, %add3A_729 : i32
        %get3A_731 = arith.constant 3 : i32
        %get3A_732 = arith.index_cast %get3A_731 : i32 to index
        %get3A_733 = arith.index_cast %add3A_730 : i32 to index
        %get3A_734 = arith.constant 80 : index
        %get3A_735 = tpu.vector_load %arg6[%get3A_732, %get3A_733, %get3A_734] {strides = array<i32>} : memref<4x80x128xf32, #tpu.memory_space<vmem>>, vector<1x1x16xf32>,
        %get3A_736 = vector.shape_cast %get3A_735 : vector<1x1x16xf32> to vector<16xf32>
        %add3A_737 = arith.addf %add3A_728, %get3A_736 : vector<16xf32>
        %add3A_738 = arith.constant 9 : i32
        %add3A_739 = arith.addi %mul3A_186, %add3A_738 : i32
        %get3A_740 = arith.constant 3 : i32
        %get3A_741 = arith.index_cast %get3A_740 : i32 to index
        %get3A_742 = arith.index_cast %add3A_739 : i32 to index
        %get3A_743 = arith.constant 80 : index
        %get3A_744 = tpu.vector_load %arg6[%get3A_741, %get3A_742, %get3A_743] {strides = array<i32>} : memref<4x80x128xf32, #tpu.memory_space<vmem>>, vector<1x1x16xf32>,
        %get3A_745 = vector.shape_cast %get3A_744 : vector<1x1x16xf32> to vector<16xf32>
        %add3A_746 = arith.addf %add3A_737, %get3A_745 : vector<16xf32>
        %mul3A_747 = arith.constant 1.000000e-01 : f32
        %mul3A_748 = vector.broadcast %mul3A_747 : f32 to vector<16xf32>
        %mul3A_749 = arith.mulf %add3A_746, %mul3A_748 : vector<16xf32>
        %swap3A_750 = arith.index_cast %scan3A_184 : i32 to index
        %swap3A_751 = arith.constant 80 : index
        %swap3A_752 = tpu.vector_load %arg7[%swap3A_750, %swap3A_751] {strides = array<i32>} : memref<8x128xf32, #tpu.memory_space<vmem>>, vector<1x16xf32>,
        %swap3A_753 = vector.shape_cast %swap3A_752 : vector<1x16xf32> to vector<16xf32>
        %swap3A_754 = vector.shape_cast %mul3A_749 : vector<16xf32> to vector<1x16xf32>
        tpu.vector_store %arg7[%swap3A_750, %swap3A_751], %swap3A_754 {strides = array<i32>} : memref<8x128xf32, #tpu.memory_space<vmem>>, vector<1x16xf32>,
        %get3A_755 = arith.constant 3 : i32
        %get3A_756 = arith.index_cast %get3A_755 : i32 to index
        %get3A_757 = arith.index_cast %mul3A_186 : i32 to index
        %get3A_758 = arith.constant 96 : index
        %get3A_759 = tpu.vector_load %arg6[%get3A_756, %get3A_757, %get3A_758] {strides = array<i32>} : memref<4x80x128xf32, #tpu.memory_space<vmem>>, vector<1x1x16xf32>,
        %get3A_760 = vector.shape_cast %get3A_759 : vector<1x1x16xf32> to vector<16xf32>
        %add3A_761 = arith.constant 1 : i32
        %add3A_762 = arith.addi %mul3A_186, %add3A_761 : i32
        %get3A_763 = arith.constant 3 : i32
        %get3A_764 = arith.index_cast %get3A_763 : i32 to index
        %get3A_765 = arith.index_cast %add3A_762 : i32 to index
        %get3A_766 = arith.constant 96 : index
        %get3A_767 = tpu.vector_load %arg6[%get3A_764, %get3A_765, %get3A_766] {strides = array<i32>} : memref<4x80x128xf32, #tpu.memory_space<vmem>>, vector<1x1x16xf32>,
        %get3A_768 = vector.shape_cast %get3A_767 : vector<1x1x16xf32> to vector<16xf32>
        %add3A_769 = arith.addf %get3A_760, %get3A_768 : vector<16xf32>
        %add3A_770 = arith.constant 2 : i32
        %add3A_771 = arith.addi %mul3A_186, %add3A_770 : i32
        %get3A_772 = arith.constant 3 : i32
        %get3A_773 = arith.index_cast %get3A_772 : i32 to index
        %get3A_774 = arith.index_cast %add3A_771 : i32 to index
        %get3A_775 = arith.constant 96 : index
        %get3A_776 = tpu.vector_load %arg6[%get3A_773, %get3A_774, %get3A_775] {strides = array<i32>} : memref<4x80x128xf32, #tpu.memory_space<vmem>>, vector<1x1x16xf32>,
        %get3A_777 = vector.shape_cast %get3A_776 : vector<1x1x16xf32> to vector<16xf32>
        %add3A_778 = arith.addf %add3A_769, %get3A_777 : vector<16xf32>
        %add3A_779 = arith.constant 3 : i32
        %add3A_780 = arith.addi %mul3A_186, %add3A_779 : i32
        %get3A_781 = arith.constant 3 : i32
        %get3A_782 = arith.index_cast %get3A_781 : i32 to index
        %get3A_783 = arith.index_cast %add3A_780 : i32 to index
        %get3A_784 = arith.constant 96 : index
        %get3A_785 = tpu.vector_load %arg6[%get3A_782, %get3A_783, %get3A_784] {strides = array<i32>} : memref<4x80x128xf32, #tpu.memory_space<vmem>>, vector<1x1x16xf32>,
        %get3A_786 = vector.shape_cast %get3A_785 : vector<1x1x16xf32> to vector<16xf32>
        %add3A_787 = arith.addf %add3A_778, %get3A_786 : vector<16xf32>
        %add3A_788 = arith.constant 4 : i32
        %add3A_789 = arith.addi %mul3A_186, %add3A_788 : i32
        %get3A_790 = arith.constant 3 : i32
        %get3A_791 = arith.index_cast %get3A_790 : i32 to index
        %get3A_792 = arith.index_cast %add3A_789 : i32 to index
        %get3A_793 = arith.constant 96 : index
        %get3A_794 = tpu.vector_load %arg6[%get3A_791, %get3A_792, %get3A_793] {strides = array<i32>} : memref<4x80x128xf32, #tpu.memory_space<vmem>>, vector<1x1x16xf32>,
        %get3A_795 = vector.shape_cast %get3A_794 : vector<1x1x16xf32> to vector<16xf32>
        %add3A_796 = arith.addf %add3A_787, %get3A_795 : vector<16xf32>
        %add3A_797 = arith.constant 5 : i32
        %add3A_798 = arith.addi %mul3A_186, %add3A_797 : i32
        %get3A_799 = arith.constant 3 : i32
        %get3A_800 = arith.index_cast %get3A_799 : i32 to index
        %get3A_801 = arith.index_cast %add3A_798 : i32 to index
        %get3A_802 = arith.constant 96 : index
        %get3A_803 = tpu.vector_load %arg6[%get3A_800, %get3A_801, %get3A_802] {strides = array<i32>} : memref<4x80x128xf32, #tpu.memory_space<vmem>>, vector<1x1x16xf32>,
        %get3A_804 = vector.shape_cast %get3A_803 : vector<1x1x16xf32> to vector<16xf32>
        %add3A_805 = arith.addf %add3A_796, %get3A_804 : vector<16xf32>
        %add3A_806 = arith.constant 6 : i32
        %add3A_807 = arith.addi %mul3A_186, %add3A_806 : i32
        %get3A_808 = arith.constant 3 : i32
        %get3A_809 = arith.index_cast %get3A_808 : i32 to index
        %get3A_810 = arith.index_cast %add3A_807 : i32 to index
        %get3A_811 = arith.constant 96 : index
        %get3A_812 = tpu.vector_load %arg6[%get3A_809, %get3A_810, %get3A_811] {strides = array<i32>} : memref<4x80x128xf32, #tpu.memory_space<vmem>>, vector<1x1x16xf32>,
        %get3A_813 = vector.shape_cast %get3A_812 : vector<1x1x16xf32> to vector<16xf32>
        %add3A_814 = arith.addf %add3A_805, %get3A_813 : vector<16xf32>
        %add3A_815 = arith.constant 7 : i32
        %add3A_816 = arith.addi %mul3A_186, %add3A_815 : i32
        %get3A_817 = arith.constant 3 : i32
        %get3A_818 = arith.index_cast %get3A_817 : i32 to index
        %get3A_819 = arith.index_cast %add3A_816 : i32 to index
        %get3A_820 = arith.constant 96 : index
        %get3A_821 = tpu.vector_load %arg6[%get3A_818, %get3A_819, %get3A_820] {strides = array<i32>} : memref<4x80x128xf32, #tpu.memory_space<vmem>>, vector<1x1x16xf32>,
        %get3A_822 = vector.shape_cast %get3A_821 : vector<1x1x16xf32> to vector<16xf32>
        %add3A_823 = arith.addf %add3A_814, %get3A_822 : vector<16xf32>
        %add3A_824 = arith.constant 8 : i32
        %add3A_825 = arith.addi %mul3A_186, %add3A_824 : i32
        %get3A_826 = arith.constant 3 : i32
        %get3A_827 = arith.index_cast %get3A_826 : i32 to index
        %get3A_828 = arith.index_cast %add3A_825 : i32 to index
        %get3A_829 = arith.constant 96 : index
        %get3A_830 = tpu.vector_load %arg6[%get3A_827, %get3A_828, %get3A_829] {strides = array<i32>} : memref<4x80x128xf32, #tpu.memory_space<vmem>>, vector<1x1x16xf32>,
        %get3A_831 = vector.shape_cast %get3A_830 : vector<1x1x16xf32> to vector<16xf32>
        %add3A_832 = arith.addf %add3A_823, %get3A_831 : vector<16xf32>
        %add3A_833 = arith.constant 9 : i32
        %add3A_834 = arith.addi %mul3A_186, %add3A_833 : i32
        %get3A_835 = arith.constant 3 : i32
        %get3A_836 = arith.index_cast %get3A_835 : i32 to index
        %get3A_837 = arith.index_cast %add3A_834 : i32 to index
        %get3A_838 = arith.constant 96 : index
        %get3A_839 = tpu.vector_load %arg6[%get3A_836, %get3A_837, %get3A_838] {strides = array<i32>} : memref<4x80x128xf32, #tpu.memory_space<vmem>>, vector<1x1x16xf32>,
        %get3A_840 = vector.shape_cast %get3A_839 : vector<1x1x16xf32> to vector<16xf32>
        %add3A_841 = arith.addf %add3A_832, %get3A_840 : vector<16xf32>
        %mul3A_842 = arith.constant 1.000000e-01 : f32
        %mul3A_843 = vector.broadcast %mul3A_842 : f32 to vector<16xf32>
        %mul3A_844 = arith.mulf %add3A_841, %mul3A_843 : vector<16xf32>
        %swap3A_845 = arith.index_cast %scan3A_184 : i32 to index
        %swap3A_846 = arith.constant 96 : index
        %swap3A_847 = tpu.vector_load %arg7[%swap3A_845, %swap3A_846] {strides = array<i32>} : memref<8x128xf32, #tpu.memory_space<vmem>>, vector<1x16xf32>,
        %swap3A_848 = vector.shape_cast %swap3A_847 : vector<1x16xf32> to vector<16xf32>
        %swap3A_849 = vector.shape_cast %mul3A_844 : vector<16xf32> to vector<1x16xf32>
        tpu.vector_store %arg7[%swap3A_845, %swap3A_846], %swap3A_849 {strides = array<i32>} : memref<8x128xf32, #tpu.memory_space<vmem>>, vector<1x16xf32>,
        %get3A_850 = arith.constant 3 : i32
        %get3A_851 = arith.index_cast %get3A_850 : i32 to index
        %get3A_852 = arith.index_cast %mul3A_186 : i32 to index
        %get3A_853 = arith.constant 112 : index
        %get3A_854 = tpu.vector_load %arg6[%get3A_851, %get3A_852, %get3A_853] {strides = array<i32>} : memref<4x80x128xf32, #tpu.memory_space<vmem>>, vector<1x1x16xf32>,
        %get3A_855 = vector.shape_cast %get3A_854 : vector<1x1x16xf32> to vector<16xf32>
        %add3A_856 = arith.constant 1 : i32
        %add3A_857 = arith.addi %mul3A_186, %add3A_856 : i32
        %get3A_858 = arith.constant 3 : i32
        %get3A_859 = arith.index_cast %get3A_858 : i32 to index
        %get3A_860 = arith.index_cast %add3A_857 : i32 to index
        %get3A_861 = arith.constant 112 : index
        %get3A_862 = tpu.vector_load %arg6[%get3A_859, %get3A_860, %get3A_861] {strides = array<i32>} : memref<4x80x128xf32, #tpu.memory_space<vmem>>, vector<1x1x16xf32>,
        %get3A_863 = vector.shape_cast %get3A_862 : vector<1x1x16xf32> to vector<16xf32>
        %add3A_864 = arith.addf %get3A_855, %get3A_863 : vector<16xf32>
        %add3A_865 = arith.constant 2 : i32
        %add3A_866 = arith.addi %mul3A_186, %add3A_865 : i32
        %get3A_867 = arith.constant 3 : i32
        %get3A_868 = arith.index_cast %get3A_867 : i32 to index
        %get3A_869 = arith.index_cast %add3A_866 : i32 to index
        %get3A_870 = arith.constant 112 : index
        %get3A_871 = tpu.vector_load %arg6[%get3A_868, %get3A_869, %get3A_870] {strides = array<i32>} : memref<4x80x128xf32, #tpu.memory_space<vmem>>, vector<1x1x16xf32>,
        %get3A_872 = vector.shape_cast %get3A_871 : vector<1x1x16xf32> to vector<16xf32>
        %add3A_873 = arith.addf %add3A_864, %get3A_872 : vector<16xf32>
        %add3A_874 = arith.constant 3 : i32
        %add3A_875 = arith.addi %mul3A_186, %add3A_874 : i32
        %get3A_876 = arith.constant 3 : i32
        %get3A_877 = arith.index_cast %get3A_876 : i32 to index
        %get3A_878 = arith.index_cast %add3A_875 : i32 to index
        %get3A_879 = arith.constant 112 : index
        %get3A_880 = tpu.vector_load %arg6[%get3A_877, %get3A_878, %get3A_879] {strides = array<i32>} : memref<4x80x128xf32, #tpu.memory_space<vmem>>, vector<1x1x16xf32>,
        %get3A_881 = vector.shape_cast %get3A_880 : vector<1x1x16xf32> to vector<16xf32>
        %add3A_882 = arith.addf %add3A_873, %get3A_881 : vector<16xf32>
        %add3A_883 = arith.constant 4 : i32
        %add3A_884 = arith.addi %mul3A_186, %add3A_883 : i32
        %get3A_885 = arith.constant 3 : i32
        %get3A_886 = arith.index_cast %get3A_885 : i32 to index
        %get3A_887 = arith.index_cast %add3A_884 : i32 to index
        %get3A_888 = arith.constant 112 : index
        %get3A_889 = tpu.vector_load %arg6[%get3A_886, %get3A_887, %get3A_888] {strides = array<i32>} : memref<4x80x128xf32, #tpu.memory_space<vmem>>, vector<1x1x16xf32>,
        %get3A_890 = vector.shape_cast %get3A_889 : vector<1x1x16xf32> to vector<16xf32>
        %add3A_891 = arith.addf %add3A_882, %get3A_890 : vector<16xf32>
        %add3A_892 = arith.constant 5 : i32
        %add3A_893 = arith.addi %mul3A_186, %add3A_892 : i32
        %get3A_894 = arith.constant 3 : i32
        %get3A_895 = arith.index_cast %get3A_894 : i32 to index
        %get3A_896 = arith.index_cast %add3A_893 : i32 to index
        %get3A_897 = arith.constant 112 : index
        %get3A_898 = tpu.vector_load %arg6[%get3A_895, %get3A_896, %get3A_897] {strides = array<i32>} : memref<4x80x128xf32, #tpu.memory_space<vmem>>, vector<1x1x16xf32>,
        %get3A_899 = vector.shape_cast %get3A_898 : vector<1x1x16xf32> to vector<16xf32>
        %add3A_900 = arith.addf %add3A_891, %get3A_899 : vector<16xf32>
        %add3A_901 = arith.constant 6 : i32
        %add3A_902 = arith.addi %mul3A_186, %add3A_901 : i32
        %get3A_903 = arith.constant 3 : i32
        %get3A_904 = arith.index_cast %get3A_903 : i32 to index
        %get3A_905 = arith.index_cast %add3A_902 : i32 to index
        %get3A_906 = arith.constant 112 : index
        %get3A_907 = tpu.vector_load %arg6[%get3A_904, %get3A_905, %get3A_906] {strides = array<i32>} : memref<4x80x128xf32, #tpu.memory_space<vmem>>, vector<1x1x16xf32>,
        %get3A_908 = vector.shape_cast %get3A_907 : vector<1x1x16xf32> to vector<16xf32>
        %add3A_909 = arith.addf %add3A_900, %get3A_908 : vector<16xf32>
        %add3A_910 = arith.constant 7 : i32
        %add3A_911 = arith.addi %mul3A_186, %add3A_910 : i32
        %get3A_912 = arith.constant 3 : i32
        %get3A_913 = arith.index_cast %get3A_912 : i32 to index
        %get3A_914 = arith.index_cast %add3A_911 : i32 to index
        %get3A_915 = arith.constant 112 : index
        %get3A_916 = tpu.vector_load %arg6[%get3A_913, %get3A_914, %get3A_915] {strides = array<i32>} : memref<4x80x128xf32, #tpu.memory_space<vmem>>, vector<1x1x16xf32>,
        %get3A_917 = vector.shape_cast %get3A_916 : vector<1x1x16xf32> to vector<16xf32>
        %add3A_918 = arith.addf %add3A_909, %get3A_917 : vector<16xf32>
        %add3A_919 = arith.constant 8 : i32
        %add3A_920 = arith.addi %mul3A_186, %add3A_919 : i32
        %get3A_921 = arith.constant 3 : i32
        %get3A_922 = arith.index_cast %get3A_921 : i32 to index
        %get3A_923 = arith.index_cast %add3A_920 : i32 to index
        %get3A_924 = arith.constant 112 : index
        %get3A_925 = tpu.vector_load %arg6[%get3A_922, %get3A_923, %get3A_924] {strides = array<i32>} : memref<4x80x128xf32, #tpu.memory_space<vmem>>, vector<1x1x16xf32>,
        %get3A_926 = vector.shape_cast %get3A_925 : vector<1x1x16xf32> to vector<16xf32>
        %add3A_927 = arith.addf %add3A_918, %get3A_926 : vector<16xf32>
        %add3A_928 = arith.constant 9 : i32
        %add3A_929 = arith.addi %mul3A_186, %add3A_928 : i32
        %get3A_930 = arith.constant 3 : i32
        %get3A_931 = arith.index_cast %get3A_930 : i32 to index
        %get3A_932 = arith.index_cast %add3A_929 : i32 to index
        %get3A_933 = arith.constant 112 : index
        %get3A_934 = tpu.vector_load %arg6[%get3A_931, %get3A_932, %get3A_933] {strides = array<i32>} : memref<4x80x128xf32, #tpu.memory_space<vmem>>, vector<1x1x16xf32>,
        %get3A_935 = vector.shape_cast %get3A_934 : vector<1x1x16xf32> to vector<16xf32>
        %add3A_936 = arith.addf %add3A_927, %get3A_935 : vector<16xf32>
        %mul3A_937 = arith.constant 1.000000e-01 : f32
        %mul3A_938 = vector.broadcast %mul3A_937 : f32 to vector<16xf32>
        %mul3A_939 = arith.mulf %add3A_936, %mul3A_938 : vector<16xf32>
        %swap3A_940 = arith.index_cast %scan3A_184 : i32 to index
        %swap3A_941 = arith.constant 112 : index
        %swap3A_942 = tpu.vector_load %arg7[%swap3A_940, %swap3A_941] {strides = array<i32>} : memref<8x128xf32, #tpu.memory_space<vmem>>, vector<1x16xf32>,
        %swap3A_943 = vector.shape_cast %swap3A_942 : vector<1x16xf32> to vector<16xf32>
        %swap3A_944 = vector.shape_cast %mul3A_939 : vector<16xf32> to vector<1x16xf32>
        tpu.vector_store %arg7[%swap3A_940, %swap3A_941], %swap3A_944 {strides = array<i32>} : memref<8x128xf32, #tpu.memory_space<vmem>>, vector<1x16xf32>,
      }
      %scan3A_171 = arith.constant 8 : i32
      %add3A_172 = arith.constant 4 : i32
      %add3A_173 = arith.addi %add3A_154, %add3A_172 : i32
      %lt3A_174 = arith.constant 16 : i32
      %lt3A_175 = arith.cmpi slt, %add3A_173, %lt3A_174 : i32
      %convert_element_type3A_176 = arith.extui %lt3A_175 : i1 to i32
      %cond3A_177 = arith.constant 0 : i32
      %cond3A_178 = arith.cmpi ne, %convert_element_type3A_176, %cond3A_177 : i32
      scf.if %cond3A_178 {
        %add3A_184 = arith.constant 4 : i32
        %add3A_185 = arith.addi %add3A_154, %add3A_184 : i32
        %dma_start3A_186 = arith.constant 3 : i32
        %dma_start3A_187 = arith.constant 0 : i32
        %dma_start3A_188 = arith.constant 0 : i32
        %dma_start3A_189 = tpu.memref_slice %arg6[%dma_start3A_186, %dma_start3A_187, %dma_start3A_188] : memref<4x80x128xf32, #tpu.memory_space<vmem>> -> memref<1x80x128xf32, #tpu.memory_space<vmem>>
        %dma_start3A_190 = tpu.memref_squeeze %dma_start3A_189 : memref<1x80x128xf32, #tpu.memory_space<vmem>> -> memref<80x128xf32, #tpu.memory_space<vmem>>
        %dma_start3A_191 = arith.constant 0 : i32
        %dma_start3A_192 = tpu.memref_slice %arg5[%add3A_185, %dma_start3A_191] : memref<16x80xi32, #tpu.memory_space<vmem>> -> memref<1x80xi32, #tpu.memory_space<vmem>>
        %dma_start3A_193 = tpu.memref_squeeze %dma_start3A_192 : memref<1x80xi32, #tpu.memory_space<vmem>> -> memref<80xi32, #tpu.memory_space<vmem>>
        %dma_start3A_194 = arith.constant 0 : i32
        %dma_start3A_195 = arith.constant 0 : i32
        %dma_start3A_196 = tpu.memref_slice %arg3[%dma_start3A_194, %dma_start3A_195] : memref<100000x128xf32, #tpu.memory_space<hbm>> -> memref<100000x128xf32, #tpu.memory_space<hbm>>
        tpu.enqueue_indirect_dma source(%dma_start3A_196 : memref<100000x128xf32, #tpu.memory_space<hbm>>) target(%dma_start3A_190 : memref<80x128xf32, #tpu.memory_space<vmem>>) offsets(%dma_start3A_193 : memref<80xi32, #tpu.memory_space<vmem>>) semaphore(%arg11 : memref<!tpu.dma_semaphore, #tpu.memory_space<semaphore_mem>>)
      } else {
      }
      %mul3A_179 = arith.constant 128 : i32
      %mul3A_180 = arith.muli %add3A, %mul3A_179 : i32
      %mul3A_181 = arith.constant 8 : i32
      %mul3A_182 = arith.muli %add3A_154, %mul3A_181 : i32
      %add3A_183 = arith.addi %mul3A_180, %mul3A_182 : i32
      "tpu.region"() ({
        %run_scoped3A = tpu.sem_alloc : memref<!tpu.dma_semaphore, #tpu.memory_space<semaphore_mem>>
        %dma_start3A_184 = arith.constant 0 : i32
        %dma_start3A_185 = tpu.memref_slice %arg4[%add3A_183, %dma_start3A_184] : memref<4096x128xf32, #tpu.memory_space<hbm>> -> memref<8x128xf32, #tpu.memory_space<hbm>>
        %dma_start3A_186 = arith.constant 0 : i32
        %dma_start3A_187 = tpu.memref_slice %arg4[%add3A_183, %dma_start3A_186] : memref<4096x128xf32, #tpu.memory_space<hbm>> -> memref<8x128xf32, #tpu.memory_space<hbm>>
        tpu.enqueue_dma source(%arg7 : memref<8x128xf32, #tpu.memory_space<vmem>>) target(%dma_start3A_187 : memref<8x128xf32, #tpu.memory_space<hbm>>) target_semaphore(%run_scoped3A : memref<!tpu.dma_semaphore, #tpu.memory_space<semaphore_mem>>)
        %dma_wait3A_188 = arith.constant 0 : i32
        %dma_wait3A_189 = tpu.memref_slice %arg4[%add3A_183, %dma_wait3A_188] : memref<4096x128xf32, #tpu.memory_space<hbm>> -> memref<8x128xf32, #tpu.memory_space<hbm>>
        %dma_wait3A_190 = arith.constant 0 : i32
        %dma_wait3A_191 = tpu.memref_slice %arg4[%add3A_183, %dma_wait3A_190] : memref<4096x128xf32, #tpu.memory_space<hbm>> -> memref<8x128xf32, #tpu.memory_space<hbm>>
        tpu.wait_dma2 semaphore(%run_scoped3A : memref<!tpu.dma_semaphore, #tpu.memory_space<semaphore_mem>>) src(%arg7 : memref<8x128xf32, #tpu.memory_space<vmem>>) dst(%dma_wait3A_191 : memref<8x128xf32, #tpu.memory_space<hbm>>)
        tpu.yield
      }) : () -> ()
    }
    %scan3A_54 = arith.constant 4 : i32
    return
  }
}

module attributes {stable_mosaic.version = 14 : i64} {
  func.func @mm(%arg0: i32, %arg1: memref<512x128xbf16, #tpu.memory_space<vmem>>, %arg2: memref<128x4096xbf16, #tpu.memory_space<vmem>>, %arg3: memref<512xf32, #tpu.memory_space<vmem>>, %arg4: memref<512x4096xf32, #tpu.memory_space<vmem>>) attributes {dimension_semantics = [#tpu.dimension_semantics<arbitrary>], iteration_bounds = array<i64: 196>, scalar_prefetch = 0 : i64, scratch_operands = 0 : i64, tpu.core_type = #tpu.core_type<tc>, window_params = [{transform_indices = @transform_0, window_bounds = array<i64: 512, 128>}, {pipeline_mode = #tpu.pipeline_mode<synchronous>, transform_indices = @transform_1, window_bounds = array<i64: 128, 4096>}, {transform_indices = @transform_2, window_bounds = array<i64: 512>}, {transform_indices = @transform_3, window_bounds = array<i64: 512, 4096>}]} {
    %get3A = arith.constant 0 : index
    %get3A_0 = arith.constant 0 : index
    %get3A_1 = vector.load %arg1[%get3A, %get3A_0] : memref<512x128xbf16, #tpu.memory_space<vmem>>, vector<512x128xbf16>
    %get3A_2 = arith.constant 0 : index
    %get3A_3 = arith.constant 0 : index
    %get3A_4 = vector.load %arg2[%get3A_2, %get3A_3] : memref<128x4096xbf16, #tpu.memory_space<vmem>>, vector<128x4096xbf16>
    %dot_general3A = arith.constant dense<0.000000e+00> : vector<512x4096xf32>
    %dot_general3A_5 = tpu.matmul %get3A_1, %get3A_4, %dot_general3A {dimension_numbers = #tpu.dot_dimension_numbers<[1], [0], [0], [1], [0, 0, 1, 1], [], []>, transpose_lhs_hint = false} : vector<512x128xbf16>, vector<128x4096xbf16>, vector<512x4096xf32> -> vector<512x4096xf32>
    %get3A_6 = arith.constant 0 : index
    %get3A_7 = vector.load %arg3[%get3A_6] : memref<512xf32, #tpu.memory_space<vmem>>, vector<512xf32>
    %broadcast_in_dim3A = vector.shape_cast %get3A_7 : vector<512xf32> to vector<512x1xf32>
    %add3A = vector.broadcast %broadcast_in_dim3A : vector<512x1xf32> to vector<512x4096xf32>
    %add3A_8 = arith.addf %dot_general3A_5, %add3A : vector<512x4096xf32>
    %swap3A = arith.constant 0 : index
    %swap3A_9 = arith.constant 0 : index
    %swap3A_10 = vector.load %arg4[%swap3A, %swap3A_9] : memref<512x4096xf32, #tpu.memory_space<vmem>>, vector<512x4096xf32>
    tpu.vector_store %arg4[%swap3A, %swap3A_9], %add3A_8 {strides = array<i32>} : memref<512x4096xf32, #tpu.memory_space<vmem>>, vector<512x4096xf32>,
    return
  }
  func.func @transform_0(%arg0: i32) -> (i32, i32) {
    %c0_i32 = arith.constant 0 : i32
    %c0_i32_0 = arith.constant 0 : i32
    return %arg0, %c0_i32 : i32, i32
  }
  func.func @transform_1(%arg0: i32) -> (i32, i32) {
    %c0_i32 = arith.constant 0 : i32
    %c0_i32_0 = arith.constant 0 : i32
    %c0_i32_1 = arith.constant 0 : i32
    return %c0_i32, %c0_i32_0 : i32, i32
  }
  func.func @transform_2(%arg0: i32) -> i32 {
    %c0_i32 = arith.constant 0 : i32
    return %arg0 : i32
  }
  func.func @transform_3(%arg0: i32) -> (i32, i32) {
    %c0_i32 = arith.constant 0 : i32
    %c0_i32_0 = arith.constant 0 : i32
    return %arg0, %c0_i32 : i32, i32
  }
}

</mosaic_0001>

<sc_bundles>
// kernel: kernel.4.cloned.1.call-start
scs
__scs_entry_jumppad:
0x0: {  	(pc) =	sbr.rel $0x88, $3  }
0x1: {  	(tag) =	ssettag $0x0;
	lr =	simm.s32 $0x1  }
0x2: {  	[smem:$0x3F9D] =	sst lr;
	_ =	strace $0xD0000000  }
0x3: {  	_ = 	snop  }
0x4: {  	_ = 	snop  }
0x5: {  	_ = 	snop  }
0x6: {  	_ = 	snop  }
0x7: {  	_ = 	snop  }
__scs_overlays_trampoline_lowered:
0x8: {  	[smem:$0x3FAC] =	sst s0  }
0x9: {  	[smem:$0x3FAD] =	sst s1  }
0xa: {  	[smem:$0x3FAE] =	sst s2  }
0xb: {  	[smem:$0x3FAF] =	sst s3  }
0xc: {  	[smem:$0x3FB0] =	sst s4  }
0xd: {  	[smem:$0x3FB1] =	sst s5  }
0xe: {  	[smem:$0x3FB2] =	sst s6  }
0xf: {  	[smem:$0x3FB3] =	sst s7  }
0x10: {  	[smem:$0x3FB4] =	sst s8  }
0x11: {  	[smem:$0x3FB5] =	sst s9;
	s0 =	simm.s32 @!p0 $0x0  }
0x12: {  	s1 =	sld [smem:$0x3F9B];
	s0 =	simm.s32 @p0 $0x1  }
0x13: {  	[smem:$0x3FB6] =	sst s0;
	s0 =	simm.s32 @!p1 $0x0  }
0x14: {  	s2 =	sld [smem:$0x3F9A];
	s0 =	simm.s32 @p1 $0x1  }
0x15: {  	[smem:$0x3FB7] =	sst s0;
	s0 =	simm.s32 @!p2 $0x0  }
0x16: {  	s3 =	sld [smem:$0x3FDB];
	s0 =	simm.s32 @p2 $0x1  }
0x17: {  	s4 =	simm.s32 $0x1BF5;
	[smem:$0x3FB9] =	sst s0  }
0x18: {  	s0 =	sld [smem:$0x3F9C];
	_ =	swait.ge [sflag:s4], $0x0  }
0x19: {  	s7 =	sld [smem:$0x3F9D]  }
0x1a: {  	s8 =	sadd.s32 $0xFFFFE003, lr  }
0x1b: {  	s9 =	sadd.s32 $0xFFFFFEF7, lr;
	s5 =	simm.s32 $0xFFFFFFFF;
	p2 =	slt.u32 s8, $0xFFFFF086  }
0x1c: {  	p1 =	slt.u32 s9, $0xF7A;
	s5 =	simm.s32 @!p2 $0x0  }
0x1d: {  	s5 =	simm.s32 @p1 $0x1;
	p0 =	seq.s32 s7, s2  }
0x1e: {  	s7 =	smul.u32 @!p0 $0xF7A, s2;
	p2 =	seq.s32 @!p0 s5, $0x0  }
0x1f: {  	s9 =	smul.u32 $0xF7A, s1;
	s8 =	simm.s32 @!p0 $0x1BF5;
	p2 =	por !p2, p0  }
0x20: {  	[sflag:s8] =	ssyncset.s32 @!p0 $0xFFFFF086;
	s6 =	sadd.s32 @!p0 s3, s7;
	s7 =	simm.s32 @!p0 $0x108  }
0x21: {  	s3 =	sadd.s32 s3, s9;
	s6 =	sadd.s32 @!p0 $0x88, s6;
	s7 =	simm.s32 @p2 $0x1082  }
0x22: {  	[simem:s7], [sflag:s8] =	dma.local @!p0 [hbm:s6], $0xF7A  }
0x23: {  	s9 =	sor.u32 $0xD0000000, s2;
	s6 =	simm.s32 $0x108;
	_ =	swait.ge @!p0 [sflag:s8], $0x0  }
0x24: {  	s3 =	sadd.s32 $0x88, s3;
	s6 =	simm.s32 @!p1 $0x1082;
	[sflag:s4] =	ssyncset.s32 $0xFFFFF086  }
0x25: {  	[simem:s6], [sflag:s4] =	dma.local [hbm:s3], $0xF7A  }
0x26: {  	[smem:$0x3F9D] =	sst s1;
	(tag) =	ssettag s2;
	_ =	strace s9  }
0x27: {  	s1 =	sld [smem:$0x3FAD]  }
0x28: {  	s2 =	sld [smem:$0x3FAE]  }
0x29: {  	s4 =	sld [smem:$0x3FB0]  }
0x2a: {  	p0 =	seq.s32 s5, $0x0;
	s5 =	sld [smem:$0x3FB1]  }
0x2b: {  	s6 =	sld [smem:$0x3FB2]  }
0x2c: {  	s7 =	sld [smem:$0x3FB3]  }
0x2d: {  	s3 =	simm.s32 $0x108;
	s8 =	sld [smem:$0x3FB4]  }
0x2e: {  	s3 =	simm.s32 @!p0 $0x1082;
	s9 =	sld [smem:$0x3FB5]  }
0x2f: {  	lr =	sadd.s32 s0, s3;
	s0 =	sld [smem:$0x3FAC]  }
0x30: {  	s3 =	sld [smem:$0x3FAF]  }
0x31: {  	[smem:$0x3FB8] =	sst s10  }
0x32: {  	s10 =	sld [smem:$0x3FB6];
	_ =	sdelay $0x3  }
0x33: {  	p0 =	seq.s32 s10, $0x1;
	s10 =	sld [smem:$0x3FB8];
	_ =	sdelay $0x3  }
0x34: {  	[smem:$0x3FB8] =	sst s10  }
0x35: {  	s10 =	sld [smem:$0x3FB7];
	_ =	sdelay $0x3  }
0x36: {  	p1 =	seq.s32 s10, $0x1;
	s10 =	sld [smem:$0x3FB8];
	_ =	sdelay $0x3  }
0x37: {  	[smem:$0x3FB8] =	sst s10  }
0x38: {  	s10 =	sld [smem:$0x3FB9]  }
0x39: {  	_ = 	snop;
	(pc) =	sbr.ind lr, $3  }
0x3a: {  	_ = 	snop  }
0x3b: {  	_ = 	snop  }
0x3c: {  	p2 =	seq.s32 s10, $0x1;
	s10 =	sld [smem:$0x3FB8]  }
0x3d: {  	_ =	shalt  }
0x3e: {  	_ =	shalt  }
0x3f: {  	_ =	shalt  }
0x40: {  	_ =	shalt  }
0x41: {  	_ =	shalt  }
0x42: {  	_ =	shalt  }
0x43: {  	_ =	shalt  }
0x44: {  	_ =	shalt  }
0x45: {  	_ =	shalt  }
0x46: {  	_ =	shalt  }
0x47: {  	_ =	shalt  }
0x48: {  	_ =	shalt  }
0x49: {  	_ =	shalt  }
0x4a: {  	_ =	shalt  }
0x4b: {  	_ =	shalt  }
0x4c: {  	_ =	shalt  }
0x4d: {  	_ =	shalt  }
0x4e: {  	_ =	shalt  }
0x4f: {  	_ =	shalt  }
0x50: {  	_ =	shalt  }
0x51: {  	_ =	shalt  }
0x52: {  	_ =	shalt  }
0x53: {  	_ =	shalt  }
0x54: {  	_ =	shalt  }
0x55: {  	_ =	shalt  }
0x56: {  	_ =	shalt  }
0x57: {  	_ =	shalt  }
0x58: {  	_ =	shalt  }
0x59: {  	_ =	shalt  }
0x5a: {  	_ =	shalt  }
0x5b: {  	_ =	shalt  }
0x5c: {  	_ =	shalt  }
0x5d: {  	_ =	shalt  }
0x5e: {  	_ =	shalt  }
0x5f: {  	_ =	shalt  }
0x60: {  	_ =	shalt  }
0x61: {  	_ =	shalt  }
0x62: {  	_ =	shalt  }
0x63: {  	_ =	shalt  }
0x64: {  	_ =	shalt  }
0x65: {  	_ =	shalt  }
0x66: {  	_ =	shalt  }
0x67: {  	_ =	shalt  }
0x68: {  	_ =	shalt  }
0x69: {  	_ =	shalt  }
0x6a: {  	_ =	shalt  }
0x6b: {  	_ =	shalt  }
0x6c: {  	_ =	shalt  }
0x6d: {  	_ =	shalt  }
0x6e: {  	_ =	shalt  }
0x6f: {  	_ =	shalt  }
0x70: {  	_ =	shalt  }
0x71: {  	_ =	shalt  }
0x72: {  	_ =	shalt  }
0x73: {  	_ =	shalt  }
0x74: {  	_ =	shalt  }
0x75: {  	_ =	shalt  }
0x76: {  	_ =	shalt  }
0x77: {  	_ =	shalt  }
0x78: {  	_ =	shalt  }
0x79: {  	_ =	shalt  }
0x7a: {  	_ =	shalt  }
0x7b: {  	_ =	shalt  }
0x7c: {  	_ =	shalt  }
0x7d: {  	_ =	shalt  }
0x7e: {  	_ =	shalt  }
0x7f: {  	_ =	shalt  }
0x80: {  	_ =	shalt  }
0x81: {  	_ =	shalt  }
0x82: {  	_ =	shalt  }
0x83: {  	_ =	shalt  }
0x84: {  	_ =	shalt  }
0x85: {  	_ =	shalt  }
0x86: {  	_ =	shalt  }
0x87: {  	_ =	shalt  }
.Lfunc_end0:
.L_simem_size_0:
called_computation_lowered:
.L_overlay_start_0:
0x88: {  	s2 =	sld [smem:$0x3FD9]  }
0x89: {  	s3 =	sld [smem:$0x3FFE];
	_ =	sdelay $0x1  }
0x8a: {  	s1 =	srdreg.scid  }
0x8b: {  	s0 =	sand.u32 $0x1, s1  }
0x8c: {  	s17 =	sshll.u32 s0, $0xA;
	s2 =	sadd.s32 s3, s2  }
0x8d: {  	s2 =	sadd.s32 s2, s17  }
0x8e: {  	[smem:$0x3FC4] =	sst s2  }
0x8f: {  	_ = 	snop  }
0x90: {  	s2 =	sld [smem:$0x3FC8]  }
0x91: {  	s18 =	sld [smem:$0x3FD0];
	(tm) =	ssettm $0x1  }
0x92: {  	s4 =	sld [smem:$0x3FFB];
	_ =	sdelay $0x3  }
0x93: {  	_ =	strace s4  }
0x94: {  	s4 =	sld [smem:$0x3FFC];
	_ =	sdelay $0x3  }
0x95: {  	_ =	strace s4  }
0x96: {  	s4 =	sld [smem:$0x3FFD];
	_ =	sdelay $0x3  }
0x97: {  	_ =	strace s4  }
0x98: {  	_ =	strace $0x8FFFFFFF  }
0x99: {  	s19 =	sld [smem:$0x3FDB];
	_ =	sdelay $0x1  }
0x9a: {  	s5 =	simm.s32 $_scs_section_size  }
0x9b: {  	s6 =	simm.s32 $_size__tile_overlayer_lowered;
	s7 =	simm.s32 $_tile_overlayer_lowered  }
0x9c: {  	s22 =	simm.s32 $0x1BFF;
	s21 =	sshll.u32 s7, $0x1;
	s4 =	sadd.s32 s5, s19  }
0x9d: {  	s8 =	simm.s32 $0x0;
	s20 =	sshll.u32 s6, $0x1;
	s6 =	sadd.s32 s21, s4  }
0x9e: {  	[timem:s8], [sflag:s22] =	dma.local [hbm:s6], s20  }
0x9f: {  	_ =	swait.ge [sflag:s22], s20  }
0xa0: {  	s5 =	ssub.s32 $0x0, s20;
	[sflag:s22] =	ssyncset.done $0x0  }
0xa1: {  	[sflag:s22] =	ssyncadd.s32 s5;
	_ =	sdelay $0x1  }
0xa2: {  	s23 =	simm.s32 $0x1B8B  }
0xa3: {  	_ =	swait.ge [sflag:s23], $0x1  }
0xa4: {  	[sflag:s23] =	ssyncset.done $0x0  }
0xa5: {  	s25 =	simm.s32 $0x1B8E;
	s24 =	sld [smem:$0x3FFE];
	[sflag:s23] =	ssyncadd.s32 $0xFFFFFFFF  }
0xa6: {  	s26 =	simm.s32 $execute0_lowered;
	[smem:$0x3FD2] =	sst s25  }
0xa7: {  	s6 =	sshll.u32 s26, $0x1;
	_ =	strace $0x80000046;
	[dreg:$0x1] =	wrdreg $0xFFFFFFFF  }
0xa8: {  	s28 =	simm.s32 $_size_execute0_lowered;
	s4 =	sadd.s32 s4, s6;
	[dreg:$0x0] =	wrdreg $0x0  }
0xa9: {  	s6 =	sshll.u32 s28, $0x1;
	[dreg:$0x2] =	wrdreg s4  }
0xaa: {  	[dreg:$0x3] =	wrdreg s6  }
0xab: {  	[dreg:$0x4] =	wrdreg $0xC0  }
0xac: {  	_ =	task [dreg:s8], $0x5FFFF  }
0xad: {  	[dreg:$0x1] =	wrdreg $0xFFFFFFFF  }
0xae: {  	[dreg:$0x0] =	wrdreg $0x60  }
0xaf: {  	[dreg:$0x2] =	wrdreg s24  }
0xb0: {  	[dreg:$0x3] =	wrdreg s2  }
0xb1: {  	[dreg:$0x4] =	wrdreg s18  }
0xb2: {  	[dreg:$0x5] =	wrdreg $0x9  }
0xb3: {  	_ =	task.clear_ibuf [dreg:s8], $0x6FFFF;
	_ =	strace $0x90000046  }
0xb4: {  	s29 =	simm.s32 $0x9;
	_ =	strace $0x80000048  }
0xb5: {  	_ =	swait.ge [sflag:s29], $0x1  }
0xb6: {  	[sflag:s29] =	ssyncadd.s32 $0xFFFFFFFF  }
0xb7: {  	_ =	strace $0x90000048  }
0xb8: {  	_ =	sfence  }
0xb9: {  	s30 =	sld [smem:$0x0];
	_ =	sdelay $0x2  }
0xba: {  	s31 =	sshll.u32 s1, $0xD;
	s1 =	sshrl.u32 s1, $0x2  }
0xbb: {  	s3 =	sand.u32 $0x4000, s31;
	s1 =	sadd.s32 s1, s30  }
0xbc: {  	s0 =	sor.u32 s3, s0;
	s1 =	sshll.u32 s1, $0x11  }
0xbd: {  	s0 =	sor.u32 s1, s0  }
0xbe: {  	s0 =	sadd.s32 $0x8F2B, s0  }
0xbf: {  	[sflag:s0] =	ssyncadd.remote.s32 $0x1  }
0xc0: {  	_ =	sfence.sel $0xFFFF  }
0xc1: {  	[dreg:$0x0] =	wrdreg $0xFFFFFFFF;
	(pc) =	sbr.abs _section_cstart, $3  }
0xc2: {  	[dreg:$0x1] =	wrdreg $0xFFFFFFFF  }
0xc3: {  	_ =	task.clear_ibuf [dreg:s8], $0x2FFFF;
	_ =	strace $0x9FFFFFFF  }
0xc4: {  	(tm) =	ssettm $0x7FFFFFFF  }
0xc5: {  	_ =	shalt  }
tec
execute0_lowered:
.L_overlay_start_1:
0x0: {  	(tag) =	ssettag $0x1  }
0x1: {  	s5 =	rddreg [dreg:$0x0]  }
0x2: {  	s2 =	rddreg [dreg:$0x1]  }
0x3: {  	s1 =	srdreg.scid;
	s0 =	stileid.u32  }
0x4: {  	s3 =	rddreg [dreg:$0x2];
	s4 =	simm.s32 $0x0;
	s10 =	simm.s32 $0x50  }
0x5: {  	s11 =	simm.s32 $0x800;
	s12 =	simm.s32 $0x80;
	s13 =	simm.s32 $0x3000  }
0x6: {  	s14 =	simm.s32 $0x100;
	s15 =	simm.s32 $0x5800;
	s16 =	simm.s32 $0x180  }
0x7: {  	s17 =	simm.s32 $0x8000;
	s18 =	simm.s32 $0x1;
	s19 =	simm.s32 $0xA800  }
0x8: {  	s20 =	simm.s32 $0x2;
	s21 =	simm.s32 $0x3;
	s22 =	simm.s32 $0x4  }
0x9: {  	s6 =	sand.u32 $0x1, s1;
	s7 =	sshll.u32 s0, $0x1;
	s1 =	rddreg [dreg:$0x3]  }
0xa: {  	s23 =	simm.s32 $0x0;
	[smem:$0x7FF] =	sst s4;
	s7 =	sor.u32 s6, s7  }
0xb: {  	s6 =	ssub.s32 $0x2, s6;
	_ =	strace $0x80000047;
	s8 =	sshll.u32 s7, $0x8  }
0xc: {  	s31 =	sshrl.u32 s6, $0x1;
	s9 =	sshll.u32 s7, $0xB;
	s5 =	sadd.s32 s8, s5  }
0xd: {  	s8 =	ssub.s32 s6, s31;
	s6 =	sshll.u32 s7, $0x7;
	s7 =	sadd.s32 s3, s9  }
0xe: {  	s9 =	simm.s32 $0x5;
	s5 =	sadd.s32 $0x600, s5;
	s8 =	smax.u32 s8, $0x1  }
.LBB2_1:
0xf: {  	[tilespmem:s4], [sflag:$0x5] =	stream.linear.gather [hbm4b:s5+s4], $0x800, $0x38;
	[tilespmem:$0xAC00] =	vst v63  }
0x10: {  	_ =	swait.ge [sflag:s9], $0x800  }
0x11: {  	[sflag:s9] =	ssyncset.done $0x0  }
0x12: {  	[sflag:s9] =	ssyncadd.s32 $0xFFFFF800  }
0x13: {  	[tilespmem:s11], [sflag:$0x1] =	stream.indirect.gather [hbm4b:s2+s10], $0x80, s4, s10, $0xb8;
	[tilespmem:$0xAC00] =	vst v63  }
0x14: {  	_ = 	snop  }
0x15: {  	[tilespmem:s13], [sflag:$0x2] =	stream.indirect.gather [hbm4b:s2+s10], $0x80, s12, s10, $0xb8;
	[tilespmem:$0xAC00] =	vst v63  }
0x16: {  	_ = 	snop  }
0x17: {  	[tilespmem:s15], [sflag:$0x3] =	stream.indirect.gather [hbm4b:s2+s10], $0x80, s14, s10, $0xb8;
	[tilespmem:$0xAC00] =	vst v63  }
0x18: {  	s24 =	simm.s32 $0x0  }
0x19: {  	[tilespmem:s17], [sflag:$0x4] =	stream.indirect.gather [hbm4b:s2+s10], $0x80, s16, s10, $0xb8;
	[tilespmem:$0xAC00] =	vst v63  }
.LBB2_2:
0x1a: {  	_ =	swait.ge [sflag:s18], $0x2800  }
0x1b: {  	[sflag:s18] =	ssyncset.done $0x0  }
0x1c: {  	s25 =	simm.s32 $0xA80;
	[sflag:s18] =	ssyncadd.s32 $0xFFFFD800  }
0x1d: {  	v0 =	vld [tilespmem:s25+$0xFFFFFE00]  }
0x1e: {  	v1 =	vld [tilespmem:s25+$0xFFFFFD80];
	_ =	sdelay $0x1  }
0x1f: {  	v2 =	vld [tilespmem:s25+$0xFFFFFE80];
	_ =	sdelay $0x1  }
0x20: {  	v3 =	vld [tilespmem:s25+$0xFFFFFF00]  }
0x21: {  	v0 =	vadd.f32 v0, v1  }
0x22: {  	v1 =	vld [tilespmem:s25+$0xFFFFFF80]  }
0x23: {  	v0 =	vadd.f32 v2, v0  }
0x24: {  	v2 =	vld [tilespmem:s25+$0x0]  }
0x25: {  	v0 =	vadd.f32 v3, v0  }
0x26: {  	v3 =	vld [tilespmem:s25+$0x80]  }
0x27: {  	v0 =	vadd.f32 v1, v0  }
0x28: {  	v1 =	vld [tilespmem:s25+$0x100]  }
0x29: {  	v0 =	vadd.f32 v2, v0  }
0x2a: {  	v2 =	vld [tilespmem:s25+$0x180]  }
0x2b: {  	v0 =	vadd.f32 v3, v0  }
0x2c: {  	v3 =	vld [tilespmem:s25+$0x200]  }
0x2d: {  	v0 =	vadd.f32 v1, v0;
	_ =	sdelay $0x1  }
0x2e: {  	v0 =	vadd.f32 v2, v0;
	_ =	sdelay $0x1  }
0x2f: {  	v0 =	vadd.f32 v3, v0;
	_ =	sdelay $0x1  }
0x30: {  	v0 =	vmul.f32 $1.000000010e-01, v0  }
0x31: {  	s26 =	simm.s32 $0x0  }
0x32: {  	[tilespmem:s26+$0xA800] =	vst v0  }
0x33: {  	v0 =	vld [tilespmem:s25+$0xFFFFFD90]  }
0x34: {  	v1 =	vld [tilespmem:s25+$0xFFFFFE10];
	_ =	sdelay $0x1  }
0x35: {  	v2 =	vld [tilespmem:s25+$0xFFFFFE90];
	_ =	sdelay $0x1  }
0x36: {  	v3 =	vld [tilespmem:s25+$0xFFFFFF10]  }
0x37: {  	v0 =	vadd.f32 v1, v0  }
0x38: {  	v1 =	vld [tilespmem:s25+$0xFFFFFF90]  }
0x39: {  	v0 =	vadd.f32 v2, v0  }
0x3a: {  	v2 =	vld [tilespmem:s25+$0x10]  }
0x3b: {  	v0 =	vadd.f32 v3, v0  }
0x3c: {  	v3 =	vld [tilespmem:s25+$0x90]  }
0x3d: {  	v0 =	vadd.f32 v1, v0  }
0x3e: {  	v1 =	vld [tilespmem:s25+$0x110]  }
0x3f: {  	v0 =	vadd.f32 v2, v0  }
0x40: {  	v2 =	vld [tilespmem:s25+$0x190]  }
0x41: {  	v0 =	vadd.f32 v3, v0  }
0x42: {  	v3 =	vld [tilespmem:s25+$0x210]  }
0x43: {  	v0 =	vadd.f32 v1, v0;
	_ =	sdelay $0x1  }
0x44: {  	v0 =	vadd.f32 v2, v0;
	_ =	sdelay $0x1  }
0x45: {  	v0 =	vadd.f32 v3, v0;
	_ =	sdelay $0x1  }
0x46: {  	v0 =	vmul.f32 $1.000000010e-01, v0;
	_ =	sdelay $0x1  }
0x47: {  	[tilespmem:s26+$0xA810] =	vst v0  }
0x48: {  	v0 =	vld [tilespmem:s25+$0xFFFFFDA0]  }
0x49: {  	v1 =	vld [tilespmem:s25+$0xFFFFFE20];
	_ =	sdelay $0x1  }
0x4a: {  	v2 =	vld [tilespmem:s25+$0xFFFFFEA0];
	_ =	sdelay $0x1  }
0x4b: {  	v3 =	vld [tilespmem:s25+$0xFFFFFF20]  }
0x4c: {  	v0 =	vadd.f32 v1, v0  }
0x4d: {  	v1 =	vld [tilespmem:s25+$0xFFFFFFA0]  }
0x4e: {  	v0 =	vadd.f32 v2, v0  }
0x4f: {  	v2 =	vld [tilespmem:s25+$0x20]  }
0x50: {  	v0 =	vadd.f32 v3, v0  }
0x51: {  	v3 =	vld [tilespmem:s25+$0xA0]  }
0x52: {  	v0 =	vadd.f32 v1, v0  }
0x53: {  	v1 =	vld [tilespmem:s25+$0x120]  }
0x54: {  	v0 =	vadd.f32 v2, v0  }
0x55: {  	v2 =	vld [tilespmem:s25+$0x1A0]  }
0x56: {  	v0 =	vadd.f32 v3, v0  }
0x57: {  	v3 =	vld [tilespmem:s25+$0x220]  }
0x58: {  	v0 =	vadd.f32 v1, v0;
	_ =	sdelay $0x1  }
0x59: {  	v0 =	vadd.f32 v2, v0;
	_ =	sdelay $0x1  }
0x5a: {  	v0 =	vadd.f32 v3, v0;
	_ =	sdelay $0x1  }
0x5b: {  	v0 =	vmul.f32 $1.000000010e-01, v0;
	_ =	sdelay $0x1  }
0x5c: {  	[tilespmem:s26+$0xA820] =	vst v0  }
0x5d: {  	v0 =	vld [tilespmem:s25+$0xFFFFFDB0]  }
0x5e: {  	v1 =	vld [tilespmem:s25+$0xFFFFFE30];
	_ =	sdelay $0x1  }
0x5f: {  	v2 =	vld [tilespmem:s25+$0xFFFFFEB0];
	_ =	sdelay $0x1  }
0x60: {  	v3 =	vld [tilespmem:s25+$0xFFFFFF30]  }
0x61: {  	v0 =	vadd.f32 v1, v0  }
0x62: {  	v1 =	vld [tilespmem:s25+$0xFFFFFFB0]  }
0x63: {  	v0 =	vadd.f32 v2, v0  }
0x64: {  	v2 =	vld [tilespmem:s25+$0x30]  }
0x65: {  	v0 =	vadd.f32 v3, v0  }
0x66: {  	v3 =	vld [tilespmem:s25+$0xB0]  }
0x67: {  	v0 =	vadd.f32 v1, v0  }
0x68: {  	v1 =	vld [tilespmem:s25+$0x130]  }
0x69: {  	v0 =	vadd.f32 v2, v0  }
0x6a: {  	v2 =	vld [tilespmem:s25+$0x1B0]  }
0x6b: {  	v0 =	vadd.f32 v3, v0  }
0x6c: {  	v3 =	vld [tilespmem:s25+$0x230]  }
0x6d: {  	v0 =	vadd.f32 v1, v0;
	_ =	sdelay $0x1  }
0x6e: {  	v0 =	vadd.f32 v2, v0;
	_ =	sdelay $0x1  }
0x6f: {  	v0 =	vadd.f32 v3, v0;
	_ =	sdelay $0x1  }
0x70: {  	v0 =	vmul.f32 $1.000000010e-01, v0;
	_ =	sdelay $0x1  }
0x71: {  	[tilespmem:s26+$0xA830] =	vst v0  }
0x72: {  	v0 =	vld [tilespmem:s25+$0xFFFFFDC0]  }
0x73: {  	v1 =	vld [tilespmem:s25+$0xFFFFFE40];
	_ =	sdelay $0x1  }
0x74: {  	v2 =	vld [tilespmem:s25+$0xFFFFFEC0];
	_ =	sdelay $0x1  }
0x75: {  	v3 =	vld [tilespmem:s25+$0xFFFFFF40]  }
0x76: {  	v0 =	vadd.f32 v1, v0  }
0x77: {  	v1 =	vld [tilespmem:s25+$0xFFFFFFC0]  }
0x78: {  	v0 =	vadd.f32 v2, v0  }
0x79: {  	v2 =	vld [tilespmem:s25+$0x40]  }
0x7a: {  	v0 =	vadd.f32 v3, v0  }
0x7b: {  	v3 =	vld [tilespmem:s25+$0xC0]  }
0x7c: {  	v0 =	vadd.f32 v1, v0  }
0x7d: {  	v1 =	vld [tilespmem:s25+$0x140]  }
0x7e: {  	v0 =	vadd.f32 v2, v0  }
0x7f: {  	v2 =	vld [tilespmem:s25+$0x1C0]  }
0x80: {  	v0 =	vadd.f32 v3, v0  }
0x81: {  	v3 =	vld [tilespmem:s25+$0x240]  }
0x82: {  	v0 =	vadd.f32 v1, v0;
	_ =	sdelay $0x1  }
0x83: {  	v0 =	vadd.f32 v2, v0;
	_ =	sdelay $0x1  }
0x84: {  	v0 =	vadd.f32 v3, v0;
	_ =	sdelay $0x1  }
0x85: {  	v0 =	vmul.f32 $1.000000010e-01, v0;
	_ =	sdelay $0x1  }
0x86: {  	[tilespmem:s26+$0xA840] =	vst v0  }
0x87: {  	v0 =	vld [tilespmem:s25+$0xFFFFFDD0]  }
0x88: {  	v1 =	vld [tilespmem:s25+$0xFFFFFE50];
	_ =	sdelay $0x1  }
0x89: {  	v2 =	vld [tilespmem:s25+$0xFFFFFED0];
	_ =	sdelay $0x1  }
0x8a: {  	v3 =	vld [tilespmem:s25+$0xFFFFFF50]  }
0x8b: {  	v0 =	vadd.f32 v1, v0  }
0x8c: {  	v1 =	vld [tilespmem:s25+$0xFFFFFFD0]  }
0x8d: {  	v0 =	vadd.f32 v2, v0  }
0x8e: {  	v2 =	vld [tilespmem:s25+$0x50]  }
0x8f: {  	v0 =	vadd.f32 v3, v0  }
0x90: {  	v3 =	vld [tilespmem:s25+$0xD0]  }
0x91: {  	v0 =	vadd.f32 v1, v0  }
0x92: {  	v1 =	vld [tilespmem:s25+$0x150]  }
0x93: {  	v0 =	vadd.f32 v2, v0  }
0x94: {  	v2 =	vld [tilespmem:s25+$0x1D0]  }
0x95: {  	v0 =	vadd.f32 v3, v0  }
0x96: {  	v3 =	vld [tilespmem:s25+$0x250]  }
0x97: {  	v0 =	vadd.f32 v1, v0;
	_ =	sdelay $0x1  }
0x98: {  	v0 =	vadd.f32 v2, v0;
	_ =	sdelay $0x1  }
0x99: {  	v0 =	vadd.f32 v3, v0;
	_ =	sdelay $0x1  }
0x9a: {  	v0 =	vmul.f32 $1.000000010e-01, v0;
	_ =	sdelay $0x1  }
0x9b: {  	[tilespmem:s26+$0xA850] =	vst v0  }
0x9c: {  	v0 =	vld [tilespmem:s25+$0xFFFFFDE0]  }
0x9d: {  	v1 =	vld [tilespmem:s25+$0xFFFFFE60];
	_ =	sdelay $0x1  }
0x9e: {  	v2 =	vld [tilespmem:s25+$0xFFFFFEE0];
	_ =	sdelay $0x1  }
0x9f: {  	v3 =	vld [tilespmem:s25+$0xFFFFFF60]  }
0xa0: {  	v0 =	vadd.f32 v1, v0  }
0xa1: {  	v1 =	vld [tilespmem:s25+$0xFFFFFFE0]  }
0xa2: {  	v0 =	vadd.f32 v2, v0  }
0xa3: {  	v2 =	vld [tilespmem:s25+$0x60]  }
0xa4: {  	v0 =	vadd.f32 v3, v0  }
0xa5: {  	v3 =	vld [tilespmem:s25+$0xE0]  }
0xa6: {  	v0 =	vadd.f32 v1, v0  }
0xa7: {  	v1 =	vld [tilespmem:s25+$0x160]  }
0xa8: {  	v0 =	vadd.f32 v2, v0  }
0xa9: {  	v2 =	vld [tilespmem:s25+$0x1E0]  }
0xaa: {  	v0 =	vadd.f32 v3, v0  }
0xab: {  	v3 =	vld [tilespmem:s25+$0x260]  }
0xac: {  	v0 =	vadd.f32 v1, v0;
	_ =	sdelay $0x1  }
0xad: {  	v0 =	vadd.f32 v2, v0;
	_ =	sdelay $0x1  }
0xae: {  	v0 =	vadd.f32 v3, v0;
	_ =	sdelay $0x1  }
0xaf: {  	v0 =	vmul.f32 $1.000000010e-01, v0;
	_ =	sdelay $0x1  }
0xb0: {  	[tilespmem:s26+$0xA860] =	vst v0  }
0xb1: {  	v0 =	vld [tilespmem:s25+$0xFFFFFDF0]  }
0xb2: {  	v1 =	vld [tilespmem:s25+$0xFFFFFE70];
	_ =	sdelay $0x1  }
0xb3: {  	v2 =	vld [tilespmem:s25+$0xFFFFFEF0];
	_ =	sdelay $0x1  }
0xb4: {  	v3 =	vld [tilespmem:s25+$0xFFFFFF70]  }
0xb5: {  	v0 =	vadd.f32 v1, v0  }
0xb6: {  	v1 =	vld [tilespmem:s25+$0xFFFFFFF0]  }
0xb7: {  	v0 =	vadd.f32 v2, v0  }
0xb8: {  	v4 =	vld [tilespmem:s25+$0x70]  }
0xb9: {  	v0 =	vadd.f32 v3, v0  }
0xba: {  	v3 =	vld [tilespmem:s25+$0xF0]  }
0xbb: {  	v0 =	vadd.f32 v1, v0  }
0xbc: {  	v2 =	vld [tilespmem:s25+$0x170]  }
0xbd: {  	v4 =	vadd.f32 v4, v0  }
0xbe: {  	v0 =	vld [tilespmem:s25+$0x1F0]  }
0xbf: {  	s28 =	simm.s32 $0x200;
	v1 =	vld [tilespmem:s25+$0x270];
	v3 =	vadd.f32 v3, v4  }
.LBB2_3:
0xc0: {  	p0 =	sne.s32 s28, $0xE00  }
0xc1: {  	s25 =	sadd.s32 $0x500, s25;
	s29 =	smov.u32 s28;
	s28 =	sadd.s32 $0x200, s28;
	v2 =	vadd.f32 v2, v3  }
0xc2: {  	_ = 	snop  }
0xc3: {  	v0 =	vadd.f32 v0, v2;
	_ =	sdelay $0x1  }
0xc4: {  	v0 =	vadd.f32 v1, v0;
	_ =	sdelay $0x1  }
0xc5: {  	v0 =	vmul.f32 $1.000000010e-01, v0;
	_ =	sdelay $0x1  }
0xc6: {  	[tilespmem:s26+$0xA870] =	vst v0  }
0xc7: {  	v0 =	vld [tilespmem:s25+$0xFFFFFE00]  }
0xc8: {  	v1 =	vld [tilespmem:s25+$0xFFFFFD80]  }
0xc9: {  	v2 =	vld [tilespmem:s25+$0xFFFFFE80];
	_ =	sdelay $0x2  }
0xca: {  	v3 =	vld [tilespmem:s25+$0xFFFFFF00]  }
0xcb: {  	v0 =	vadd.f32 v0, v1  }
0xcc: {  	v1 =	vld [tilespmem:s25+$0xFFFFFF80]  }
0xcd: {  	v0 =	vadd.f32 v2, v0  }
0xce: {  	v2 =	vld [tilespmem:s25+$0x0]  }
0xcf: {  	v0 =	vadd.f32 v3, v0  }
0xd0: {  	v3 =	vld [tilespmem:s25+$0x80]  }
0xd1: {  	v0 =	vadd.f32 v1, v0  }
0xd2: {  	v1 =	vld [tilespmem:s25+$0x100]  }
0xd3: {  	v0 =	vadd.f32 v2, v0  }
0xd4: {  	v2 =	vld [tilespmem:s25+$0x180]  }
0xd5: {  	v0 =	vadd.f32 v3, v0  }
0xd6: {  	v3 =	vld [tilespmem:s25+$0x200]  }
0xd7: {  	v0 =	vadd.f32 v1, v0;
	_ =	sdelay $0x1  }
0xd8: {  	v0 =	vadd.f32 v2, v0;
	_ =	sdelay $0x1  }
0xd9: {  	v0 =	vadd.f32 v3, v0;
	_ =	sdelay $0x1  }
0xda: {  	v0 =	vmul.f32 $1.000000010e-01, v0  }
0xdb: {  	s26 =	sshra.s32 s29, $0x2  }
0xdc: {  	[tilespmem:s26+$0xA800] =	vst v0  }
0xdd: {  	v0 =	vld [tilespmem:s25+$0xFFFFFD90]  }
0xde: {  	v1 =	vld [tilespmem:s25+$0xFFFFFE10];
	_ =	sdelay $0x1  }
0xdf: {  	v2 =	vld [tilespmem:s25+$0xFFFFFE90];
	_ =	sdelay $0x1  }
0xe0: {  	v3 =	vld [tilespmem:s25+$0xFFFFFF10]  }
0xe1: {  	v0 =	vadd.f32 v1, v0  }
0xe2: {  	v1 =	vld [tilespmem:s25+$0xFFFFFF90]  }
0xe3: {  	v0 =	vadd.f32 v2, v0  }
0xe4: {  	v2 =	vld [tilespmem:s25+$0x10]  }
0xe5: {  	v0 =	vadd.f32 v3, v0  }
0xe6: {  	v3 =	vld [tilespmem:s25+$0x90]  }
0xe7: {  	v0 =	vadd.f32 v1, v0  }
0xe8: {  	v1 =	vld [tilespmem:s25+$0x110]  }
0xe9: {  	v0 =	vadd.f32 v2, v0  }
0xea: {  	v2 =	vld [tilespmem:s25+$0x190]  }
0xeb: {  	v0 =	vadd.f32 v3, v0  }
0xec: {  	v3 =	vld [tilespmem:s25+$0x210]  }
0xed: {  	v0 =	vadd.f32 v1, v0;
	_ =	sdelay $0x1  }
0xee: {  	v0 =	vadd.f32 v2, v0;
	_ =	sdelay $0x1  }
0xef: {  	v0 =	vadd.f32 v3, v0;
	_ =	sdelay $0x1  }
0xf0: {  	v0 =	vmul.f32 $1.000000010e-01, v0;
	_ =	sdelay $0x1  }
0xf1: {  	[tilespmem:s26+$0xA810] =	vst v0  }
0xf2: {  	v0 =	vld [tilespmem:s25+$0xFFFFFDA0]  }
0xf3: {  	v1 =	vld [tilespmem:s25+$0xFFFFFE20];
	_ =	sdelay $0x1  }
0xf4: {  	v2 =	vld [tilespmem:s25+$0xFFFFFEA0];
	_ =	sdelay $0x1  }
0xf5: {  	v3 =	vld [tilespmem:s25+$0xFFFFFF20]  }
0xf6: {  	v0 =	vadd.f32 v1, v0  }
0xf7: {  	v1 =	vld [tilespmem:s25+$0xFFFFFFA0]  }
0xf8: {  	v0 =	vadd.f32 v2, v0  }
0xf9: {  	v2 =	vld [tilespmem:s25+$0x20]  }
0xfa: {  	v0 =	vadd.f32 v3, v0  }
0xfb: {  	v3 =	vld [tilespmem:s25+$0xA0]  }
0xfc: {  	v0 =	vadd.f32 v1, v0  }
0xfd: {  	v1 =	vld [tilespmem:s25+$0x120]  }
0xfe: {  	v0 =	vadd.f32 v2, v0  }
0xff: {  	v2 =	vld [tilespmem:s25+$0x1A0]  }
0x100: {  	v0 =	vadd.f32 v3, v0  }
0x101: {  	v3 =	vld [tilespmem:s25+$0x220]  }
0x102: {  	v0 =	vadd.f32 v1, v0;
	_ =	sdelay $0x1  }
0x103: {  	v0 =	vadd.f32 v2, v0;
	_ =	sdelay $0x1  }
0x104: {  	v0 =	vadd.f32 v3, v0;
	_ =	sdelay $0x1  }
0x105: {  	v0 =	vmul.f32 $1.000000010e-01, v0;
	_ =	sdelay $0x1  }
0x106: {  	[tilespmem:s26+$0xA820] =	vst v0  }
0x107: {  	v0 =	vld [tilespmem:s25+$0xFFFFFDB0]  }
0x108: {  	v1 =	vld [tilespmem:s25+$0xFFFFFE30];
	_ =	sdelay $0x1  }
0x109: {  	v2 =	vld [tilespmem:s25+$0xFFFFFEB0];
	_ =	sdelay $0x1  }
0x10a: {  	v3 =	vld [tilespmem:s25+$0xFFFFFF30]  }
0x10b: {  	v0 =	vadd.f32 v1, v0  }
0x10c: {  	v1 =	vld [tilespmem:s25+$0xFFFFFFB0]  }
0x10d: {  	v0 =	vadd.f32 v2, v0  }
0x10e: {  	v2 =	vld [tilespmem:s25+$0x30]  }
0x10f: {  	v0 =	vadd.f32 v3, v0  }
0x110: {  	v3 =	vld [tilespmem:s25+$0xB0]  }
0x111: {  	v0 =	vadd.f32 v1, v0  }
0x112: {  	v1 =	vld [tilespmem:s25+$0x130]  }
0x113: {  	v0 =	vadd.f32 v2, v0  }
0x114: {  	v2 =	vld [tilespmem:s25+$0x1B0]  }
0x115: {  	v0 =	vadd.f32 v3, v0  }
0x116: {  	v3 =	vld [tilespmem:s25+$0x230]  }
0x117: {  	v0 =	vadd.f32 v1, v0;
	_ =	sdelay $0x1  }
0x118: {  	v0 =	vadd.f32 v2, v0;
	_ =	sdelay $0x1  }
0x119: {  	v0 =	vadd.f32 v3, v0;
	_ =	sdelay $0x1  }
0x11a: {  	v0 =	vmul.f32 $1.000000010e-01, v0;
	_ =	sdelay $0x1  }
0x11b: {  	[tilespmem:s26+$0xA830] =	vst v0  }
0x11c: {  	v0 =	vld [tilespmem:s25+$0xFFFFFDC0]  }
0x11d: {  	v1 =	vld [tilespmem:s25+$0xFFFFFE40];
	_ =	sdelay $0x1  }
0x11e: {  	v2 =	vld [tilespmem:s25+$0xFFFFFEC0];
	_ =	sdelay $0x1  }
0x11f: {  	v3 =	vld [tilespmem:s25+$0xFFFFFF40]  }
0x120: {  	v0 =	vadd.f32 v1, v0  }
0x121: {  	v1 =	vld [tilespmem:s25+$0xFFFFFFC0]  }
0x122: {  	v0 =	vadd.f32 v2, v0  }
0x123: {  	v2 =	vld [tilespmem:s25+$0x40]  }
0x124: {  	v0 =	vadd.f32 v3, v0  }
0x125: {  	v3 =	vld [tilespmem:s25+$0xC0]  }
0x126: {  	v0 =	vadd.f32 v1, v0  }
0x127: {  	v1 =	vld [tilespmem:s25+$0x140]  }
0x128: {  	v0 =	vadd.f32 v2, v0  }
0x129: {  	v2 =	vld [tilespmem:s25+$0x1C0]  }
0x12a: {  	v0 =	vadd.f32 v3, v0  }
0x12b: {  	v3 =	vld [tilespmem:s25+$0x240]  }
0x12c: {  	v0 =	vadd.f32 v1, v0;
	_ =	sdelay $0x1  }
0x12d: {  	v0 =	vadd.f32 v2, v0;
	_ =	sdelay $0x1  }
0x12e: {  	v0 =	vadd.f32 v3, v0;
	_ =	sdelay $0x1  }
0x12f: {  	v0 =	vmul.f32 $1.000000010e-01, v0;
	_ =	sdelay $0x1  }
0x130: {  	[tilespmem:s26+$0xA840] =	vst v0  }
0x131: {  	v0 =	vld [tilespmem:s25+$0xFFFFFDD0]  }
0x132: {  	v1 =	vld [tilespmem:s25+$0xFFFFFE50]  }
0x133: {  	v2 =	vld [tilespmem:s25+$0xFFFFFED0]  }
0x134: {  	v3 =	vld [tilespmem:s25+$0xFFFFFF50]  }
0x135: {  	v4 =	vld [tilespmem:s25+$0xFFFFFFD0]  }
0x136: {  	v5 =	vld [tilespmem:s25+$0x50]  }
0x137: {  	v0 =	vadd.f32 v1, v0;
	v1 =	vld [tilespmem:s25+$0xD0]  }
0x138: {  	v6 =	vld [tilespmem:s25+$0x150]  }
0x139: {  	v0 =	vadd.f32 v2, v0;
	v2 =	vld [tilespmem:s25+$0x1D0]  }
0x13a: {  	v7 =	vld [tilespmem:s25+$0x250]  }
0x13b: {  	v0 =	vadd.f32 v3, v0;
	_ =	sdelay $0x1  }
0x13c: {  	v0 =	vadd.f32 v4, v0;
	_ =	sdelay $0x1  }
0x13d: {  	v0 =	vadd.f32 v5, v0;
	_ =	sdelay $0x1  }
0x13e: {  	v0 =	vadd.f32 v1, v0;
	_ =	sdelay $0x1  }
0x13f: {  	v0 =	vadd.f32 v6, v0;
	_ =	sdelay $0x1  }
0x140: {  	v0 =	vadd.f32 v2, v0;
	_ =	sdelay $0x1  }
0x141: {  	v0 =	vadd.f32 v7, v0;
	_ =	sdelay $0x1  }
0x142: {  	v0 =	vmul.f32 $1.000000010e-01, v0;
	_ =	sdelay $0x1  }
0x143: {  	[tilespmem:s26+$0xA850] =	vst v0  }
0x144: {  	v0 =	vld [tilespmem:s25+$0xFFFFFDE0]  }
0x145: {  	v1 =	vld [tilespmem:s25+$0xFFFFFE60]  }
0x146: {  	v2 =	vld [tilespmem:s25+$0xFFFFFEE0]  }
0x147: {  	v3 =	vld [tilespmem:s25+$0xFFFFFF60]  }
0x148: {  	v4 =	vld [tilespmem:s25+$0xFFFFFFE0]  }
0x149: {  	v5 =	vld [tilespmem:s25+$0x60]  }
0x14a: {  	v0 =	vadd.f32 v1, v0;
	v1 =	vld [tilespmem:s25+$0xE0]  }
0x14b: {  	v6 =	vld [tilespmem:s25+$0x160]  }
0x14c: {  	v0 =	vadd.f32 v2, v0;
	v2 =	vld [tilespmem:s25+$0x1E0]  }
0x14d: {  	v7 =	vld [tilespmem:s25+$0x260]  }
0x14e: {  	v0 =	vadd.f32 v3, v0;
	_ =	sdelay $0x1  }
0x14f: {  	v0 =	vadd.f32 v4, v0;
	_ =	sdelay $0x1  }
0x150: {  	v0 =	vadd.f32 v5, v0;
	_ =	sdelay $0x1  }
0x151: {  	v0 =	vadd.f32 v1, v0;
	_ =	sdelay $0x1  }
0x152: {  	v0 =	vadd.f32 v6, v0;
	_ =	sdelay $0x1  }
0x153: {  	v0 =	vadd.f32 v2, v0;
	_ =	sdelay $0x1  }
0x154: {  	v0 =	vadd.f32 v7, v0;
	_ =	sdelay $0x1  }
0x155: {  	v0 =	vmul.f32 $1.000000010e-01, v0;
	_ =	sdelay $0x1  }
0x156: {  	[tilespmem:s26+$0xA860] =	vst v0  }
0x157: {  	v0 =	vld [tilespmem:s25+$0xFFFFFDF0]  }
0x158: {  	v1 =	vld [tilespmem:s25+$0xFFFFFE70]  }
0x159: {  	v3 =	vld [tilespmem:s25+$0xFFFFFEF0]  }
0x15a: {  	v4 =	vld [tilespmem:s25+$0xFFFFFF70]  }
0x15b: {  	v5 =	vld [tilespmem:s25+$0xFFFFFFF0]  }
0x15c: {  	v6 =	vld [tilespmem:s25+$0x70]  }
0x15d: {  	v0 =	vadd.f32 v1, v0;
	v7 =	vld [tilespmem:s25+$0xF0]  }
0x15e: {  	v2 =	vld [tilespmem:s25+$0x170]  }
0x15f: {  	v3 =	vadd.f32 v3, v0;
	v0 =	vld [tilespmem:s25+$0x1F0]  }
0x160: {  	v1 =	vld [tilespmem:s25+$0x270]  }
0x161: {  	v3 =	vadd.f32 v4, v3;
	_ =	sdelay $0x1  }
.Ltmp0:
0x162: {  	v3 =	vadd.f32 v5, v3;
	(pc) =	sbr.rel @p0 .LBB2_3-.Ltmp0, $3  }
0x163: {  	_ = 	snop  }
0x164: {  	v3 =	vadd.f32 v6, v3;
	_ =	sdelay $0x1  }
0x165: {  	v3 =	vadd.f32 v7, v3  }
0x166: {  	_ = 	snop  }
0x167: {  	v2 =	vadd.f32 v2, v3;
	_ =	sdelay $0x1  }
0x168: {  	v0 =	vadd.f32 v0, v2;
	_ =	sdelay $0x1  }
0x169: {  	v0 =	vadd.f32 v1, v0;
	_ =	sdelay $0x1  }
0x16a: {  	s25 =	sshll.u32 s24, $0xB;
	p0 =	seq.s32 s24, $0x3;
	v0 =	vmul.f32 $1.000000010e-01, v0  }
0x16b: {  	s31 =	sshll.u32 s24, $0x9;
	s25 =	sshrl.u32 @!p0 s25, $0x2  }
0x16c: {  	s28 =	simm.s32 @!p0 $0x50;
	s29 =	simm.s32 @!p0 $0x800;
	[tilespmem:s26+$0xA870] =	vst v0;
	s26 =	sadd.s32 @!p0 $0x200, s25  }
0x16d: {  	[tilespmem:s29], [sflag:$0x1] =	stream.indirect.gather @!p0 [hbm4b:s2+s28], $0x80, s26, s28, $0xb8;
	[tilespmem:$0xAC00] =	vst v63  }
0x16e: {  	s26 =	sadd.s32 s31, s7;
	s28 =	simm.s32 $0x0  }
0x16f: {  	[hbm4b:s26+s28] =	stream.linear.scatter [tilespmem:s19], [sflag:$0x5], $0x400, $0x38;
	[tilespmem:$0xAC00] =	vst v63  }
0x170: {  	_ =	swait.ge [sflag:s9], $0x400  }
0x171: {  	[sflag:s9] =	ssyncset.done $0x0  }
0x172: {  	[sflag:s9] =	ssyncadd.s32 $0xFFFFFC00  }
0x173: {  	_ =	swait.ge [sflag:s20], $0x2800  }
0x174: {  	[sflag:s20] =	ssyncset.done $0x0  }
0x175: {  	s26 =	simm.s32 $0x34F0;
	[sflag:s20] =	ssyncadd.s32 $0xFFFFD800  }
0x176: {  	v0 =	vld [tilespmem:s26+$0xFFFFFB90]  }
0x177: {  	v1 =	vld [tilespmem:s26+$0xFFFFFB10];
	_ =	sdelay $0x1  }
0x178: {  	v2 =	vld [tilespmem:s26+$0xFFFFFC10];
	_ =	sdelay $0x1  }
0x179: {  	v3 =	vld [tilespmem:s26+$0xFFFFFC90]  }
0x17a: {  	v0 =	vadd.f32 v0, v1  }
0x17b: {  	v1 =	vld [tilespmem:s26+$0xFFFFFD10]  }
0x17c: {  	v0 =	vadd.f32 v2, v0  }
0x17d: {  	v2 =	vld [tilespmem:s26+$0xFFFFFD90]  }
0x17e: {  	v0 =	vadd.f32 v3, v0  }
0x17f: {  	v3 =	vld [tilespmem:s26+$0xFFFFFE10]  }
0x180: {  	v0 =	vadd.f32 v1, v0  }
0x181: {  	v1 =	vld [tilespmem:s26+$0xFFFFFE90]  }
0x182: {  	v0 =	vadd.f32 v2, v0  }
0x183: {  	v2 =	vld [tilespmem:s26+$0xFFFFFF10]  }
0x184: {  	v0 =	vadd.f32 v3, v0  }
0x185: {  	v3 =	vld [tilespmem:s26+$0xFFFFFF90]  }
0x186: {  	v0 =	vadd.f32 v1, v0;
	_ =	sdelay $0x1  }
0x187: {  	v0 =	vadd.f32 v2, v0;
	_ =	sdelay $0x1  }
0x188: {  	v0 =	vadd.f32 v3, v0;
	_ =	sdelay $0x1  }
0x189: {  	v0 =	vmul.f32 $1.000000010e-01, v0  }
0x18a: {  	s28 =	simm.s32 $0x0  }
0x18b: {  	[tilespmem:s28+$0xA800] =	vst v0  }
0x18c: {  	v0 =	vld [tilespmem:s26+$0xFFFFFB20]  }
0x18d: {  	v1 =	vld [tilespmem:s26+$0xFFFFFBA0];
	_ =	sdelay $0x1  }
0x18e: {  	v2 =	vld [tilespmem:s26+$0xFFFFFC20];
	_ =	sdelay $0x1  }
0x18f: {  	v3 =	vld [tilespmem:s26+$0xFFFFFCA0]  }
0x190: {  	v0 =	vadd.f32 v1, v0  }
0x191: {  	v1 =	vld [tilespmem:s26+$0xFFFFFD20]  }
0x192: {  	v0 =	vadd.f32 v2, v0  }
0x193: {  	v2 =	vld [tilespmem:s26+$0xFFFFFDA0]  }
0x194: {  	v0 =	vadd.f32 v3, v0  }
0x195: {  	v3 =	vld [tilespmem:s26+$0xFFFFFE20]  }
0x196: {  	v0 =	vadd.f32 v1, v0  }
0x197: {  	v1 =	vld [tilespmem:s26+$0xFFFFFEA0]  }
0x198: {  	v0 =	vadd.f32 v2, v0  }
0x199: {  	v2 =	vld [tilespmem:s26+$0xFFFFFF20]  }
0x19a: {  	v0 =	vadd.f32 v3, v0  }
0x19b: {  	v3 =	vld [tilespmem:s26+$0xFFFFFFA0]  }
0x19c: {  	v0 =	vadd.f32 v1, v0;
	_ =	sdelay $0x1  }
0x19d: {  	v0 =	vadd.f32 v2, v0;
	_ =	sdelay $0x1  }
0x19e: {  	v0 =	vadd.f32 v3, v0;
	_ =	sdelay $0x1  }
0x19f: {  	v0 =	vmul.f32 $1.000000010e-01, v0;
	_ =	sdelay $0x1  }
0x1a0: {  	[tilespmem:s28+$0xA810] =	vst v0  }
0x1a1: {  	v0 =	vld [tilespmem:s26+$0xFFFFFB30]  }
0x1a2: {  	v1 =	vld [tilespmem:s26+$0xFFFFFBB0];
	_ =	sdelay $0x1  }
0x1a3: {  	v2 =	vld [tilespmem:s26+$0xFFFFFC30];
	_ =	sdelay $0x1  }
0x1a4: {  	v3 =	vld [tilespmem:s26+$0xFFFFFCB0]  }
0x1a5: {  	v0 =	vadd.f32 v1, v0  }
0x1a6: {  	v1 =	vld [tilespmem:s26+$0xFFFFFD30]  }
0x1a7: {  	v0 =	vadd.f32 v2, v0  }
0x1a8: {  	v2 =	vld [tilespmem:s26+$0xFFFFFDB0]  }
0x1a9: {  	v0 =	vadd.f32 v3, v0  }
0x1aa: {  	v3 =	vld [tilespmem:s26+$0xFFFFFE30]  }
0x1ab: {  	v0 =	vadd.f32 v1, v0  }
0x1ac: {  	v1 =	vld [tilespmem:s26+$0xFFFFFEB0]  }
0x1ad: {  	v0 =	vadd.f32 v2, v0  }
0x1ae: {  	v2 =	vld [tilespmem:s26+$0xFFFFFF30]  }
0x1af: {  	v0 =	vadd.f32 v3, v0  }
0x1b0: {  	v3 =	vld [tilespmem:s26+$0xFFFFFFB0]  }
0x1b1: {  	v0 =	vadd.f32 v1, v0;
	_ =	sdelay $0x1  }
0x1b2: {  	v0 =	vadd.f32 v2, v0;
	_ =	sdelay $0x1  }
0x1b3: {  	v0 =	vadd.f32 v3, v0;
	_ =	sdelay $0x1  }
0x1b4: {  	v0 =	vmul.f32 $1.000000010e-01, v0;
	_ =	sdelay $0x1  }
0x1b5: {  	[tilespmem:s28+$0xA820] =	vst v0  }
0x1b6: {  	v0 =	vld [tilespmem:s26+$0xFFFFFB40]  }
0x1b7: {  	v1 =	vld [tilespmem:s26+$0xFFFFFBC0];
	_ =	sdelay $0x1  }
0x1b8: {  	v2 =	vld [tilespmem:s26+$0xFFFFFC40];
	_ =	sdelay $0x1  }
0x1b9: {  	v3 =	vld [tilespmem:s26+$0xFFFFFCC0]  }
0x1ba: {  	v0 =	vadd.f32 v1, v0  }
0x1bb: {  	v1 =	vld [tilespmem:s26+$0xFFFFFD40]  }
0x1bc: {  	v0 =	vadd.f32 v2, v0  }
0x1bd: {  	v2 =	vld [tilespmem:s26+$0xFFFFFDC0]  }
0x1be: {  	v0 =	vadd.f32 v3, v0  }
0x1bf: {  	v3 =	vld [tilespmem:s26+$0xFFFFFE40]  }
0x1c0: {  	v0 =	vadd.f32 v1, v0  }
0x1c1: {  	v1 =	vld [tilespmem:s26+$0xFFFFFEC0]  }
0x1c2: {  	v0 =	vadd.f32 v2, v0  }
0x1c3: {  	v2 =	vld [tilespmem:s26+$0xFFFFFF40]  }
0x1c4: {  	v0 =	vadd.f32 v3, v0  }
0x1c5: {  	v3 =	vld [tilespmem:s26+$0xFFFFFFC0]  }
0x1c6: {  	v0 =	vadd.f32 v1, v0;
	_ =	sdelay $0x1  }
0x1c7: {  	v0 =	vadd.f32 v2, v0;
	_ =	sdelay $0x1  }
0x1c8: {  	v0 =	vadd.f32 v3, v0;
	_ =	sdelay $0x1  }
0x1c9: {  	v0 =	vmul.f32 $1.000000010e-01, v0;
	_ =	sdelay $0x1  }
0x1ca: {  	[tilespmem:s28+$0xA830] =	vst v0  }
0x1cb: {  	v0 =	vld [tilespmem:s26+$0xFFFFFB50]  }
0x1cc: {  	v1 =	vld [tilespmem:s26+$0xFFFFFBD0];
	_ =	sdelay $0x1  }
0x1cd: {  	v2 =	vld [tilespmem:s26+$0xFFFFFC50];
	_ =	sdelay $0x1  }
0x1ce: {  	v3 =	vld [tilespmem:s26+$0xFFFFFCD0]  }
0x1cf: {  	v0 =	vadd.f32 v1, v0  }
0x1d0: {  	v1 =	vld [tilespmem:s26+$0xFFFFFD50]  }
0x1d1: {  	v0 =	vadd.f32 v2, v0  }
0x1d2: {  	v2 =	vld [tilespmem:s26+$0xFFFFFDD0]  }
0x1d3: {  	v0 =	vadd.f32 v3, v0  }
0x1d4: {  	v3 =	vld [tilespmem:s26+$0xFFFFFE50]  }
0x1d5: {  	v0 =	vadd.f32 v1, v0  }
0x1d6: {  	v1 =	vld [tilespmem:s26+$0xFFFFFED0]  }
0x1d7: {  	v0 =	vadd.f32 v2, v0  }
0x1d8: {  	v2 =	vld [tilespmem:s26+$0xFFFFFF50]  }
0x1d9: {  	v0 =	vadd.f32 v3, v0  }
0x1da: {  	v3 =	vld [tilespmem:s26+$0xFFFFFFD0]  }
0x1db: {  	v0 =	vadd.f32 v1, v0;
	_ =	sdelay $0x1  }
0x1dc: {  	v0 =	vadd.f32 v2, v0;
	_ =	sdelay $0x1  }
0x1dd: {  	v0 =	vadd.f32 v3, v0;
	_ =	sdelay $0x1  }
0x1de: {  	v0 =	vmul.f32 $1.000000010e-01, v0;
	_ =	sdelay $0x1  }
0x1df: {  	[tilespmem:s28+$0xA840] =	vst v0  }
0x1e0: {  	v0 =	vld [tilespmem:s26+$0xFFFFFB60]  }
0x1e1: {  	v1 =	vld [tilespmem:s26+$0xFFFFFBE0];
	_ =	sdelay $0x1  }
0x1e2: {  	v2 =	vld [tilespmem:s26+$0xFFFFFC60];
	_ =	sdelay $0x1  }
0x1e3: {  	v3 =	vld [tilespmem:s26+$0xFFFFFCE0]  }
0x1e4: {  	v0 =	vadd.f32 v1, v0  }
0x1e5: {  	v1 =	vld [tilespmem:s26+$0xFFFFFD60]  }
0x1e6: {  	v0 =	vadd.f32 v2, v0  }
0x1e7: {  	v2 =	vld [tilespmem:s26+$0xFFFFFDE0]  }
0x1e8: {  	v0 =	vadd.f32 v3, v0  }
0x1e9: {  	v3 =	vld [tilespmem:s26+$0xFFFFFE60]  }
0x1ea: {  	v0 =	vadd.f32 v1, v0  }
0x1eb: {  	v1 =	vld [tilespmem:s26+$0xFFFFFEE0]  }
0x1ec: {  	v0 =	vadd.f32 v2, v0  }
0x1ed: {  	v2 =	vld [tilespmem:s26+$0xFFFFFF60]  }
0x1ee: {  	v0 =	vadd.f32 v3, v0  }
0x1ef: {  	v3 =	vld [tilespmem:s26+$0xFFFFFFE0]  }
0x1f0: {  	v0 =	vadd.f32 v1, v0;
	_ =	sdelay $0x1  }
0x1f1: {  	v0 =	vadd.f32 v2, v0;
	_ =	sdelay $0x1  }
0x1f2: {  	v0 =	vadd.f32 v3, v0;
	_ =	sdelay $0x1  }
0x1f3: {  	v0 =	vmul.f32 $1.000000010e-01, v0;
	_ =	sdelay $0x1  }
0x1f4: {  	[tilespmem:s28+$0xA850] =	vst v0  }
0x1f5: {  	v0 =	vld [tilespmem:s26+$0xFFFFFB70]  }
0x1f6: {  	v1 =	vld [tilespmem:s26+$0xFFFFFBF0];
	_ =	sdelay $0x1  }
0x1f7: {  	v2 =	vld [tilespmem:s26+$0xFFFFFC70];
	_ =	sdelay $0x1  }
0x1f8: {  	v3 =	vld [tilespmem:s26+$0xFFFFFCF0]  }
0x1f9: {  	v0 =	vadd.f32 v1, v0  }
0x1fa: {  	v1 =	vld [tilespmem:s26+$0xFFFFFD70]  }
0x1fb: {  	v0 =	vadd.f32 v2, v0  }
0x1fc: {  	v2 =	vld [tilespmem:s26+$0xFFFFFDF0]  }
0x1fd: {  	v0 =	vadd.f32 v3, v0  }
0x1fe: {  	v3 =	vld [tilespmem:s26+$0xFFFFFE70]  }
0x1ff: {  	v0 =	vadd.f32 v1, v0  }
0x200: {  	v1 =	vld [tilespmem:s26+$0xFFFFFEF0]  }
0x201: {  	v0 =	vadd.f32 v2, v0  }
0x202: {  	v2 =	vld [tilespmem:s26+$0xFFFFFF70]  }
0x203: {  	v0 =	vadd.f32 v3, v0  }
0x204: {  	v3 =	vld [tilespmem:s26+$0xFFFFFFF0]  }
0x205: {  	v0 =	vadd.f32 v1, v0;
	_ =	sdelay $0x1  }
0x206: {  	v0 =	vadd.f32 v2, v0;
	_ =	sdelay $0x1  }
0x207: {  	v0 =	vadd.f32 v3, v0;
	_ =	sdelay $0x1  }
0x208: {  	v0 =	vmul.f32 $1.000000010e-01, v0;
	_ =	sdelay $0x1  }
0x209: {  	[tilespmem:s28+$0xA860] =	vst v0  }
0x20a: {  	v0 =	vld [tilespmem:s26+$0xFFFFFB80]  }
0x20b: {  	v1 =	vld [tilespmem:s26+$0xFFFFFC00];
	_ =	sdelay $0x1  }
0x20c: {  	v2 =	vld [tilespmem:s26+$0xFFFFFC80];
	_ =	sdelay $0x1  }
0x20d: {  	v3 =	vld [tilespmem:s26+$0xFFFFFD00]  }
0x20e: {  	v0 =	vadd.f32 v1, v0  }
0x20f: {  	v1 =	vld [tilespmem:s26+$0xFFFFFD80]  }
0x210: {  	v0 =	vadd.f32 v2, v0  }
0x211: {  	v4 =	vld [tilespmem:s26+$0xFFFFFE00]  }
0x212: {  	v0 =	vadd.f32 v3, v0  }
0x213: {  	v3 =	vld [tilespmem:s26+$0xFFFFFE80]  }
0x214: {  	v0 =	vadd.f32 v1, v0  }
0x215: {  	v2 =	vld [tilespmem:s26+$0xFFFFFF00]  }
0x216: {  	v4 =	vadd.f32 v4, v0  }
0x217: {  	v0 =	vld [tilespmem:s26+$0xFFFFFF80]  }
0x218: {  	s29 =	simm.s32 $0x200;
	v1 =	vld [tilespmem:s26+$0x0];
	v3 =	vadd.f32 v3, v4  }
.LBB2_5:
0x219: {  	p1 =	sne.s32 s29, $0xE00  }
0x21a: {  	s26 =	sadd.s32 $0x500, s26;
	s30 =	smov.u32 s29;
	s29 =	sadd.s32 $0x200, s29;
	v2 =	vadd.f32 v2, v3  }
0x21b: {  	_ = 	snop  }
0x21c: {  	v0 =	vadd.f32 v0, v2;
	_ =	sdelay $0x1  }
0x21d: {  	v0 =	vadd.f32 v1, v0;
	_ =	sdelay $0x1  }
0x21e: {  	v0 =	vmul.f32 $1.000000010e-01, v0;
	_ =	sdelay $0x1  }
0x21f: {  	[tilespmem:s28+$0xA870] =	vst v0  }
0x220: {  	v0 =	vld [tilespmem:s26+$0xFFFFFB90]  }
0x221: {  	v1 =	vld [tilespmem:s26+$0xFFFFFB10]  }
0x222: {  	v2 =	vld [tilespmem:s26+$0xFFFFFC10];
	_ =	sdelay $0x2  }
0x223: {  	v3 =	vld [tilespmem:s26+$0xFFFFFC90]  }
0x224: {  	v0 =	vadd.f32 v0, v1  }
0x225: {  	v1 =	vld [tilespmem:s26+$0xFFFFFD10]  }
0x226: {  	v0 =	vadd.f32 v2, v0  }
0x227: {  	v2 =	vld [tilespmem:s26+$0xFFFFFD90]  }
0x228: {  	v0 =	vadd.f32 v3, v0  }
0x229: {  	v3 =	vld [tilespmem:s26+$0xFFFFFE10]  }
0x22a: {  	v0 =	vadd.f32 v1, v0  }
0x22b: {  	v1 =	vld [tilespmem:s26+$0xFFFFFE90]  }
0x22c: {  	v0 =	vadd.f32 v2, v0  }
0x22d: {  	v2 =	vld [tilespmem:s26+$0xFFFFFF10]  }
0x22e: {  	v0 =	vadd.f32 v3, v0  }
0x22f: {  	v3 =	vld [tilespmem:s26+$0xFFFFFF90]  }
0x230: {  	v0 =	vadd.f32 v1, v0;
	_ =	sdelay $0x1  }
0x231: {  	v0 =	vadd.f32 v2, v0;
	_ =	sdelay $0x1  }
0x232: {  	v0 =	vadd.f32 v3, v0;
	_ =	sdelay $0x1  }
0x233: {  	v0 =	vmul.f32 $1.000000010e-01, v0  }
0x234: {  	s28 =	sshra.s32 s30, $0x2  }
0x235: {  	[tilespmem:s28+$0xA800] =	vst v0  }
0x236: {  	v0 =	vld [tilespmem:s26+$0xFFFFFB20]  }
0x237: {  	v1 =	vld [tilespmem:s26+$0xFFFFFBA0];
	_ =	sdelay $0x1  }
0x238: {  	v2 =	vld [tilespmem:s26+$0xFFFFFC20];
	_ =	sdelay $0x1  }
0x239: {  	v3 =	vld [tilespmem:s26+$0xFFFFFCA0]  }
0x23a: {  	v0 =	vadd.f32 v1, v0  }
0x23b: {  	v1 =	vld [tilespmem:s26+$0xFFFFFD20]  }
0x23c: {  	v0 =	vadd.f32 v2, v0  }
0x23d: {  	v2 =	vld [tilespmem:s26+$0xFFFFFDA0]  }
0x23e: {  	v0 =	vadd.f32 v3, v0  }
0x23f: {  	v3 =	vld [tilespmem:s26+$0xFFFFFE20]  }
0x240: {  	v0 =	vadd.f32 v1, v0  }
0x241: {  	v1 =	vld [tilespmem:s26+$0xFFFFFEA0]  }
0x242: {  	v0 =	vadd.f32 v2, v0  }
0x243: {  	v2 =	vld [tilespmem:s26+$0xFFFFFF20]  }
0x244: {  	v0 =	vadd.f32 v3, v0  }
0x245: {  	v3 =	vld [tilespmem:s26+$0xFFFFFFA0]  }
0x246: {  	v0 =	vadd.f32 v1, v0;
	_ =	sdelay $0x1  }
0x247: {  	v0 =	vadd.f32 v2, v0;
	_ =	sdelay $0x1  }
0x248: {  	v0 =	vadd.f32 v3, v0;
	_ =	sdelay $0x1  }
0x249: {  	v0 =	vmul.f32 $1.000000010e-01, v0;
	_ =	sdelay $0x1  }
0x24a: {  	[tilespmem:s28+$0xA810] =	vst v0  }
0x24b: {  	v0 =	vld [tilespmem:s26+$0xFFFFFB30]  }
0x24c: {  	v1 =	vld [tilespmem:s26+$0xFFFFFBB0];
	_ =	sdelay $0x1  }
0x24d: {  	v2 =	vld [tilespmem:s26+$0xFFFFFC30];
	_ =	sdelay $0x1  }
0x24e: {  	v3 =	vld [tilespmem:s26+$0xFFFFFCB0]  }
0x24f: {  	v0 =	vadd.f32 v1, v0  }
0x250: {  	v1 =	vld [tilespmem:s26+$0xFFFFFD30]  }
0x251: {  	v0 =	vadd.f32 v2, v0  }
0x252: {  	v2 =	vld [tilespmem:s26+$0xFFFFFDB0]  }
0x253: {  	v0 =	vadd.f32 v3, v0  }
0x254: {  	v3 =	vld [tilespmem:s26+$0xFFFFFE30]  }
0x255: {  	v0 =	vadd.f32 v1, v0  }
0x256: {  	v1 =	vld [tilespmem:s26+$0xFFFFFEB0]  }
0x257: {  	v0 =	vadd.f32 v2, v0  }
0x258: {  	v2 =	vld [tilespmem:s26+$0xFFFFFF30]  }
0x259: {  	v0 =	vadd.f32 v3, v0  }
0x25a: {  	v3 =	vld [tilespmem:s26+$0xFFFFFFB0]  }
0x25b: {  	v0 =	vadd.f32 v1, v0;
	_ =	sdelay $0x1  }
0x25c: {  	v0 =	vadd.f32 v2, v0;
	_ =	sdelay $0x1  }
0x25d: {  	v0 =	vadd.f32 v3, v0;
	_ =	sdelay $0x1  }
0x25e: {  	v0 =	vmul.f32 $1.000000010e-01, v0;
	_ =	sdelay $0x1  }
0x25f: {  	[tilespmem:s28+$0xA820] =	vst v0  }
0x260: {  	v0 =	vld [tilespmem:s26+$0xFFFFFB40]  }
0x261: {  	v1 =	vld [tilespmem:s26+$0xFFFFFBC0];
	_ =	sdelay $0x1  }
0x262: {  	v2 =	vld [tilespmem:s26+$0xFFFFFC40];
	_ =	sdelay $0x1  }
0x263: {  	v3 =	vld [tilespmem:s26+$0xFFFFFCC0]  }
0x264: {  	v0 =	vadd.f32 v1, v0  }
0x265: {  	v1 =	vld [tilespmem:s26+$0xFFFFFD40]  }
0x266: {  	v0 =	vadd.f32 v2, v0  }
0x267: {  	v2 =	vld [tilespmem:s26+$0xFFFFFDC0]  }
0x268: {  	v0 =	vadd.f32 v3, v0  }
0x269: {  	v3 =	vld [tilespmem:s26+$0xFFFFFE40]  }
0x26a: {  	v0 =	vadd.f32 v1, v0  }
0x26b: {  	v1 =	vld [tilespmem:s26+$0xFFFFFEC0]  }
0x26c: {  	v0 =	vadd.f32 v2, v0  }
0x26d: {  	v2 =	vld [tilespmem:s26+$0xFFFFFF40]  }
0x26e: {  	v0 =	vadd.f32 v3, v0  }
0x26f: {  	v3 =	vld [tilespmem:s26+$0xFFFFFFC0]  }
0x270: {  	v0 =	vadd.f32 v1, v0;
	_ =	sdelay $0x1  }
0x271: {  	v0 =	vadd.f32 v2, v0;
	_ =	sdelay $0x1  }
0x272: {  	v0 =	vadd.f32 v3, v0;
	_ =	sdelay $0x1  }
0x273: {  	v0 =	vmul.f32 $1.000000010e-01, v0;
	_ =	sdelay $0x1  }
0x274: {  	[tilespmem:s28+$0xA830] =	vst v0  }
0x275: {  	v0 =	vld [tilespmem:s26+$0xFFFFFB50]  }
0x276: {  	v1 =	vld [tilespmem:s26+$0xFFFFFBD0];
	_ =	sdelay $0x1  }
0x277: {  	v2 =	vld [tilespmem:s26+$0xFFFFFC50];
	_ =	sdelay $0x1  }
0x278: {  	v3 =	vld [tilespmem:s26+$0xFFFFFCD0]  }
0x279: {  	v0 =	vadd.f32 v1, v0  }
0x27a: {  	v1 =	vld [tilespmem:s26+$0xFFFFFD50]  }
0x27b: {  	v0 =	vadd.f32 v2, v0  }
0x27c: {  	v2 =	vld [tilespmem:s26+$0xFFFFFDD0]  }
0x27d: {  	v0 =	vadd.f32 v3, v0  }
0x27e: {  	v3 =	vld [tilespmem:s26+$0xFFFFFE50]  }
0x27f: {  	v0 =	vadd.f32 v1, v0  }
0x280: {  	v1 =	vld [tilespmem:s26+$0xFFFFFED0]  }
0x281: {  	v0 =	vadd.f32 v2, v0  }
0x282: {  	v2 =	vld [tilespmem:s26+$0xFFFFFF50]  }
0x283: {  	v0 =	vadd.f32 v3, v0  }
0x284: {  	v3 =	vld [tilespmem:s26+$0xFFFFFFD0]  }
0x285: {  	v0 =	vadd.f32 v1, v0;
	_ =	sdelay $0x1  }
0x286: {  	v0 =	vadd.f32 v2, v0;
	_ =	sdelay $0x1  }
0x287: {  	v0 =	vadd.f32 v3, v0;
	_ =	sdelay $0x1  }
0x288: {  	v0 =	vmul.f32 $1.000000010e-01, v0;
	_ =	sdelay $0x1  }
0x289: {  	[tilespmem:s28+$0xA840] =	vst v0  }
0x28a: {  	v0 =	vld [tilespmem:s26+$0xFFFFFB60]  }
0x28b: {  	v1 =	vld [tilespmem:s26+$0xFFFFFBE0]  }
0x28c: {  	v2 =	vld [tilespmem:s26+$0xFFFFFC60]  }
0x28d: {  	v3 =	vld [tilespmem:s26+$0xFFFFFCE0]  }
0x28e: {  	v4 =	vld [tilespmem:s26+$0xFFFFFD60]  }
0x28f: {  	v5 =	vld [tilespmem:s26+$0xFFFFFDE0]  }
0x290: {  	v0 =	vadd.f32 v1, v0;
	v1 =	vld [tilespmem:s26+$0xFFFFFE60]  }
0x291: {  	v6 =	vld [tilespmem:s26+$0xFFFFFEE0]  }
0x292: {  	v0 =	vadd.f32 v2, v0;
	v2 =	vld [tilespmem:s26+$0xFFFFFF60]  }
0x293: {  	v7 =	vld [tilespmem:s26+$0xFFFFFFE0]  }
0x294: {  	v0 =	vadd.f32 v3, v0;
	_ =	sdelay $0x1  }
0x295: {  	v0 =	vadd.f32 v4, v0;
	_ =	sdelay $0x1  }
0x296: {  	v0 =	vadd.f32 v5, v0;
	_ =	sdelay $0x1  }
0x297: {  	v0 =	vadd.f32 v1, v0;
	_ =	sdelay $0x1  }
0x298: {  	v0 =	vadd.f32 v6, v0;
	_ =	sdelay $0x1  }
0x299: {  	v0 =	vadd.f32 v2, v0;
	_ =	sdelay $0x1  }
0x29a: {  	v0 =	vadd.f32 v7, v0;
	_ =	sdelay $0x1  }
0x29b: {  	v0 =	vmul.f32 $1.000000010e-01, v0;
	_ =	sdelay $0x1  }
0x29c: {  	[tilespmem:s28+$0xA850] =	vst v0  }
0x29d: {  	v0 =	vld [tilespmem:s26+$0xFFFFFB70]  }
0x29e: {  	v1 =	vld [tilespmem:s26+$0xFFFFFBF0]  }
0x29f: {  	v2 =	vld [tilespmem:s26+$0xFFFFFC70]  }
0x2a0: {  	v3 =	vld [tilespmem:s26+$0xFFFFFCF0]  }
0x2a1: {  	v4 =	vld [tilespmem:s26+$0xFFFFFD70]  }
0x2a2: {  	v5 =	vld [tilespmem:s26+$0xFFFFFDF0]  }
0x2a3: {  	v0 =	vadd.f32 v1, v0;
	v1 =	vld [tilespmem:s26+$0xFFFFFE70]  }
0x2a4: {  	v6 =	vld [tilespmem:s26+$0xFFFFFEF0]  }
0x2a5: {  	v0 =	vadd.f32 v2, v0;
	v2 =	vld [tilespmem:s26+$0xFFFFFF70]  }
0x2a6: {  	v7 =	vld [tilespmem:s26+$0xFFFFFFF0]  }
0x2a7: {  	v0 =	vadd.f32 v3, v0;
	_ =	sdelay $0x1  }
0x2a8: {  	v0 =	vadd.f32 v4, v0;
	_ =	sdelay $0x1  }
0x2a9: {  	v0 =	vadd.f32 v5, v0;
	_ =	sdelay $0x1  }
0x2aa: {  	v0 =	vadd.f32 v1, v0;
	_ =	sdelay $0x1  }
0x2ab: {  	v0 =	vadd.f32 v6, v0;
	_ =	sdelay $0x1  }
0x2ac: {  	v0 =	vadd.f32 v2, v0;
	_ =	sdelay $0x1  }
0x2ad: {  	v0 =	vadd.f32 v7, v0;
	_ =	sdelay $0x1  }
0x2ae: {  	v0 =	vmul.f32 $1.000000010e-01, v0;
	_ =	sdelay $0x1  }
0x2af: {  	[tilespmem:s28+$0xA860] =	vst v0  }
0x2b0: {  	v0 =	vld [tilespmem:s26+$0xFFFFFB80]  }
0x2b1: {  	v1 =	vld [tilespmem:s26+$0xFFFFFC00]  }
0x2b2: {  	v3 =	vld [tilespmem:s26+$0xFFFFFC80]  }
0x2b3: {  	v4 =	vld [tilespmem:s26+$0xFFFFFD00]  }
0x2b4: {  	v5 =	vld [tilespmem:s26+$0xFFFFFD80]  }
0x2b5: {  	v6 =	vld [tilespmem:s26+$0xFFFFFE00]  }
0x2b6: {  	v0 =	vadd.f32 v1, v0;
	v7 =	vld [tilespmem:s26+$0xFFFFFE80]  }
0x2b7: {  	v2 =	vld [tilespmem:s26+$0xFFFFFF00]  }
0x2b8: {  	v3 =	vadd.f32 v3, v0;
	v0 =	vld [tilespmem:s26+$0xFFFFFF80]  }
0x2b9: {  	v1 =	vld [tilespmem:s26+$0x0]  }
0x2ba: {  	v3 =	vadd.f32 v4, v3;
	_ =	sdelay $0x1  }
.Ltmp1:
0x2bb: {  	v3 =	vadd.f32 v5, v3;
	(pc) =	sbr.rel @p1 .LBB2_5-.Ltmp1, $3  }
0x2bc: {  	_ = 	snop  }
0x2bd: {  	v3 =	vadd.f32 v6, v3;
	_ =	sdelay $0x1  }
0x2be: {  	v3 =	vadd.f32 v7, v3  }
0x2bf: {  	_ = 	snop  }
0x2c0: {  	v2 =	vadd.f32 v2, v3;
	_ =	sdelay $0x1  }
0x2c1: {  	v0 =	vadd.f32 v0, v2;
	_ =	sdelay $0x1  }
0x2c2: {  	v0 =	vadd.f32 v1, v0;
	_ =	sdelay $0x1  }
0x2c3: {  	v0 =	vmul.f32 $1.000000010e-01, v0  }
0x2c4: {  	s26 =	sadd.s32 @!p0 $0x280, s25  }
0x2c5: {  	s29 =	simm.s32 @!p0 $0x3000;
	s31 =	sshll.u32 s24, $0x5;
	[tilespmem:s28+$0xA870] =	vst v0;
	s28 =	simm.s32 @!p0 $0x50  }
0x2c6: {  	[tilespmem:s29], [sflag:$0x2] =	stream.indirect.gather @!p0 [hbm4b:s2+s28], $0x80, s26, s28, $0xb8;
	[tilespmem:$0xAC00] =	vst v63  }
0x2c7: {  	s26 =	sadd.s32 s31, s6  }
0x2c8: {  	s26 =	sshll.u32 s26, $0x4  }
0x2c9: {  	s26 =	sadd.s32 s3, s26  }
0x2ca: {  	s29 =	simm.s32 $0x0;
	s28 =	sadd.s32 $0x80, s26  }
0x2cb: {  	[hbm4b:s28+s29] =	stream.linear.scatter [tilespmem:s19], [sflag:$0x5], $0x400, $0x38;
	[tilespmem:$0xAC00] =	vst v63  }
0x2cc: {  	_ =	swait.ge [sflag:s9], $0x400  }
0x2cd: {  	[sflag:s9] =	ssyncset.done $0x0  }
0x2ce: {  	[sflag:s9] =	ssyncadd.s32 $0xFFFFFC00  }
0x2cf: {  	_ =	swait.ge [sflag:s21], $0x2800  }
0x2d0: {  	[sflag:s21] =	ssyncset.done $0x0  }
0x2d1: {  	s29 =	simm.s32 $0x0;
	[sflag:s21] =	ssyncadd.s32 $0xFFFFD800  }
0x2d2: {  	v0 =	vld [tilespmem:s29+$0x5800]  }
0x2d3: {  	v1 =	vld [tilespmem:s29+$0x5880];
	_ =	sdelay $0x1  }
0x2d4: {  	v2 =	vld [tilespmem:s29+$0x5900];
	_ =	sdelay $0x1  }
0x2d5: {  	v3 =	vld [tilespmem:s29+$0x5980]  }
0x2d6: {  	v0 =	vadd.f32 v1, v0  }
0x2d7: {  	v1 =	vld [tilespmem:s29+$0x5A00]  }
0x2d8: {  	v0 =	vadd.f32 v2, v0  }
0x2d9: {  	v2 =	vld [tilespmem:s29+$0x5A80]  }
0x2da: {  	v0 =	vadd.f32 v3, v0  }
0x2db: {  	v3 =	vld [tilespmem:s29+$0x5B00]  }
0x2dc: {  	v0 =	vadd.f32 v1, v0  }
0x2dd: {  	v1 =	vld [tilespmem:s29+$0x5B80]  }
0x2de: {  	v0 =	vadd.f32 v2, v0  }
0x2df: {  	v2 =	vld [tilespmem:s29+$0x5C00]  }
0x2e0: {  	v0 =	vadd.f32 v3, v0  }
0x2e1: {  	v3 =	vld [tilespmem:s29+$0x5C80]  }
0x2e2: {  	v0 =	vadd.f32 v1, v0;
	_ =	sdelay $0x1  }
0x2e3: {  	v0 =	vadd.f32 v2, v0;
	_ =	sdelay $0x1  }
0x2e4: {  	v0 =	vadd.f32 v3, v0;
	_ =	sdelay $0x1  }
0x2e5: {  	v0 =	vmul.f32 $1.000000010e-01, v0  }
0x2e6: {  	s28 =	simm.s32 $0xA840  }
0x2e7: {  	[tilespmem:s28+$0xFFFFFFC0] =	vst v0  }
0x2e8: {  	v0 =	vld [tilespmem:s29+$0x5810]  }
0x2e9: {  	v1 =	vld [tilespmem:s29+$0x5890];
	_ =	sdelay $0x1  }
0x2ea: {  	v2 =	vld [tilespmem:s29+$0x5910];
	_ =	sdelay $0x1  }
0x2eb: {  	v3 =	vld [tilespmem:s29+$0x5990]  }
0x2ec: {  	v0 =	vadd.f32 v1, v0  }
0x2ed: {  	v1 =	vld [tilespmem:s29+$0x5A10]  }
0x2ee: {  	v0 =	vadd.f32 v2, v0  }
0x2ef: {  	v2 =	vld [tilespmem:s29+$0x5A90]  }
0x2f0: {  	v0 =	vadd.f32 v3, v0  }
0x2f1: {  	v3 =	vld [tilespmem:s29+$0x5B10]  }
0x2f2: {  	v0 =	vadd.f32 v1, v0  }
0x2f3: {  	v1 =	vld [tilespmem:s29+$0x5B90]  }
0x2f4: {  	v0 =	vadd.f32 v2, v0  }
0x2f5: {  	v2 =	vld [tilespmem:s29+$0x5C10]  }
0x2f6: {  	v0 =	vadd.f32 v3, v0  }
0x2f7: {  	v3 =	vld [tilespmem:s29+$0x5C90]  }
0x2f8: {  	v0 =	vadd.f32 v1, v0;
	_ =	sdelay $0x1  }
0x2f9: {  	v0 =	vadd.f32 v2, v0;
	_ =	sdelay $0x1  }
0x2fa: {  	v0 =	vadd.f32 v3, v0;
	_ =	sdelay $0x1  }
0x2fb: {  	v0 =	vmul.f32 $1.000000010e-01, v0;
	_ =	sdelay $0x1  }
0x2fc: {  	[tilespmem:s28+$0xFFFFFFD0] =	vst v0  }
0x2fd: {  	v0 =	vld [tilespmem:s29+$0x5820]  }
0x2fe: {  	v1 =	vld [tilespmem:s29+$0x58A0];
	_ =	sdelay $0x1  }
0x2ff: {  	v2 =	vld [tilespmem:s29+$0x5920];
	_ =	sdelay $0x1  }
0x300: {  	v3 =	vld [tilespmem:s29+$0x59A0]  }
0x301: {  	v0 =	vadd.f32 v1, v0  }
0x302: {  	v1 =	vld [tilespmem:s29+$0x5A20]  }
0x303: {  	v0 =	vadd.f32 v2, v0  }
0x304: {  	v2 =	vld [tilespmem:s29+$0x5AA0]  }
0x305: {  	v0 =	vadd.f32 v3, v0  }
0x306: {  	v3 =	vld [tilespmem:s29+$0x5B20]  }
0x307: {  	v0 =	vadd.f32 v1, v0  }
0x308: {  	v1 =	vld [tilespmem:s29+$0x5BA0]  }
0x309: {  	v0 =	vadd.f32 v2, v0  }
0x30a: {  	v2 =	vld [tilespmem:s29+$0x5C20]  }
0x30b: {  	v0 =	vadd.f32 v3, v0  }
0x30c: {  	v3 =	vld [tilespmem:s29+$0x5CA0]  }
0x30d: {  	v0 =	vadd.f32 v1, v0;
	_ =	sdelay $0x1  }
0x30e: {  	v0 =	vadd.f32 v2, v0;
	_ =	sdelay $0x1  }
0x30f: {  	v0 =	vadd.f32 v3, v0;
	_ =	sdelay $0x1  }
0x310: {  	v0 =	vmul.f32 $1.000000010e-01, v0;
	_ =	sdelay $0x1  }
0x311: {  	[tilespmem:s28+$0xFFFFFFE0] =	vst v0  }
0x312: {  	v0 =	vld [tilespmem:s29+$0x5830]  }
0x313: {  	v1 =	vld [tilespmem:s29+$0x58B0];
	_ =	sdelay $0x1  }
0x314: {  	v2 =	vld [tilespmem:s29+$0x5930];
	_ =	sdelay $0x1  }
0x315: {  	v3 =	vld [tilespmem:s29+$0x59B0]  }
0x316: {  	v0 =	vadd.f32 v1, v0  }
0x317: {  	v1 =	vld [tilespmem:s29+$0x5A30]  }
0x318: {  	v0 =	vadd.f32 v2, v0  }
0x319: {  	v2 =	vld [tilespmem:s29+$0x5AB0]  }
0x31a: {  	v0 =	vadd.f32 v3, v0  }
0x31b: {  	v3 =	vld [tilespmem:s29+$0x5B30]  }
0x31c: {  	v0 =	vadd.f32 v1, v0  }
0x31d: {  	v1 =	vld [tilespmem:s29+$0x5BB0]  }
0x31e: {  	v0 =	vadd.f32 v2, v0  }
0x31f: {  	v2 =	vld [tilespmem:s29+$0x5C30]  }
0x320: {  	v0 =	vadd.f32 v3, v0  }
0x321: {  	v3 =	vld [tilespmem:s29+$0x5CB0]  }
0x322: {  	v0 =	vadd.f32 v1, v0;
	_ =	sdelay $0x1  }
0x323: {  	v0 =	vadd.f32 v2, v0;
	_ =	sdelay $0x1  }
0x324: {  	v0 =	vadd.f32 v3, v0;
	_ =	sdelay $0x1  }
0x325: {  	v0 =	vmul.f32 $1.000000010e-01, v0;
	_ =	sdelay $0x1  }
0x326: {  	[tilespmem:s28+$0xFFFFFFF0] =	vst v0  }
0x327: {  	v0 =	vld [tilespmem:s29+$0x5840]  }
0x328: {  	v1 =	vld [tilespmem:s29+$0x58C0];
	_ =	sdelay $0x1  }
0x329: {  	v2 =	vld [tilespmem:s29+$0x5940];
	_ =	sdelay $0x1  }
0x32a: {  	v3 =	vld [tilespmem:s29+$0x59C0]  }
0x32b: {  	v0 =	vadd.f32 v1, v0  }
0x32c: {  	v1 =	vld [tilespmem:s29+$0x5A40]  }
0x32d: {  	v0 =	vadd.f32 v2, v0  }
0x32e: {  	v2 =	vld [tilespmem:s29+$0x5AC0]  }
0x32f: {  	v0 =	vadd.f32 v3, v0  }
0x330: {  	v3 =	vld [tilespmem:s29+$0x5B40]  }
0x331: {  	v0 =	vadd.f32 v1, v0  }
0x332: {  	v1 =	vld [tilespmem:s29+$0x5BC0]  }
0x333: {  	v0 =	vadd.f32 v2, v0  }
0x334: {  	v2 =	vld [tilespmem:s29+$0x5C40]  }
0x335: {  	v0 =	vadd.f32 v3, v0  }
0x336: {  	v3 =	vld [tilespmem:s29+$0x5CC0]  }
0x337: {  	v0 =	vadd.f32 v1, v0;
	_ =	sdelay $0x1  }
0x338: {  	v0 =	vadd.f32 v2, v0;
	_ =	sdelay $0x1  }
0x339: {  	v0 =	vadd.f32 v3, v0;
	_ =	sdelay $0x1  }
0x33a: {  	v0 =	vmul.f32 $1.000000010e-01, v0;
	_ =	sdelay $0x1  }
0x33b: {  	[tilespmem:s28+$0x0] =	vst v0  }
0x33c: {  	v0 =	vld [tilespmem:s29+$0x5850]  }
0x33d: {  	v1 =	vld [tilespmem:s29+$0x58D0];
	_ =	sdelay $0x1  }
0x33e: {  	v2 =	vld [tilespmem:s29+$0x5950];
	_ =	sdelay $0x1  }
0x33f: {  	v3 =	vld [tilespmem:s29+$0x59D0]  }
0x340: {  	v0 =	vadd.f32 v1, v0  }
0x341: {  	v1 =	vld [tilespmem:s29+$0x5A50]  }
0x342: {  	v0 =	vadd.f32 v2, v0  }
0x343: {  	v2 =	vld [tilespmem:s29+$0x5AD0]  }
0x344: {  	v0 =	vadd.f32 v3, v0  }
0x345: {  	v3 =	vld [tilespmem:s29+$0x5B50]  }
0x346: {  	v0 =	vadd.f32 v1, v0  }
0x347: {  	v1 =	vld [tilespmem:s29+$0x5BD0]  }
0x348: {  	v0 =	vadd.f32 v2, v0  }
0x349: {  	v2 =	vld [tilespmem:s29+$0x5C50]  }
0x34a: {  	v0 =	vadd.f32 v3, v0  }
0x34b: {  	v3 =	vld [tilespmem:s29+$0x5CD0]  }
0x34c: {  	v0 =	vadd.f32 v1, v0;
	_ =	sdelay $0x1  }
0x34d: {  	v0 =	vadd.f32 v2, v0;
	_ =	sdelay $0x1  }
0x34e: {  	v0 =	vadd.f32 v3, v0;
	_ =	sdelay $0x1  }
0x34f: {  	v0 =	vmul.f32 $1.000000010e-01, v0;
	_ =	sdelay $0x1  }
0x350: {  	[tilespmem:s28+$0x10] =	vst v0  }
0x351: {  	v0 =	vld [tilespmem:s29+$0x5860]  }
0x352: {  	v1 =	vld [tilespmem:s29+$0x58E0];
	_ =	sdelay $0x1  }
0x353: {  	v2 =	vld [tilespmem:s29+$0x5960];
	_ =	sdelay $0x1  }
0x354: {  	v3 =	vld [tilespmem:s29+$0x59E0]  }
0x355: {  	v0 =	vadd.f32 v1, v0  }
0x356: {  	v1 =	vld [tilespmem:s29+$0x5A60]  }
0x357: {  	v0 =	vadd.f32 v2, v0  }
0x358: {  	v2 =	vld [tilespmem:s29+$0x5AE0]  }
0x359: {  	v0 =	vadd.f32 v3, v0  }
0x35a: {  	v3 =	vld [tilespmem:s29+$0x5B60]  }
0x35b: {  	v0 =	vadd.f32 v1, v0  }
0x35c: {  	v1 =	vld [tilespmem:s29+$0x5BE0]  }
0x35d: {  	v0 =	vadd.f32 v2, v0  }
0x35e: {  	v2 =	vld [tilespmem:s29+$0x5C60]  }
0x35f: {  	v0 =	vadd.f32 v3, v0  }
0x360: {  	v3 =	vld [tilespmem:s29+$0x5CE0]  }
0x361: {  	v0 =	vadd.f32 v1, v0;
	_ =	sdelay $0x1  }
0x362: {  	v0 =	vadd.f32 v2, v0;
	_ =	sdelay $0x1  }
0x363: {  	v0 =	vadd.f32 v3, v0;
	_ =	sdelay $0x1  }
0x364: {  	v0 =	vmul.f32 $1.000000010e-01, v0;
	_ =	sdelay $0x1  }
0x365: {  	[tilespmem:s28+$0x20] =	vst v0  }
0x366: {  	v0 =	vld [tilespmem:s29+$0x5870]  }
0x367: {  	v1 =	vld [tilespmem:s29+$0x58F0];
	_ =	sdelay $0x1  }
0x368: {  	v2 =	vld [tilespmem:s29+$0x5970];
	_ =	sdelay $0x1  }
0x369: {  	v3 =	vld [tilespmem:s29+$0x59F0]  }
0x36a: {  	v0 =	vadd.f32 v1, v0  }
0x36b: {  	v1 =	vld [tilespmem:s29+$0x5A70]  }
0x36c: {  	v0 =	vadd.f32 v2, v0  }
0x36d: {  	v2 =	vld [tilespmem:s29+$0x5AF0]  }
0x36e: {  	v0 =	vadd.f32 v3, v0  }
0x36f: {  	v3 =	vld [tilespmem:s29+$0x5B70]  }
0x370: {  	v1 =	vadd.f32 v1, v0;
	_ =	sdelay $0x1  }
0x371: {  	v0 =	vld [tilespmem:s29+$0x5BF0];
	v4 =	vadd.f32 v2, v1  }
0x372: {  	v1 =	vld [tilespmem:s29+$0x5C70]  }
0x373: {  	s30 =	simm.s32 $0x1400;
	v2 =	vld [tilespmem:s29+$0x5CF0];
	s29 =	simm.s32 $0xA840;
	v3 =	vadd.f32 v3, v4  }
.LBB2_7:
0x374: {  	p1 =	sne.s32 s30, $0x8C00  }
0x375: {  	s28 =	sadd.s32 $0x80, s28;
	s31 =	smov.u32 s30;
	s30 =	sadd.s32 $0x1400, s30  }
0x376: {  	v0 =	vadd.f32 v0, v3;
	_ =	sdelay $0x1  }
0x377: {  	v0 =	vadd.f32 v1, v0;
	_ =	sdelay $0x1  }
0x378: {  	v0 =	vadd.f32 v2, v0;
	_ =	sdelay $0x1  }
0x379: {  	v0 =	vmul.f32 $1.000000010e-01, v0  }
0x37a: {  	s31 =	sshra.s32 s31, $0x2  }
0x37b: {  	[tilespmem:s29+$0x30] =	vst v0;
	s29 =	smov.u32 s28  }
0x37c: {  	v0 =	vld [tilespmem:s31+$0x5800]  }
0x37d: {  	v1 =	vld [tilespmem:s31+$0x5880]  }
0x37e: {  	v2 =	vld [tilespmem:s31+$0x5900];
	_ =	sdelay $0x1  }
0x37f: {  	v3 =	vld [tilespmem:s31+$0x5980];
	_ =	sdelay $0x1  }
0x380: {  	v0 =	vadd.f32 v1, v0  }
0x381: {  	v1 =	vld [tilespmem:s31+$0x5A00]  }
0x382: {  	v0 =	vadd.f32 v2, v0  }
0x383: {  	v2 =	vld [tilespmem:s31+$0x5A80]  }
0x384: {  	v0 =	vadd.f32 v3, v0  }
0x385: {  	v3 =	vld [tilespmem:s31+$0x5B00]  }
0x386: {  	v0 =	vadd.f32 v1, v0  }
0x387: {  	v1 =	vld [tilespmem:s31+$0x5B80]  }
0x388: {  	v0 =	vadd.f32 v2, v0  }
0x389: {  	v2 =	vld [tilespmem:s31+$0x5C00]  }
0x38a: {  	v0 =	vadd.f32 v3, v0  }
0x38b: {  	v3 =	vld [tilespmem:s31+$0x5C80]  }
0x38c: {  	v0 =	vadd.f32 v1, v0;
	_ =	sdelay $0x1  }
0x38d: {  	v0 =	vadd.f32 v2, v0;
	_ =	sdelay $0x1  }
0x38e: {  	v0 =	vadd.f32 v3, v0;
	_ =	sdelay $0x1  }
0x38f: {  	v0 =	vmul.f32 $1.000000010e-01, v0;
	_ =	sdelay $0x1  }
0x390: {  	[tilespmem:s28+$0xFFFFFFC0] =	vst v0  }
0x391: {  	v0 =	vld [tilespmem:s31+$0x5810]  }
0x392: {  	v1 =	vld [tilespmem:s31+$0x5890];
	_ =	sdelay $0x1  }
0x393: {  	v2 =	vld [tilespmem:s31+$0x5910];
	_ =	sdelay $0x1  }
0x394: {  	v3 =	vld [tilespmem:s31+$0x5990]  }
0x395: {  	v0 =	vadd.f32 v1, v0  }
0x396: {  	v1 =	vld [tilespmem:s31+$0x5A10]  }
0x397: {  	v0 =	vadd.f32 v2, v0  }
0x398: {  	v2 =	vld [tilespmem:s31+$0x5A90]  }
0x399: {  	v0 =	vadd.f32 v3, v0  }
0x39a: {  	v3 =	vld [tilespmem:s31+$0x5B10]  }
0x39b: {  	v0 =	vadd.f32 v1, v0  }
0x39c: {  	v1 =	vld [tilespmem:s31+$0x5B90]  }
0x39d: {  	v0 =	vadd.f32 v2, v0  }
0x39e: {  	v2 =	vld [tilespmem:s31+$0x5C10]  }
0x39f: {  	v0 =	vadd.f32 v3, v0  }
0x3a0: {  	v3 =	vld [tilespmem:s31+$0x5C90]  }
0x3a1: {  	v0 =	vadd.f32 v1, v0;
	_ =	sdelay $0x1  }
0x3a2: {  	v0 =	vadd.f32 v2, v0;
	_ =	sdelay $0x1  }
0x3a3: {  	v0 =	vadd.f32 v3, v0;
	_ =	sdelay $0x1  }
0x3a4: {  	v0 =	vmul.f32 $1.000000010e-01, v0;
	_ =	sdelay $0x1  }
0x3a5: {  	[tilespmem:s28+$0xFFFFFFD0] =	vst v0  }
0x3a6: {  	v0 =	vld [tilespmem:s31+$0x5820]  }
0x3a7: {  	v1 =	vld [tilespmem:s31+$0x58A0];
	_ =	sdelay $0x1  }
0x3a8: {  	v2 =	vld [tilespmem:s31+$0x5920];
	_ =	sdelay $0x1  }
0x3a9: {  	v3 =	vld [tilespmem:s31+$0x59A0]  }
0x3aa: {  	v0 =	vadd.f32 v1, v0  }
0x3ab: {  	v1 =	vld [tilespmem:s31+$0x5A20]  }
0x3ac: {  	v0 =	vadd.f32 v2, v0  }
0x3ad: {  	v2 =	vld [tilespmem:s31+$0x5AA0]  }
0x3ae: {  	v0 =	vadd.f32 v3, v0  }
0x3af: {  	v3 =	vld [tilespmem:s31+$0x5B20]  }
0x3b0: {  	v0 =	vadd.f32 v1, v0  }
0x3b1: {  	v1 =	vld [tilespmem:s31+$0x5BA0]  }
0x3b2: {  	v0 =	vadd.f32 v2, v0  }
0x3b3: {  	v2 =	vld [tilespmem:s31+$0x5C20]  }
0x3b4: {  	v0 =	vadd.f32 v3, v0  }
0x3b5: {  	v3 =	vld [tilespmem:s31+$0x5CA0]  }
0x3b6: {  	v0 =	vadd.f32 v1, v0;
	_ =	sdelay $0x1  }
0x3b7: {  	v0 =	vadd.f32 v2, v0;
	_ =	sdelay $0x1  }
0x3b8: {  	v0 =	vadd.f32 v3, v0;
	_ =	sdelay $0x1  }
0x3b9: {  	v0 =	vmul.f32 $1.000000010e-01, v0;
	_ =	sdelay $0x1  }
0x3ba: {  	[tilespmem:s28+$0xFFFFFFE0] =	vst v0  }
0x3bb: {  	v0 =	vld [tilespmem:s31+$0x5830]  }
0x3bc: {  	v1 =	vld [tilespmem:s31+$0x58B0]  }
0x3bd: {  	v2 =	vld [tilespmem:s31+$0x5930];
	_ =	sdelay $0x2  }
0x3be: {  	v3 =	vld [tilespmem:s31+$0x59B0]  }
0x3bf: {  	v0 =	vadd.f32 v1, v0  }
0x3c0: {  	v1 =	vld [tilespmem:s31+$0x5A30]  }
0x3c1: {  	v0 =	vadd.f32 v2, v0  }
0x3c2: {  	v2 =	vld [tilespmem:s31+$0x5AB0]  }
0x3c3: {  	v0 =	vadd.f32 v3, v0  }
0x3c4: {  	v3 =	vld [tilespmem:s31+$0x5B30]  }
0x3c5: {  	v0 =	vadd.f32 v1, v0  }
0x3c6: {  	v1 =	vld [tilespmem:s31+$0x5BB0]  }
0x3c7: {  	v0 =	vadd.f32 v2, v0  }
0x3c8: {  	v2 =	vld [tilespmem:s31+$0x5C30]  }
0x3c9: {  	v0 =	vadd.f32 v3, v0  }
0x3ca: {  	v3 =	vld [tilespmem:s31+$0x5CB0]  }
0x3cb: {  	v0 =	vadd.f32 v1, v0;
	_ =	sdelay $0x1  }
0x3cc: {  	v0 =	vadd.f32 v2, v0;
	_ =	sdelay $0x1  }
0x3cd: {  	v0 =	vadd.f32 v3, v0;
	_ =	sdelay $0x1  }
0x3ce: {  	v0 =	vmul.f32 $1.000000010e-01, v0;
	_ =	sdelay $0x1  }
0x3cf: {  	[tilespmem:s28+$0xFFFFFFF0] =	vst v0  }
0x3d0: {  	v0 =	vld [tilespmem:s31+$0x5840]  }
0x3d1: {  	v1 =	vld [tilespmem:s31+$0x58C0];
	_ =	sdelay $0x1  }
0x3d2: {  	v2 =	vld [tilespmem:s31+$0x5940];
	_ =	sdelay $0x1  }
0x3d3: {  	v3 =	vld [tilespmem:s31+$0x59C0]  }
0x3d4: {  	v0 =	vadd.f32 v1, v0  }
0x3d5: {  	v1 =	vld [tilespmem:s31+$0x5A40]  }
0x3d6: {  	v0 =	vadd.f32 v2, v0  }
0x3d7: {  	v2 =	vld [tilespmem:s31+$0x5AC0]  }
0x3d8: {  	v0 =	vadd.f32 v3, v0  }
0x3d9: {  	v3 =	vld [tilespmem:s31+$0x5B40]  }
0x3da: {  	v0 =	vadd.f32 v1, v0  }
0x3db: {  	v1 =	vld [tilespmem:s31+$0x5BC0]  }
0x3dc: {  	v0 =	vadd.f32 v2, v0  }
0x3dd: {  	v2 =	vld [tilespmem:s31+$0x5C40]  }
0x3de: {  	v0 =	vadd.f32 v3, v0  }
0x3df: {  	v3 =	vld [tilespmem:s31+$0x5CC0]  }
0x3e0: {  	v0 =	vadd.f32 v1, v0;
	_ =	sdelay $0x1  }
0x3e1: {  	v0 =	vadd.f32 v2, v0;
	_ =	sdelay $0x1  }
0x3e2: {  	v0 =	vadd.f32 v3, v0;
	_ =	sdelay $0x1  }
0x3e3: {  	v0 =	vmul.f32 $1.000000010e-01, v0;
	_ =	sdelay $0x1  }
0x3e4: {  	[tilespmem:s28+$0x0] =	vst v0  }
0x3e5: {  	v0 =	vld [tilespmem:s31+$0x5850]  }
0x3e6: {  	v1 =	vld [tilespmem:s31+$0x58D0]  }
0x3e7: {  	v2 =	vld [tilespmem:s31+$0x5950]  }
0x3e8: {  	v3 =	vld [tilespmem:s31+$0x59D0]  }
0x3e9: {  	v4 =	vld [tilespmem:s31+$0x5A50]  }
0x3ea: {  	v5 =	vld [tilespmem:s31+$0x5AD0]  }
0x3eb: {  	v0 =	vadd.f32 v1, v0;
	v1 =	vld [tilespmem:s31+$0x5B50]  }
0x3ec: {  	v6 =	vld [tilespmem:s31+$0x5BD0]  }
0x3ed: {  	v0 =	vadd.f32 v2, v0;
	v2 =	vld [tilespmem:s31+$0x5C50]  }
0x3ee: {  	v7 =	vld [tilespmem:s31+$0x5CD0]  }
0x3ef: {  	v0 =	vadd.f32 v3, v0;
	_ =	sdelay $0x1  }
0x3f0: {  	v0 =	vadd.f32 v4, v0;
	_ =	sdelay $0x1  }
0x3f1: {  	v0 =	vadd.f32 v5, v0;
	_ =	sdelay $0x1  }
0x3f2: {  	v0 =	vadd.f32 v1, v0;
	_ =	sdelay $0x1  }
0x3f3: {  	v0 =	vadd.f32 v6, v0;
	_ =	sdelay $0x1  }
0x3f4: {  	v0 =	vadd.f32 v2, v0;
	_ =	sdelay $0x1  }
0x3f5: {  	v0 =	vadd.f32 v7, v0;
	_ =	sdelay $0x1  }
0x3f6: {  	v0 =	vmul.f32 $1.000000010e-01, v0;
	_ =	sdelay $0x1  }
0x3f7: {  	[tilespmem:s28+$0x10] =	vst v0  }
0x3f8: {  	v0 =	vld [tilespmem:s31+$0x5860]  }
0x3f9: {  	v1 =	vld [tilespmem:s31+$0x58E0]  }
0x3fa: {  	v2 =	vld [tilespmem:s31+$0x5960]  }
0x3fb: {  	v3 =	vld [tilespmem:s31+$0x59E0]  }
0x3fc: {  	v4 =	vld [tilespmem:s31+$0x5A60]  }
0x3fd: {  	v5 =	vld [tilespmem:s31+$0x5AE0]  }
0x3fe: {  	v0 =	vadd.f32 v1, v0;
	v1 =	vld [tilespmem:s31+$0x5B60]  }
0x3ff: {  	v6 =	vld [tilespmem:s31+$0x5BE0]  }
0x400: {  	v0 =	vadd.f32 v2, v0;
	v2 =	vld [tilespmem:s31+$0x5C60]  }
0x401: {  	v7 =	vld [tilespmem:s31+$0x5CE0]  }
0x402: {  	v0 =	vadd.f32 v3, v0;
	_ =	sdelay $0x1  }
0x403: {  	v0 =	vadd.f32 v4, v0;
	_ =	sdelay $0x1  }
0x404: {  	v0 =	vadd.f32 v5, v0;
	_ =	sdelay $0x1  }
0x405: {  	v0 =	vadd.f32 v1, v0;
	_ =	sdelay $0x1  }
0x406: {  	v0 =	vadd.f32 v6, v0;
	_ =	sdelay $0x1  }
0x407: {  	v0 =	vadd.f32 v2, v0;
	_ =	sdelay $0x1  }
0x408: {  	v0 =	vadd.f32 v7, v0;
	_ =	sdelay $0x1  }
0x409: {  	v0 =	vmul.f32 $1.000000010e-01, v0;
	_ =	sdelay $0x1  }
0x40a: {  	[tilespmem:s28+$0x20] =	vst v0  }
0x40b: {  	v0 =	vld [tilespmem:s31+$0x5870]  }
0x40c: {  	v1 =	vld [tilespmem:s31+$0x58F0]  }
0x40d: {  	v2 =	vld [tilespmem:s31+$0x5970]  }
0x40e: {  	v3 =	vld [tilespmem:s31+$0x59F0]  }
0x40f: {  	v4 =	vld [tilespmem:s31+$0x5A70]  }
0x410: {  	v5 =	vld [tilespmem:s31+$0x5AF0]  }
0x411: {  	v1 =	vadd.f32 v1, v0;
	v6 =	vld [tilespmem:s31+$0x5B70]  }
0x412: {  	v0 =	vld [tilespmem:s31+$0x5BF0]  }
0x413: {  	v7 =	vadd.f32 v2, v1;
	v1 =	vld [tilespmem:s31+$0x5C70]  }
0x414: {  	v2 =	vld [tilespmem:s31+$0x5CF0]  }
0x415: {  	v3 =	vadd.f32 v3, v7;
	_ =	sdelay $0x1  }
.Ltmp2:
0x416: {  	v3 =	vadd.f32 v4, v3;
	(pc) =	sbr.rel @p1 .LBB2_7-.Ltmp2, $3  }
0x417: {  	_ = 	snop  }
0x418: {  	v3 =	vadd.f32 v5, v3;
	_ =	sdelay $0x1  }
0x419: {  	v3 =	vadd.f32 v6, v3  }
0x41a: {  	_ = 	snop  }
0x41b: {  	v0 =	vadd.f32 v0, v3;
	_ =	sdelay $0x1  }
0x41c: {  	v0 =	vadd.f32 v1, v0;
	_ =	sdelay $0x1  }
0x41d: {  	v0 =	vadd.f32 v2, v0;
	_ =	sdelay $0x1  }
0x41e: {  	v0 =	vmul.f32 $1.000000010e-01, v0;
	_ =	sdelay $0x1  }
0x41f: {  	s28 =	sadd.s32 @!p0 $0x300, s25;
	s30 =	simm.s32 @!p0 $0x5800;
	[tilespmem:s29+$0x30] =	vst v0;
	s29 =	simm.s32 @!p0 $0x50  }
0x420: {  	[tilespmem:s30], [sflag:$0x3] =	stream.indirect.gather @!p0 [hbm4b:s2+s29], $0x80, s28, s29, $0xb8;
	[tilespmem:$0xAC00] =	vst v63  }
0x421: {  	s28 =	sadd.s32 $0x100, s26;
	s29 =	simm.s32 $0x0  }
0x422: {  	[hbm4b:s28+s29] =	stream.linear.scatter [tilespmem:s19], [sflag:$0x5], $0x400, $0x38;
	[tilespmem:$0xAC00] =	vst v63  }
0x423: {  	_ =	swait.ge [sflag:s9], $0x400  }
0x424: {  	[sflag:s9] =	ssyncset.done $0x0  }
0x425: {  	[sflag:s9] =	ssyncadd.s32 $0xFFFFFC00  }
0x426: {  	_ =	swait.ge [sflag:s22], $0x2800  }
0x427: {  	[sflag:s22] =	ssyncset.done $0x0  }
0x428: {  	s29 =	simm.s32 $0x0;
	[sflag:s22] =	ssyncadd.s32 $0xFFFFD800  }
0x429: {  	v0 =	vld [tilespmem:s29+$0x8000]  }
0x42a: {  	v1 =	vld [tilespmem:s29+$0x8080];
	_ =	sdelay $0x1  }
0x42b: {  	v2 =	vld [tilespmem:s29+$0x8100];
	_ =	sdelay $0x1  }
0x42c: {  	v3 =	vld [tilespmem:s29+$0x8180]  }
0x42d: {  	v0 =	vadd.f32 v1, v0  }
0x42e: {  	v1 =	vld [tilespmem:s29+$0x8200]  }
0x42f: {  	v0 =	vadd.f32 v2, v0  }
0x430: {  	v2 =	vld [tilespmem:s29+$0x8280]  }
0x431: {  	v0 =	vadd.f32 v3, v0  }
0x432: {  	v3 =	vld [tilespmem:s29+$0x8300]  }
0x433: {  	v0 =	vadd.f32 v1, v0  }
0x434: {  	v1 =	vld [tilespmem:s29+$0x8380]  }
0x435: {  	v0 =	vadd.f32 v2, v0  }
0x436: {  	v2 =	vld [tilespmem:s29+$0x8400]  }
0x437: {  	v0 =	vadd.f32 v3, v0  }
0x438: {  	v3 =	vld [tilespmem:s29+$0x8480]  }
0x439: {  	v0 =	vadd.f32 v1, v0;
	_ =	sdelay $0x1  }
0x43a: {  	v0 =	vadd.f32 v2, v0;
	_ =	sdelay $0x1  }
0x43b: {  	v0 =	vadd.f32 v3, v0;
	_ =	sdelay $0x1  }
0x43c: {  	v0 =	vmul.f32 $1.000000010e-01, v0  }
0x43d: {  	s28 =	simm.s32 $0xA840  }
0x43e: {  	[tilespmem:s28+$0xFFFFFFC0] =	vst v0  }
0x43f: {  	v0 =	vld [tilespmem:s29+$0x8010]  }
0x440: {  	v1 =	vld [tilespmem:s29+$0x8090];
	_ =	sdelay $0x1  }
0x441: {  	v2 =	vld [tilespmem:s29+$0x8110];
	_ =	sdelay $0x1  }
0x442: {  	v3 =	vld [tilespmem:s29+$0x8190]  }
0x443: {  	v0 =	vadd.f32 v1, v0  }
0x444: {  	v1 =	vld [tilespmem:s29+$0x8210]  }
0x445: {  	v0 =	vadd.f32 v2, v0  }
0x446: {  	v2 =	vld [tilespmem:s29+$0x8290]  }
0x447: {  	v0 =	vadd.f32 v3, v0  }
0x448: {  	v3 =	vld [tilespmem:s29+$0x8310]  }
0x449: {  	v0 =	vadd.f32 v1, v0  }
0x44a: {  	v1 =	vld [tilespmem:s29+$0x8390]  }
0x44b: {  	v0 =	vadd.f32 v2, v0  }
0x44c: {  	v2 =	vld [tilespmem:s29+$0x8410]  }
0x44d: {  	v0 =	vadd.f32 v3, v0  }
0x44e: {  	v3 =	vld [tilespmem:s29+$0x8490]  }
0x44f: {  	v0 =	vadd.f32 v1, v0;
	_ =	sdelay $0x1  }
0x450: {  	v0 =	vadd.f32 v2, v0;
	_ =	sdelay $0x1  }
0x451: {  	v0 =	vadd.f32 v3, v0;
	_ =	sdelay $0x1  }
0x452: {  	v0 =	vmul.f32 $1.000000010e-01, v0;
	_ =	sdelay $0x1  }
0x453: {  	[tilespmem:s28+$0xFFFFFFD0] =	vst v0  }
0x454: {  	v0 =	vld [tilespmem:s29+$0x8020]  }
0x455: {  	v1 =	vld [tilespmem:s29+$0x80A0];
	_ =	sdelay $0x1  }
0x456: {  	v2 =	vld [tilespmem:s29+$0x8120];
	_ =	sdelay $0x1  }
0x457: {  	v3 =	vld [tilespmem:s29+$0x81A0]  }
0x458: {  	v0 =	vadd.f32 v1, v0  }
0x459: {  	v1 =	vld [tilespmem:s29+$0x8220]  }
0x45a: {  	v0 =	vadd.f32 v2, v0  }
0x45b: {  	v2 =	vld [tilespmem:s29+$0x82A0]  }
0x45c: {  	v0 =	vadd.f32 v3, v0  }
0x45d: {  	v3 =	vld [tilespmem:s29+$0x8320]  }
0x45e: {  	v0 =	vadd.f32 v1, v0  }
0x45f: {  	v1 =	vld [tilespmem:s29+$0x83A0]  }
0x460: {  	v0 =	vadd.f32 v2, v0  }
0x461: {  	v2 =	vld [tilespmem:s29+$0x8420]  }
0x462: {  	v0 =	vadd.f32 v3, v0  }
0x463: {  	v3 =	vld [tilespmem:s29+$0x84A0]  }
0x464: {  	v0 =	vadd.f32 v1, v0;
	_ =	sdelay $0x1  }
0x465: {  	v0 =	vadd.f32 v2, v0;
	_ =	sdelay $0x1  }
0x466: {  	v0 =	vadd.f32 v3, v0;
	_ =	sdelay $0x1  }
0x467: {  	v0 =	vmul.f32 $1.000000010e-01, v0;
	_ =	sdelay $0x1  }
0x468: {  	[tilespmem:s28+$0xFFFFFFE0] =	vst v0  }
0x469: {  	v0 =	vld [tilespmem:s29+$0x8030]  }
0x46a: {  	v1 =	vld [tilespmem:s29+$0x80B0];
	_ =	sdelay $0x1  }
0x46b: {  	v2 =	vld [tilespmem:s29+$0x8130];
	_ =	sdelay $0x1  }
0x46c: {  	v3 =	vld [tilespmem:s29+$0x81B0]  }
0x46d: {  	v0 =	vadd.f32 v1, v0  }
0x46e: {  	v1 =	vld [tilespmem:s29+$0x8230]  }
0x46f: {  	v0 =	vadd.f32 v2, v0  }
0x470: {  	v2 =	vld [tilespmem:s29+$0x82B0]  }
0x471: {  	v0 =	vadd.f32 v3, v0  }
0x472: {  	v3 =	vld [tilespmem:s29+$0x8330]  }
0x473: {  	v0 =	vadd.f32 v1, v0  }
0x474: {  	v1 =	vld [tilespmem:s29+$0x83B0]  }
0x475: {  	v0 =	vadd.f32 v2, v0  }
0x476: {  	v2 =	vld [tilespmem:s29+$0x8430]  }
0x477: {  	v0 =	vadd.f32 v3, v0  }
0x478: {  	v3 =	vld [tilespmem:s29+$0x84B0]  }
0x479: {  	v0 =	vadd.f32 v1, v0;
	_ =	sdelay $0x1  }
0x47a: {  	v0 =	vadd.f32 v2, v0;
	_ =	sdelay $0x1  }
0x47b: {  	v0 =	vadd.f32 v3, v0;
	_ =	sdelay $0x1  }
0x47c: {  	v0 =	vmul.f32 $1.000000010e-01, v0;
	_ =	sdelay $0x1  }
0x47d: {  	[tilespmem:s28+$0xFFFFFFF0] =	vst v0  }
0x47e: {  	v0 =	vld [tilespmem:s29+$0x8040]  }
0x47f: {  	v1 =	vld [tilespmem:s29+$0x80C0];
	_ =	sdelay $0x1  }
0x480: {  	v2 =	vld [tilespmem:s29+$0x8140];
	_ =	sdelay $0x1  }
0x481: {  	v3 =	vld [tilespmem:s29+$0x81C0]  }
0x482: {  	v0 =	vadd.f32 v1, v0  }
0x483: {  	v1 =	vld [tilespmem:s29+$0x8240]  }
0x484: {  	v0 =	vadd.f32 v2, v0  }
0x485: {  	v2 =	vld [tilespmem:s29+$0x82C0]  }
0x486: {  	v0 =	vadd.f32 v3, v0  }
0x487: {  	v3 =	vld [tilespmem:s29+$0x8340]  }
0x488: {  	v0 =	vadd.f32 v1, v0  }
0x489: {  	v1 =	vld [tilespmem:s29+$0x83C0]  }
0x48a: {  	v0 =	vadd.f32 v2, v0  }
0x48b: {  	v2 =	vld [tilespmem:s29+$0x8440]  }
0x48c: {  	v0 =	vadd.f32 v3, v0  }
0x48d: {  	v3 =	vld [tilespmem:s29+$0x84C0]  }
0x48e: {  	v0 =	vadd.f32 v1, v0;
	_ =	sdelay $0x1  }
0x48f: {  	v0 =	vadd.f32 v2, v0;
	_ =	sdelay $0x1  }
0x490: {  	v0 =	vadd.f32 v3, v0;
	_ =	sdelay $0x1  }
0x491: {  	v0 =	vmul.f32 $1.000000010e-01, v0;
	_ =	sdelay $0x1  }
0x492: {  	[tilespmem:s28+$0x0] =	vst v0  }
0x493: {  	v0 =	vld [tilespmem:s29+$0x8050]  }
0x494: {  	v1 =	vld [tilespmem:s29+$0x80D0];
	_ =	sdelay $0x1  }
0x495: {  	v2 =	vld [tilespmem:s29+$0x8150];
	_ =	sdelay $0x1  }
0x496: {  	v3 =	vld [tilespmem:s29+$0x81D0]  }
0x497: {  	v0 =	vadd.f32 v1, v0  }
0x498: {  	v1 =	vld [tilespmem:s29+$0x8250]  }
0x499: {  	v0 =	vadd.f32 v2, v0  }
0x49a: {  	v2 =	vld [tilespmem:s29+$0x82D0]  }
0x49b: {  	v0 =	vadd.f32 v3, v0  }
0x49c: {  	v3 =	vld [tilespmem:s29+$0x8350]  }
0x49d: {  	v0 =	vadd.f32 v1, v0  }
0x49e: {  	v1 =	vld [tilespmem:s29+$0x83D0]  }
0x49f: {  	v0 =	vadd.f32 v2, v0  }
0x4a0: {  	v2 =	vld [tilespmem:s29+$0x8450]  }
0x4a1: {  	v0 =	vadd.f32 v3, v0  }
0x4a2: {  	v3 =	vld [tilespmem:s29+$0x84D0]  }
0x4a3: {  	v0 =	vadd.f32 v1, v0;
	_ =	sdelay $0x1  }
0x4a4: {  	v0 =	vadd.f32 v2, v0;
	_ =	sdelay $0x1  }
0x4a5: {  	v0 =	vadd.f32 v3, v0;
	_ =	sdelay $0x1  }
0x4a6: {  	v0 =	vmul.f32 $1.000000010e-01, v0;
	_ =	sdelay $0x1  }
0x4a7: {  	[tilespmem:s28+$0x10] =	vst v0  }
0x4a8: {  	v0 =	vld [tilespmem:s29+$0x8060]  }
0x4a9: {  	v1 =	vld [tilespmem:s29+$0x80E0];
	_ =	sdelay $0x1  }
0x4aa: {  	v2 =	vld [tilespmem:s29+$0x8160];
	_ =	sdelay $0x1  }
0x4ab: {  	v3 =	vld [tilespmem:s29+$0x81E0]  }
0x4ac: {  	v0 =	vadd.f32 v1, v0  }
0x4ad: {  	v1 =	vld [tilespmem:s29+$0x8260]  }
0x4ae: {  	v0 =	vadd.f32 v2, v0  }
0x4af: {  	v2 =	vld [tilespmem:s29+$0x82E0]  }
0x4b0: {  	v0 =	vadd.f32 v3, v0  }
0x4b1: {  	v3 =	vld [tilespmem:s29+$0x8360]  }
0x4b2: {  	v0 =	vadd.f32 v1, v0  }
0x4b3: {  	v1 =	vld [tilespmem:s29+$0x83E0]  }
0x4b4: {  	v0 =	vadd.f32 v2, v0  }
0x4b5: {  	v2 =	vld [tilespmem:s29+$0x8460]  }
0x4b6: {  	v0 =	vadd.f32 v3, v0  }
0x4b7: {  	v3 =	vld [tilespmem:s29+$0x84E0]  }
0x4b8: {  	v0 =	vadd.f32 v1, v0;
	_ =	sdelay $0x1  }
0x4b9: {  	v0 =	vadd.f32 v2, v0;
	_ =	sdelay $0x1  }
0x4ba: {  	v0 =	vadd.f32 v3, v0;
	_ =	sdelay $0x1  }
0x4bb: {  	v0 =	vmul.f32 $1.000000010e-01, v0;
	_ =	sdelay $0x1  }
0x4bc: {  	[tilespmem:s28+$0x20] =	vst v0  }
0x4bd: {  	v0 =	vld [tilespmem:s29+$0x8070]  }
0x4be: {  	v1 =	vld [tilespmem:s29+$0x80F0];
	_ =	sdelay $0x1  }
0x4bf: {  	v2 =	vld [tilespmem:s29+$0x8170];
	_ =	sdelay $0x1  }
0x4c0: {  	v3 =	vld [tilespmem:s29+$0x81F0]  }
0x4c1: {  	v0 =	vadd.f32 v1, v0  }
0x4c2: {  	v1 =	vld [tilespmem:s29+$0x8270]  }
0x4c3: {  	v0 =	vadd.f32 v2, v0  }
0x4c4: {  	v2 =	vld [tilespmem:s29+$0x82F0]  }
0x4c5: {  	v0 =	vadd.f32 v3, v0  }
0x4c6: {  	v3 =	vld [tilespmem:s29+$0x8370]  }
0x4c7: {  	v1 =	vadd.f32 v1, v0;
	_ =	sdelay $0x1  }
0x4c8: {  	v0 =	vld [tilespmem:s29+$0x83F0];
	v4 =	vadd.f32 v2, v1  }
0x4c9: {  	v1 =	vld [tilespmem:s29+$0x8470]  }
0x4ca: {  	s30 =	simm.s32 $0x1400;
	v2 =	vld [tilespmem:s29+$0x84F0];
	s29 =	simm.s32 $0xA840;
	v3 =	vadd.f32 v3, v4  }
.LBB2_9:
0x4cb: {  	p1 =	sne.s32 s30, $0x8C00  }
0x4cc: {  	s28 =	sadd.s32 $0x80, s28;
	s31 =	smov.u32 s30;
	s30 =	sadd.s32 $0x1400, s30  }
0x4cd: {  	v0 =	vadd.f32 v0, v3;
	_ =	sdelay $0x1  }
0x4ce: {  	v0 =	vadd.f32 v1, v0;
	_ =	sdelay $0x1  }
0x4cf: {  	v0 =	vadd.f32 v2, v0;
	_ =	sdelay $0x1  }
0x4d0: {  	v0 =	vmul.f32 $1.000000010e-01, v0  }
0x4d1: {  	s31 =	sshra.s32 s31, $0x2  }
0x4d2: {  	[tilespmem:s29+$0x30] =	vst v0;
	s29 =	smov.u32 s28  }
0x4d3: {  	v0 =	vld [tilespmem:s31+$0x8000]  }
0x4d4: {  	v1 =	vld [tilespmem:s31+$0x8080]  }
0x4d5: {  	v2 =	vld [tilespmem:s31+$0x8100];
	_ =	sdelay $0x1  }
0x4d6: {  	v3 =	vld [tilespmem:s31+$0x8180];
	_ =	sdelay $0x1  }
0x4d7: {  	v0 =	vadd.f32 v1, v0  }
0x4d8: {  	v1 =	vld [tilespmem:s31+$0x8200]  }
0x4d9: {  	v0 =	vadd.f32 v2, v0  }
0x4da: {  	v2 =	vld [tilespmem:s31+$0x8280]  }
0x4db: {  	v0 =	vadd.f32 v3, v0  }
0x4dc: {  	v3 =	vld [tilespmem:s31+$0x8300]  }
0x4dd: {  	v0 =	vadd.f32 v1, v0  }
0x4de: {  	v1 =	vld [tilespmem:s31+$0x8380]  }
0x4df: {  	v0 =	vadd.f32 v2, v0  }
0x4e0: {  	v2 =	vld [tilespmem:s31+$0x8400]  }
0x4e1: {  	v0 =	vadd.f32 v3, v0  }
0x4e2: {  	v3 =	vld [tilespmem:s31+$0x8480]  }
0x4e3: {  	v0 =	vadd.f32 v1, v0;
	_ =	sdelay $0x1  }
0x4e4: {  	v0 =	vadd.f32 v2, v0;
	_ =	sdelay $0x1  }
0x4e5: {  	v0 =	vadd.f32 v3, v0;
	_ =	sdelay $0x1  }
0x4e6: {  	v0 =	vmul.f32 $1.000000010e-01, v0;
	_ =	sdelay $0x1  }
0x4e7: {  	[tilespmem:s28+$0xFFFFFFC0] =	vst v0  }
0x4e8: {  	v0 =	vld [tilespmem:s31+$0x8010]  }
0x4e9: {  	v1 =	vld [tilespmem:s31+$0x8090];
	_ =	sdelay $0x1  }
0x4ea: {  	v2 =	vld [tilespmem:s31+$0x8110];
	_ =	sdelay $0x1  }
0x4eb: {  	v3 =	vld [tilespmem:s31+$0x8190]  }
0x4ec: {  	v0 =	vadd.f32 v1, v0  }
0x4ed: {  	v1 =	vld [tilespmem:s31+$0x8210]  }
0x4ee: {  	v0 =	vadd.f32 v2, v0  }
0x4ef: {  	v2 =	vld [tilespmem:s31+$0x8290]  }
0x4f0: {  	v0 =	vadd.f32 v3, v0  }
0x4f1: {  	v3 =	vld [tilespmem:s31+$0x8310]  }
0x4f2: {  	v0 =	vadd.f32 v1, v0  }
0x4f3: {  	v1 =	vld [tilespmem:s31+$0x8390]  }
0x4f4: {  	v0 =	vadd.f32 v2, v0  }
0x4f5: {  	v2 =	vld [tilespmem:s31+$0x8410]  }
0x4f6: {  	v0 =	vadd.f32 v3, v0  }
0x4f7: {  	v3 =	vld [tilespmem:s31+$0x8490]  }
0x4f8: {  	v0 =	vadd.f32 v1, v0;
	_ =	sdelay $0x1  }
0x4f9: {  	v0 =	vadd.f32 v2, v0;
	_ =	sdelay $0x1  }
0x4fa: {  	v0 =	vadd.f32 v3, v0;
	_ =	sdelay $0x1  }
0x4fb: {  	v0 =	vmul.f32 $1.000000010e-01, v0;
	_ =	sdelay $0x1  }
0x4fc: {  	[tilespmem:s28+$0xFFFFFFD0] =	vst v0  }
0x4fd: {  	v0 =	vld [tilespmem:s31+$0x8020]  }
0x4fe: {  	v1 =	vld [tilespmem:s31+$0x80A0];
	_ =	sdelay $0x1  }
0x4ff: {  	v2 =	vld [tilespmem:s31+$0x8120];
	_ =	sdelay $0x1  }
0x500: {  	v3 =	vld [tilespmem:s31+$0x81A0]  }
0x501: {  	v0 =	vadd.f32 v1, v0  }
0x502: {  	v1 =	vld [tilespmem:s31+$0x8220]  }
0x503: {  	v0 =	vadd.f32 v2, v0  }
0x504: {  	v2 =	vld [tilespmem:s31+$0x82A0]  }
0x505: {  	v0 =	vadd.f32 v3, v0  }
0x506: {  	v3 =	vld [tilespmem:s31+$0x8320]  }
0x507: {  	v0 =	vadd.f32 v1, v0  }
0x508: {  	v1 =	vld [tilespmem:s31+$0x83A0]  }
0x509: {  	v0 =	vadd.f32 v2, v0  }
0x50a: {  	v2 =	vld [tilespmem:s31+$0x8420]  }
0x50b: {  	v0 =	vadd.f32 v3, v0  }
0x50c: {  	v3 =	vld [tilespmem:s31+$0x84A0]  }
0x50d: {  	v0 =	vadd.f32 v1, v0;
	_ =	sdelay $0x1  }
0x50e: {  	v0 =	vadd.f32 v2, v0;
	_ =	sdelay $0x1  }
0x50f: {  	v0 =	vadd.f32 v3, v0;
	_ =	sdelay $0x1  }
0x510: {  	v0 =	vmul.f32 $1.000000010e-01, v0;
	_ =	sdelay $0x1  }
0x511: {  	[tilespmem:s28+$0xFFFFFFE0] =	vst v0  }
0x512: {  	v0 =	vld [tilespmem:s31+$0x8030]  }
0x513: {  	v1 =	vld [tilespmem:s31+$0x80B0]  }
0x514: {  	v2 =	vld [tilespmem:s31+$0x8130];
	_ =	sdelay $0x2  }
0x515: {  	v3 =	vld [tilespmem:s31+$0x81B0]  }
0x516: {  	v0 =	vadd.f32 v1, v0  }
0x517: {  	v1 =	vld [tilespmem:s31+$0x8230]  }
0x518: {  	v0 =	vadd.f32 v2, v0  }
0x519: {  	v2 =	vld [tilespmem:s31+$0x82B0]  }
0x51a: {  	v0 =	vadd.f32 v3, v0  }
0x51b: {  	v3 =	vld [tilespmem:s31+$0x8330]  }
0x51c: {  	v0 =	vadd.f32 v1, v0  }
0x51d: {  	v1 =	vld [tilespmem:s31+$0x83B0]  }
0x51e: {  	v0 =	vadd.f32 v2, v0  }
0x51f: {  	v2 =	vld [tilespmem:s31+$0x8430]  }
0x520: {  	v0 =	vadd.f32 v3, v0  }
0x521: {  	v3 =	vld [tilespmem:s31+$0x84B0]  }
0x522: {  	v0 =	vadd.f32 v1, v0;
	_ =	sdelay $0x1  }
0x523: {  	v0 =	vadd.f32 v2, v0;
	_ =	sdelay $0x1  }
0x524: {  	v0 =	vadd.f32 v3, v0;
	_ =	sdelay $0x1  }
0x525: {  	v0 =	vmul.f32 $1.000000010e-01, v0;
	_ =	sdelay $0x1  }
0x526: {  	[tilespmem:s28+$0xFFFFFFF0] =	vst v0  }
0x527: {  	v0 =	vld [tilespmem:s31+$0x8040]  }
0x528: {  	v1 =	vld [tilespmem:s31+$0x80C0];
	_ =	sdelay $0x1  }
0x529: {  	v2 =	vld [tilespmem:s31+$0x8140];
	_ =	sdelay $0x1  }
0x52a: {  	v3 =	vld [tilespmem:s31+$0x81C0]  }
0x52b: {  	v0 =	vadd.f32 v1, v0  }
0x52c: {  	v1 =	vld [tilespmem:s31+$0x8240]  }
0x52d: {  	v0 =	vadd.f32 v2, v0  }
0x52e: {  	v2 =	vld [tilespmem:s31+$0x82C0]  }
0x52f: {  	v0 =	vadd.f32 v3, v0  }
0x530: {  	v3 =	vld [tilespmem:s31+$0x8340]  }
0x531: {  	v0 =	vadd.f32 v1, v0  }
0x532: {  	v1 =	vld [tilespmem:s31+$0x83C0]  }
0x533: {  	v0 =	vadd.f32 v2, v0  }
0x534: {  	v2 =	vld [tilespmem:s31+$0x8440]  }
0x535: {  	v0 =	vadd.f32 v3, v0  }
0x536: {  	v3 =	vld [tilespmem:s31+$0x84C0]  }
0x537: {  	v0 =	vadd.f32 v1, v0;
	_ =	sdelay $0x1  }
0x538: {  	v0 =	vadd.f32 v2, v0;
	_ =	sdelay $0x1  }
0x539: {  	v0 =	vadd.f32 v3, v0;
	_ =	sdelay $0x1  }
0x53a: {  	v0 =	vmul.f32 $1.000000010e-01, v0;
	_ =	sdelay $0x1  }
0x53b: {  	[tilespmem:s28+$0x0] =	vst v0  }
0x53c: {  	v0 =	vld [tilespmem:s31+$0x8050]  }
0x53d: {  	v1 =	vld [tilespmem:s31+$0x80D0]  }
0x53e: {  	v2 =	vld [tilespmem:s31+$0x8150]  }
0x53f: {  	v3 =	vld [tilespmem:s31+$0x81D0]  }
0x540: {  	v4 =	vld [tilespmem:s31+$0x8250]  }
0x541: {  	v5 =	vld [tilespmem:s31+$0x82D0]  }
0x542: {  	v0 =	vadd.f32 v1, v0;
	v1 =	vld [tilespmem:s31+$0x8350]  }
0x543: {  	v6 =	vld [tilespmem:s31+$0x83D0]  }
0x544: {  	v0 =	vadd.f32 v2, v0;
	v2 =	vld [tilespmem:s31+$0x8450]  }
0x545: {  	v7 =	vld [tilespmem:s31+$0x84D0]  }
0x546: {  	v0 =	vadd.f32 v3, v0;
	_ =	sdelay $0x1  }
0x547: {  	v0 =	vadd.f32 v4, v0;
	_ =	sdelay $0x1  }
0x548: {  	v0 =	vadd.f32 v5, v0;
	_ =	sdelay $0x1  }
0x549: {  	v0 =	vadd.f32 v1, v0;
	_ =	sdelay $0x1  }
0x54a: {  	v0 =	vadd.f32 v6, v0;
	_ =	sdelay $0x1  }
0x54b: {  	v0 =	vadd.f32 v2, v0;
	_ =	sdelay $0x1  }
0x54c: {  	v0 =	vadd.f32 v7, v0;
	_ =	sdelay $0x1  }
0x54d: {  	v0 =	vmul.f32 $1.000000010e-01, v0;
	_ =	sdelay $0x1  }
0x54e: {  	[tilespmem:s28+$0x10] =	vst v0  }
0x54f: {  	v0 =	vld [tilespmem:s31+$0x8060]  }
0x550: {  	v1 =	vld [tilespmem:s31+$0x80E0]  }
0x551: {  	v2 =	vld [tilespmem:s31+$0x8160]  }
0x552: {  	v3 =	vld [tilespmem:s31+$0x81E0]  }
0x553: {  	v4 =	vld [tilespmem:s31+$0x8260]  }
0x554: {  	v5 =	vld [tilespmem:s31+$0x82E0]  }
0x555: {  	v0 =	vadd.f32 v1, v0;
	v1 =	vld [tilespmem:s31+$0x8360]  }
0x556: {  	v6 =	vld [tilespmem:s31+$0x83E0]  }
0x557: {  	v0 =	vadd.f32 v2, v0;
	v2 =	vld [tilespmem:s31+$0x8460]  }
0x558: {  	v7 =	vld [tilespmem:s31+$0x84E0]  }
0x559: {  	v0 =	vadd.f32 v3, v0;
	_ =	sdelay $0x1  }
0x55a: {  	v0 =	vadd.f32 v4, v0;
	_ =	sdelay $0x1  }
0x55b: {  	v0 =	vadd.f32 v5, v0;
	_ =	sdelay $0x1  }
0x55c: {  	v0 =	vadd.f32 v1, v0;
	_ =	sdelay $0x1  }
0x55d: {  	v0 =	vadd.f32 v6, v0;
	_ =	sdelay $0x1  }
0x55e: {  	v0 =	vadd.f32 v2, v0;
	_ =	sdelay $0x1  }
0x55f: {  	v0 =	vadd.f32 v7, v0;
	_ =	sdelay $0x1  }
0x560: {  	v0 =	vmul.f32 $1.000000010e-01, v0;
	_ =	sdelay $0x1  }
0x561: {  	[tilespmem:s28+$0x20] =	vst v0  }
0x562: {  	v0 =	vld [tilespmem:s31+$0x8070]  }
0x563: {  	v1 =	vld [tilespmem:s31+$0x80F0]  }
0x564: {  	v2 =	vld [tilespmem:s31+$0x8170]  }
0x565: {  	v3 =	vld [tilespmem:s31+$0x81F0]  }
0x566: {  	v4 =	vld [tilespmem:s31+$0x8270]  }
0x567: {  	v5 =	vld [tilespmem:s31+$0x82F0]  }
0x568: {  	v1 =	vadd.f32 v1, v0;
	v6 =	vld [tilespmem:s31+$0x8370]  }
0x569: {  	v0 =	vld [tilespmem:s31+$0x83F0]  }
0x56a: {  	v7 =	vadd.f32 v2, v1;
	v1 =	vld [tilespmem:s31+$0x8470]  }
0x56b: {  	v2 =	vld [tilespmem:s31+$0x84F0]  }
0x56c: {  	v3 =	vadd.f32 v3, v7;
	_ =	sdelay $0x1  }
.Ltmp3:
0x56d: {  	v3 =	vadd.f32 v4, v3;
	(pc) =	sbr.rel @p1 .LBB2_9-.Ltmp3, $3  }
0x56e: {  	_ = 	snop  }
0x56f: {  	v3 =	vadd.f32 v5, v3;
	_ =	sdelay $0x1  }
0x570: {  	v3 =	vadd.f32 v6, v3  }
0x571: {  	_ = 	snop  }
0x572: {  	v0 =	vadd.f32 v0, v3;
	_ =	sdelay $0x1  }
0x573: {  	v0 =	vadd.f32 v1, v0;
	_ =	sdelay $0x1  }
0x574: {  	v0 =	vadd.f32 v2, v0;
	_ =	sdelay $0x1  }
0x575: {  	v0 =	vmul.f32 $1.000000010e-01, v0  }
0x576: {  	s25 =	sadd.s32 @!p0 $0x380, s25  }
0x577: {  	s28 =	simm.s32 @!p0 $0x50;
	s24 =	sadd.s32 $0x1, s24;
	[tilespmem:s29+$0x30] =	vst v0;
	s29 =	simm.s32 @!p0 $0x8000  }
0x578: {  	[tilespmem:s29], [sflag:$0x4] =	stream.indirect.gather @!p0 [hbm4b:s2+s28], $0x80, s25, s28, $0xb8;
	[tilespmem:$0xAC00] =	vst v63  }
0x579: {  	p0 =	sne.s32 s24, $0x4  }
.Ltmp4:
0x57a: {  	s31 =	sadd.s32 $0x180, s26;
	(pc) =	sbr.rel @p0 .LBB2_2-.Ltmp4, $4  }
0x57b: {  	[hbm4b:s31+s4] =	stream.linear.scatter [tilespmem:s19], [sflag:$0x5], $0x400, $0x38;
	[tilespmem:$0xAC00] =	vst v63  }
0x57c: {  	_ =	swait.ge [sflag:s9], $0x400  }
0x57d: {  	[sflag:s9] =	ssyncset.done $0x0  }
0x57e: {  	[sflag:s9] =	ssyncadd.s32 $0xFFFFFC00  }
0x57f: {  	s23 =	sadd.s32 $0x1, s23  }
0x580: {  	p0 =	sne.s32 s23, s8  }
.Ltmp5:
0x581: {  	_ = 	snop;
	(pc) =	sbr.rel @p0 .LBB2_1-.Ltmp5, $1  }
0x582: {  	_ =	sdelay $0x3  }
0x583: {  	_ =	sfence.sel $0x180000  }
0x584: {  	[bflag:$0x0] =	sbarrier.arrive $0xFFFF  }
0x585: {  	p0 =	sne.s32 s0, $0x0;
	_ =	strace $0x90000047  }
0x586: {  	s0 =	sadd.s32 @!p0 $0x100000, s1;
	[bflag:$0x2] =	sbarrier.arrive $0xFFFF  }
0x587: {  	[sflag:s0] =	ssyncadd.tile.s32 @!p0 $0x1;
	_ =	shalt  }
.Lfunc_end2:
_tile_overlayer_lowered:
.L_overlay_start_2:
0x588: {  	(tag) =	ssettag $0x2  }
0x589: {  	s0 =	rddreg [dreg:$0x0];
	s2 =	stileid.u32  }
0x58a: {  	s1 =	rddreg [dreg:$0x1];
	p0 =	sne.s32 s2, $0x0  }
0x58b: {  	s3 =	rddreg [dreg:$0x2];
	[bflag:$0x3] =	sbarrier.arrive $0xFFFF;
	s2 =	simm.s32 @!p0 $0x1C05  }
0x58c: {  	[timem:s3], [sflag:s2] =	dma.local @!p0 [hbm:s0], s1  }
0x58d: {  	s0 =	simm.s32 @!p0 $0x5  }
0x58e: {  	_ =	swait.ge @!p0 [sflag:s0], s1  }
0x58f: {  	s1 =	ssub.s32 @!p0 $0x0, s1;
	[sflag:s0] =	ssyncset.done @!p0 $0x0  }
0x590: {  	[sflag:s0] =	ssyncadd.s32 @!p0 s1  }
0x591: {  	[bflag:$0x3] =	sbarrier.arrive $0xFFFF  }
0x592: {  	_ =	shalt  }

</sc_bundles>
